<compile_context>
chip_gen: v7x
topology: tpu7x:2x2x1
jax: 0.10.2.dev20260603
libtpu: 0.0.44.dev20260713+nightly
codegen_flags: <defaults>
</compile_context>

<pallas_src>
import jax
import jax.numpy as jnp
from jax import lax
from jax.experimental import pallas as pl
from jax.experimental.pallas import tpu as pltpu
from jax.experimental.pallas import tpu_sc as plsc

B = 1024
S = 200
D = 128
NV = 65536
NC = 2
NS = 16
NW = NC * NS
B_PER_W = B // NW
SP = 208
NG = (S + 15) // 16
XL = S * 16

_W = [float(2.0 ** (15 - j)) for j in range(16)]


def _pairwise_dot(cols):
    def bf16_round(c):
        u = lax.bitcast_convert_type(c, jnp.int32)
        lsb = jnp.bitwise_and(lax.shift_right_logical(u, 16), 1)
        u = jnp.bitwise_and(u + 0x7FFF + lsb, jnp.int32(-65536))
        return lax.bitcast_convert_type(u, jnp.float32)

    terms = [bf16_round(c) * _W[j] for j, c in enumerate(cols)]
    while len(terms) > 1:
        terms = [terms[i] + terms[i + 1] for i in range(0, len(terms), 2)]
    return terms[0]


def _body(x_h, val_h, enc_h, pos_h, cls_h, out_h,
          x_f, idx_v, vals_v, enc_v, pos_v, cls_v,
          in_sem, gat_sem, out_sem):
    wid = lax.axis_index("s") * NC + lax.axis_index("c")
    iota = lax.iota(jnp.int32, 16)
    b0 = wid * B_PER_W

    pltpu.sync_copy(cls_h.at[0], cls_v)

    def slot2(bl):
        return jnp.bitwise_and(bl, 1)

    def slot3(bl):
        return lax.rem(bl, 3)

    def in_copies(bl):
        q = slot3(bl)
        b = b0 + bl
        return (
            pltpu.make_async_copy(x_h.at[b], x_f.at[pl.ds(q * XL, XL)],
                                  in_sem.at[q]),
            pltpu.make_async_copy(val_h.at[pl.ds(b * S, S)],
                                  vals_v.at[pl.ds(q * SP, S)], in_sem.at[q]),
        )

    def enc_copies(bl):
        p = slot2(bl)
        q = slot3(bl)
        h = SP // 2
        return tuple(
            pltpu.make_async_copy(
                enc_h.at[idx_v.at[pl.ds(q * SP + off, h)]],
                enc_v.at[p, pl.ds(off, h)], gat_sem.at[p])
            for off in (0, h))

    def pos_copies(bl):
        p = slot2(bl)
        q = slot3(bl)
        h = SP // 2
        return tuple(
            pltpu.make_async_copy(
                pos_h.at[vals_v.at[pl.ds(q * SP + off, h)]],
                pos_v.at[p, pl.ds(off, h)], gat_sem.at[p])
            for off in (0, h))

    def gather_copies(bl):
        return enc_copies(bl) + pos_copies(bl)

    def out_copy(bl):
        p = slot2(bl)
        return pltpu.make_async_copy(
            pos_v.at[p, pl.ds(0, S + 1)], out_h.at[b0 + bl], out_sem.at[p])

    def idx_stage(bl):
        q = slot3(bl)

        @plsc.parallel_loop(0, NG)
        def _(g):
            base = jnp.minimum(g * 16, S - 16)
            flat = (base + iota) * 16
            cols = [plsc.load_gather(x_f, [q * XL + flat + j])
                    for j in range(16)]
            y = _pairwise_dot(cols)
            idx_v[pl.ds(q * SP + base, 16)] = jnp.clip(
                y.astype(jnp.int32), 0, NV - 1)

        tail = idx_v[pl.ds(q * SP + SP - 16, 16)]
        pad = wid * 16 + iota
        idx_v[pl.ds(q * SP + SP - 16, 16)] = jnp.where(
            iota < 16 - (SP - S), tail, pad)

        def mx_grp(g, m):
            base = jnp.minimum(g * 16, S - 16)
            return jnp.maximum(m, vals_v[pl.ds(q * SP + base, 16)])
        m = lax.fori_loop(0, NG, mx_grp, jnp.zeros((16,), jnp.int32),
                          unroll=True)
        vmax1 = jnp.max(m) + 1
        tail = vals_v[pl.ds(q * SP + SP - 16, 16)]
        vals_v[pl.ds(q * SP + SP - 16, 16)] = jnp.where(
            iota < 16 - (SP - S), tail, jnp.full((16,), 0, jnp.int32) + vmax1)

    def main_stage(bl):
        p = slot2(bl)
        for k in range(8):
            sl = pl.ds(k * 16, 16)
            pos_v[p, 0, sl] = pos_v[p, 0, sl] + cls_v[sl]

        @plsc.parallel_loop(0, S, unroll=2)
        def _(si):
            acc = jnp.zeros((16,), jnp.float32)
            es = []
            for k in range(8):
                e = enc_v[p, si, pl.ds(k * 16, 16)]
                es.append(e)
                acc = acc + e * e
            tot = jnp.full((16,), jnp.sum(acc))
            bits = lax.shift_right_logical(
                lax.bitcast_convert_type(tot, jnp.int32), 1)
            r = lax.bitcast_convert_type(jnp.int32(0x5F3759DF) - bits,
                                         jnp.float32)
            for _ in range(3):
                r = r * (1.5 - 0.5 * tot * r * r)
            inv = 1.0 / jnp.maximum(tot * r, 1e-12)
            for k in range(8):
                sl = pl.ds(k * 16, 16)
                pos_v[p, si + 1, sl] = pos_v[p, si + 1, sl] + es[k] * inv

    for c in in_copies(0):
        c.start()
    for c in in_copies(0):
        c.wait()
    idx_stage(0)
    for c in gather_copies(0):
        c.start()
    for c in in_copies(1):
        c.start()
    for c in in_copies(1):
        c.wait()
    idx_stage(1)

    def pipe(bl, _):
        @pl.when(bl + 2 < B_PER_W)
        def _():
            for c in in_copies(bl + 2):
                c.start()

        for c in enc_copies(bl + 1):
            c.start()

        @pl.when(bl >= 1)
        def _():
            out_copy(bl - 1).wait()

        for c in pos_copies(bl + 1):
            c.start()
        for c in gather_copies(bl):
            c.wait()
        main_stage(bl)
        out_copy(bl).start()

        @pl.when(bl + 2 < B_PER_W)
        def _():
            for c in in_copies(bl + 2):
                c.wait()
            idx_stage(bl + 2)
        return 0

    lax.fori_loop(0, B_PER_W - 1, pipe, 0)
    bl_last = B_PER_W - 1
    for c in gather_copies(bl_last):
        c.wait()
    main_stage(bl_last)
    out_copy(bl_last).start()
    out_copy(bl_last - 1).wait()
    out_copy(bl_last).wait()


def kernel(x, values, enc_table, pos_table, cls_token, bit_weights):
    del bit_weights
    mesh = plsc.VectorSubcoreMesh(
        core_axis_name="c", subcore_axis_name="s",
        num_cores=NC, num_subcores=NS)
    f = pl.kernel(
        _body,
        out_type=jax.ShapeDtypeStruct((B, S + 1, D), jnp.float32),
        mesh=mesh,
        compiler_params=pltpu.CompilerParams(needs_layout_passes=False),
        scratch_types=[
            pltpu.VMEM((3 * XL,), jnp.float32),
            pltpu.VMEM((3 * SP,), jnp.int32),
            pltpu.VMEM((3 * SP,), jnp.int32),
            pltpu.VMEM((2, SP, D), jnp.float32),
            pltpu.VMEM((2, SP, D), jnp.float32),
            pltpu.VMEM((D,), jnp.float32),
            pltpu.SemaphoreType.DMA((3,)),
            pltpu.SemaphoreType.DMA((2,)),
            pltpu.SemaphoreType.DMA((2,)),
        ],
    )
    return f(x.reshape(B, XL), values.reshape(B * S), enc_table,
             pos_table, cls_token)

# --- scband reference (transcript-rebuilt; emitter-appended) ---
"""Pipeline reference for scband-embedding-instead-point-net-39221641347676 (READ-ONLY COPY).

The authoritative reference and input builder live on the scoring server;
editing this copy changes nothing except your own understanding.
"""

import jax, jax.numpy as jnp
import numpy as np

ENCODING_WIDTH = 16
D_MODEL = 128
N_CLS = 1
NB_VALUES = 2 ** ENCODING_WIDTH  # 65536
B = 1024
S = 200


def setup_inputs(seed: int = 0) -> dict:
    key = jax.random.key(seed)
    k1, k2, k3, k4, k5 = jax.random.split(key, 5)
    # x holds per-point bit encodings in [0,1); weighted sum -> int index < 2^16
    x = jax.random.uniform(k1, (B, S, ENCODING_WIDTH), dtype=jnp.float32)
    values = jax.random.randint(k2, (B, S), 0, NB_VALUES - 1).astype(jnp.int32)
    # learned parameters
    enc_table = jax.random.normal(k3, (NB_VALUES, D_MODEL), dtype=jnp.float32) * 0.02
    pos_table = jax.random.normal(k4, (NB_VALUES + N_CLS, D_MODEL), dtype=jnp.float32) * 0.02
    cls_token = jax.random.normal(k5, (N_CLS, D_MODEL), dtype=jnp.float32)
    # registered buffer: [2^(w-1), ..., 2, 1]
    bit_weights = jnp.array([2.0 ** i for i in reversed(range(ENCODING_WIDTH))], dtype=jnp.float32)
    return {"x": x, "values": values, "enc_table": enc_table,
            "pos_table": pos_table, "cls_token": cls_token, "bit_weights": bit_weights}


def reference(x, values, enc_table, pos_table, cls_token, bit_weights):
    # encoding_embeddings(matmul(x, bit_weights).int())
    idx = jnp.matmul(x, bit_weights).astype(jnp.int32)
    e = jnp.take(enc_table, idx, axis=0)  # [B, S, d_model]
    # F.normalize(p=2, dim=-1) with torch's eps clamp
    norm = jnp.sqrt(jnp.sum(e * e, axis=-1, keepdims=True))
    e = e / jnp.maximum(norm, 1e-12)
    # prepend cls token(s)
    cls = jnp.broadcast_to(cls_token[None, :, :], (e.shape[0], N_CLS, D_MODEL))
    h = jnp.concatenate([cls, e], axis=1)  # [B, S+1, d_model]
    # extend values with (max+1+i) for each cls token (appended at the end, as in torch code)
    vmax = jnp.max(values, axis=1, keepdims=True) + 1
    to_concat = [values]
    for i in range(N_CLS):
        to_concat.append(vmax + i)
    vals = jnp.concatenate(to_concat, axis=1)  # [B, S+N_CLS]
    h = h + jnp.take(pos_table, vals, axis=0)[:, :h.shape[-2], :]
    return h

if __name__ == "__main__":
    import jax
    _d = setup_inputs()
    print(jax.jit(kernel)(*tuple(_d.values())))

</pallas_src>

<mosaic_0001>
#map = affine_map<(d0, d1) -> (0, 0)>
#map1 = affine_map<(d0, d1) -> (0)>
#map2 = affine_map<(d0, d1) -> (0, 0, 0)>
module attributes {stable_mosaic.version = 14 : i64} {
  func.func @_body(%arg0: i32, %arg1: i32, %arg2: memref<1024x3200xf32, #tpu.memory_space<hbm>>, %arg3: memref<204800xi32, #tpu.memory_space<hbm>>, %arg4: memref<65536x128xf32, #tpu.memory_space<hbm>>, %arg5: memref<65537x128xf32, #tpu.memory_space<hbm>>, %arg6: memref<1x128xf32, #tpu.memory_space<hbm>>, %arg7: memref<1024x201x128xf32, #tpu.memory_space<hbm>>, %arg8: memref<9600xf32, #tpu.memory_space<vmem>>, %arg9: memref<624xi32, #tpu.memory_space<vmem>>, %arg10: memref<624xi32, #tpu.memory_space<vmem>>, %arg11: memref<2x208x128xf32, #tpu.memory_space<vmem>>, %arg12: memref<2x208x128xf32, #tpu.memory_space<vmem>>, %arg13: memref<128xf32, #tpu.memory_space<vmem>>, %arg14: memref<3x!tpu.dma_semaphore, #tpu.memory_space<semaphore_mem>>, %arg15: memref<2x!tpu.dma_semaphore, #tpu.memory_space<semaphore_mem>>, %arg16: memref<2x!tpu.dma_semaphore, #tpu.memory_space<semaphore_mem>>) attributes {dimension_semantics = [#tpu.dimension_semantics<core_parallel>, #tpu.dimension_semantics<subcore_parallel>], iteration_bounds = array<i64: 2, 16>, scalar_prefetch = 0 : i64, scratch_operands = 9 : i64, tpu.core_type = #tpu.core_type<sc_vector_subcore>, window_params = [{transform_indices = #map}, {transform_indices = #map1}, {transform_indices = #map}, {transform_indices = #map}, {transform_indices = #map}, {transform_indices = #map2}]} {
    %mul3A = arith.constant 2 : i32
    %mul3A_0 = arith.muli %arg1, %mul3A : i32
    %add3A = arith.addi %mul3A_0, %arg0 : i32
    %iota3A = tpu.iota {dimensions = array<i32: 0>} : vector<16xi32>
    %mul3A_1 = arith.constant 32 : i32
    %mul3A_2 = arith.muli %add3A, %mul3A_1 : i32
    %run_scoped3A = arith.constant 0 : i32
    "tpu.region"() ({
      %run_scoped3A_838 = tpu.sem_alloc : memref<!tpu.dma_semaphore, #tpu.memory_space<semaphore_mem>>
      %dma_start3A_839 = arith.constant 0 : i32
      %dma_start3A_840 = tpu.memref_slice %arg6[%run_scoped3A, %dma_start3A_839] : memref<1x128xf32, #tpu.memory_space<hbm>> -> memref<1x128xf32, #tpu.memory_space<hbm>>
      %dma_start3A_841 = tpu.memref_squeeze %dma_start3A_840 : memref<1x128xf32, #tpu.memory_space<hbm>> -> memref<128xf32, #tpu.memory_space<hbm>>
      %dma_start3A_842 = arith.constant 0 : i32
      %dma_start3A_843 = tpu.memref_slice %arg6[%run_scoped3A, %dma_start3A_842] : memref<1x128xf32, #tpu.memory_space<hbm>> -> memref<1x128xf32, #tpu.memory_space<hbm>>
      %dma_start3A_844 = tpu.memref_squeeze %dma_start3A_843 : memref<1x128xf32, #tpu.memory_space<hbm>> -> memref<128xf32, #tpu.memory_space<hbm>>
      tpu.enqueue_dma source(%dma_start3A_844 : memref<128xf32, #tpu.memory_space<hbm>>) target(%arg13 : memref<128xf32, #tpu.memory_space<vmem>>) target_semaphore(%run_scoped3A_838 : memref<!tpu.dma_semaphore, #tpu.memory_space<semaphore_mem>>)
      %dma_wait3A_845 = arith.constant 0 : i32
      %dma_wait3A_846 = tpu.memref_slice %arg6[%run_scoped3A, %dma_wait3A_845] : memref<1x128xf32, #tpu.memory_space<hbm>> -> memref<1x128xf32, #tpu.memory_space<hbm>>
      %dma_wait3A_847 = tpu.memref_squeeze %dma_wait3A_846 : memref<1x128xf32, #tpu.memory_space<hbm>> -> memref<128xf32, #tpu.memory_space<hbm>>
      %dma_wait3A_848 = arith.constant 0 : i32
      %dma_wait3A_849 = tpu.memref_slice %arg6[%run_scoped3A, %dma_wait3A_848] : memref<1x128xf32, #tpu.memory_space<hbm>> -> memref<1x128xf32, #tpu.memory_space<hbm>>
      %dma_wait3A_850 = tpu.memref_squeeze %dma_wait3A_849 : memref<1x128xf32, #tpu.memory_space<hbm>> -> memref<128xf32, #tpu.memory_space<hbm>>
      tpu.wait_dma2 semaphore(%run_scoped3A_838 : memref<!tpu.dma_semaphore, #tpu.memory_space<semaphore_mem>>) src(%dma_wait3A_850 : memref<128xf32, #tpu.memory_space<hbm>>) dst(%arg13 : memref<128xf32, #tpu.memory_space<vmem>>)
      tpu.yield
    }) : () -> ()
    %rem3A = arith.constant 0 : i32
    %rem3A_3 = arith.constant 3 : i32
    %rem3A_4 = arith.remsi %rem3A, %rem3A_3 : i32
    %add3A_5 = arith.constant 0 : i32
    %add3A_6 = arith.addi %mul3A_2, %add3A_5 : i32
    %mul3A_7 = arith.constant 3200 : i32
    %mul3A_8 = arith.muli %rem3A_4, %mul3A_7 : i32
    %mul3A_9 = arith.constant 200 : i32
    %mul3A_10 = arith.muli %add3A_6, %mul3A_9 : i32
    %mul3A_11 = arith.constant 208 : i32
    %mul3A_12 = arith.muli %rem3A_4, %mul3A_11 : i32
    %dma_start3A = tpu.memref_slice %arg8[%mul3A_8] : memref<9600xf32, #tpu.memory_space<vmem>> -> memref<3200xf32, #tpu.memory_space<vmem>>
    %dma_start3A_13 = arith.constant 0 : i32
    %dma_start3A_14 = tpu.memref_slice %arg2[%add3A_6, %dma_start3A_13] : memref<1024x3200xf32, #tpu.memory_space<hbm>> -> memref<1x3200xf32, #tpu.memory_space<hbm>>
    %dma_start3A_15 = tpu.memref_squeeze %dma_start3A_14 : memref<1x3200xf32, #tpu.memory_space<hbm>> -> memref<3200xf32, #tpu.memory_space<hbm>>
    %dma_start3A_16 = tpu.memref_slice %arg14[%rem3A_4] : memref<3x!tpu.dma_semaphore, #tpu.memory_space<semaphore_mem>> -> memref<1x!tpu.dma_semaphore, #tpu.memory_space<semaphore_mem>>
    %dma_start3A_17 = tpu.memref_squeeze %dma_start3A_16 : memref<1x!tpu.dma_semaphore, #tpu.memory_space<semaphore_mem>> -> memref<!tpu.dma_semaphore, #tpu.memory_space<semaphore_mem>>
    %dma_start3A_18 = tpu.memref_slice %arg8[%mul3A_8] : memref<9600xf32, #tpu.memory_space<vmem>> -> memref<3200xf32, #tpu.memory_space<vmem>>
    %dma_start3A_19 = arith.constant 0 : i32
    %dma_start3A_20 = tpu.memref_slice %arg2[%add3A_6, %dma_start3A_19] : memref<1024x3200xf32, #tpu.memory_space<hbm>> -> memref<1x3200xf32, #tpu.memory_space<hbm>>
    %dma_start3A_21 = tpu.memref_squeeze %dma_start3A_20 : memref<1x3200xf32, #tpu.memory_space<hbm>> -> memref<3200xf32, #tpu.memory_space<hbm>>
    tpu.enqueue_dma source(%dma_start3A_21 : memref<3200xf32, #tpu.memory_space<hbm>>) target(%dma_start3A_18 : memref<3200xf32, #tpu.memory_space<vmem>>) target_semaphore(%dma_start3A_17 : memref<!tpu.dma_semaphore, #tpu.memory_space<semaphore_mem>>)
    %dma_start3A_22 = tpu.memref_slice %arg10[%mul3A_12] : memref<624xi32, #tpu.memory_space<vmem>> -> memref<200xi32, #tpu.memory_space<vmem>>
    %dma_start3A_23 = tpu.memref_slice %arg3[%mul3A_10] : memref<204800xi32, #tpu.memory_space<hbm>> -> memref<200xi32, #tpu.memory_space<hbm>>
    %dma_start3A_24 = tpu.memref_slice %arg14[%rem3A_4] : memref<3x!tpu.dma_semaphore, #tpu.memory_space<semaphore_mem>> -> memref<1x!tpu.dma_semaphore, #tpu.memory_space<semaphore_mem>>
    %dma_start3A_25 = tpu.memref_squeeze %dma_start3A_24 : memref<1x!tpu.dma_semaphore, #tpu.memory_space<semaphore_mem>> -> memref<!tpu.dma_semaphore, #tpu.memory_space<semaphore_mem>>
    %dma_start3A_26 = tpu.memref_slice %arg10[%mul3A_12] : memref<624xi32, #tpu.memory_space<vmem>> -> memref<200xi32, #tpu.memory_space<vmem>>
    %dma_start3A_27 = tpu.memref_slice %arg3[%mul3A_10] : memref<204800xi32, #tpu.memory_space<hbm>> -> memref<200xi32, #tpu.memory_space<hbm>>
    tpu.enqueue_dma source(%dma_start3A_27 : memref<200xi32, #tpu.memory_space<hbm>>) target(%dma_start3A_26 : memref<200xi32, #tpu.memory_space<vmem>>) target_semaphore(%dma_start3A_25 : memref<!tpu.dma_semaphore, #tpu.memory_space<semaphore_mem>>)
    %rem3A_28 = arith.constant 0 : i32
    %rem3A_29 = arith.constant 3 : i32
    %rem3A_30 = arith.remsi %rem3A_28, %rem3A_29 : i32
    %add3A_31 = arith.constant 0 : i32
    %add3A_32 = arith.addi %mul3A_2, %add3A_31 : i32
    %mul3A_33 = arith.constant 3200 : i32
    %mul3A_34 = arith.muli %rem3A_30, %mul3A_33 : i32
    %mul3A_35 = arith.constant 200 : i32
    %mul3A_36 = arith.muli %add3A_32, %mul3A_35 : i32
    %mul3A_37 = arith.constant 208 : i32
    %mul3A_38 = arith.muli %rem3A_30, %mul3A_37 : i32
    %dma_wait3A = tpu.memref_slice %arg8[%mul3A_34] : memref<9600xf32, #tpu.memory_space<vmem>> -> memref<3200xf32, #tpu.memory_space<vmem>>
    %dma_wait3A_39 = arith.constant 0 : i32
    %dma_wait3A_40 = tpu.memref_slice %arg2[%add3A_32, %dma_wait3A_39] : memref<1024x3200xf32, #tpu.memory_space<hbm>> -> memref<1x3200xf32, #tpu.memory_space<hbm>>
    %dma_wait3A_41 = tpu.memref_squeeze %dma_wait3A_40 : memref<1x3200xf32, #tpu.memory_space<hbm>> -> memref<3200xf32, #tpu.memory_space<hbm>>
    %dma_wait3A_42 = tpu.memref_slice %arg14[%rem3A_30] : memref<3x!tpu.dma_semaphore, #tpu.memory_space<semaphore_mem>> -> memref<1x!tpu.dma_semaphore, #tpu.memory_space<semaphore_mem>>
    %dma_wait3A_43 = tpu.memref_squeeze %dma_wait3A_42 : memref<1x!tpu.dma_semaphore, #tpu.memory_space<semaphore_mem>> -> memref<!tpu.dma_semaphore, #tpu.memory_space<semaphore_mem>>
    %dma_wait3A_44 = tpu.memref_slice %arg8[%mul3A_34] : memref<9600xf32, #tpu.memory_space<vmem>> -> memref<3200xf32, #tpu.memory_space<vmem>>
    %dma_wait3A_45 = arith.constant 0 : i32
    %dma_wait3A_46 = tpu.memref_slice %arg2[%add3A_32, %dma_wait3A_45] : memref<1024x3200xf32, #tpu.memory_space<hbm>> -> memref<1x3200xf32, #tpu.memory_space<hbm>>
    %dma_wait3A_47 = tpu.memref_squeeze %dma_wait3A_46 : memref<1x3200xf32, #tpu.memory_space<hbm>> -> memref<3200xf32, #tpu.memory_space<hbm>>
    tpu.wait_dma2 semaphore(%dma_wait3A_43 : memref<!tpu.dma_semaphore, #tpu.memory_space<semaphore_mem>>) src(%dma_wait3A_47 : memref<3200xf32, #tpu.memory_space<hbm>>) dst(%dma_wait3A_44 : memref<3200xf32, #tpu.memory_space<vmem>>)
    %dma_wait3A_48 = tpu.memref_slice %arg10[%mul3A_38] : memref<624xi32, #tpu.memory_space<vmem>> -> memref<200xi32, #tpu.memory_space<vmem>>
    %dma_wait3A_49 = tpu.memref_slice %arg3[%mul3A_36] : memref<204800xi32, #tpu.memory_space<hbm>> -> memref<200xi32, #tpu.memory_space<hbm>>
    %dma_wait3A_50 = tpu.memref_slice %arg14[%rem3A_30] : memref<3x!tpu.dma_semaphore, #tpu.memory_space<semaphore_mem>> -> memref<1x!tpu.dma_semaphore, #tpu.memory_space<semaphore_mem>>
    %dma_wait3A_51 = tpu.memref_squeeze %dma_wait3A_50 : memref<1x!tpu.dma_semaphore, #tpu.memory_space<semaphore_mem>> -> memref<!tpu.dma_semaphore, #tpu.memory_space<semaphore_mem>>
    %dma_wait3A_52 = tpu.memref_slice %arg10[%mul3A_38] : memref<624xi32, #tpu.memory_space<vmem>> -> memref<200xi32, #tpu.memory_space<vmem>>
    %dma_wait3A_53 = tpu.memref_slice %arg3[%mul3A_36] : memref<204800xi32, #tpu.memory_space<hbm>> -> memref<200xi32, #tpu.memory_space<hbm>>
    tpu.wait_dma2 semaphore(%dma_wait3A_51 : memref<!tpu.dma_semaphore, #tpu.memory_space<semaphore_mem>>) src(%dma_wait3A_53 : memref<200xi32, #tpu.memory_space<hbm>>) dst(%dma_wait3A_52 : memref<200xi32, #tpu.memory_space<vmem>>)
    %rem3A_54 = arith.constant 0 : i32
    %rem3A_55 = arith.constant 3 : i32
    %rem3A_56 = arith.remsi %rem3A_54, %rem3A_55 : i32
    %parallel_loop3A = arith.constant 0 : i32
    %parallel_loop3A_57 = arith.constant 13 : i32
    %parallel_loop3A_58 = arith.constant 1 : i32
    scf.for %parallel_loop3A_838 = %parallel_loop3A to %parallel_loop3A_57 step %parallel_loop3A_58  : i32 {
      %parallel_loop3A_839 = arith.constant 16 : i32
      %parallel_loop3A_840 = arith.muli %parallel_loop3A_838, %parallel_loop3A_839 : i32
      %parallel_loop3A_841 = arith.constant 184 : i32
      %parallel_loop3A_842 = arith.minsi %parallel_loop3A_840, %parallel_loop3A_841 : i32
      %parallel_loop3A_843 = vector.broadcast %parallel_loop3A_842 : i32 to vector<16xi32>
      %parallel_loop3A_844 = arith.addi %parallel_loop3A_843, %iota3A : vector<16xi32>
      %parallel_loop3A_845 = arith.constant 16 : i32
      %parallel_loop3A_846 = vector.broadcast %parallel_loop3A_845 : i32 to vector<16xi32>
      %parallel_loop3A_847 = arith.muli %parallel_loop3A_844, %parallel_loop3A_846 : vector<16xi32>
      %parallel_loop3A_848 = arith.constant 3200 : i32
      %parallel_loop3A_849 = arith.muli %rem3A_56, %parallel_loop3A_848 : i32
      %parallel_loop3A_850 = vector.broadcast %parallel_loop3A_849 : i32 to vector<16xi32>
      %parallel_loop3A_851 = arith.addi %parallel_loop3A_850, %parallel_loop3A_847 : vector<16xi32>
      %parallel_loop3A_852 = arith.constant 0 : i32
      %parallel_loop3A_853 = vector.broadcast %parallel_loop3A_852 : i32 to vector<16xi32>
      %parallel_loop3A_854 = arith.addi %parallel_loop3A_851, %parallel_loop3A_853 : vector<16xi32>
      %parallel_loop3A_855 = tpu.vector_load_idx %arg8[%parallel_loop3A_854] : memref<9600xf32, #tpu.memory_space<vmem>>[vector<16xi32>], vector<16xf32>,
      %parallel_loop3A_856 = arith.constant 3200 : i32
      %parallel_loop3A_857 = arith.muli %rem3A_56, %parallel_loop3A_856 : i32
      %parallel_loop3A_858 = vector.broadcast %parallel_loop3A_857 : i32 to vector<16xi32>
      %parallel_loop3A_859 = arith.addi %parallel_loop3A_858, %parallel_loop3A_847 : vector<16xi32>
      %parallel_loop3A_860 = arith.constant 1 : i32
      %parallel_loop3A_861 = vector.broadcast %parallel_loop3A_860 : i32 to vector<16xi32>
      %parallel_loop3A_862 = arith.addi %parallel_loop3A_859, %parallel_loop3A_861 : vector<16xi32>
      %parallel_loop3A_863 = tpu.vector_load_idx %arg8[%parallel_loop3A_862] : memref<9600xf32, #tpu.memory_space<vmem>>[vector<16xi32>], vector<16xf32>,
      %parallel_loop3A_864 = arith.constant 3200 : i32
      %parallel_loop3A_865 = arith.muli %rem3A_56, %parallel_loop3A_864 : i32
      %parallel_loop3A_866 = vector.broadcast %parallel_loop3A_865 : i32 to vector<16xi32>
      %parallel_loop3A_867 = arith.addi %parallel_loop3A_866, %parallel_loop3A_847 : vector<16xi32>
      %parallel_loop3A_868 = arith.constant 2 : i32
      %parallel_loop3A_869 = vector.broadcast %parallel_loop3A_868 : i32 to vector<16xi32>
      %parallel_loop3A_870 = arith.addi %parallel_loop3A_867, %parallel_loop3A_869 : vector<16xi32>
      %parallel_loop3A_871 = tpu.vector_load_idx %arg8[%parallel_loop3A_870] : memref<9600xf32, #tpu.memory_space<vmem>>[vector<16xi32>], vector<16xf32>,
      %parallel_loop3A_872 = arith.constant 3200 : i32
      %parallel_loop3A_873 = arith.muli %rem3A_56, %parallel_loop3A_872 : i32
      %parallel_loop3A_874 = vector.broadcast %parallel_loop3A_873 : i32 to vector<16xi32>
      %parallel_loop3A_875 = arith.addi %parallel_loop3A_874, %parallel_loop3A_847 : vector<16xi32>
      %parallel_loop3A_876 = arith.constant 3 : i32
      %parallel_loop3A_877 = vector.broadcast %parallel_loop3A_876 : i32 to vector<16xi32>
      %parallel_loop3A_878 = arith.addi %parallel_loop3A_875, %parallel_loop3A_877 : vector<16xi32>
      %parallel_loop3A_879 = tpu.vector_load_idx %arg8[%parallel_loop3A_878] : memref<9600xf32, #tpu.memory_space<vmem>>[vector<16xi32>], vector<16xf32>,
      %parallel_loop3A_880 = arith.constant 3200 : i32
      %parallel_loop3A_881 = arith.muli %rem3A_56, %parallel_loop3A_880 : i32
      %parallel_loop3A_882 = vector.broadcast %parallel_loop3A_881 : i32 to vector<16xi32>
      %parallel_loop3A_883 = arith.addi %parallel_loop3A_882, %parallel_loop3A_847 : vector<16xi32>
      %parallel_loop3A_884 = arith.constant 4 : i32
      %parallel_loop3A_885 = vector.broadcast %parallel_loop3A_884 : i32 to vector<16xi32>
      %parallel_loop3A_886 = arith.addi %parallel_loop3A_883, %parallel_loop3A_885 : vector<16xi32>
      %parallel_loop3A_887 = tpu.vector_load_idx %arg8[%parallel_loop3A_886] : memref<9600xf32, #tpu.memory_space<vmem>>[vector<16xi32>], vector<16xf32>,
      %parallel_loop3A_888 = arith.constant 3200 : i32
      %parallel_loop3A_889 = arith.muli %rem3A_56, %parallel_loop3A_888 : i32
      %parallel_loop3A_890 = vector.broadcast %parallel_loop3A_889 : i32 to vector<16xi32>
      %parallel_loop3A_891 = arith.addi %parallel_loop3A_890, %parallel_loop3A_847 : vector<16xi32>
      %parallel_loop3A_892 = arith.constant 5 : i32
      %parallel_loop3A_893 = vector.broadcast %parallel_loop3A_892 : i32 to vector<16xi32>
      %parallel_loop3A_894 = arith.addi %parallel_loop3A_891, %parallel_loop3A_893 : vector<16xi32>
      %parallel_loop3A_895 = tpu.vector_load_idx %arg8[%parallel_loop3A_894] : memref<9600xf32, #tpu.memory_space<vmem>>[vector<16xi32>], vector<16xf32>,
      %parallel_loop3A_896 = arith.constant 3200 : i32
      %parallel_loop3A_897 = arith.muli %rem3A_56, %parallel_loop3A_896 : i32
      %parallel_loop3A_898 = vector.broadcast %parallel_loop3A_897 : i32 to vector<16xi32>
      %parallel_loop3A_899 = arith.addi %parallel_loop3A_898, %parallel_loop3A_847 : vector<16xi32>
      %parallel_loop3A_900 = arith.constant 6 : i32
      %parallel_loop3A_901 = vector.broadcast %parallel_loop3A_900 : i32 to vector<16xi32>
      %parallel_loop3A_902 = arith.addi %parallel_loop3A_899, %parallel_loop3A_901 : vector<16xi32>
      %parallel_loop3A_903 = tpu.vector_load_idx %arg8[%parallel_loop3A_902] : memref<9600xf32, #tpu.memory_space<vmem>>[vector<16xi32>], vector<16xf32>,
      %parallel_loop3A_904 = arith.constant 3200 : i32
      %parallel_loop3A_905 = arith.muli %rem3A_56, %parallel_loop3A_904 : i32
      %parallel_loop3A_906 = vector.broadcast %parallel_loop3A_905 : i32 to vector<16xi32>
      %parallel_loop3A_907 = arith.addi %parallel_loop3A_906, %parallel_loop3A_847 : vector<16xi32>
      %parallel_loop3A_908 = arith.constant 7 : i32
      %parallel_loop3A_909 = vector.broadcast %parallel_loop3A_908 : i32 to vector<16xi32>
      %parallel_loop3A_910 = arith.addi %parallel_loop3A_907, %parallel_loop3A_909 : vector<16xi32>
      %parallel_loop3A_911 = tpu.vector_load_idx %arg8[%parallel_loop3A_910] : memref<9600xf32, #tpu.memory_space<vmem>>[vector<16xi32>], vector<16xf32>,
      %parallel_loop3A_912 = arith.constant 3200 : i32
      %parallel_loop3A_913 = arith.muli %rem3A_56, %parallel_loop3A_912 : i32
      %parallel_loop3A_914 = vector.broadcast %parallel_loop3A_913 : i32 to vector<16xi32>
      %parallel_loop3A_915 = arith.addi %parallel_loop3A_914, %parallel_loop3A_847 : vector<16xi32>
      %parallel_loop3A_916 = arith.constant 8 : i32
      %parallel_loop3A_917 = vector.broadcast %parallel_loop3A_916 : i32 to vector<16xi32>
      %parallel_loop3A_918 = arith.addi %parallel_loop3A_915, %parallel_loop3A_917 : vector<16xi32>
      %parallel_loop3A_919 = tpu.vector_load_idx %arg8[%parallel_loop3A_918] : memref<9600xf32, #tpu.memory_space<vmem>>[vector<16xi32>], vector<16xf32>,
      %parallel_loop3A_920 = arith.constant 3200 : i32
      %parallel_loop3A_921 = arith.muli %rem3A_56, %parallel_loop3A_920 : i32
      %parallel_loop3A_922 = vector.broadcast %parallel_loop3A_921 : i32 to vector<16xi32>
      %parallel_loop3A_923 = arith.addi %parallel_loop3A_922, %parallel_loop3A_847 : vector<16xi32>
      %parallel_loop3A_924 = arith.constant 9 : i32
      %parallel_loop3A_925 = vector.broadcast %parallel_loop3A_924 : i32 to vector<16xi32>
      %parallel_loop3A_926 = arith.addi %parallel_loop3A_923, %parallel_loop3A_925 : vector<16xi32>
      %parallel_loop3A_927 = tpu.vector_load_idx %arg8[%parallel_loop3A_926] : memref<9600xf32, #tpu.memory_space<vmem>>[vector<16xi32>], vector<16xf32>,
      %parallel_loop3A_928 = arith.constant 3200 : i32
      %parallel_loop3A_929 = arith.muli %rem3A_56, %parallel_loop3A_928 : i32
      %parallel_loop3A_930 = vector.broadcast %parallel_loop3A_929 : i32 to vector<16xi32>
      %parallel_loop3A_931 = arith.addi %parallel_loop3A_930, %parallel_loop3A_847 : vector<16xi32>
      %parallel_loop3A_932 = arith.constant 10 : i32
      %parallel_loop3A_933 = vector.broadcast %parallel_loop3A_932 : i32 to vector<16xi32>
      %parallel_loop3A_934 = arith.addi %parallel_loop3A_931, %parallel_loop3A_933 : vector<16xi32>
      %parallel_loop3A_935 = tpu.vector_load_idx %arg8[%parallel_loop3A_934] : memref<9600xf32, #tpu.memory_space<vmem>>[vector<16xi32>], vector<16xf32>,
      %parallel_loop3A_936 = arith.constant 3200 : i32
      %parallel_loop3A_937 = arith.muli %rem3A_56, %parallel_loop3A_936 : i32
      %parallel_loop3A_938 = vector.broadcast %parallel_loop3A_937 : i32 to vector<16xi32>
      %parallel_loop3A_939 = arith.addi %parallel_loop3A_938, %parallel_loop3A_847 : vector<16xi32>
      %parallel_loop3A_940 = arith.constant 11 : i32
      %parallel_loop3A_941 = vector.broadcast %parallel_loop3A_940 : i32 to vector<16xi32>
      %parallel_loop3A_942 = arith.addi %parallel_loop3A_939, %parallel_loop3A_941 : vector<16xi32>
      %parallel_loop3A_943 = tpu.vector_load_idx %arg8[%parallel_loop3A_942] : memref<9600xf32, #tpu.memory_space<vmem>>[vector<16xi32>], vector<16xf32>,
      %parallel_loop3A_944 = arith.constant 3200 : i32
      %parallel_loop3A_945 = arith.muli %rem3A_56, %parallel_loop3A_944 : i32
      %parallel_loop3A_946 = vector.broadcast %parallel_loop3A_945 : i32 to vector<16xi32>
      %parallel_loop3A_947 = arith.addi %parallel_loop3A_946, %parallel_loop3A_847 : vector<16xi32>
      %parallel_loop3A_948 = arith.constant 12 : i32
      %parallel_loop3A_949 = vector.broadcast %parallel_loop3A_948 : i32 to vector<16xi32>
      %parallel_loop3A_950 = arith.addi %parallel_loop3A_947, %parallel_loop3A_949 : vector<16xi32>
      %parallel_loop3A_951 = tpu.vector_load_idx %arg8[%parallel_loop3A_950] : memref<9600xf32, #tpu.memory_space<vmem>>[vector<16xi32>], vector<16xf32>,
      %parallel_loop3A_952 = arith.constant 3200 : i32
      %parallel_loop3A_953 = arith.muli %rem3A_56, %parallel_loop3A_952 : i32
      %parallel_loop3A_954 = vector.broadcast %parallel_loop3A_953 : i32 to vector<16xi32>
      %parallel_loop3A_955 = arith.addi %parallel_loop3A_954, %parallel_loop3A_847 : vector<16xi32>
      %parallel_loop3A_956 = arith.constant 13 : i32
      %parallel_loop3A_957 = vector.broadcast %parallel_loop3A_956 : i32 to vector<16xi32>
      %parallel_loop3A_958 = arith.addi %parallel_loop3A_955, %parallel_loop3A_957 : vector<16xi32>
      %parallel_loop3A_959 = tpu.vector_load_idx %arg8[%parallel_loop3A_958] : memref<9600xf32, #tpu.memory_space<vmem>>[vector<16xi32>], vector<16xf32>,
      %parallel_loop3A_960 = arith.constant 3200 : i32
      %parallel_loop3A_961 = arith.muli %rem3A_56, %parallel_loop3A_960 : i32
      %parallel_loop3A_962 = vector.broadcast %parallel_loop3A_961 : i32 to vector<16xi32>
      %parallel_loop3A_963 = arith.addi %parallel_loop3A_962, %parallel_loop3A_847 : vector<16xi32>
      %parallel_loop3A_964 = arith.constant 14 : i32
      %parallel_loop3A_965 = vector.broadcast %parallel_loop3A_964 : i32 to vector<16xi32>
      %parallel_loop3A_966 = arith.addi %parallel_loop3A_963, %parallel_loop3A_965 : vector<16xi32>
      %parallel_loop3A_967 = tpu.vector_load_idx %arg8[%parallel_loop3A_966] : memref<9600xf32, #tpu.memory_space<vmem>>[vector<16xi32>], vector<16xf32>,
      %parallel_loop3A_968 = arith.constant 3200 : i32
      %parallel_loop3A_969 = arith.muli %rem3A_56, %parallel_loop3A_968 : i32
      %parallel_loop3A_970 = vector.broadcast %parallel_loop3A_969 : i32 to vector<16xi32>
      %parallel_loop3A_971 = arith.addi %parallel_loop3A_970, %parallel_loop3A_847 : vector<16xi32>
      %parallel_loop3A_972 = arith.constant 15 : i32
      %parallel_loop3A_973 = vector.broadcast %parallel_loop3A_972 : i32 to vector<16xi32>
      %parallel_loop3A_974 = arith.addi %parallel_loop3A_971, %parallel_loop3A_973 : vector<16xi32>
      %parallel_loop3A_975 = tpu.vector_load_idx %arg8[%parallel_loop3A_974] : memref<9600xf32, #tpu.memory_space<vmem>>[vector<16xi32>], vector<16xf32>,
      %parallel_loop3A_976 = tpu.bitcast %parallel_loop3A_855 : vector<16xf32> -> vector<16xi32>
      %parallel_loop3A_977 = arith.constant 16 : i32
      %parallel_loop3A_978 = vector.broadcast %parallel_loop3A_977 : i32 to vector<16xi32>
      %parallel_loop3A_979 = arith.shrui %parallel_loop3A_976, %parallel_loop3A_978 : vector<16xi32>
      %parallel_loop3A_980 = arith.constant 1 : i32
      %parallel_loop3A_981 = vector.broadcast %parallel_loop3A_980 : i32 to vector<16xi32>
      %parallel_loop3A_982 = arith.andi %parallel_loop3A_979, %parallel_loop3A_981 : vector<16xi32>
      %parallel_loop3A_983 = arith.constant 32767 : i32
      %parallel_loop3A_984 = vector.broadcast %parallel_loop3A_983 : i32 to vector<16xi32>
      %parallel_loop3A_985 = arith.addi %parallel_loop3A_976, %parallel_loop3A_984 : vector<16xi32>
      %parallel_loop3A_986 = arith.addi %parallel_loop3A_985, %parallel_loop3A_982 : vector<16xi32>
      %parallel_loop3A_987 = arith.constant -65536 : i32
      %parallel_loop3A_988 = vector.broadcast %parallel_loop3A_987 : i32 to vector<16xi32>
      %parallel_loop3A_989 = arith.andi %parallel_loop3A_986, %parallel_loop3A_988 : vector<16xi32>
      %parallel_loop3A_990 = tpu.bitcast %parallel_loop3A_989 : vector<16xi32> -> vector<16xf32>
      %parallel_loop3A_991 = arith.constant 3.276800e+04 : f32
      %parallel_loop3A_992 = vector.broadcast %parallel_loop3A_991 : f32 to vector<16xf32>
      %parallel_loop3A_993 = arith.mulf %parallel_loop3A_990, %parallel_loop3A_992 : vector<16xf32>
      %parallel_loop3A_994 = tpu.bitcast %parallel_loop3A_863 : vector<16xf32> -> vector<16xi32>
      %parallel_loop3A_995 = arith.constant 16 : i32
      %parallel_loop3A_996 = vector.broadcast %parallel_loop3A_995 : i32 to vector<16xi32>
      %parallel_loop3A_997 = arith.shrui %parallel_loop3A_994, %parallel_loop3A_996 : vector<16xi32>
      %parallel_loop3A_998 = arith.constant 1 : i32
      %parallel_loop3A_999 = vector.broadcast %parallel_loop3A_998 : i32 to vector<16xi32>
      %parallel_loop3A_1000 = arith.andi %parallel_loop3A_997, %parallel_loop3A_999 : vector<16xi32>
      %parallel_loop3A_1001 = arith.constant 32767 : i32
      %parallel_loop3A_1002 = vector.broadcast %parallel_loop3A_1001 : i32 to vector<16xi32>
      %parallel_loop3A_1003 = arith.addi %parallel_loop3A_994, %parallel_loop3A_1002 : vector<16xi32>
      %parallel_loop3A_1004 = arith.addi %parallel_loop3A_1003, %parallel_loop3A_1000 : vector<16xi32>
      %parallel_loop3A_1005 = arith.constant -65536 : i32
      %parallel_loop3A_1006 = vector.broadcast %parallel_loop3A_1005 : i32 to vector<16xi32>
      %parallel_loop3A_1007 = arith.andi %parallel_loop3A_1004, %parallel_loop3A_1006 : vector<16xi32>
      %parallel_loop3A_1008 = tpu.bitcast %parallel_loop3A_1007 : vector<16xi32> -> vector<16xf32>
      %parallel_loop3A_1009 = arith.constant 1.638400e+04 : f32
      %parallel_loop3A_1010 = vector.broadcast %parallel_loop3A_1009 : f32 to vector<16xf32>
      %parallel_loop3A_1011 = arith.mulf %parallel_loop3A_1008, %parallel_loop3A_1010 : vector<16xf32>
      %parallel_loop3A_1012 = tpu.bitcast %parallel_loop3A_871 : vector<16xf32> -> vector<16xi32>
      %parallel_loop3A_1013 = arith.constant 16 : i32
      %parallel_loop3A_1014 = vector.broadcast %parallel_loop3A_1013 : i32 to vector<16xi32>
      %parallel_loop3A_1015 = arith.shrui %parallel_loop3A_1012, %parallel_loop3A_1014 : vector<16xi32>
      %parallel_loop3A_1016 = arith.constant 1 : i32
      %parallel_loop3A_1017 = vector.broadcast %parallel_loop3A_1016 : i32 to vector<16xi32>
      %parallel_loop3A_1018 = arith.andi %parallel_loop3A_1015, %parallel_loop3A_1017 : vector<16xi32>
      %parallel_loop3A_1019 = arith.constant 32767 : i32
      %parallel_loop3A_1020 = vector.broadcast %parallel_loop3A_1019 : i32 to vector<16xi32>
      %parallel_loop3A_1021 = arith.addi %parallel_loop3A_1012, %parallel_loop3A_1020 : vector<16xi32>
      %parallel_loop3A_1022 = arith.addi %parallel_loop3A_1021, %parallel_loop3A_1018 : vector<16xi32>
      %parallel_loop3A_1023 = arith.constant -65536 : i32
      %parallel_loop3A_1024 = vector.broadcast %parallel_loop3A_1023 : i32 to vector<16xi32>
      %parallel_loop3A_1025 = arith.andi %parallel_loop3A_1022, %parallel_loop3A_1024 : vector<16xi32>
      %parallel_loop3A_1026 = tpu.bitcast %parallel_loop3A_1025 : vector<16xi32> -> vector<16xf32>
      %parallel_loop3A_1027 = arith.constant 8.192000e+03 : f32
      %parallel_loop3A_1028 = vector.broadcast %parallel_loop3A_1027 : f32 to vector<16xf32>
      %parallel_loop3A_1029 = arith.mulf %parallel_loop3A_1026, %parallel_loop3A_1028 : vector<16xf32>
      %parallel_loop3A_1030 = tpu.bitcast %parallel_loop3A_879 : vector<16xf32> -> vector<16xi32>
      %parallel_loop3A_1031 = arith.constant 16 : i32
      %parallel_loop3A_1032 = vector.broadcast %parallel_loop3A_1031 : i32 to vector<16xi32>
      %parallel_loop3A_1033 = arith.shrui %parallel_loop3A_1030, %parallel_loop3A_1032 : vector<16xi32>
      %parallel_loop3A_1034 = arith.constant 1 : i32
      %parallel_loop3A_1035 = vector.broadcast %parallel_loop3A_1034 : i32 to vector<16xi32>
      %parallel_loop3A_1036 = arith.andi %parallel_loop3A_1033, %parallel_loop3A_1035 : vector<16xi32>
      %parallel_loop3A_1037 = arith.constant 32767 : i32
      %parallel_loop3A_1038 = vector.broadcast %parallel_loop3A_1037 : i32 to vector<16xi32>
      %parallel_loop3A_1039 = arith.addi %parallel_loop3A_1030, %parallel_loop3A_1038 : vector<16xi32>
      %parallel_loop3A_1040 = arith.addi %parallel_loop3A_1039, %parallel_loop3A_1036 : vector<16xi32>
      %parallel_loop3A_1041 = arith.constant -65536 : i32
      %parallel_loop3A_1042 = vector.broadcast %parallel_loop3A_1041 : i32 to vector<16xi32>
      %parallel_loop3A_1043 = arith.andi %parallel_loop3A_1040, %parallel_loop3A_1042 : vector<16xi32>
      %parallel_loop3A_1044 = tpu.bitcast %parallel_loop3A_1043 : vector<16xi32> -> vector<16xf32>
      %parallel_loop3A_1045 = arith.constant 4.096000e+03 : f32
      %parallel_loop3A_1046 = vector.broadcast %parallel_loop3A_1045 : f32 to vector<16xf32>
      %parallel_loop3A_1047 = arith.mulf %parallel_loop3A_1044, %parallel_loop3A_1046 : vector<16xf32>
      %parallel_loop3A_1048 = tpu.bitcast %parallel_loop3A_887 : vector<16xf32> -> vector<16xi32>
      %parallel_loop3A_1049 = arith.constant 16 : i32
      %parallel_loop3A_1050 = vector.broadcast %parallel_loop3A_1049 : i32 to vector<16xi32>
      %parallel_loop3A_1051 = arith.shrui %parallel_loop3A_1048, %parallel_loop3A_1050 : vector<16xi32>
      %parallel_loop3A_1052 = arith.constant 1 : i32
      %parallel_loop3A_1053 = vector.broadcast %parallel_loop3A_1052 : i32 to vector<16xi32>
      %parallel_loop3A_1054 = arith.andi %parallel_loop3A_1051, %parallel_loop3A_1053 : vector<16xi32>
      %parallel_loop3A_1055 = arith.constant 32767 : i32
      %parallel_loop3A_1056 = vector.broadcast %parallel_loop3A_1055 : i32 to vector<16xi32>
      %parallel_loop3A_1057 = arith.addi %parallel_loop3A_1048, %parallel_loop3A_1056 : vector<16xi32>
      %parallel_loop3A_1058 = arith.addi %parallel_loop3A_1057, %parallel_loop3A_1054 : vector<16xi32>
      %parallel_loop3A_1059 = arith.constant -65536 : i32
      %parallel_loop3A_1060 = vector.broadcast %parallel_loop3A_1059 : i32 to vector<16xi32>
      %parallel_loop3A_1061 = arith.andi %parallel_loop3A_1058, %parallel_loop3A_1060 : vector<16xi32>
      %parallel_loop3A_1062 = tpu.bitcast %parallel_loop3A_1061 : vector<16xi32> -> vector<16xf32>
      %parallel_loop3A_1063 = arith.constant 2.048000e+03 : f32
      %parallel_loop3A_1064 = vector.broadcast %parallel_loop3A_1063 : f32 to vector<16xf32>
      %parallel_loop3A_1065 = arith.mulf %parallel_loop3A_1062, %parallel_loop3A_1064 : vector<16xf32>
      %parallel_loop3A_1066 = tpu.bitcast %parallel_loop3A_895 : vector<16xf32> -> vector<16xi32>
      %parallel_loop3A_1067 = arith.constant 16 : i32
      %parallel_loop3A_1068 = vector.broadcast %parallel_loop3A_1067 : i32 to vector<16xi32>
      %parallel_loop3A_1069 = arith.shrui %parallel_loop3A_1066, %parallel_loop3A_1068 : vector<16xi32>
      %parallel_loop3A_1070 = arith.constant 1 : i32
      %parallel_loop3A_1071 = vector.broadcast %parallel_loop3A_1070 : i32 to vector<16xi32>
      %parallel_loop3A_1072 = arith.andi %parallel_loop3A_1069, %parallel_loop3A_1071 : vector<16xi32>
      %parallel_loop3A_1073 = arith.constant 32767 : i32
      %parallel_loop3A_1074 = vector.broadcast %parallel_loop3A_1073 : i32 to vector<16xi32>
      %parallel_loop3A_1075 = arith.addi %parallel_loop3A_1066, %parallel_loop3A_1074 : vector<16xi32>
      %parallel_loop3A_1076 = arith.addi %parallel_loop3A_1075, %parallel_loop3A_1072 : vector<16xi32>
      %parallel_loop3A_1077 = arith.constant -65536 : i32
      %parallel_loop3A_1078 = vector.broadcast %parallel_loop3A_1077 : i32 to vector<16xi32>
      %parallel_loop3A_1079 = arith.andi %parallel_loop3A_1076, %parallel_loop3A_1078 : vector<16xi32>
      %parallel_loop3A_1080 = tpu.bitcast %parallel_loop3A_1079 : vector<16xi32> -> vector<16xf32>
      %parallel_loop3A_1081 = arith.constant 1.024000e+03 : f32
      %parallel_loop3A_1082 = vector.broadcast %parallel_loop3A_1081 : f32 to vector<16xf32>
      %parallel_loop3A_1083 = arith.mulf %parallel_loop3A_1080, %parallel_loop3A_1082 : vector<16xf32>
      %parallel_loop3A_1084 = tpu.bitcast %parallel_loop3A_903 : vector<16xf32> -> vector<16xi32>
      %parallel_loop3A_1085 = arith.constant 16 : i32
      %parallel_loop3A_1086 = vector.broadcast %parallel_loop3A_1085 : i32 to vector<16xi32>
      %parallel_loop3A_1087 = arith.shrui %parallel_loop3A_1084, %parallel_loop3A_1086 : vector<16xi32>
      %parallel_loop3A_1088 = arith.constant 1 : i32
      %parallel_loop3A_1089 = vector.broadcast %parallel_loop3A_1088 : i32 to vector<16xi32>
      %parallel_loop3A_1090 = arith.andi %parallel_loop3A_1087, %parallel_loop3A_1089 : vector<16xi32>
      %parallel_loop3A_1091 = arith.constant 32767 : i32
      %parallel_loop3A_1092 = vector.broadcast %parallel_loop3A_1091 : i32 to vector<16xi32>
      %parallel_loop3A_1093 = arith.addi %parallel_loop3A_1084, %parallel_loop3A_1092 : vector<16xi32>
      %parallel_loop3A_1094 = arith.addi %parallel_loop3A_1093, %parallel_loop3A_1090 : vector<16xi32>
      %parallel_loop3A_1095 = arith.constant -65536 : i32
      %parallel_loop3A_1096 = vector.broadcast %parallel_loop3A_1095 : i32 to vector<16xi32>
      %parallel_loop3A_1097 = arith.andi %parallel_loop3A_1094, %parallel_loop3A_1096 : vector<16xi32>
      %parallel_loop3A_1098 = tpu.bitcast %parallel_loop3A_1097 : vector<16xi32> -> vector<16xf32>
      %parallel_loop3A_1099 = arith.constant 5.120000e+02 : f32
      %parallel_loop3A_1100 = vector.broadcast %parallel_loop3A_1099 : f32 to vector<16xf32>
      %parallel_loop3A_1101 = arith.mulf %parallel_loop3A_1098, %parallel_loop3A_1100 : vector<16xf32>
      %parallel_loop3A_1102 = tpu.bitcast %parallel_loop3A_911 : vector<16xf32> -> vector<16xi32>
      %parallel_loop3A_1103 = arith.constant 16 : i32
      %parallel_loop3A_1104 = vector.broadcast %parallel_loop3A_1103 : i32 to vector<16xi32>
      %parallel_loop3A_1105 = arith.shrui %parallel_loop3A_1102, %parallel_loop3A_1104 : vector<16xi32>
      %parallel_loop3A_1106 = arith.constant 1 : i32
      %parallel_loop3A_1107 = vector.broadcast %parallel_loop3A_1106 : i32 to vector<16xi32>
      %parallel_loop3A_1108 = arith.andi %parallel_loop3A_1105, %parallel_loop3A_1107 : vector<16xi32>
      %parallel_loop3A_1109 = arith.constant 32767 : i32
      %parallel_loop3A_1110 = vector.broadcast %parallel_loop3A_1109 : i32 to vector<16xi32>
      %parallel_loop3A_1111 = arith.addi %parallel_loop3A_1102, %parallel_loop3A_1110 : vector<16xi32>
      %parallel_loop3A_1112 = arith.addi %parallel_loop3A_1111, %parallel_loop3A_1108 : vector<16xi32>
      %parallel_loop3A_1113 = arith.constant -65536 : i32
      %parallel_loop3A_1114 = vector.broadcast %parallel_loop3A_1113 : i32 to vector<16xi32>
      %parallel_loop3A_1115 = arith.andi %parallel_loop3A_1112, %parallel_loop3A_1114 : vector<16xi32>
      %parallel_loop3A_1116 = tpu.bitcast %parallel_loop3A_1115 : vector<16xi32> -> vector<16xf32>
      %parallel_loop3A_1117 = arith.constant 2.560000e+02 : f32
      %parallel_loop3A_1118 = vector.broadcast %parallel_loop3A_1117 : f32 to vector<16xf32>
      %parallel_loop3A_1119 = arith.mulf %parallel_loop3A_1116, %parallel_loop3A_1118 : vector<16xf32>
      %parallel_loop3A_1120 = tpu.bitcast %parallel_loop3A_919 : vector<16xf32> -> vector<16xi32>
      %parallel_loop3A_1121 = arith.constant 16 : i32
      %parallel_loop3A_1122 = vector.broadcast %parallel_loop3A_1121 : i32 to vector<16xi32>
      %parallel_loop3A_1123 = arith.shrui %parallel_loop3A_1120, %parallel_loop3A_1122 : vector<16xi32>
      %parallel_loop3A_1124 = arith.constant 1 : i32
      %parallel_loop3A_1125 = vector.broadcast %parallel_loop3A_1124 : i32 to vector<16xi32>
      %parallel_loop3A_1126 = arith.andi %parallel_loop3A_1123, %parallel_loop3A_1125 : vector<16xi32>
      %parallel_loop3A_1127 = arith.constant 32767 : i32
      %parallel_loop3A_1128 = vector.broadcast %parallel_loop3A_1127 : i32 to vector<16xi32>
      %parallel_loop3A_1129 = arith.addi %parallel_loop3A_1120, %parallel_loop3A_1128 : vector<16xi32>
      %parallel_loop3A_1130 = arith.addi %parallel_loop3A_1129, %parallel_loop3A_1126 : vector<16xi32>
      %parallel_loop3A_1131 = arith.constant -65536 : i32
      %parallel_loop3A_1132 = vector.broadcast %parallel_loop3A_1131 : i32 to vector<16xi32>
      %parallel_loop3A_1133 = arith.andi %parallel_loop3A_1130, %parallel_loop3A_1132 : vector<16xi32>
      %parallel_loop3A_1134 = tpu.bitcast %parallel_loop3A_1133 : vector<16xi32> -> vector<16xf32>
      %parallel_loop3A_1135 = arith.constant 1.280000e+02 : f32
      %parallel_loop3A_1136 = vector.broadcast %parallel_loop3A_1135 : f32 to vector<16xf32>
      %parallel_loop3A_1137 = arith.mulf %parallel_loop3A_1134, %parallel_loop3A_1136 : vector<16xf32>
      %parallel_loop3A_1138 = tpu.bitcast %parallel_loop3A_927 : vector<16xf32> -> vector<16xi32>
      %parallel_loop3A_1139 = arith.constant 16 : i32
      %parallel_loop3A_1140 = vector.broadcast %parallel_loop3A_1139 : i32 to vector<16xi32>
      %parallel_loop3A_1141 = arith.shrui %parallel_loop3A_1138, %parallel_loop3A_1140 : vector<16xi32>
      %parallel_loop3A_1142 = arith.constant 1 : i32
      %parallel_loop3A_1143 = vector.broadcast %parallel_loop3A_1142 : i32 to vector<16xi32>
      %parallel_loop3A_1144 = arith.andi %parallel_loop3A_1141, %parallel_loop3A_1143 : vector<16xi32>
      %parallel_loop3A_1145 = arith.constant 32767 : i32
      %parallel_loop3A_1146 = vector.broadcast %parallel_loop3A_1145 : i32 to vector<16xi32>
      %parallel_loop3A_1147 = arith.addi %parallel_loop3A_1138, %parallel_loop3A_1146 : vector<16xi32>
      %parallel_loop3A_1148 = arith.addi %parallel_loop3A_1147, %parallel_loop3A_1144 : vector<16xi32>
      %parallel_loop3A_1149 = arith.constant -65536 : i32
      %parallel_loop3A_1150 = vector.broadcast %parallel_loop3A_1149 : i32 to vector<16xi32>
      %parallel_loop3A_1151 = arith.andi %parallel_loop3A_1148, %parallel_loop3A_1150 : vector<16xi32>
      %parallel_loop3A_1152 = tpu.bitcast %parallel_loop3A_1151 : vector<16xi32> -> vector<16xf32>
      %parallel_loop3A_1153 = arith.constant 6.400000e+01 : f32
      %parallel_loop3A_1154 = vector.broadcast %parallel_loop3A_1153 : f32 to vector<16xf32>
      %parallel_loop3A_1155 = arith.mulf %parallel_loop3A_1152, %parallel_loop3A_1154 : vector<16xf32>
      %parallel_loop3A_1156 = tpu.bitcast %parallel_loop3A_935 : vector<16xf32> -> vector<16xi32>
      %parallel_loop3A_1157 = arith.constant 16 : i32
      %parallel_loop3A_1158 = vector.broadcast %parallel_loop3A_1157 : i32 to vector<16xi32>
      %parallel_loop3A_1159 = arith.shrui %parallel_loop3A_1156, %parallel_loop3A_1158 : vector<16xi32>
      %parallel_loop3A_1160 = arith.constant 1 : i32
      %parallel_loop3A_1161 = vector.broadcast %parallel_loop3A_1160 : i32 to vector<16xi32>
      %parallel_loop3A_1162 = arith.andi %parallel_loop3A_1159, %parallel_loop3A_1161 : vector<16xi32>
      %parallel_loop3A_1163 = arith.constant 32767 : i32
      %parallel_loop3A_1164 = vector.broadcast %parallel_loop3A_1163 : i32 to vector<16xi32>
      %parallel_loop3A_1165 = arith.addi %parallel_loop3A_1156, %parallel_loop3A_1164 : vector<16xi32>
      %parallel_loop3A_1166 = arith.addi %parallel_loop3A_1165, %parallel_loop3A_1162 : vector<16xi32>
      %parallel_loop3A_1167 = arith.constant -65536 : i32
      %parallel_loop3A_1168 = vector.broadcast %parallel_loop3A_1167 : i32 to vector<16xi32>
      %parallel_loop3A_1169 = arith.andi %parallel_loop3A_1166, %parallel_loop3A_1168 : vector<16xi32>
      %parallel_loop3A_1170 = tpu.bitcast %parallel_loop3A_1169 : vector<16xi32> -> vector<16xf32>
      %parallel_loop3A_1171 = arith.constant 3.200000e+01 : f32
      %parallel_loop3A_1172 = vector.broadcast %parallel_loop3A_1171 : f32 to vector<16xf32>
      %parallel_loop3A_1173 = arith.mulf %parallel_loop3A_1170, %parallel_loop3A_1172 : vector<16xf32>
      %parallel_loop3A_1174 = tpu.bitcast %parallel_loop3A_943 : vector<16xf32> -> vector<16xi32>
      %parallel_loop3A_1175 = arith.constant 16 : i32
      %parallel_loop3A_1176 = vector.broadcast %parallel_loop3A_1175 : i32 to vector<16xi32>
      %parallel_loop3A_1177 = arith.shrui %parallel_loop3A_1174, %parallel_loop3A_1176 : vector<16xi32>
      %parallel_loop3A_1178 = arith.constant 1 : i32
      %parallel_loop3A_1179 = vector.broadcast %parallel_loop3A_1178 : i32 to vector<16xi32>
      %parallel_loop3A_1180 = arith.andi %parallel_loop3A_1177, %parallel_loop3A_1179 : vector<16xi32>
      %parallel_loop3A_1181 = arith.constant 32767 : i32
      %parallel_loop3A_1182 = vector.broadcast %parallel_loop3A_1181 : i32 to vector<16xi32>
      %parallel_loop3A_1183 = arith.addi %parallel_loop3A_1174, %parallel_loop3A_1182 : vector<16xi32>
      %parallel_loop3A_1184 = arith.addi %parallel_loop3A_1183, %parallel_loop3A_1180 : vector<16xi32>
      %parallel_loop3A_1185 = arith.constant -65536 : i32
      %parallel_loop3A_1186 = vector.broadcast %parallel_loop3A_1185 : i32 to vector<16xi32>
      %parallel_loop3A_1187 = arith.andi %parallel_loop3A_1184, %parallel_loop3A_1186 : vector<16xi32>
      %parallel_loop3A_1188 = tpu.bitcast %parallel_loop3A_1187 : vector<16xi32> -> vector<16xf32>
      %parallel_loop3A_1189 = arith.constant 1.600000e+01 : f32
      %parallel_loop3A_1190 = vector.broadcast %parallel_loop3A_1189 : f32 to vector<16xf32>
      %parallel_loop3A_1191 = arith.mulf %parallel_loop3A_1188, %parallel_loop3A_1190 : vector<16xf32>
      %parallel_loop3A_1192 = tpu.bitcast %parallel_loop3A_951 : vector<16xf32> -> vector<16xi32>
      %parallel_loop3A_1193 = arith.constant 16 : i32
      %parallel_loop3A_1194 = vector.broadcast %parallel_loop3A_1193 : i32 to vector<16xi32>
      %parallel_loop3A_1195 = arith.shrui %parallel_loop3A_1192, %parallel_loop3A_1194 : vector<16xi32>
      %parallel_loop3A_1196 = arith.constant 1 : i32
      %parallel_loop3A_1197 = vector.broadcast %parallel_loop3A_1196 : i32 to vector<16xi32>
      %parallel_loop3A_1198 = arith.andi %parallel_loop3A_1195, %parallel_loop3A_1197 : vector<16xi32>
      %parallel_loop3A_1199 = arith.constant 32767 : i32
      %parallel_loop3A_1200 = vector.broadcast %parallel_loop3A_1199 : i32 to vector<16xi32>
      %parallel_loop3A_1201 = arith.addi %parallel_loop3A_1192, %parallel_loop3A_1200 : vector<16xi32>
      %parallel_loop3A_1202 = arith.addi %parallel_loop3A_1201, %parallel_loop3A_1198 : vector<16xi32>
      %parallel_loop3A_1203 = arith.constant -65536 : i32
      %parallel_loop3A_1204 = vector.broadcast %parallel_loop3A_1203 : i32 to vector<16xi32>
      %parallel_loop3A_1205 = arith.andi %parallel_loop3A_1202, %parallel_loop3A_1204 : vector<16xi32>
      %parallel_loop3A_1206 = tpu.bitcast %parallel_loop3A_1205 : vector<16xi32> -> vector<16xf32>
      %parallel_loop3A_1207 = arith.constant 8.000000e+00 : f32
      %parallel_loop3A_1208 = vector.broadcast %parallel_loop3A_1207 : f32 to vector<16xf32>
      %parallel_loop3A_1209 = arith.mulf %parallel_loop3A_1206, %parallel_loop3A_1208 : vector<16xf32>
      %parallel_loop3A_1210 = tpu.bitcast %parallel_loop3A_959 : vector<16xf32> -> vector<16xi32>
      %parallel_loop3A_1211 = arith.constant 16 : i32
      %parallel_loop3A_1212 = vector.broadcast %parallel_loop3A_1211 : i32 to vector<16xi32>
      %parallel_loop3A_1213 = arith.shrui %parallel_loop3A_1210, %parallel_loop3A_1212 : vector<16xi32>
      %parallel_loop3A_1214 = arith.constant 1 : i32
      %parallel_loop3A_1215 = vector.broadcast %parallel_loop3A_1214 : i32 to vector<16xi32>
      %parallel_loop3A_1216 = arith.andi %parallel_loop3A_1213, %parallel_loop3A_1215 : vector<16xi32>
      %parallel_loop3A_1217 = arith.constant 32767 : i32
      %parallel_loop3A_1218 = vector.broadcast %parallel_loop3A_1217 : i32 to vector<16xi32>
      %parallel_loop3A_1219 = arith.addi %parallel_loop3A_1210, %parallel_loop3A_1218 : vector<16xi32>
      %parallel_loop3A_1220 = arith.addi %parallel_loop3A_1219, %parallel_loop3A_1216 : vector<16xi32>
      %parallel_loop3A_1221 = arith.constant -65536 : i32
      %parallel_loop3A_1222 = vector.broadcast %parallel_loop3A_1221 : i32 to vector<16xi32>
      %parallel_loop3A_1223 = arith.andi %parallel_loop3A_1220, %parallel_loop3A_1222 : vector<16xi32>
      %parallel_loop3A_1224 = tpu.bitcast %parallel_loop3A_1223 : vector<16xi32> -> vector<16xf32>
      %parallel_loop3A_1225 = arith.constant 4.000000e+00 : f32
      %parallel_loop3A_1226 = vector.broadcast %parallel_loop3A_1225 : f32 to vector<16xf32>
      %parallel_loop3A_1227 = arith.mulf %parallel_loop3A_1224, %parallel_loop3A_1226 : vector<16xf32>
      %parallel_loop3A_1228 = tpu.bitcast %parallel_loop3A_967 : vector<16xf32> -> vector<16xi32>
      %parallel_loop3A_1229 = arith.constant 16 : i32
      %parallel_loop3A_1230 = vector.broadcast %parallel_loop3A_1229 : i32 to vector<16xi32>
      %parallel_loop3A_1231 = arith.shrui %parallel_loop3A_1228, %parallel_loop3A_1230 : vector<16xi32>
      %parallel_loop3A_1232 = arith.constant 1 : i32
      %parallel_loop3A_1233 = vector.broadcast %parallel_loop3A_1232 : i32 to vector<16xi32>
      %parallel_loop3A_1234 = arith.andi %parallel_loop3A_1231, %parallel_loop3A_1233 : vector<16xi32>
      %parallel_loop3A_1235 = arith.constant 32767 : i32
      %parallel_loop3A_1236 = vector.broadcast %parallel_loop3A_1235 : i32 to vector<16xi32>
      %parallel_loop3A_1237 = arith.addi %parallel_loop3A_1228, %parallel_loop3A_1236 : vector<16xi32>
      %parallel_loop3A_1238 = arith.addi %parallel_loop3A_1237, %parallel_loop3A_1234 : vector<16xi32>
      %parallel_loop3A_1239 = arith.constant -65536 : i32
      %parallel_loop3A_1240 = vector.broadcast %parallel_loop3A_1239 : i32 to vector<16xi32>
      %parallel_loop3A_1241 = arith.andi %parallel_loop3A_1238, %parallel_loop3A_1240 : vector<16xi32>
      %parallel_loop3A_1242 = tpu.bitcast %parallel_loop3A_1241 : vector<16xi32> -> vector<16xf32>
      %parallel_loop3A_1243 = arith.constant 2.000000e+00 : f32
      %parallel_loop3A_1244 = vector.broadcast %parallel_loop3A_1243 : f32 to vector<16xf32>
      %parallel_loop3A_1245 = arith.mulf %parallel_loop3A_1242, %parallel_loop3A_1244 : vector<16xf32>
      %parallel_loop3A_1246 = tpu.bitcast %parallel_loop3A_975 : vector<16xf32> -> vector<16xi32>
      %parallel_loop3A_1247 = arith.constant 16 : i32
      %parallel_loop3A_1248 = vector.broadcast %parallel_loop3A_1247 : i32 to vector<16xi32>
      %parallel_loop3A_1249 = arith.shrui %parallel_loop3A_1246, %parallel_loop3A_1248 : vector<16xi32>
      %parallel_loop3A_1250 = arith.constant 1 : i32
      %parallel_loop3A_1251 = vector.broadcast %parallel_loop3A_1250 : i32 to vector<16xi32>
      %parallel_loop3A_1252 = arith.andi %parallel_loop3A_1249, %parallel_loop3A_1251 : vector<16xi32>
      %parallel_loop3A_1253 = arith.constant 32767 : i32
      %parallel_loop3A_1254 = vector.broadcast %parallel_loop3A_1253 : i32 to vector<16xi32>
      %parallel_loop3A_1255 = arith.addi %parallel_loop3A_1246, %parallel_loop3A_1254 : vector<16xi32>
      %parallel_loop3A_1256 = arith.addi %parallel_loop3A_1255, %parallel_loop3A_1252 : vector<16xi32>
      %parallel_loop3A_1257 = arith.constant -65536 : i32
      %parallel_loop3A_1258 = vector.broadcast %parallel_loop3A_1257 : i32 to vector<16xi32>
      %parallel_loop3A_1259 = arith.andi %parallel_loop3A_1256, %parallel_loop3A_1258 : vector<16xi32>
      %parallel_loop3A_1260 = tpu.bitcast %parallel_loop3A_1259 : vector<16xi32> -> vector<16xf32>
      %parallel_loop3A_1261 = arith.constant 1.000000e+00 : f32
      %parallel_loop3A_1262 = vector.broadcast %parallel_loop3A_1261 : f32 to vector<16xf32>
      %parallel_loop3A_1263 = arith.mulf %parallel_loop3A_1260, %parallel_loop3A_1262 : vector<16xf32>
      %parallel_loop3A_1264 = arith.addf %parallel_loop3A_993, %parallel_loop3A_1011 : vector<16xf32>
      %parallel_loop3A_1265 = arith.addf %parallel_loop3A_1029, %parallel_loop3A_1047 : vector<16xf32>
      %parallel_loop3A_1266 = arith.addf %parallel_loop3A_1065, %parallel_loop3A_1083 : vector<16xf32>
      %parallel_loop3A_1267 = arith.addf %parallel_loop3A_1101, %parallel_loop3A_1119 : vector<16xf32>
      %parallel_loop3A_1268 = arith.addf %parallel_loop3A_1137, %parallel_loop3A_1155 : vector<16xf32>
      %parallel_loop3A_1269 = arith.addf %parallel_loop3A_1173, %parallel_loop3A_1191 : vector<16xf32>
      %parallel_loop3A_1270 = arith.addf %parallel_loop3A_1209, %parallel_loop3A_1227 : vector<16xf32>
      %parallel_loop3A_1271 = arith.addf %parallel_loop3A_1245, %parallel_loop3A_1263 : vector<16xf32>
      %parallel_loop3A_1272 = arith.addf %parallel_loop3A_1264, %parallel_loop3A_1265 : vector<16xf32>
      %parallel_loop3A_1273 = arith.addf %parallel_loop3A_1266, %parallel_loop3A_1267 : vector<16xf32>
      %parallel_loop3A_1274 = arith.addf %parallel_loop3A_1268, %parallel_loop3A_1269 : vector<16xf32>
      %parallel_loop3A_1275 = arith.addf %parallel_loop3A_1270, %parallel_loop3A_1271 : vector<16xf32>
      %parallel_loop3A_1276 = arith.addf %parallel_loop3A_1272, %parallel_loop3A_1273 : vector<16xf32>
      %parallel_loop3A_1277 = arith.addf %parallel_loop3A_1274, %parallel_loop3A_1275 : vector<16xf32>
      %parallel_loop3A_1278 = arith.addf %parallel_loop3A_1276, %parallel_loop3A_1277 : vector<16xf32>
      %parallel_loop3A_1279 = arith.fptosi %parallel_loop3A_1278 : vector<16xf32> to vector<16xi32>
      %parallel_loop3A_1280 = arith.constant 0 : i32
      %parallel_loop3A_1281 = arith.constant 65535 : i32
      %parallel_loop3A_1282 = vector.broadcast %parallel_loop3A_1280 : i32 to vector<16xi32>
      %parallel_loop3A_1283 = arith.maxsi %parallel_loop3A_1282, %parallel_loop3A_1279 : vector<16xi32>
      %parallel_loop3A_1284 = vector.broadcast %parallel_loop3A_1281 : i32 to vector<16xi32>
      %parallel_loop3A_1285 = arith.minsi %parallel_loop3A_1284, %parallel_loop3A_1283 : vector<16xi32>
      %parallel_loop3A_1286 = arith.constant 208 : i32
      %parallel_loop3A_1287 = arith.muli %rem3A_56, %parallel_loop3A_1286 : i32
      %parallel_loop3A_1288 = arith.addi %parallel_loop3A_1287, %parallel_loop3A_842 : i32
      %parallel_loop3A_1289 = arith.index_cast %parallel_loop3A_1288 : i32 to index
      %parallel_loop3A_1290 = tpu.vector_load %arg9[%parallel_loop3A_1289] {strides = array<i32>} : memref<624xi32, #tpu.memory_space<vmem>>, vector<16xi32>,
      tpu.vector_store %arg9[%parallel_loop3A_1289], %parallel_loop3A_1285 {strides = array<i32>} : memref<624xi32, #tpu.memory_space<vmem>>, vector<16xi32>,
    } {sc.loop_unroll_factor = 1 : i64, sc.parallel_access}
    %mul3A_59 = arith.constant 208 : i32
    %mul3A_60 = arith.muli %rem3A_56, %mul3A_59 : i32
    %add3A_61 = arith.constant 208 : i32
    %add3A_62 = arith.addi %mul3A_60, %add3A_61 : i32
    %sub3A = arith.constant 16 : i32
    %sub3A_63 = arith.subi %add3A_62, %sub3A : i32
    %get3A = arith.index_cast %sub3A_63 : i32 to index
    %get3A_64 = tpu.vector_load %arg9[%get3A] {strides = array<i32>} : memref<624xi32, #tpu.memory_space<vmem>>, vector<16xi32>,
    %mul3A_65 = arith.constant 16 : i32
    %mul3A_66 = arith.muli %add3A, %mul3A_65 : i32
    %add3A_67 = vector.broadcast %mul3A_66 : i32 to vector<16xi32>
    %add3A_68 = arith.addi %add3A_67, %iota3A : vector<16xi32>
    %lt3A = arith.constant 8 : i32
    %lt3A_69 = vector.broadcast %lt3A : i32 to vector<16xi32>
    %lt3A_70 = arith.cmpi slt, %iota3A, %lt3A_69 : vector<16xi32>
    %select_n3A = arith.select %lt3A_70, %get3A_64, %add3A_68 : vector<16xi1>, vector<16xi32>
    %mul3A_71 = arith.constant 208 : i32
    %mul3A_72 = arith.muli %rem3A_56, %mul3A_71 : i32
    %add3A_73 = arith.constant 208 : i32
    %add3A_74 = arith.addi %mul3A_72, %add3A_73 : i32
    %sub3A_75 = arith.constant 16 : i32
    %sub3A_76 = arith.subi %add3A_74, %sub3A_75 : i32
    %swap3A = arith.index_cast %sub3A_76 : i32 to index
    %swap3A_77 = tpu.vector_load %arg9[%swap3A] {strides = array<i32>} : memref<624xi32, #tpu.memory_space<vmem>>, vector<16xi32>,
    tpu.vector_store %arg9[%swap3A], %select_n3A {strides = array<i32>} : memref<624xi32, #tpu.memory_space<vmem>>, vector<16xi32>,
    %broadcast_in_dim3A = arith.constant 0 : i32
    %broadcast_in_dim3A_78 = vector.broadcast %broadcast_in_dim3A : i32 to vector<16xi32>
    %scan3A = arith.constant 0 : i32
    %mul3A_79 = arith.constant 16 : i32
    %mul3A_80 = arith.muli %scan3A, %mul3A_79 : i32
    %min3A = arith.constant 184 : i32
    %min3A_81 = arith.minsi %mul3A_80, %min3A : i32
    %mul3A_82 = arith.constant 208 : i32
    %mul3A_83 = arith.muli %rem3A_56, %mul3A_82 : i32
    %add3A_84 = arith.addi %mul3A_83, %min3A_81 : i32
    %get3A_85 = arith.index_cast %add3A_84 : i32 to index
    %get3A_86 = tpu.vector_load %arg10[%get3A_85] {strides = array<i32>} : memref<624xi32, #tpu.memory_space<vmem>>, vector<16xi32>,
    %max3A = arith.maxsi %broadcast_in_dim3A_78, %get3A_86 : vector<16xi32>
    %scan3A_87 = arith.constant 1 : i32
    %mul3A_88 = arith.constant 16 : i32
    %mul3A_89 = arith.muli %scan3A_87, %mul3A_88 : i32
    %min3A_90 = arith.constant 184 : i32
    %min3A_91 = arith.minsi %mul3A_89, %min3A_90 : i32
    %mul3A_92 = arith.constant 208 : i32
    %mul3A_93 = arith.muli %rem3A_56, %mul3A_92 : i32
    %add3A_94 = arith.addi %mul3A_93, %min3A_91 : i32
    %get3A_95 = arith.index_cast %add3A_94 : i32 to index
    %get3A_96 = tpu.vector_load %arg10[%get3A_95] {strides = array<i32>} : memref<624xi32, #tpu.memory_space<vmem>>, vector<16xi32>,
    %max3A_97 = arith.maxsi %max3A, %get3A_96 : vector<16xi32>
    %scan3A_98 = arith.constant 2 : i32
    %mul3A_99 = arith.constant 16 : i32
    %mul3A_100 = arith.muli %scan3A_98, %mul3A_99 : i32
    %min3A_101 = arith.constant 184 : i32
    %min3A_102 = arith.minsi %mul3A_100, %min3A_101 : i32
    %mul3A_103 = arith.constant 208 : i32
    %mul3A_104 = arith.muli %rem3A_56, %mul3A_103 : i32
    %add3A_105 = arith.addi %mul3A_104, %min3A_102 : i32
    %get3A_106 = arith.index_cast %add3A_105 : i32 to index
    %get3A_107 = tpu.vector_load %arg10[%get3A_106] {strides = array<i32>} : memref<624xi32, #tpu.memory_space<vmem>>, vector<16xi32>,
    %max3A_108 = arith.maxsi %max3A_97, %get3A_107 : vector<16xi32>
    %scan3A_109 = arith.constant 3 : i32
    %mul3A_110 = arith.constant 16 : i32
    %mul3A_111 = arith.muli %scan3A_109, %mul3A_110 : i32
    %min3A_112 = arith.constant 184 : i32
    %min3A_113 = arith.minsi %mul3A_111, %min3A_112 : i32
    %mul3A_114 = arith.constant 208 : i32
    %mul3A_115 = arith.muli %rem3A_56, %mul3A_114 : i32
    %add3A_116 = arith.addi %mul3A_115, %min3A_113 : i32
    %get3A_117 = arith.index_cast %add3A_116 : i32 to index
    %get3A_118 = tpu.vector_load %arg10[%get3A_117] {strides = array<i32>} : memref<624xi32, #tpu.memory_space<vmem>>, vector<16xi32>,
    %max3A_119 = arith.maxsi %max3A_108, %get3A_118 : vector<16xi32>
    %scan3A_120 = arith.constant 4 : i32
    %mul3A_121 = arith.constant 16 : i32
    %mul3A_122 = arith.muli %scan3A_120, %mul3A_121 : i32
    %min3A_123 = arith.constant 184 : i32
    %min3A_124 = arith.minsi %mul3A_122, %min3A_123 : i32
    %mul3A_125 = arith.constant 208 : i32
    %mul3A_126 = arith.muli %rem3A_56, %mul3A_125 : i32
    %add3A_127 = arith.addi %mul3A_126, %min3A_124 : i32
    %get3A_128 = arith.index_cast %add3A_127 : i32 to index
    %get3A_129 = tpu.vector_load %arg10[%get3A_128] {strides = array<i32>} : memref<624xi32, #tpu.memory_space<vmem>>, vector<16xi32>,
    %max3A_130 = arith.maxsi %max3A_119, %get3A_129 : vector<16xi32>
    %scan3A_131 = arith.constant 5 : i32
    %mul3A_132 = arith.constant 16 : i32
    %mul3A_133 = arith.muli %scan3A_131, %mul3A_132 : i32
    %min3A_134 = arith.constant 184 : i32
    %min3A_135 = arith.minsi %mul3A_133, %min3A_134 : i32
    %mul3A_136 = arith.constant 208 : i32
    %mul3A_137 = arith.muli %rem3A_56, %mul3A_136 : i32
    %add3A_138 = arith.addi %mul3A_137, %min3A_135 : i32
    %get3A_139 = arith.index_cast %add3A_138 : i32 to index
    %get3A_140 = tpu.vector_load %arg10[%get3A_139] {strides = array<i32>} : memref<624xi32, #tpu.memory_space<vmem>>, vector<16xi32>,
    %max3A_141 = arith.maxsi %max3A_130, %get3A_140 : vector<16xi32>
    %scan3A_142 = arith.constant 6 : i32
    %mul3A_143 = arith.constant 16 : i32
    %mul3A_144 = arith.muli %scan3A_142, %mul3A_143 : i32
    %min3A_145 = arith.constant 184 : i32
    %min3A_146 = arith.minsi %mul3A_144, %min3A_145 : i32
    %mul3A_147 = arith.constant 208 : i32
    %mul3A_148 = arith.muli %rem3A_56, %mul3A_147 : i32
    %add3A_149 = arith.addi %mul3A_148, %min3A_146 : i32
    %get3A_150 = arith.index_cast %add3A_149 : i32 to index
    %get3A_151 = tpu.vector_load %arg10[%get3A_150] {strides = array<i32>} : memref<624xi32, #tpu.memory_space<vmem>>, vector<16xi32>,
    %max3A_152 = arith.maxsi %max3A_141, %get3A_151 : vector<16xi32>
    %scan3A_153 = arith.constant 7 : i32
    %mul3A_154 = arith.constant 16 : i32
    %mul3A_155 = arith.muli %scan3A_153, %mul3A_154 : i32
    %min3A_156 = arith.constant 184 : i32
    %min3A_157 = arith.minsi %mul3A_155, %min3A_156 : i32
    %mul3A_158 = arith.constant 208 : i32
    %mul3A_159 = arith.muli %rem3A_56, %mul3A_158 : i32
    %add3A_160 = arith.addi %mul3A_159, %min3A_157 : i32
    %get3A_161 = arith.index_cast %add3A_160 : i32 to index
    %get3A_162 = tpu.vector_load %arg10[%get3A_161] {strides = array<i32>} : memref<624xi32, #tpu.memory_space<vmem>>, vector<16xi32>,
    %max3A_163 = arith.maxsi %max3A_152, %get3A_162 : vector<16xi32>
    %scan3A_164 = arith.constant 8 : i32
    %mul3A_165 = arith.constant 16 : i32
    %mul3A_166 = arith.muli %scan3A_164, %mul3A_165 : i32
    %min3A_167 = arith.constant 184 : i32
    %min3A_168 = arith.minsi %mul3A_166, %min3A_167 : i32
    %mul3A_169 = arith.constant 208 : i32
    %mul3A_170 = arith.muli %rem3A_56, %mul3A_169 : i32
    %add3A_171 = arith.addi %mul3A_170, %min3A_168 : i32
    %get3A_172 = arith.index_cast %add3A_171 : i32 to index
    %get3A_173 = tpu.vector_load %arg10[%get3A_172] {strides = array<i32>} : memref<624xi32, #tpu.memory_space<vmem>>, vector<16xi32>,
    %max3A_174 = arith.maxsi %max3A_163, %get3A_173 : vector<16xi32>
    %scan3A_175 = arith.constant 9 : i32
    %mul3A_176 = arith.constant 16 : i32
    %mul3A_177 = arith.muli %scan3A_175, %mul3A_176 : i32
    %min3A_178 = arith.constant 184 : i32
    %min3A_179 = arith.minsi %mul3A_177, %min3A_178 : i32
    %mul3A_180 = arith.constant 208 : i32
    %mul3A_181 = arith.muli %rem3A_56, %mul3A_180 : i32
    %add3A_182 = arith.addi %mul3A_181, %min3A_179 : i32
    %get3A_183 = arith.index_cast %add3A_182 : i32 to index
    %get3A_184 = tpu.vector_load %arg10[%get3A_183] {strides = array<i32>} : memref<624xi32, #tpu.memory_space<vmem>>, vector<16xi32>,
    %max3A_185 = arith.maxsi %max3A_174, %get3A_184 : vector<16xi32>
    %scan3A_186 = arith.constant 10 : i32
    %mul3A_187 = arith.constant 16 : i32
    %mul3A_188 = arith.muli %scan3A_186, %mul3A_187 : i32
    %min3A_189 = arith.constant 184 : i32
    %min3A_190 = arith.minsi %mul3A_188, %min3A_189 : i32
    %mul3A_191 = arith.constant 208 : i32
    %mul3A_192 = arith.muli %rem3A_56, %mul3A_191 : i32
    %add3A_193 = arith.addi %mul3A_192, %min3A_190 : i32
    %get3A_194 = arith.index_cast %add3A_193 : i32 to index
    %get3A_195 = tpu.vector_load %arg10[%get3A_194] {strides = array<i32>} : memref<624xi32, #tpu.memory_space<vmem>>, vector<16xi32>,
    %max3A_196 = arith.maxsi %max3A_185, %get3A_195 : vector<16xi32>
    %scan3A_197 = arith.constant 11 : i32
    %mul3A_198 = arith.constant 16 : i32
    %mul3A_199 = arith.muli %scan3A_197, %mul3A_198 : i32
    %min3A_200 = arith.constant 184 : i32
    %min3A_201 = arith.minsi %mul3A_199, %min3A_200 : i32
    %mul3A_202 = arith.constant 208 : i32
    %mul3A_203 = arith.muli %rem3A_56, %mul3A_202 : i32
    %add3A_204 = arith.addi %mul3A_203, %min3A_201 : i32
    %get3A_205 = arith.index_cast %add3A_204 : i32 to index
    %get3A_206 = tpu.vector_load %arg10[%get3A_205] {strides = array<i32>} : memref<624xi32, #tpu.memory_space<vmem>>, vector<16xi32>,
    %max3A_207 = arith.maxsi %max3A_196, %get3A_206 : vector<16xi32>
    %scan3A_208 = arith.constant 12 : i32
    %mul3A_209 = arith.constant 16 : i32
    %mul3A_210 = arith.muli %scan3A_208, %mul3A_209 : i32
    %min3A_211 = arith.constant 184 : i32
    %min3A_212 = arith.minsi %mul3A_210, %min3A_211 : i32
    %mul3A_213 = arith.constant 208 : i32
    %mul3A_214 = arith.muli %rem3A_56, %mul3A_213 : i32
    %add3A_215 = arith.addi %mul3A_214, %min3A_212 : i32
    %get3A_216 = arith.index_cast %add3A_215 : i32 to index
    %get3A_217 = tpu.vector_load %arg10[%get3A_216] {strides = array<i32>} : memref<624xi32, #tpu.memory_space<vmem>>, vector<16xi32>,
    %max3A_218 = arith.maxsi %max3A_207, %get3A_217 : vector<16xi32>
    %scan3A_219 = arith.constant 13 : i32
    %reduce_max3A = arith.constant true
    %reduce_max3A_220 = vector.broadcast %reduce_max3A : i1 to vector<16xi1>
    %reduce_max3A_221 = arith.constant -2147483648 : i32
    %reduce_max3A_222 = vector.broadcast %reduce_max3A_221 : i32 to vector<16xi32>
    %reduce_max3A_223 = arith.xori %max3A_218, %reduce_max3A_222 : vector<16xi32>
    %reduce_max3A_224 = tpu.scan <max>, %reduce_max3A_223 masked %reduce_max3A_220 : vector<16xi32>, vector<16xi1> -> vector<16xi32>
    %reduce_max3A_225 = arith.xori %reduce_max3A_224, %reduce_max3A_222 : vector<16xi32>
    %reduce_max3A_226 = vector.extract %reduce_max3A_225[15] : i32 from vector<16xi32>
    %add3A_227 = arith.constant 1 : i32
    %add3A_228 = arith.addi %reduce_max3A_226, %add3A_227 : i32
    %mul3A_229 = arith.constant 208 : i32
    %mul3A_230 = arith.muli %rem3A_56, %mul3A_229 : i32
    %add3A_231 = arith.constant 208 : i32
    %add3A_232 = arith.addi %mul3A_230, %add3A_231 : i32
    %sub3A_233 = arith.constant 16 : i32
    %sub3A_234 = arith.subi %add3A_232, %sub3A_233 : i32
    %get3A_235 = arith.index_cast %sub3A_234 : i32 to index
    %get3A_236 = tpu.vector_load %arg10[%get3A_235] {strides = array<i32>} : memref<624xi32, #tpu.memory_space<vmem>>, vector<16xi32>,
    %lt3A_237 = arith.constant 8 : i32
    %lt3A_238 = vector.broadcast %lt3A_237 : i32 to vector<16xi32>
    %lt3A_239 = arith.cmpi slt, %iota3A, %lt3A_238 : vector<16xi32>
    %broadcast_in_dim3A_240 = arith.constant 0 : i32
    %broadcast_in_dim3A_241 = vector.broadcast %broadcast_in_dim3A_240 : i32 to vector<16xi32>
    %add3A_242 = vector.broadcast %add3A_228 : i32 to vector<16xi32>
    %add3A_243 = arith.addi %broadcast_in_dim3A_241, %add3A_242 : vector<16xi32>
    %select_n3A_244 = arith.select %lt3A_239, %get3A_236, %add3A_243 : vector<16xi1>, vector<16xi32>
    %mul3A_245 = arith.constant 208 : i32
    %mul3A_246 = arith.muli %rem3A_56, %mul3A_245 : i32
    %add3A_247 = arith.constant 208 : i32
    %add3A_248 = arith.addi %mul3A_246, %add3A_247 : i32
    %sub3A_249 = arith.constant 16 : i32
    %sub3A_250 = arith.subi %add3A_248, %sub3A_249 : i32
    %swap3A_251 = arith.index_cast %sub3A_250 : i32 to index
    %swap3A_252 = tpu.vector_load %arg10[%swap3A_251] {strides = array<i32>} : memref<624xi32, #tpu.memory_space<vmem>>, vector<16xi32>,
    tpu.vector_store %arg10[%swap3A_251], %select_n3A_244 {strides = array<i32>} : memref<624xi32, #tpu.memory_space<vmem>>, vector<16xi32>,
    %and3A = arith.constant 0 : i32
    %and3A_253 = arith.constant 1 : i32
    %and3A_254 = arith.andi %and3A, %and3A_253 : i32
    %rem3A_255 = arith.constant 0 : i32
    %rem3A_256 = arith.constant 3 : i32
    %rem3A_257 = arith.remsi %rem3A_255, %rem3A_256 : i32
    %mul3A_258 = arith.constant 208 : i32
    %mul3A_259 = arith.muli %rem3A_257, %mul3A_258 : i32
    %add3A_260 = arith.constant 0 : i32
    %add3A_261 = arith.addi %mul3A_259, %add3A_260 : i32
    %mul3A_262 = arith.constant 208 : i32
    %mul3A_263 = arith.muli %rem3A_257, %mul3A_262 : i32
    %add3A_264 = arith.constant 104 : i32
    %add3A_265 = arith.addi %mul3A_263, %add3A_264 : i32
    %and3A_266 = arith.constant 0 : i32
    %and3A_267 = arith.constant 1 : i32
    %and3A_268 = arith.andi %and3A_266, %and3A_267 : i32
    %rem3A_269 = arith.constant 0 : i32
    %rem3A_270 = arith.constant 3 : i32
    %rem3A_271 = arith.remsi %rem3A_269, %rem3A_270 : i32
    %mul3A_272 = arith.constant 208 : i32
    %mul3A_273 = arith.muli %rem3A_271, %mul3A_272 : i32
    %add3A_274 = arith.constant 0 : i32
    %add3A_275 = arith.addi %mul3A_273, %add3A_274 : i32
    %mul3A_276 = arith.constant 208 : i32
    %mul3A_277 = arith.muli %rem3A_271, %mul3A_276 : i32
    %add3A_278 = arith.constant 104 : i32
    %add3A_279 = arith.addi %mul3A_277, %add3A_278 : i32
    %dma_start3A_280 = arith.constant 0 : i32
    %dma_start3A_281 = arith.constant 0 : i32
    %dma_start3A_282 = tpu.memref_slice %arg11[%and3A_254, %dma_start3A_280, %dma_start3A_281] : memref<2x208x128xf32, #tpu.memory_space<vmem>> -> memref<1x104x128xf32, #tpu.memory_space<vmem>>
    %dma_start3A_283 = tpu.memref_squeeze %dma_start3A_282 : memref<1x104x128xf32, #tpu.memory_space<vmem>> -> memref<104x128xf32, #tpu.memory_space<vmem>>
    %dma_start3A_284 = tpu.memref_slice %arg9[%add3A_261] : memref<624xi32, #tpu.memory_space<vmem>> -> memref<104xi32, #tpu.memory_space<vmem>>
    %dma_start3A_285 = arith.constant 0 : i32
    %dma_start3A_286 = arith.constant 0 : i32
    %dma_start3A_287 = tpu.memref_slice %arg4[%dma_start3A_285, %dma_start3A_286] : memref<65536x128xf32, #tpu.memory_space<hbm>> -> memref<65536x128xf32, #tpu.memory_space<hbm>>
    %dma_start3A_288 = tpu.memref_slice %arg15[%and3A_254] : memref<2x!tpu.dma_semaphore, #tpu.memory_space<semaphore_mem>> -> memref<1x!tpu.dma_semaphore, #tpu.memory_space<semaphore_mem>>
    %dma_start3A_289 = tpu.memref_squeeze %dma_start3A_288 : memref<1x!tpu.dma_semaphore, #tpu.memory_space<semaphore_mem>> -> memref<!tpu.dma_semaphore, #tpu.memory_space<semaphore_mem>>
    tpu.enqueue_indirect_dma source(%dma_start3A_287 : memref<65536x128xf32, #tpu.memory_space<hbm>>) target(%dma_start3A_283 : memref<104x128xf32, #tpu.memory_space<vmem>>) offsets(%dma_start3A_284 : memref<104xi32, #tpu.memory_space<vmem>>) semaphore(%dma_start3A_289 : memref<!tpu.dma_semaphore, #tpu.memory_space<semaphore_mem>>)
    %dma_start3A_290 = arith.constant 104 : i32
    %dma_start3A_291 = arith.constant 0 : i32
    %dma_start3A_292 = tpu.memref_slice %arg11[%and3A_254, %dma_start3A_290, %dma_start3A_291] : memref<2x208x128xf32, #tpu.memory_space<vmem>> -> memref<1x104x128xf32, #tpu.memory_space<vmem>>
    %dma_start3A_293 = tpu.memref_squeeze %dma_start3A_292 : memref<1x104x128xf32, #tpu.memory_space<vmem>> -> memref<104x128xf32, #tpu.memory_space<vmem>>
    %dma_start3A_294 = tpu.memref_slice %arg9[%add3A_265] : memref<624xi32, #tpu.memory_space<vmem>> -> memref<104xi32, #tpu.memory_space<vmem>>
    %dma_start3A_295 = arith.constant 0 : i32
    %dma_start3A_296 = arith.constant 0 : i32
    %dma_start3A_297 = tpu.memref_slice %arg4[%dma_start3A_295, %dma_start3A_296] : memref<65536x128xf32, #tpu.memory_space<hbm>> -> memref<65536x128xf32, #tpu.memory_space<hbm>>
    %dma_start3A_298 = tpu.memref_slice %arg15[%and3A_254] : memref<2x!tpu.dma_semaphore, #tpu.memory_space<semaphore_mem>> -> memref<1x!tpu.dma_semaphore, #tpu.memory_space<semaphore_mem>>
    %dma_start3A_299 = tpu.memref_squeeze %dma_start3A_298 : memref<1x!tpu.dma_semaphore, #tpu.memory_space<semaphore_mem>> -> memref<!tpu.dma_semaphore, #tpu.memory_space<semaphore_mem>>
    tpu.enqueue_indirect_dma source(%dma_start3A_297 : memref<65536x128xf32, #tpu.memory_space<hbm>>) target(%dma_start3A_293 : memref<104x128xf32, #tpu.memory_space<vmem>>) offsets(%dma_start3A_294 : memref<104xi32, #tpu.memory_space<vmem>>) semaphore(%dma_start3A_299 : memref<!tpu.dma_semaphore, #tpu.memory_space<semaphore_mem>>)
    %dma_start3A_300 = arith.constant 0 : i32
    %dma_start3A_301 = arith.constant 0 : i32
    %dma_start3A_302 = tpu.memref_slice %arg12[%and3A_268, %dma_start3A_300, %dma_start3A_301] : memref<2x208x128xf32, #tpu.memory_space<vmem>> -> memref<1x104x128xf32, #tpu.memory_space<vmem>>
    %dma_start3A_303 = tpu.memref_squeeze %dma_start3A_302 : memref<1x104x128xf32, #tpu.memory_space<vmem>> -> memref<104x128xf32, #tpu.memory_space<vmem>>
    %dma_start3A_304 = tpu.memref_slice %arg10[%add3A_275] : memref<624xi32, #tpu.memory_space<vmem>> -> memref<104xi32, #tpu.memory_space<vmem>>
    %dma_start3A_305 = arith.constant 0 : i32
    %dma_start3A_306 = arith.constant 0 : i32
    %dma_start3A_307 = tpu.memref_slice %arg5[%dma_start3A_305, %dma_start3A_306] : memref<65537x128xf32, #tpu.memory_space<hbm>> -> memref<65537x128xf32, #tpu.memory_space<hbm>>
    %dma_start3A_308 = tpu.memref_slice %arg15[%and3A_268] : memref<2x!tpu.dma_semaphore, #tpu.memory_space<semaphore_mem>> -> memref<1x!tpu.dma_semaphore, #tpu.memory_space<semaphore_mem>>
    %dma_start3A_309 = tpu.memref_squeeze %dma_start3A_308 : memref<1x!tpu.dma_semaphore, #tpu.memory_space<semaphore_mem>> -> memref<!tpu.dma_semaphore, #tpu.memory_space<semaphore_mem>>
    tpu.enqueue_indirect_dma source(%dma_start3A_307 : memref<65537x128xf32, #tpu.memory_space<hbm>>) target(%dma_start3A_303 : memref<104x128xf32, #tpu.memory_space<vmem>>) offsets(%dma_start3A_304 : memref<104xi32, #tpu.memory_space<vmem>>) semaphore(%dma_start3A_309 : memref<!tpu.dma_semaphore, #tpu.memory_space<semaphore_mem>>)
    %dma_start3A_310 = arith.constant 104 : i32
    %dma_start3A_311 = arith.constant 0 : i32
    %dma_start3A_312 = tpu.memref_slice %arg12[%and3A_268, %dma_start3A_310, %dma_start3A_311] : memref<2x208x128xf32, #tpu.memory_space<vmem>> -> memref<1x104x128xf32, #tpu.memory_space<vmem>>
    %dma_start3A_313 = tpu.memref_squeeze %dma_start3A_312 : memref<1x104x128xf32, #tpu.memory_space<vmem>> -> memref<104x128xf32, #tpu.memory_space<vmem>>
    %dma_start3A_314 = tpu.memref_slice %arg10[%add3A_279] : memref<624xi32, #tpu.memory_space<vmem>> -> memref<104xi32, #tpu.memory_space<vmem>>
    %dma_start3A_315 = arith.constant 0 : i32
    %dma_start3A_316 = arith.constant 0 : i32
    %dma_start3A_317 = tpu.memref_slice %arg5[%dma_start3A_315, %dma_start3A_316] : memref<65537x128xf32, #tpu.memory_space<hbm>> -> memref<65537x128xf32, #tpu.memory_space<hbm>>
    %dma_start3A_318 = tpu.memref_slice %arg15[%and3A_268] : memref<2x!tpu.dma_semaphore, #tpu.memory_space<semaphore_mem>> -> memref<1x!tpu.dma_semaphore, #tpu.memory_space<semaphore_mem>>
    %dma_start3A_319 = tpu.memref_squeeze %dma_start3A_318 : memref<1x!tpu.dma_semaphore, #tpu.memory_space<semaphore_mem>> -> memref<!tpu.dma_semaphore, #tpu.memory_space<semaphore_mem>>
    tpu.enqueue_indirect_dma source(%dma_start3A_317 : memref<65537x128xf32, #tpu.memory_space<hbm>>) target(%dma_start3A_313 : memref<104x128xf32, #tpu.memory_space<vmem>>) offsets(%dma_start3A_314 : memref<104xi32, #tpu.memory_space<vmem>>) semaphore(%dma_start3A_319 : memref<!tpu.dma_semaphore, #tpu.memory_space<semaphore_mem>>)
    %rem3A_320 = arith.constant 1 : i32
    %rem3A_321 = arith.constant 3 : i32
    %rem3A_322 = arith.remsi %rem3A_320, %rem3A_321 : i32
    %add3A_323 = arith.constant 1 : i32
    %add3A_324 = arith.addi %mul3A_2, %add3A_323 : i32
    %mul3A_325 = arith.constant 3200 : i32
    %mul3A_326 = arith.muli %rem3A_322, %mul3A_325 : i32
    %mul3A_327 = arith.constant 200 : i32
    %mul3A_328 = arith.muli %add3A_324, %mul3A_327 : i32
    %mul3A_329 = arith.constant 208 : i32
    %mul3A_330 = arith.muli %rem3A_322, %mul3A_329 : i32
    %dma_start3A_331 = tpu.memref_slice %arg8[%mul3A_326] : memref<9600xf32, #tpu.memory_space<vmem>> -> memref<3200xf32, #tpu.memory_space<vmem>>
    %dma_start3A_332 = arith.constant 0 : i32
    %dma_start3A_333 = tpu.memref_slice %arg2[%add3A_324, %dma_start3A_332] : memref<1024x3200xf32, #tpu.memory_space<hbm>> -> memref<1x3200xf32, #tpu.memory_space<hbm>>
    %dma_start3A_334 = tpu.memref_squeeze %dma_start3A_333 : memref<1x3200xf32, #tpu.memory_space<hbm>> -> memref<3200xf32, #tpu.memory_space<hbm>>
    %dma_start3A_335 = tpu.memref_slice %arg14[%rem3A_322] : memref<3x!tpu.dma_semaphore, #tpu.memory_space<semaphore_mem>> -> memref<1x!tpu.dma_semaphore, #tpu.memory_space<semaphore_mem>>
    %dma_start3A_336 = tpu.memref_squeeze %dma_start3A_335 : memref<1x!tpu.dma_semaphore, #tpu.memory_space<semaphore_mem>> -> memref<!tpu.dma_semaphore, #tpu.memory_space<semaphore_mem>>
    %dma_start3A_337 = tpu.memref_slice %arg8[%mul3A_326] : memref<9600xf32, #tpu.memory_space<vmem>> -> memref<3200xf32, #tpu.memory_space<vmem>>
    %dma_start3A_338 = arith.constant 0 : i32
    %dma_start3A_339 = tpu.memref_slice %arg2[%add3A_324, %dma_start3A_338] : memref<1024x3200xf32, #tpu.memory_space<hbm>> -> memref<1x3200xf32, #tpu.memory_space<hbm>>
    %dma_start3A_340 = tpu.memref_squeeze %dma_start3A_339 : memref<1x3200xf32, #tpu.memory_space<hbm>> -> memref<3200xf32, #tpu.memory_space<hbm>>
    tpu.enqueue_dma source(%dma_start3A_340 : memref<3200xf32, #tpu.memory_space<hbm>>) target(%dma_start3A_337 : memref<3200xf32, #tpu.memory_space<vmem>>) target_semaphore(%dma_start3A_336 : memref<!tpu.dma_semaphore, #tpu.memory_space<semaphore_mem>>)
    %dma_start3A_341 = tpu.memref_slice %arg10[%mul3A_330] : memref<624xi32, #tpu.memory_space<vmem>> -> memref<200xi32, #tpu.memory_space<vmem>>
    %dma_start3A_342 = tpu.memref_slice %arg3[%mul3A_328] : memref<204800xi32, #tpu.memory_space<hbm>> -> memref<200xi32, #tpu.memory_space<hbm>>
    %dma_start3A_343 = tpu.memref_slice %arg14[%rem3A_322] : memref<3x!tpu.dma_semaphore, #tpu.memory_space<semaphore_mem>> -> memref<1x!tpu.dma_semaphore, #tpu.memory_space<semaphore_mem>>
    %dma_start3A_344 = tpu.memref_squeeze %dma_start3A_343 : memref<1x!tpu.dma_semaphore, #tpu.memory_space<semaphore_mem>> -> memref<!tpu.dma_semaphore, #tpu.memory_space<semaphore_mem>>
    %dma_start3A_345 = tpu.memref_slice %arg10[%mul3A_330] : memref<624xi32, #tpu.memory_space<vmem>> -> memref<200xi32, #tpu.memory_space<vmem>>
    %dma_start3A_346 = tpu.memref_slice %arg3[%mul3A_328] : memref<204800xi32, #tpu.memory_space<hbm>> -> memref<200xi32, #tpu.memory_space<hbm>>
    tpu.enqueue_dma source(%dma_start3A_346 : memref<200xi32, #tpu.memory_space<hbm>>) target(%dma_start3A_345 : memref<200xi32, #tpu.memory_space<vmem>>) target_semaphore(%dma_start3A_344 : memref<!tpu.dma_semaphore, #tpu.memory_space<semaphore_mem>>)
    %rem3A_347 = arith.constant 1 : i32
    %rem3A_348 = arith.constant 3 : i32
    %rem3A_349 = arith.remsi %rem3A_347, %rem3A_348 : i32
    %add3A_350 = arith.constant 1 : i32
    %add3A_351 = arith.addi %mul3A_2, %add3A_350 : i32
    %mul3A_352 = arith.constant 3200 : i32
    %mul3A_353 = arith.muli %rem3A_349, %mul3A_352 : i32
    %mul3A_354 = arith.constant 200 : i32
    %mul3A_355 = arith.muli %add3A_351, %mul3A_354 : i32
    %mul3A_356 = arith.constant 208 : i32
    %mul3A_357 = arith.muli %rem3A_349, %mul3A_356 : i32
    %dma_wait3A_358 = tpu.memref_slice %arg8[%mul3A_353] : memref<9600xf32, #tpu.memory_space<vmem>> -> memref<3200xf32, #tpu.memory_space<vmem>>
    %dma_wait3A_359 = arith.constant 0 : i32
    %dma_wait3A_360 = tpu.memref_slice %arg2[%add3A_351, %dma_wait3A_359] : memref<1024x3200xf32, #tpu.memory_space<hbm>> -> memref<1x3200xf32, #tpu.memory_space<hbm>>
    %dma_wait3A_361 = tpu.memref_squeeze %dma_wait3A_360 : memref<1x3200xf32, #tpu.memory_space<hbm>> -> memref<3200xf32, #tpu.memory_space<hbm>>
    %dma_wait3A_362 = tpu.memref_slice %arg14[%rem3A_349] : memref<3x!tpu.dma_semaphore, #tpu.memory_space<semaphore_mem>> -> memref<1x!tpu.dma_semaphore, #tpu.memory_space<semaphore_mem>>
    %dma_wait3A_363 = tpu.memref_squeeze %dma_wait3A_362 : memref<1x!tpu.dma_semaphore, #tpu.memory_space<semaphore_mem>> -> memref<!tpu.dma_semaphore, #tpu.memory_space<semaphore_mem>>
    %dma_wait3A_364 = tpu.memref_slice %arg8[%mul3A_353] : memref<9600xf32, #tpu.memory_space<vmem>> -> memref<3200xf32, #tpu.memory_space<vmem>>
    %dma_wait3A_365 = arith.constant 0 : i32
    %dma_wait3A_366 = tpu.memref_slice %arg2[%add3A_351, %dma_wait3A_365] : memref<1024x3200xf32, #tpu.memory_space<hbm>> -> memref<1x3200xf32, #tpu.memory_space<hbm>>
    %dma_wait3A_367 = tpu.memref_squeeze %dma_wait3A_366 : memref<1x3200xf32, #tpu.memory_space<hbm>> -> memref<3200xf32, #tpu.memory_space<hbm>>
    tpu.wait_dma2 semaphore(%dma_wait3A_363 : memref<!tpu.dma_semaphore, #tpu.memory_space<semaphore_mem>>) src(%dma_wait3A_367 : memref<3200xf32, #tpu.memory_space<hbm>>) dst(%dma_wait3A_364 : memref<3200xf32, #tpu.memory_space<vmem>>)
    %dma_wait3A_368 = tpu.memref_slice %arg10[%mul3A_357] : memref<624xi32, #tpu.memory_space<vmem>> -> memref<200xi32, #tpu.memory_space<vmem>>
    %dma_wait3A_369 = tpu.memref_slice %arg3[%mul3A_355] : memref<204800xi32, #tpu.memory_space<hbm>> -> memref<200xi32, #tpu.memory_space<hbm>>
    %dma_wait3A_370 = tpu.memref_slice %arg14[%rem3A_349] : memref<3x!tpu.dma_semaphore, #tpu.memory_space<semaphore_mem>> -> memref<1x!tpu.dma_semaphore, #tpu.memory_space<semaphore_mem>>
    %dma_wait3A_371 = tpu.memref_squeeze %dma_wait3A_370 : memref<1x!tpu.dma_semaphore, #tpu.memory_space<semaphore_mem>> -> memref<!tpu.dma_semaphore, #tpu.memory_space<semaphore_mem>>
    %dma_wait3A_372 = tpu.memref_slice %arg10[%mul3A_357] : memref<624xi32, #tpu.memory_space<vmem>> -> memref<200xi32, #tpu.memory_space<vmem>>
    %dma_wait3A_373 = tpu.memref_slice %arg3[%mul3A_355] : memref<204800xi32, #tpu.memory_space<hbm>> -> memref<200xi32, #tpu.memory_space<hbm>>
    tpu.wait_dma2 semaphore(%dma_wait3A_371 : memref<!tpu.dma_semaphore, #tpu.memory_space<semaphore_mem>>) src(%dma_wait3A_373 : memref<200xi32, #tpu.memory_space<hbm>>) dst(%dma_wait3A_372 : memref<200xi32, #tpu.memory_space<vmem>>)
    %rem3A_374 = arith.constant 1 : i32
    %rem3A_375 = arith.constant 3 : i32
    %rem3A_376 = arith.remsi %rem3A_374, %rem3A_375 : i32
    %parallel_loop3A_377 = arith.constant 0 : i32
    %parallel_loop3A_378 = arith.constant 13 : i32
    %parallel_loop3A_379 = arith.constant 1 : i32
    scf.for %parallel_loop3A_838 = %parallel_loop3A_377 to %parallel_loop3A_378 step %parallel_loop3A_379  : i32 {
      %parallel_loop3A_839 = arith.constant 16 : i32
      %parallel_loop3A_840 = arith.muli %parallel_loop3A_838, %parallel_loop3A_839 : i32
      %parallel_loop3A_841 = arith.constant 184 : i32
      %parallel_loop3A_842 = arith.minsi %parallel_loop3A_840, %parallel_loop3A_841 : i32
      %parallel_loop3A_843 = vector.broadcast %parallel_loop3A_842 : i32 to vector<16xi32>
      %parallel_loop3A_844 = arith.addi %parallel_loop3A_843, %iota3A : vector<16xi32>
      %parallel_loop3A_845 = arith.constant 16 : i32
      %parallel_loop3A_846 = vector.broadcast %parallel_loop3A_845 : i32 to vector<16xi32>
      %parallel_loop3A_847 = arith.muli %parallel_loop3A_844, %parallel_loop3A_846 : vector<16xi32>
      %parallel_loop3A_848 = arith.constant 3200 : i32
      %parallel_loop3A_849 = arith.muli %rem3A_376, %parallel_loop3A_848 : i32
      %parallel_loop3A_850 = vector.broadcast %parallel_loop3A_849 : i32 to vector<16xi32>
      %parallel_loop3A_851 = arith.addi %parallel_loop3A_850, %parallel_loop3A_847 : vector<16xi32>
      %parallel_loop3A_852 = arith.constant 0 : i32
      %parallel_loop3A_853 = vector.broadcast %parallel_loop3A_852 : i32 to vector<16xi32>
      %parallel_loop3A_854 = arith.addi %parallel_loop3A_851, %parallel_loop3A_853 : vector<16xi32>
      %parallel_loop3A_855 = tpu.vector_load_idx %arg8[%parallel_loop3A_854] : memref<9600xf32, #tpu.memory_space<vmem>>[vector<16xi32>], vector<16xf32>,
      %parallel_loop3A_856 = arith.constant 3200 : i32
      %parallel_loop3A_857 = arith.muli %rem3A_376, %parallel_loop3A_856 : i32
      %parallel_loop3A_858 = vector.broadcast %parallel_loop3A_857 : i32 to vector<16xi32>
      %parallel_loop3A_859 = arith.addi %parallel_loop3A_858, %parallel_loop3A_847 : vector<16xi32>
      %parallel_loop3A_860 = arith.constant 1 : i32
      %parallel_loop3A_861 = vector.broadcast %parallel_loop3A_860 : i32 to vector<16xi32>
      %parallel_loop3A_862 = arith.addi %parallel_loop3A_859, %parallel_loop3A_861 : vector<16xi32>
      %parallel_loop3A_863 = tpu.vector_load_idx %arg8[%parallel_loop3A_862] : memref<9600xf32, #tpu.memory_space<vmem>>[vector<16xi32>], vector<16xf32>,
      %parallel_loop3A_864 = arith.constant 3200 : i32
      %parallel_loop3A_865 = arith.muli %rem3A_376, %parallel_loop3A_864 : i32
      %parallel_loop3A_866 = vector.broadcast %parallel_loop3A_865 : i32 to vector<16xi32>
      %parallel_loop3A_867 = arith.addi %parallel_loop3A_866, %parallel_loop3A_847 : vector<16xi32>
      %parallel_loop3A_868 = arith.constant 2 : i32
      %parallel_loop3A_869 = vector.broadcast %parallel_loop3A_868 : i32 to vector<16xi32>
      %parallel_loop3A_870 = arith.addi %parallel_loop3A_867, %parallel_loop3A_869 : vector<16xi32>
      %parallel_loop3A_871 = tpu.vector_load_idx %arg8[%parallel_loop3A_870] : memref<9600xf32, #tpu.memory_space<vmem>>[vector<16xi32>], vector<16xf32>,
      %parallel_loop3A_872 = arith.constant 3200 : i32
      %parallel_loop3A_873 = arith.muli %rem3A_376, %parallel_loop3A_872 : i32
      %parallel_loop3A_874 = vector.broadcast %parallel_loop3A_873 : i32 to vector<16xi32>
      %parallel_loop3A_875 = arith.addi %parallel_loop3A_874, %parallel_loop3A_847 : vector<16xi32>
      %parallel_loop3A_876 = arith.constant 3 : i32
      %parallel_loop3A_877 = vector.broadcast %parallel_loop3A_876 : i32 to vector<16xi32>
      %parallel_loop3A_878 = arith.addi %parallel_loop3A_875, %parallel_loop3A_877 : vector<16xi32>
      %parallel_loop3A_879 = tpu.vector_load_idx %arg8[%parallel_loop3A_878] : memref<9600xf32, #tpu.memory_space<vmem>>[vector<16xi32>], vector<16xf32>,
      %parallel_loop3A_880 = arith.constant 3200 : i32
      %parallel_loop3A_881 = arith.muli %rem3A_376, %parallel_loop3A_880 : i32
      %parallel_loop3A_882 = vector.broadcast %parallel_loop3A_881 : i32 to vector<16xi32>
      %parallel_loop3A_883 = arith.addi %parallel_loop3A_882, %parallel_loop3A_847 : vector<16xi32>
      %parallel_loop3A_884 = arith.constant 4 : i32
      %parallel_loop3A_885 = vector.broadcast %parallel_loop3A_884 : i32 to vector<16xi32>
      %parallel_loop3A_886 = arith.addi %parallel_loop3A_883, %parallel_loop3A_885 : vector<16xi32>
      %parallel_loop3A_887 = tpu.vector_load_idx %arg8[%parallel_loop3A_886] : memref<9600xf32, #tpu.memory_space<vmem>>[vector<16xi32>], vector<16xf32>,
      %parallel_loop3A_888 = arith.constant 3200 : i32
      %parallel_loop3A_889 = arith.muli %rem3A_376, %parallel_loop3A_888 : i32
      %parallel_loop3A_890 = vector.broadcast %parallel_loop3A_889 : i32 to vector<16xi32>
      %parallel_loop3A_891 = arith.addi %parallel_loop3A_890, %parallel_loop3A_847 : vector<16xi32>
      %parallel_loop3A_892 = arith.constant 5 : i32
      %parallel_loop3A_893 = vector.broadcast %parallel_loop3A_892 : i32 to vector<16xi32>
      %parallel_loop3A_894 = arith.addi %parallel_loop3A_891, %parallel_loop3A_893 : vector<16xi32>
      %parallel_loop3A_895 = tpu.vector_load_idx %arg8[%parallel_loop3A_894] : memref<9600xf32, #tpu.memory_space<vmem>>[vector<16xi32>], vector<16xf32>,
      %parallel_loop3A_896 = arith.constant 3200 : i32
      %parallel_loop3A_897 = arith.muli %rem3A_376, %parallel_loop3A_896 : i32
      %parallel_loop3A_898 = vector.broadcast %parallel_loop3A_897 : i32 to vector<16xi32>
      %parallel_loop3A_899 = arith.addi %parallel_loop3A_898, %parallel_loop3A_847 : vector<16xi32>
      %parallel_loop3A_900 = arith.constant 6 : i32
      %parallel_loop3A_901 = vector.broadcast %parallel_loop3A_900 : i32 to vector<16xi32>
      %parallel_loop3A_902 = arith.addi %parallel_loop3A_899, %parallel_loop3A_901 : vector<16xi32>
      %parallel_loop3A_903 = tpu.vector_load_idx %arg8[%parallel_loop3A_902] : memref<9600xf32, #tpu.memory_space<vmem>>[vector<16xi32>], vector<16xf32>,
      %parallel_loop3A_904 = arith.constant 3200 : i32
      %parallel_loop3A_905 = arith.muli %rem3A_376, %parallel_loop3A_904 : i32
      %parallel_loop3A_906 = vector.broadcast %parallel_loop3A_905 : i32 to vector<16xi32>
      %parallel_loop3A_907 = arith.addi %parallel_loop3A_906, %parallel_loop3A_847 : vector<16xi32>
      %parallel_loop3A_908 = arith.constant 7 : i32
      %parallel_loop3A_909 = vector.broadcast %parallel_loop3A_908 : i32 to vector<16xi32>
      %parallel_loop3A_910 = arith.addi %parallel_loop3A_907, %parallel_loop3A_909 : vector<16xi32>
      %parallel_loop3A_911 = tpu.vector_load_idx %arg8[%parallel_loop3A_910] : memref<9600xf32, #tpu.memory_space<vmem>>[vector<16xi32>], vector<16xf32>,
      %parallel_loop3A_912 = arith.constant 3200 : i32
      %parallel_loop3A_913 = arith.muli %rem3A_376, %parallel_loop3A_912 : i32
      %parallel_loop3A_914 = vector.broadcast %parallel_loop3A_913 : i32 to vector<16xi32>
      %parallel_loop3A_915 = arith.addi %parallel_loop3A_914, %parallel_loop3A_847 : vector<16xi32>
      %parallel_loop3A_916 = arith.constant 8 : i32
      %parallel_loop3A_917 = vector.broadcast %parallel_loop3A_916 : i32 to vector<16xi32>
      %parallel_loop3A_918 = arith.addi %parallel_loop3A_915, %parallel_loop3A_917 : vector<16xi32>
      %parallel_loop3A_919 = tpu.vector_load_idx %arg8[%parallel_loop3A_918] : memref<9600xf32, #tpu.memory_space<vmem>>[vector<16xi32>], vector<16xf32>,
      %parallel_loop3A_920 = arith.constant 3200 : i32
      %parallel_loop3A_921 = arith.muli %rem3A_376, %parallel_loop3A_920 : i32
      %parallel_loop3A_922 = vector.broadcast %parallel_loop3A_921 : i32 to vector<16xi32>
      %parallel_loop3A_923 = arith.addi %parallel_loop3A_922, %parallel_loop3A_847 : vector<16xi32>
      %parallel_loop3A_924 = arith.constant 9 : i32
      %parallel_loop3A_925 = vector.broadcast %parallel_loop3A_924 : i32 to vector<16xi32>
      %parallel_loop3A_926 = arith.addi %parallel_loop3A_923, %parallel_loop3A_925 : vector<16xi32>
      %parallel_loop3A_927 = tpu.vector_load_idx %arg8[%parallel_loop3A_926] : memref<9600xf32, #tpu.memory_space<vmem>>[vector<16xi32>], vector<16xf32>,
      %parallel_loop3A_928 = arith.constant 3200 : i32
      %parallel_loop3A_929 = arith.muli %rem3A_376, %parallel_loop3A_928 : i32
      %parallel_loop3A_930 = vector.broadcast %parallel_loop3A_929 : i32 to vector<16xi32>
      %parallel_loop3A_931 = arith.addi %parallel_loop3A_930, %parallel_loop3A_847 : vector<16xi32>
      %parallel_loop3A_932 = arith.constant 10 : i32
      %parallel_loop3A_933 = vector.broadcast %parallel_loop3A_932 : i32 to vector<16xi32>
      %parallel_loop3A_934 = arith.addi %parallel_loop3A_931, %parallel_loop3A_933 : vector<16xi32>
      %parallel_loop3A_935 = tpu.vector_load_idx %arg8[%parallel_loop3A_934] : memref<9600xf32, #tpu.memory_space<vmem>>[vector<16xi32>], vector<16xf32>,
      %parallel_loop3A_936 = arith.constant 3200 : i32
      %parallel_loop3A_937 = arith.muli %rem3A_376, %parallel_loop3A_936 : i32
      %parallel_loop3A_938 = vector.broadcast %parallel_loop3A_937 : i32 to vector<16xi32>
      %parallel_loop3A_939 = arith.addi %parallel_loop3A_938, %parallel_loop3A_847 : vector<16xi32>
      %parallel_loop3A_940 = arith.constant 11 : i32
      %parallel_loop3A_941 = vector.broadcast %parallel_loop3A_940 : i32 to vector<16xi32>
      %parallel_loop3A_942 = arith.addi %parallel_loop3A_939, %parallel_loop3A_941 : vector<16xi32>
      %parallel_loop3A_943 = tpu.vector_load_idx %arg8[%parallel_loop3A_942] : memref<9600xf32, #tpu.memory_space<vmem>>[vector<16xi32>], vector<16xf32>,
      %parallel_loop3A_944 = arith.constant 3200 : i32
      %parallel_loop3A_945 = arith.muli %rem3A_376, %parallel_loop3A_944 : i32
      %parallel_loop3A_946 = vector.broadcast %parallel_loop3A_945 : i32 to vector<16xi32>
      %parallel_loop3A_947 = arith.addi %parallel_loop3A_946, %parallel_loop3A_847 : vector<16xi32>
      %parallel_loop3A_948 = arith.constant 12 : i32
      %parallel_loop3A_949 = vector.broadcast %parallel_loop3A_948 : i32 to vector<16xi32>
      %parallel_loop3A_950 = arith.addi %parallel_loop3A_947, %parallel_loop3A_949 : vector<16xi32>
      %parallel_loop3A_951 = tpu.vector_load_idx %arg8[%parallel_loop3A_950] : memref<9600xf32, #tpu.memory_space<vmem>>[vector<16xi32>], vector<16xf32>,
      %parallel_loop3A_952 = arith.constant 3200 : i32
      %parallel_loop3A_953 = arith.muli %rem3A_376, %parallel_loop3A_952 : i32
      %parallel_loop3A_954 = vector.broadcast %parallel_loop3A_953 : i32 to vector<16xi32>
      %parallel_loop3A_955 = arith.addi %parallel_loop3A_954, %parallel_loop3A_847 : vector<16xi32>
      %parallel_loop3A_956 = arith.constant 13 : i32
      %parallel_loop3A_957 = vector.broadcast %parallel_loop3A_956 : i32 to vector<16xi32>
      %parallel_loop3A_958 = arith.addi %parallel_loop3A_955, %parallel_loop3A_957 : vector<16xi32>
      %parallel_loop3A_959 = tpu.vector_load_idx %arg8[%parallel_loop3A_958] : memref<9600xf32, #tpu.memory_space<vmem>>[vector<16xi32>], vector<16xf32>,
      %parallel_loop3A_960 = arith.constant 3200 : i32
      %parallel_loop3A_961 = arith.muli %rem3A_376, %parallel_loop3A_960 : i32
      %parallel_loop3A_962 = vector.broadcast %parallel_loop3A_961 : i32 to vector<16xi32>
      %parallel_loop3A_963 = arith.addi %parallel_loop3A_962, %parallel_loop3A_847 : vector<16xi32>
      %parallel_loop3A_964 = arith.constant 14 : i32
      %parallel_loop3A_965 = vector.broadcast %parallel_loop3A_964 : i32 to vector<16xi32>
      %parallel_loop3A_966 = arith.addi %parallel_loop3A_963, %parallel_loop3A_965 : vector<16xi32>
      %parallel_loop3A_967 = tpu.vector_load_idx %arg8[%parallel_loop3A_966] : memref<9600xf32, #tpu.memory_space<vmem>>[vector<16xi32>], vector<16xf32>,
      %parallel_loop3A_968 = arith.constant 3200 : i32
      %parallel_loop3A_969 = arith.muli %rem3A_376, %parallel_loop3A_968 : i32
      %parallel_loop3A_970 = vector.broadcast %parallel_loop3A_969 : i32 to vector<16xi32>
      %parallel_loop3A_971 = arith.addi %parallel_loop3A_970, %parallel_loop3A_847 : vector<16xi32>
      %parallel_loop3A_972 = arith.constant 15 : i32
      %parallel_loop3A_973 = vector.broadcast %parallel_loop3A_972 : i32 to vector<16xi32>
      %parallel_loop3A_974 = arith.addi %parallel_loop3A_971, %parallel_loop3A_973 : vector<16xi32>
      %parallel_loop3A_975 = tpu.vector_load_idx %arg8[%parallel_loop3A_974] : memref<9600xf32, #tpu.memory_space<vmem>>[vector<16xi32>], vector<16xf32>,
      %parallel_loop3A_976 = tpu.bitcast %parallel_loop3A_855 : vector<16xf32> -> vector<16xi32>
      %parallel_loop3A_977 = arith.constant 16 : i32
      %parallel_loop3A_978 = vector.broadcast %parallel_loop3A_977 : i32 to vector<16xi32>
      %parallel_loop3A_979 = arith.shrui %parallel_loop3A_976, %parallel_loop3A_978 : vector<16xi32>
      %parallel_loop3A_980 = arith.constant 1 : i32
      %parallel_loop3A_981 = vector.broadcast %parallel_loop3A_980 : i32 to vector<16xi32>
      %parallel_loop3A_982 = arith.andi %parallel_loop3A_979, %parallel_loop3A_981 : vector<16xi32>
      %parallel_loop3A_983 = arith.constant 32767 : i32
      %parallel_loop3A_984 = vector.broadcast %parallel_loop3A_983 : i32 to vector<16xi32>
      %parallel_loop3A_985 = arith.addi %parallel_loop3A_976, %parallel_loop3A_984 : vector<16xi32>
      %parallel_loop3A_986 = arith.addi %parallel_loop3A_985, %parallel_loop3A_982 : vector<16xi32>
      %parallel_loop3A_987 = arith.constant -65536 : i32
      %parallel_loop3A_988 = vector.broadcast %parallel_loop3A_987 : i32 to vector<16xi32>
      %parallel_loop3A_989 = arith.andi %parallel_loop3A_986, %parallel_loop3A_988 : vector<16xi32>
      %parallel_loop3A_990 = tpu.bitcast %parallel_loop3A_989 : vector<16xi32> -> vector<16xf32>
      %parallel_loop3A_991 = arith.constant 3.276800e+04 : f32
      %parallel_loop3A_992 = vector.broadcast %parallel_loop3A_991 : f32 to vector<16xf32>
      %parallel_loop3A_993 = arith.mulf %parallel_loop3A_990, %parallel_loop3A_992 : vector<16xf32>
      %parallel_loop3A_994 = tpu.bitcast %parallel_loop3A_863 : vector<16xf32> -> vector<16xi32>
      %parallel_loop3A_995 = arith.constant 16 : i32
      %parallel_loop3A_996 = vector.broadcast %parallel_loop3A_995 : i32 to vector<16xi32>
      %parallel_loop3A_997 = arith.shrui %parallel_loop3A_994, %parallel_loop3A_996 : vector<16xi32>
      %parallel_loop3A_998 = arith.constant 1 : i32
      %parallel_loop3A_999 = vector.broadcast %parallel_loop3A_998 : i32 to vector<16xi32>
      %parallel_loop3A_1000 = arith.andi %parallel_loop3A_997, %parallel_loop3A_999 : vector<16xi32>
      %parallel_loop3A_1001 = arith.constant 32767 : i32
      %parallel_loop3A_1002 = vector.broadcast %parallel_loop3A_1001 : i32 to vector<16xi32>
      %parallel_loop3A_1003 = arith.addi %parallel_loop3A_994, %parallel_loop3A_1002 : vector<16xi32>
      %parallel_loop3A_1004 = arith.addi %parallel_loop3A_1003, %parallel_loop3A_1000 : vector<16xi32>
      %parallel_loop3A_1005 = arith.constant -65536 : i32
      %parallel_loop3A_1006 = vector.broadcast %parallel_loop3A_1005 : i32 to vector<16xi32>
      %parallel_loop3A_1007 = arith.andi %parallel_loop3A_1004, %parallel_loop3A_1006 : vector<16xi32>
      %parallel_loop3A_1008 = tpu.bitcast %parallel_loop3A_1007 : vector<16xi32> -> vector<16xf32>
      %parallel_loop3A_1009 = arith.constant 1.638400e+04 : f32
      %parallel_loop3A_1010 = vector.broadcast %parallel_loop3A_1009 : f32 to vector<16xf32>
      %parallel_loop3A_1011 = arith.mulf %parallel_loop3A_1008, %parallel_loop3A_1010 : vector<16xf32>
      %parallel_loop3A_1012 = tpu.bitcast %parallel_loop3A_871 : vector<16xf32> -> vector<16xi32>
      %parallel_loop3A_1013 = arith.constant 16 : i32
      %parallel_loop3A_1014 = vector.broadcast %parallel_loop3A_1013 : i32 to vector<16xi32>
      %parallel_loop3A_1015 = arith.shrui %parallel_loop3A_1012, %parallel_loop3A_1014 : vector<16xi32>
      %parallel_loop3A_1016 = arith.constant 1 : i32
      %parallel_loop3A_1017 = vector.broadcast %parallel_loop3A_1016 : i32 to vector<16xi32>
      %parallel_loop3A_1018 = arith.andi %parallel_loop3A_1015, %parallel_loop3A_1017 : vector<16xi32>
      %parallel_loop3A_1019 = arith.constant 32767 : i32
      %parallel_loop3A_1020 = vector.broadcast %parallel_loop3A_1019 : i32 to vector<16xi32>
      %parallel_loop3A_1021 = arith.addi %parallel_loop3A_1012, %parallel_loop3A_1020 : vector<16xi32>
      %parallel_loop3A_1022 = arith.addi %parallel_loop3A_1021, %parallel_loop3A_1018 : vector<16xi32>
      %parallel_loop3A_1023 = arith.constant -65536 : i32
      %parallel_loop3A_1024 = vector.broadcast %parallel_loop3A_1023 : i32 to vector<16xi32>
      %parallel_loop3A_1025 = arith.andi %parallel_loop3A_1022, %parallel_loop3A_1024 : vector<16xi32>
      %parallel_loop3A_1026 = tpu.bitcast %parallel_loop3A_1025 : vector<16xi32> -> vector<16xf32>
      %parallel_loop3A_1027 = arith.constant 8.192000e+03 : f32
      %parallel_loop3A_1028 = vector.broadcast %parallel_loop3A_1027 : f32 to vector<16xf32>
      %parallel_loop3A_1029 = arith.mulf %parallel_loop3A_1026, %parallel_loop3A_1028 : vector<16xf32>
      %parallel_loop3A_1030 = tpu.bitcast %parallel_loop3A_879 : vector<16xf32> -> vector<16xi32>
      %parallel_loop3A_1031 = arith.constant 16 : i32
      %parallel_loop3A_1032 = vector.broadcast %parallel_loop3A_1031 : i32 to vector<16xi32>
      %parallel_loop3A_1033 = arith.shrui %parallel_loop3A_1030, %parallel_loop3A_1032 : vector<16xi32>
      %parallel_loop3A_1034 = arith.constant 1 : i32
      %parallel_loop3A_1035 = vector.broadcast %parallel_loop3A_1034 : i32 to vector<16xi32>
      %parallel_loop3A_1036 = arith.andi %parallel_loop3A_1033, %parallel_loop3A_1035 : vector<16xi32>
      %parallel_loop3A_1037 = arith.constant 32767 : i32
      %parallel_loop3A_1038 = vector.broadcast %parallel_loop3A_1037 : i32 to vector<16xi32>
      %parallel_loop3A_1039 = arith.addi %parallel_loop3A_1030, %parallel_loop3A_1038 : vector<16xi32>
      %parallel_loop3A_1040 = arith.addi %parallel_loop3A_1039, %parallel_loop3A_1036 : vector<16xi32>
      %parallel_loop3A_1041 = arith.constant -65536 : i32
      %parallel_loop3A_1042 = vector.broadcast %parallel_loop3A_1041 : i32 to vector<16xi32>
      %parallel_loop3A_1043 = arith.andi %parallel_loop3A_1040, %parallel_loop3A_1042 : vector<16xi32>
      %parallel_loop3A_1044 = tpu.bitcast %parallel_loop3A_1043 : vector<16xi32> -> vector<16xf32>
      %parallel_loop3A_1045 = arith.constant 4.096000e+03 : f32
      %parallel_loop3A_1046 = vector.broadcast %parallel_loop3A_1045 : f32 to vector<16xf32>
      %parallel_loop3A_1047 = arith.mulf %parallel_loop3A_1044, %parallel_loop3A_1046 : vector<16xf32>
      %parallel_loop3A_1048 = tpu.bitcast %parallel_loop3A_887 : vector<16xf32> -> vector<16xi32>
      %parallel_loop3A_1049 = arith.constant 16 : i32
      %parallel_loop3A_1050 = vector.broadcast %parallel_loop3A_1049 : i32 to vector<16xi32>
      %parallel_loop3A_1051 = arith.shrui %parallel_loop3A_1048, %parallel_loop3A_1050 : vector<16xi32>
      %parallel_loop3A_1052 = arith.constant 1 : i32
      %parallel_loop3A_1053 = vector.broadcast %parallel_loop3A_1052 : i32 to vector<16xi32>
      %parallel_loop3A_1054 = arith.andi %parallel_loop3A_1051, %parallel_loop3A_1053 : vector<16xi32>
      %parallel_loop3A_1055 = arith.constant 32767 : i32
      %parallel_loop3A_1056 = vector.broadcast %parallel_loop3A_1055 : i32 to vector<16xi32>
      %parallel_loop3A_1057 = arith.addi %parallel_loop3A_1048, %parallel_loop3A_1056 : vector<16xi32>
      %parallel_loop3A_1058 = arith.addi %parallel_loop3A_1057, %parallel_loop3A_1054 : vector<16xi32>
      %parallel_loop3A_1059 = arith.constant -65536 : i32
      %parallel_loop3A_1060 = vector.broadcast %parallel_loop3A_1059 : i32 to vector<16xi32>
      %parallel_loop3A_1061 = arith.andi %parallel_loop3A_1058, %parallel_loop3A_1060 : vector<16xi32>
      %parallel_loop3A_1062 = tpu.bitcast %parallel_loop3A_1061 : vector<16xi32> -> vector<16xf32>
      %parallel_loop3A_1063 = arith.constant 2.048000e+03 : f32
      %parallel_loop3A_1064 = vector.broadcast %parallel_loop3A_1063 : f32 to vector<16xf32>
      %parallel_loop3A_1065 = arith.mulf %parallel_loop3A_1062, %parallel_loop3A_1064 : vector<16xf32>
      %parallel_loop3A_1066 = tpu.bitcast %parallel_loop3A_895 : vector<16xf32> -> vector<16xi32>
      %parallel_loop3A_1067 = arith.constant 16 : i32
      %parallel_loop3A_1068 = vector.broadcast %parallel_loop3A_1067 : i32 to vector<16xi32>
      %parallel_loop3A_1069 = arith.shrui %parallel_loop3A_1066, %parallel_loop3A_1068 : vector<16xi32>
      %parallel_loop3A_1070 = arith.constant 1 : i32
      %parallel_loop3A_1071 = vector.broadcast %parallel_loop3A_1070 : i32 to vector<16xi32>
      %parallel_loop3A_1072 = arith.andi %parallel_loop3A_1069, %parallel_loop3A_1071 : vector<16xi32>
      %parallel_loop3A_1073 = arith.constant 32767 : i32
      %parallel_loop3A_1074 = vector.broadcast %parallel_loop3A_1073 : i32 to vector<16xi32>
      %parallel_loop3A_1075 = arith.addi %parallel_loop3A_1066, %parallel_loop3A_1074 : vector<16xi32>
      %parallel_loop3A_1076 = arith.addi %parallel_loop3A_1075, %parallel_loop3A_1072 : vector<16xi32>
      %parallel_loop3A_1077 = arith.constant -65536 : i32
      %parallel_loop3A_1078 = vector.broadcast %parallel_loop3A_1077 : i32 to vector<16xi32>
      %parallel_loop3A_1079 = arith.andi %parallel_loop3A_1076, %parallel_loop3A_1078 : vector<16xi32>
      %parallel_loop3A_1080 = tpu.bitcast %parallel_loop3A_1079 : vector<16xi32> -> vector<16xf32>
      %parallel_loop3A_1081 = arith.constant 1.024000e+03 : f32
      %parallel_loop3A_1082 = vector.broadcast %parallel_loop3A_1081 : f32 to vector<16xf32>
      %parallel_loop3A_1083 = arith.mulf %parallel_loop3A_1080, %parallel_loop3A_1082 : vector<16xf32>
      %parallel_loop3A_1084 = tpu.bitcast %parallel_loop3A_903 : vector<16xf32> -> vector<16xi32>
      %parallel_loop3A_1085 = arith.constant 16 : i32
      %parallel_loop3A_1086 = vector.broadcast %parallel_loop3A_1085 : i32 to vector<16xi32>
      %parallel_loop3A_1087 = arith.shrui %parallel_loop3A_1084, %parallel_loop3A_1086 : vector<16xi32>
      %parallel_loop3A_1088 = arith.constant 1 : i32
      %parallel_loop3A_1089 = vector.broadcast %parallel_loop3A_1088 : i32 to vector<16xi32>
      %parallel_loop3A_1090 = arith.andi %parallel_loop3A_1087, %parallel_loop3A_1089 : vector<16xi32>
      %parallel_loop3A_1091 = arith.constant 32767 : i32
      %parallel_loop3A_1092 = vector.broadcast %parallel_loop3A_1091 : i32 to vector<16xi32>
      %parallel_loop3A_1093 = arith.addi %parallel_loop3A_1084, %parallel_loop3A_1092 : vector<16xi32>
      %parallel_loop3A_1094 = arith.addi %parallel_loop3A_1093, %parallel_loop3A_1090 : vector<16xi32>
      %parallel_loop3A_1095 = arith.constant -65536 : i32
      %parallel_loop3A_1096 = vector.broadcast %parallel_loop3A_1095 : i32 to vector<16xi32>
      %parallel_loop3A_1097 = arith.andi %parallel_loop3A_1094, %parallel_loop3A_1096 : vector<16xi32>
      %parallel_loop3A_1098 = tpu.bitcast %parallel_loop3A_1097 : vector<16xi32> -> vector<16xf32>
      %parallel_loop3A_1099 = arith.constant 5.120000e+02 : f32
      %parallel_loop3A_1100 = vector.broadcast %parallel_loop3A_1099 : f32 to vector<16xf32>
      %parallel_loop3A_1101 = arith.mulf %parallel_loop3A_1098, %parallel_loop3A_1100 : vector<16xf32>
      %parallel_loop3A_1102 = tpu.bitcast %parallel_loop3A_911 : vector<16xf32> -> vector<16xi32>
      %parallel_loop3A_1103 = arith.constant 16 : i32
      %parallel_loop3A_1104 = vector.broadcast %parallel_loop3A_1103 : i32 to vector<16xi32>
      %parallel_loop3A_1105 = arith.shrui %parallel_loop3A_1102, %parallel_loop3A_1104 : vector<16xi32>
      %parallel_loop3A_1106 = arith.constant 1 : i32
      %parallel_loop3A_1107 = vector.broadcast %parallel_loop3A_1106 : i32 to vector<16xi32>
      %parallel_loop3A_1108 = arith.andi %parallel_loop3A_1105, %parallel_loop3A_1107 : vector<16xi32>
      %parallel_loop3A_1109 = arith.constant 32767 : i32
      %parallel_loop3A_1110 = vector.broadcast %parallel_loop3A_1109 : i32 to vector<16xi32>
      %parallel_loop3A_1111 = arith.addi %parallel_loop3A_1102, %parallel_loop3A_1110 : vector<16xi32>
      %parallel_loop3A_1112 = arith.addi %parallel_loop3A_1111, %parallel_loop3A_1108 : vector<16xi32>
      %parallel_loop3A_1113 = arith.constant -65536 : i32
      %parallel_loop3A_1114 = vector.broadcast %parallel_loop3A_1113 : i32 to vector<16xi32>
      %parallel_loop3A_1115 = arith.andi %parallel_loop3A_1112, %parallel_loop3A_1114 : vector<16xi32>
      %parallel_loop3A_1116 = tpu.bitcast %parallel_loop3A_1115 : vector<16xi32> -> vector<16xf32>
      %parallel_loop3A_1117 = arith.constant 2.560000e+02 : f32
      %parallel_loop3A_1118 = vector.broadcast %parallel_loop3A_1117 : f32 to vector<16xf32>
      %parallel_loop3A_1119 = arith.mulf %parallel_loop3A_1116, %parallel_loop3A_1118 : vector<16xf32>
      %parallel_loop3A_1120 = tpu.bitcast %parallel_loop3A_919 : vector<16xf32> -> vector<16xi32>
      %parallel_loop3A_1121 = arith.constant 16 : i32
      %parallel_loop3A_1122 = vector.broadcast %parallel_loop3A_1121 : i32 to vector<16xi32>
      %parallel_loop3A_1123 = arith.shrui %parallel_loop3A_1120, %parallel_loop3A_1122 : vector<16xi32>
      %parallel_loop3A_1124 = arith.constant 1 : i32
      %parallel_loop3A_1125 = vector.broadcast %parallel_loop3A_1124 : i32 to vector<16xi32>
      %parallel_loop3A_1126 = arith.andi %parallel_loop3A_1123, %parallel_loop3A_1125 : vector<16xi32>
      %parallel_loop3A_1127 = arith.constant 32767 : i32
      %parallel_loop3A_1128 = vector.broadcast %parallel_loop3A_1127 : i32 to vector<16xi32>
      %parallel_loop3A_1129 = arith.addi %parallel_loop3A_1120, %parallel_loop3A_1128 : vector<16xi32>
      %parallel_loop3A_1130 = arith.addi %parallel_loop3A_1129, %parallel_loop3A_1126 : vector<16xi32>
      %parallel_loop3A_1131 = arith.constant -65536 : i32
      %parallel_loop3A_1132 = vector.broadcast %parallel_loop3A_1131 : i32 to vector<16xi32>
      %parallel_loop3A_1133 = arith.andi %parallel_loop3A_1130, %parallel_loop3A_1132 : vector<16xi32>
      %parallel_loop3A_1134 = tpu.bitcast %parallel_loop3A_1133 : vector<16xi32> -> vector<16xf32>
      %parallel_loop3A_1135 = arith.constant 1.280000e+02 : f32
      %parallel_loop3A_1136 = vector.broadcast %parallel_loop3A_1135 : f32 to vector<16xf32>
      %parallel_loop3A_1137 = arith.mulf %parallel_loop3A_1134, %parallel_loop3A_1136 : vector<16xf32>
      %parallel_loop3A_1138 = tpu.bitcast %parallel_loop3A_927 : vector<16xf32> -> vector<16xi32>
      %parallel_loop3A_1139 = arith.constant 16 : i32
      %parallel_loop3A_1140 = vector.broadcast %parallel_loop3A_1139 : i32 to vector<16xi32>
      %parallel_loop3A_1141 = arith.shrui %parallel_loop3A_1138, %parallel_loop3A_1140 : vector<16xi32>
      %parallel_loop3A_1142 = arith.constant 1 : i32
      %parallel_loop3A_1143 = vector.broadcast %parallel_loop3A_1142 : i32 to vector<16xi32>
      %parallel_loop3A_1144 = arith.andi %parallel_loop3A_1141, %parallel_loop3A_1143 : vector<16xi32>
      %parallel_loop3A_1145 = arith.constant 32767 : i32
      %parallel_loop3A_1146 = vector.broadcast %parallel_loop3A_1145 : i32 to vector<16xi32>
      %parallel_loop3A_1147 = arith.addi %parallel_loop3A_1138, %parallel_loop3A_1146 : vector<16xi32>
      %parallel_loop3A_1148 = arith.addi %parallel_loop3A_1147, %parallel_loop3A_1144 : vector<16xi32>
      %parallel_loop3A_1149 = arith.constant -65536 : i32
      %parallel_loop3A_1150 = vector.broadcast %parallel_loop3A_1149 : i32 to vector<16xi32>
      %parallel_loop3A_1151 = arith.andi %parallel_loop3A_1148, %parallel_loop3A_1150 : vector<16xi32>
      %parallel_loop3A_1152 = tpu.bitcast %parallel_loop3A_1151 : vector<16xi32> -> vector<16xf32>
      %parallel_loop3A_1153 = arith.constant 6.400000e+01 : f32
      %parallel_loop3A_1154 = vector.broadcast %parallel_loop3A_1153 : f32 to vector<16xf32>
      %parallel_loop3A_1155 = arith.mulf %parallel_loop3A_1152, %parallel_loop3A_1154 : vector<16xf32>
      %parallel_loop3A_1156 = tpu.bitcast %parallel_loop3A_935 : vector<16xf32> -> vector<16xi32>
      %parallel_loop3A_1157 = arith.constant 16 : i32
      %parallel_loop3A_1158 = vector.broadcast %parallel_loop3A_1157 : i32 to vector<16xi32>
      %parallel_loop3A_1159 = arith.shrui %parallel_loop3A_1156, %parallel_loop3A_1158 : vector<16xi32>
      %parallel_loop3A_1160 = arith.constant 1 : i32
      %parallel_loop3A_1161 = vector.broadcast %parallel_loop3A_1160 : i32 to vector<16xi32>
      %parallel_loop3A_1162 = arith.andi %parallel_loop3A_1159, %parallel_loop3A_1161 : vector<16xi32>
      %parallel_loop3A_1163 = arith.constant 32767 : i32
      %parallel_loop3A_1164 = vector.broadcast %parallel_loop3A_1163 : i32 to vector<16xi32>
      %parallel_loop3A_1165 = arith.addi %parallel_loop3A_1156, %parallel_loop3A_1164 : vector<16xi32>
      %parallel_loop3A_1166 = arith.addi %parallel_loop3A_1165, %parallel_loop3A_1162 : vector<16xi32>
      %parallel_loop3A_1167 = arith.constant -65536 : i32
      %parallel_loop3A_1168 = vector.broadcast %parallel_loop3A_1167 : i32 to vector<16xi32>
      %parallel_loop3A_1169 = arith.andi %parallel_loop3A_1166, %parallel_loop3A_1168 : vector<16xi32>
      %parallel_loop3A_1170 = tpu.bitcast %parallel_loop3A_1169 : vector<16xi32> -> vector<16xf32>
      %parallel_loop3A_1171 = arith.constant 3.200000e+01 : f32
      %parallel_loop3A_1172 = vector.broadcast %parallel_loop3A_1171 : f32 to vector<16xf32>
      %parallel_loop3A_1173 = arith.mulf %parallel_loop3A_1170, %parallel_loop3A_1172 : vector<16xf32>
      %parallel_loop3A_1174 = tpu.bitcast %parallel_loop3A_943 : vector<16xf32> -> vector<16xi32>
      %parallel_loop3A_1175 = arith.constant 16 : i32
      %parallel_loop3A_1176 = vector.broadcast %parallel_loop3A_1175 : i32 to vector<16xi32>
      %parallel_loop3A_1177 = arith.shrui %parallel_loop3A_1174, %parallel_loop3A_1176 : vector<16xi32>
      %parallel_loop3A_1178 = arith.constant 1 : i32
      %parallel_loop3A_1179 = vector.broadcast %parallel_loop3A_1178 : i32 to vector<16xi32>
      %parallel_loop3A_1180 = arith.andi %parallel_loop3A_1177, %parallel_loop3A_1179 : vector<16xi32>
      %parallel_loop3A_1181 = arith.constant 32767 : i32
      %parallel_loop3A_1182 = vector.broadcast %parallel_loop3A_1181 : i32 to vector<16xi32>
      %parallel_loop3A_1183 = arith.addi %parallel_loop3A_1174, %parallel_loop3A_1182 : vector<16xi32>
      %parallel_loop3A_1184 = arith.addi %parallel_loop3A_1183, %parallel_loop3A_1180 : vector<16xi32>
      %parallel_loop3A_1185 = arith.constant -65536 : i32
      %parallel_loop3A_1186 = vector.broadcast %parallel_loop3A_1185 : i32 to vector<16xi32>
      %parallel_loop3A_1187 = arith.andi %parallel_loop3A_1184, %parallel_loop3A_1186 : vector<16xi32>
      %parallel_loop3A_1188 = tpu.bitcast %parallel_loop3A_1187 : vector<16xi32> -> vector<16xf32>
      %parallel_loop3A_1189 = arith.constant 1.600000e+01 : f32
      %parallel_loop3A_1190 = vector.broadcast %parallel_loop3A_1189 : f32 to vector<16xf32>
      %parallel_loop3A_1191 = arith.mulf %parallel_loop3A_1188, %parallel_loop3A_1190 : vector<16xf32>
      %parallel_loop3A_1192 = tpu.bitcast %parallel_loop3A_951 : vector<16xf32> -> vector<16xi32>
      %parallel_loop3A_1193 = arith.constant 16 : i32
      %parallel_loop3A_1194 = vector.broadcast %parallel_loop3A_1193 : i32 to vector<16xi32>
      %parallel_loop3A_1195 = arith.shrui %parallel_loop3A_1192, %parallel_loop3A_1194 : vector<16xi32>
      %parallel_loop3A_1196 = arith.constant 1 : i32
      %parallel_loop3A_1197 = vector.broadcast %parallel_loop3A_1196 : i32 to vector<16xi32>
      %parallel_loop3A_1198 = arith.andi %parallel_loop3A_1195, %parallel_loop3A_1197 : vector<16xi32>
      %parallel_loop3A_1199 = arith.constant 32767 : i32
      %parallel_loop3A_1200 = vector.broadcast %parallel_loop3A_1199 : i32 to vector<16xi32>
      %parallel_loop3A_1201 = arith.addi %parallel_loop3A_1192, %parallel_loop3A_1200 : vector<16xi32>
      %parallel_loop3A_1202 = arith.addi %parallel_loop3A_1201, %parallel_loop3A_1198 : vector<16xi32>
      %parallel_loop3A_1203 = arith.constant -65536 : i32
      %parallel_loop3A_1204 = vector.broadcast %parallel_loop3A_1203 : i32 to vector<16xi32>
      %parallel_loop3A_1205 = arith.andi %parallel_loop3A_1202, %parallel_loop3A_1204 : vector<16xi32>
      %parallel_loop3A_1206 = tpu.bitcast %parallel_loop3A_1205 : vector<16xi32> -> vector<16xf32>
      %parallel_loop3A_1207 = arith.constant 8.000000e+00 : f32
      %parallel_loop3A_1208 = vector.broadcast %parallel_loop3A_1207 : f32 to vector<16xf32>
      %parallel_loop3A_1209 = arith.mulf %parallel_loop3A_1206, %parallel_loop3A_1208 : vector<16xf32>
      %parallel_loop3A_1210 = tpu.bitcast %parallel_loop3A_959 : vector<16xf32> -> vector<16xi32>
      %parallel_loop3A_1211 = arith.constant 16 : i32
      %parallel_loop3A_1212 = vector.broadcast %parallel_loop3A_1211 : i32 to vector<16xi32>
      %parallel_loop3A_1213 = arith.shrui %parallel_loop3A_1210, %parallel_loop3A_1212 : vector<16xi32>
      %parallel_loop3A_1214 = arith.constant 1 : i32
      %parallel_loop3A_1215 = vector.broadcast %parallel_loop3A_1214 : i32 to vector<16xi32>
      %parallel_loop3A_1216 = arith.andi %parallel_loop3A_1213, %parallel_loop3A_1215 : vector<16xi32>
      %parallel_loop3A_1217 = arith.constant 32767 : i32
      %parallel_loop3A_1218 = vector.broadcast %parallel_loop3A_1217 : i32 to vector<16xi32>
      %parallel_loop3A_1219 = arith.addi %parallel_loop3A_1210, %parallel_loop3A_1218 : vector<16xi32>
      %parallel_loop3A_1220 = arith.addi %parallel_loop3A_1219, %parallel_loop3A_1216 : vector<16xi32>
      %parallel_loop3A_1221 = arith.constant -65536 : i32
      %parallel_loop3A_1222 = vector.broadcast %parallel_loop3A_1221 : i32 to vector<16xi32>
      %parallel_loop3A_1223 = arith.andi %parallel_loop3A_1220, %parallel_loop3A_1222 : vector<16xi32>
      %parallel_loop3A_1224 = tpu.bitcast %parallel_loop3A_1223 : vector<16xi32> -> vector<16xf32>
      %parallel_loop3A_1225 = arith.constant 4.000000e+00 : f32
      %parallel_loop3A_1226 = vector.broadcast %parallel_loop3A_1225 : f32 to vector<16xf32>
      %parallel_loop3A_1227 = arith.mulf %parallel_loop3A_1224, %parallel_loop3A_1226 : vector<16xf32>
      %parallel_loop3A_1228 = tpu.bitcast %parallel_loop3A_967 : vector<16xf32> -> vector<16xi32>
      %parallel_loop3A_1229 = arith.constant 16 : i32
      %parallel_loop3A_1230 = vector.broadcast %parallel_loop3A_1229 : i32 to vector<16xi32>
      %parallel_loop3A_1231 = arith.shrui %parallel_loop3A_1228, %parallel_loop3A_1230 : vector<16xi32>
      %parallel_loop3A_1232 = arith.constant 1 : i32
      %parallel_loop3A_1233 = vector.broadcast %parallel_loop3A_1232 : i32 to vector<16xi32>
      %parallel_loop3A_1234 = arith.andi %parallel_loop3A_1231, %parallel_loop3A_1233 : vector<16xi32>
      %parallel_loop3A_1235 = arith.constant 32767 : i32
      %parallel_loop3A_1236 = vector.broadcast %parallel_loop3A_1235 : i32 to vector<16xi32>
      %parallel_loop3A_1237 = arith.addi %parallel_loop3A_1228, %parallel_loop3A_1236 : vector<16xi32>
      %parallel_loop3A_1238 = arith.addi %parallel_loop3A_1237, %parallel_loop3A_1234 : vector<16xi32>
      %parallel_loop3A_1239 = arith.constant -65536 : i32
      %parallel_loop3A_1240 = vector.broadcast %parallel_loop3A_1239 : i32 to vector<16xi32>
      %parallel_loop3A_1241 = arith.andi %parallel_loop3A_1238, %parallel_loop3A_1240 : vector<16xi32>
      %parallel_loop3A_1242 = tpu.bitcast %parallel_loop3A_1241 : vector<16xi32> -> vector<16xf32>
      %parallel_loop3A_1243 = arith.constant 2.000000e+00 : f32
      %parallel_loop3A_1244 = vector.broadcast %parallel_loop3A_1243 : f32 to vector<16xf32>
      %parallel_loop3A_1245 = arith.mulf %parallel_loop3A_1242, %parallel_loop3A_1244 : vector<16xf32>
      %parallel_loop3A_1246 = tpu.bitcast %parallel_loop3A_975 : vector<16xf32> -> vector<16xi32>
      %parallel_loop3A_1247 = arith.constant 16 : i32
      %parallel_loop3A_1248 = vector.broadcast %parallel_loop3A_1247 : i32 to vector<16xi32>
      %parallel_loop3A_1249 = arith.shrui %parallel_loop3A_1246, %parallel_loop3A_1248 : vector<16xi32>
      %parallel_loop3A_1250 = arith.constant 1 : i32
      %parallel_loop3A_1251 = vector.broadcast %parallel_loop3A_1250 : i32 to vector<16xi32>
      %parallel_loop3A_1252 = arith.andi %parallel_loop3A_1249, %parallel_loop3A_1251 : vector<16xi32>
      %parallel_loop3A_1253 = arith.constant 32767 : i32
      %parallel_loop3A_1254 = vector.broadcast %parallel_loop3A_1253 : i32 to vector<16xi32>
      %parallel_loop3A_1255 = arith.addi %parallel_loop3A_1246, %parallel_loop3A_1254 : vector<16xi32>
      %parallel_loop3A_1256 = arith.addi %parallel_loop3A_1255, %parallel_loop3A_1252 : vector<16xi32>
      %parallel_loop3A_1257 = arith.constant -65536 : i32
      %parallel_loop3A_1258 = vector.broadcast %parallel_loop3A_1257 : i32 to vector<16xi32>
      %parallel_loop3A_1259 = arith.andi %parallel_loop3A_1256, %parallel_loop3A_1258 : vector<16xi32>
      %parallel_loop3A_1260 = tpu.bitcast %parallel_loop3A_1259 : vector<16xi32> -> vector<16xf32>
      %parallel_loop3A_1261 = arith.constant 1.000000e+00 : f32
      %parallel_loop3A_1262 = vector.broadcast %parallel_loop3A_1261 : f32 to vector<16xf32>
      %parallel_loop3A_1263 = arith.mulf %parallel_loop3A_1260, %parallel_loop3A_1262 : vector<16xf32>
      %parallel_loop3A_1264 = arith.addf %parallel_loop3A_993, %parallel_loop3A_1011 : vector<16xf32>
      %parallel_loop3A_1265 = arith.addf %parallel_loop3A_1029, %parallel_loop3A_1047 : vector<16xf32>
      %parallel_loop3A_1266 = arith.addf %parallel_loop3A_1065, %parallel_loop3A_1083 : vector<16xf32>
      %parallel_loop3A_1267 = arith.addf %parallel_loop3A_1101, %parallel_loop3A_1119 : vector<16xf32>
      %parallel_loop3A_1268 = arith.addf %parallel_loop3A_1137, %parallel_loop3A_1155 : vector<16xf32>
      %parallel_loop3A_1269 = arith.addf %parallel_loop3A_1173, %parallel_loop3A_1191 : vector<16xf32>
      %parallel_loop3A_1270 = arith.addf %parallel_loop3A_1209, %parallel_loop3A_1227 : vector<16xf32>
      %parallel_loop3A_1271 = arith.addf %parallel_loop3A_1245, %parallel_loop3A_1263 : vector<16xf32>
      %parallel_loop3A_1272 = arith.addf %parallel_loop3A_1264, %parallel_loop3A_1265 : vector<16xf32>
      %parallel_loop3A_1273 = arith.addf %parallel_loop3A_1266, %parallel_loop3A_1267 : vector<16xf32>
      %parallel_loop3A_1274 = arith.addf %parallel_loop3A_1268, %parallel_loop3A_1269 : vector<16xf32>
      %parallel_loop3A_1275 = arith.addf %parallel_loop3A_1270, %parallel_loop3A_1271 : vector<16xf32>
      %parallel_loop3A_1276 = arith.addf %parallel_loop3A_1272, %parallel_loop3A_1273 : vector<16xf32>
      %parallel_loop3A_1277 = arith.addf %parallel_loop3A_1274, %parallel_loop3A_1275 : vector<16xf32>
      %parallel_loop3A_1278 = arith.addf %parallel_loop3A_1276, %parallel_loop3A_1277 : vector<16xf32>
      %parallel_loop3A_1279 = arith.fptosi %parallel_loop3A_1278 : vector<16xf32> to vector<16xi32>
      %parallel_loop3A_1280 = arith.constant 0 : i32
      %parallel_loop3A_1281 = arith.constant 65535 : i32
      %parallel_loop3A_1282 = vector.broadcast %parallel_loop3A_1280 : i32 to vector<16xi32>
      %parallel_loop3A_1283 = arith.maxsi %parallel_loop3A_1282, %parallel_loop3A_1279 : vector<16xi32>
      %parallel_loop3A_1284 = vector.broadcast %parallel_loop3A_1281 : i32 to vector<16xi32>
      %parallel_loop3A_1285 = arith.minsi %parallel_loop3A_1284, %parallel_loop3A_1283 : vector<16xi32>
      %parallel_loop3A_1286 = arith.constant 208 : i32
      %parallel_loop3A_1287 = arith.muli %rem3A_376, %parallel_loop3A_1286 : i32
      %parallel_loop3A_1288 = arith.addi %parallel_loop3A_1287, %parallel_loop3A_842 : i32
      %parallel_loop3A_1289 = arith.index_cast %parallel_loop3A_1288 : i32 to index
      %parallel_loop3A_1290 = tpu.vector_load %arg9[%parallel_loop3A_1289] {strides = array<i32>} : memref<624xi32, #tpu.memory_space<vmem>>, vector<16xi32>,
      tpu.vector_store %arg9[%parallel_loop3A_1289], %parallel_loop3A_1285 {strides = array<i32>} : memref<624xi32, #tpu.memory_space<vmem>>, vector<16xi32>,
    } {sc.loop_unroll_factor = 1 : i64, sc.parallel_access}
    %mul3A_380 = arith.constant 208 : i32
    %mul3A_381 = arith.muli %rem3A_376, %mul3A_380 : i32
    %add3A_382 = arith.constant 208 : i32
    %add3A_383 = arith.addi %mul3A_381, %add3A_382 : i32
    %sub3A_384 = arith.constant 16 : i32
    %sub3A_385 = arith.subi %add3A_383, %sub3A_384 : i32
    %get3A_386 = arith.index_cast %sub3A_385 : i32 to index
    %get3A_387 = tpu.vector_load %arg9[%get3A_386] {strides = array<i32>} : memref<624xi32, #tpu.memory_space<vmem>>, vector<16xi32>,
    %mul3A_388 = arith.constant 16 : i32
    %mul3A_389 = arith.muli %add3A, %mul3A_388 : i32
    %add3A_390 = vector.broadcast %mul3A_389 : i32 to vector<16xi32>
    %add3A_391 = arith.addi %add3A_390, %iota3A : vector<16xi32>
    %lt3A_392 = arith.constant 8 : i32
    %lt3A_393 = vector.broadcast %lt3A_392 : i32 to vector<16xi32>
    %lt3A_394 = arith.cmpi slt, %iota3A, %lt3A_393 : vector<16xi32>
    %select_n3A_395 = arith.select %lt3A_394, %get3A_387, %add3A_391 : vector<16xi1>, vector<16xi32>
    %mul3A_396 = arith.constant 208 : i32
    %mul3A_397 = arith.muli %rem3A_376, %mul3A_396 : i32
    %add3A_398 = arith.constant 208 : i32
    %add3A_399 = arith.addi %mul3A_397, %add3A_398 : i32
    %sub3A_400 = arith.constant 16 : i32
    %sub3A_401 = arith.subi %add3A_399, %sub3A_400 : i32
    %swap3A_402 = arith.index_cast %sub3A_401 : i32 to index
    %swap3A_403 = tpu.vector_load %arg9[%swap3A_402] {strides = array<i32>} : memref<624xi32, #tpu.memory_space<vmem>>, vector<16xi32>,
    tpu.vector_store %arg9[%swap3A_402], %select_n3A_395 {strides = array<i32>} : memref<624xi32, #tpu.memory_space<vmem>>, vector<16xi32>,
    %broadcast_in_dim3A_404 = arith.constant 0 : i32
    %broadcast_in_dim3A_405 = vector.broadcast %broadcast_in_dim3A_404 : i32 to vector<16xi32>
    %scan3A_406 = arith.constant 0 : i32
    %mul3A_407 = arith.constant 16 : i32
    %mul3A_408 = arith.muli %scan3A_406, %mul3A_407 : i32
    %min3A_409 = arith.constant 184 : i32
    %min3A_410 = arith.minsi %mul3A_408, %min3A_409 : i32
    %mul3A_411 = arith.constant 208 : i32
    %mul3A_412 = arith.muli %rem3A_376, %mul3A_411 : i32
    %add3A_413 = arith.addi %mul3A_412, %min3A_410 : i32
    %get3A_414 = arith.index_cast %add3A_413 : i32 to index
    %get3A_415 = tpu.vector_load %arg10[%get3A_414] {strides = array<i32>} : memref<624xi32, #tpu.memory_space<vmem>>, vector<16xi32>,
    %max3A_416 = arith.maxsi %broadcast_in_dim3A_405, %get3A_415 : vector<16xi32>
    %scan3A_417 = arith.constant 1 : i32
    %mul3A_418 = arith.constant 16 : i32
    %mul3A_419 = arith.muli %scan3A_417, %mul3A_418 : i32
    %min3A_420 = arith.constant 184 : i32
    %min3A_421 = arith.minsi %mul3A_419, %min3A_420 : i32
    %mul3A_422 = arith.constant 208 : i32
    %mul3A_423 = arith.muli %rem3A_376, %mul3A_422 : i32
    %add3A_424 = arith.addi %mul3A_423, %min3A_421 : i32
    %get3A_425 = arith.index_cast %add3A_424 : i32 to index
    %get3A_426 = tpu.vector_load %arg10[%get3A_425] {strides = array<i32>} : memref<624xi32, #tpu.memory_space<vmem>>, vector<16xi32>,
    %max3A_427 = arith.maxsi %max3A_416, %get3A_426 : vector<16xi32>
    %scan3A_428 = arith.constant 2 : i32
    %mul3A_429 = arith.constant 16 : i32
    %mul3A_430 = arith.muli %scan3A_428, %mul3A_429 : i32
    %min3A_431 = arith.constant 184 : i32
    %min3A_432 = arith.minsi %mul3A_430, %min3A_431 : i32
    %mul3A_433 = arith.constant 208 : i32
    %mul3A_434 = arith.muli %rem3A_376, %mul3A_433 : i32
    %add3A_435 = arith.addi %mul3A_434, %min3A_432 : i32
    %get3A_436 = arith.index_cast %add3A_435 : i32 to index
    %get3A_437 = tpu.vector_load %arg10[%get3A_436] {strides = array<i32>} : memref<624xi32, #tpu.memory_space<vmem>>, vector<16xi32>,
    %max3A_438 = arith.maxsi %max3A_427, %get3A_437 : vector<16xi32>
    %scan3A_439 = arith.constant 3 : i32
    %mul3A_440 = arith.constant 16 : i32
    %mul3A_441 = arith.muli %scan3A_439, %mul3A_440 : i32
    %min3A_442 = arith.constant 184 : i32
    %min3A_443 = arith.minsi %mul3A_441, %min3A_442 : i32
    %mul3A_444 = arith.constant 208 : i32
    %mul3A_445 = arith.muli %rem3A_376, %mul3A_444 : i32
    %add3A_446 = arith.addi %mul3A_445, %min3A_443 : i32
    %get3A_447 = arith.index_cast %add3A_446 : i32 to index
    %get3A_448 = tpu.vector_load %arg10[%get3A_447] {strides = array<i32>} : memref<624xi32, #tpu.memory_space<vmem>>, vector<16xi32>,
    %max3A_449 = arith.maxsi %max3A_438, %get3A_448 : vector<16xi32>
    %scan3A_450 = arith.constant 4 : i32
    %mul3A_451 = arith.constant 16 : i32
    %mul3A_452 = arith.muli %scan3A_450, %mul3A_451 : i32
    %min3A_453 = arith.constant 184 : i32
    %min3A_454 = arith.minsi %mul3A_452, %min3A_453 : i32
    %mul3A_455 = arith.constant 208 : i32
    %mul3A_456 = arith.muli %rem3A_376, %mul3A_455 : i32
    %add3A_457 = arith.addi %mul3A_456, %min3A_454 : i32
    %get3A_458 = arith.index_cast %add3A_457 : i32 to index
    %get3A_459 = tpu.vector_load %arg10[%get3A_458] {strides = array<i32>} : memref<624xi32, #tpu.memory_space<vmem>>, vector<16xi32>,
    %max3A_460 = arith.maxsi %max3A_449, %get3A_459 : vector<16xi32>
    %scan3A_461 = arith.constant 5 : i32
    %mul3A_462 = arith.constant 16 : i32
    %mul3A_463 = arith.muli %scan3A_461, %mul3A_462 : i32
    %min3A_464 = arith.constant 184 : i32
    %min3A_465 = arith.minsi %mul3A_463, %min3A_464 : i32
    %mul3A_466 = arith.constant 208 : i32
    %mul3A_467 = arith.muli %rem3A_376, %mul3A_466 : i32
    %add3A_468 = arith.addi %mul3A_467, %min3A_465 : i32
    %get3A_469 = arith.index_cast %add3A_468 : i32 to index
    %get3A_470 = tpu.vector_load %arg10[%get3A_469] {strides = array<i32>} : memref<624xi32, #tpu.memory_space<vmem>>, vector<16xi32>,
    %max3A_471 = arith.maxsi %max3A_460, %get3A_470 : vector<16xi32>
    %scan3A_472 = arith.constant 6 : i32
    %mul3A_473 = arith.constant 16 : i32
    %mul3A_474 = arith.muli %scan3A_472, %mul3A_473 : i32
    %min3A_475 = arith.constant 184 : i32
    %min3A_476 = arith.minsi %mul3A_474, %min3A_475 : i32
    %mul3A_477 = arith.constant 208 : i32
    %mul3A_478 = arith.muli %rem3A_376, %mul3A_477 : i32
    %add3A_479 = arith.addi %mul3A_478, %min3A_476 : i32
    %get3A_480 = arith.index_cast %add3A_479 : i32 to index
    %get3A_481 = tpu.vector_load %arg10[%get3A_480] {strides = array<i32>} : memref<624xi32, #tpu.memory_space<vmem>>, vector<16xi32>,
    %max3A_482 = arith.maxsi %max3A_471, %get3A_481 : vector<16xi32>
    %scan3A_483 = arith.constant 7 : i32
    %mul3A_484 = arith.constant 16 : i32
    %mul3A_485 = arith.muli %scan3A_483, %mul3A_484 : i32
    %min3A_486 = arith.constant 184 : i32
    %min3A_487 = arith.minsi %mul3A_485, %min3A_486 : i32
    %mul3A_488 = arith.constant 208 : i32
    %mul3A_489 = arith.muli %rem3A_376, %mul3A_488 : i32
    %add3A_490 = arith.addi %mul3A_489, %min3A_487 : i32
    %get3A_491 = arith.index_cast %add3A_490 : i32 to index
    %get3A_492 = tpu.vector_load %arg10[%get3A_491] {strides = array<i32>} : memref<624xi32, #tpu.memory_space<vmem>>, vector<16xi32>,
    %max3A_493 = arith.maxsi %max3A_482, %get3A_492 : vector<16xi32>
    %scan3A_494 = arith.constant 8 : i32
    %mul3A_495 = arith.constant 16 : i32
    %mul3A_496 = arith.muli %scan3A_494, %mul3A_495 : i32
    %min3A_497 = arith.constant 184 : i32
    %min3A_498 = arith.minsi %mul3A_496, %min3A_497 : i32
    %mul3A_499 = arith.constant 208 : i32
    %mul3A_500 = arith.muli %rem3A_376, %mul3A_499 : i32
    %add3A_501 = arith.addi %mul3A_500, %min3A_498 : i32
    %get3A_502 = arith.index_cast %add3A_501 : i32 to index
    %get3A_503 = tpu.vector_load %arg10[%get3A_502] {strides = array<i32>} : memref<624xi32, #tpu.memory_space<vmem>>, vector<16xi32>,
    %max3A_504 = arith.maxsi %max3A_493, %get3A_503 : vector<16xi32>
    %scan3A_505 = arith.constant 9 : i32
    %mul3A_506 = arith.constant 16 : i32
    %mul3A_507 = arith.muli %scan3A_505, %mul3A_506 : i32
    %min3A_508 = arith.constant 184 : i32
    %min3A_509 = arith.minsi %mul3A_507, %min3A_508 : i32
    %mul3A_510 = arith.constant 208 : i32
    %mul3A_511 = arith.muli %rem3A_376, %mul3A_510 : i32
    %add3A_512 = arith.addi %mul3A_511, %min3A_509 : i32
    %get3A_513 = arith.index_cast %add3A_512 : i32 to index
    %get3A_514 = tpu.vector_load %arg10[%get3A_513] {strides = array<i32>} : memref<624xi32, #tpu.memory_space<vmem>>, vector<16xi32>,
    %max3A_515 = arith.maxsi %max3A_504, %get3A_514 : vector<16xi32>
    %scan3A_516 = arith.constant 10 : i32
    %mul3A_517 = arith.constant 16 : i32
    %mul3A_518 = arith.muli %scan3A_516, %mul3A_517 : i32
    %min3A_519 = arith.constant 184 : i32
    %min3A_520 = arith.minsi %mul3A_518, %min3A_519 : i32
    %mul3A_521 = arith.constant 208 : i32
    %mul3A_522 = arith.muli %rem3A_376, %mul3A_521 : i32
    %add3A_523 = arith.addi %mul3A_522, %min3A_520 : i32
    %get3A_524 = arith.index_cast %add3A_523 : i32 to index
    %get3A_525 = tpu.vector_load %arg10[%get3A_524] {strides = array<i32>} : memref<624xi32, #tpu.memory_space<vmem>>, vector<16xi32>,
    %max3A_526 = arith.maxsi %max3A_515, %get3A_525 : vector<16xi32>
    %scan3A_527 = arith.constant 11 : i32
    %mul3A_528 = arith.constant 16 : i32
    %mul3A_529 = arith.muli %scan3A_527, %mul3A_528 : i32
    %min3A_530 = arith.constant 184 : i32
    %min3A_531 = arith.minsi %mul3A_529, %min3A_530 : i32
    %mul3A_532 = arith.constant 208 : i32
    %mul3A_533 = arith.muli %rem3A_376, %mul3A_532 : i32
    %add3A_534 = arith.addi %mul3A_533, %min3A_531 : i32
    %get3A_535 = arith.index_cast %add3A_534 : i32 to index
    %get3A_536 = tpu.vector_load %arg10[%get3A_535] {strides = array<i32>} : memref<624xi32, #tpu.memory_space<vmem>>, vector<16xi32>,
    %max3A_537 = arith.maxsi %max3A_526, %get3A_536 : vector<16xi32>
    %scan3A_538 = arith.constant 12 : i32
    %mul3A_539 = arith.constant 16 : i32
    %mul3A_540 = arith.muli %scan3A_538, %mul3A_539 : i32
    %min3A_541 = arith.constant 184 : i32
    %min3A_542 = arith.minsi %mul3A_540, %min3A_541 : i32
    %mul3A_543 = arith.constant 208 : i32
    %mul3A_544 = arith.muli %rem3A_376, %mul3A_543 : i32
    %add3A_545 = arith.addi %mul3A_544, %min3A_542 : i32
    %get3A_546 = arith.index_cast %add3A_545 : i32 to index
    %get3A_547 = tpu.vector_load %arg10[%get3A_546] {strides = array<i32>} : memref<624xi32, #tpu.memory_space<vmem>>, vector<16xi32>,
    %max3A_548 = arith.maxsi %max3A_537, %get3A_547 : vector<16xi32>
    %scan3A_549 = arith.constant 13 : i32
    %reduce_max3A_550 = arith.constant true
    %reduce_max3A_551 = vector.broadcast %reduce_max3A_550 : i1 to vector<16xi1>
    %reduce_max3A_552 = arith.constant -2147483648 : i32
    %reduce_max3A_553 = vector.broadcast %reduce_max3A_552 : i32 to vector<16xi32>
    %reduce_max3A_554 = arith.xori %max3A_548, %reduce_max3A_553 : vector<16xi32>
    %reduce_max3A_555 = tpu.scan <max>, %reduce_max3A_554 masked %reduce_max3A_551 : vector<16xi32>, vector<16xi1> -> vector<16xi32>
    %reduce_max3A_556 = arith.xori %reduce_max3A_555, %reduce_max3A_553 : vector<16xi32>
    %reduce_max3A_557 = vector.extract %reduce_max3A_556[15] : i32 from vector<16xi32>
    %add3A_558 = arith.constant 1 : i32
    %add3A_559 = arith.addi %reduce_max3A_557, %add3A_558 : i32
    %mul3A_560 = arith.constant 208 : i32
    %mul3A_561 = arith.muli %rem3A_376, %mul3A_560 : i32
    %add3A_562 = arith.constant 208 : i32
    %add3A_563 = arith.addi %mul3A_561, %add3A_562 : i32
    %sub3A_564 = arith.constant 16 : i32
    %sub3A_565 = arith.subi %add3A_563, %sub3A_564 : i32
    %get3A_566 = arith.index_cast %sub3A_565 : i32 to index
    %get3A_567 = tpu.vector_load %arg10[%get3A_566] {strides = array<i32>} : memref<624xi32, #tpu.memory_space<vmem>>, vector<16xi32>,
    %lt3A_568 = arith.constant 8 : i32
    %lt3A_569 = vector.broadcast %lt3A_568 : i32 to vector<16xi32>
    %lt3A_570 = arith.cmpi slt, %iota3A, %lt3A_569 : vector<16xi32>
    %broadcast_in_dim3A_571 = arith.constant 0 : i32
    %broadcast_in_dim3A_572 = vector.broadcast %broadcast_in_dim3A_571 : i32 to vector<16xi32>
    %add3A_573 = vector.broadcast %add3A_559 : i32 to vector<16xi32>
    %add3A_574 = arith.addi %broadcast_in_dim3A_572, %add3A_573 : vector<16xi32>
    %select_n3A_575 = arith.select %lt3A_570, %get3A_567, %add3A_574 : vector<16xi1>, vector<16xi32>
    %mul3A_576 = arith.constant 208 : i32
    %mul3A_577 = arith.muli %rem3A_376, %mul3A_576 : i32
    %add3A_578 = arith.constant 208 : i32
    %add3A_579 = arith.addi %mul3A_577, %add3A_578 : i32
    %sub3A_580 = arith.constant 16 : i32
    %sub3A_581 = arith.subi %add3A_579, %sub3A_580 : i32
    %swap3A_582 = arith.index_cast %sub3A_581 : i32 to index
    %swap3A_583 = tpu.vector_load %arg10[%swap3A_582] {strides = array<i32>} : memref<624xi32, #tpu.memory_space<vmem>>, vector<16xi32>,
    tpu.vector_store %arg10[%swap3A_582], %select_n3A_575 {strides = array<i32>} : memref<624xi32, #tpu.memory_space<vmem>>, vector<16xi32>,
    %scan3A_584 = arith.constant 0 : i32
    %scan3A_585 = arith.constant 0 : i32
    %scan3A_586 = arith.constant 31 : i32
    %scan3A_587 = arith.addi %scan3A_585, %scan3A_586 : i32
    %scan3A_588 = arith.constant 1 : i32
    %scan3A_589 = scf.for %scan3A_838 = %scan3A_585 to %scan3A_587 step %scan3A_588 iter_args(%scan3A_839 = %scan3A_584) -> (i32)  : i32 {
      %add3A_840 = arith.constant 2 : i32
      %add3A_841 = arith.addi %scan3A_838, %add3A_840 : i32
      %lt3A_842 = arith.constant 32 : i32
      %lt3A_843 = arith.cmpi slt, %add3A_841, %lt3A_842 : i32
      %convert_element_type3A = arith.extui %lt3A_843 : i1 to i32
      %cond3A = arith.constant 0 : i32
      %cond3A_844 = arith.cmpi ne, %convert_element_type3A, %cond3A : i32
      scf.if %cond3A_844 {
        %add3A_1119 = arith.constant 2 : i32
        %add3A_1120 = arith.addi %scan3A_838, %add3A_1119 : i32
        %rem3A_1121 = arith.constant 3 : i32
        %rem3A_1122 = arith.remsi %add3A_1120, %rem3A_1121 : i32
        %add3A_1123 = arith.addi %mul3A_2, %add3A_1120 : i32
        %mul3A_1124 = arith.constant 3200 : i32
        %mul3A_1125 = arith.muli %rem3A_1122, %mul3A_1124 : i32
        %mul3A_1126 = arith.constant 200 : i32
        %mul3A_1127 = arith.muli %add3A_1123, %mul3A_1126 : i32
        %mul3A_1128 = arith.constant 208 : i32
        %mul3A_1129 = arith.muli %rem3A_1122, %mul3A_1128 : i32
        %dma_start3A_1130 = tpu.memref_slice %arg8[%mul3A_1125] : memref<9600xf32, #tpu.memory_space<vmem>> -> memref<3200xf32, #tpu.memory_space<vmem>>
        %dma_start3A_1131 = arith.constant 0 : i32
        %dma_start3A_1132 = tpu.memref_slice %arg2[%add3A_1123, %dma_start3A_1131] : memref<1024x3200xf32, #tpu.memory_space<hbm>> -> memref<1x3200xf32, #tpu.memory_space<hbm>>
        %dma_start3A_1133 = tpu.memref_squeeze %dma_start3A_1132 : memref<1x3200xf32, #tpu.memory_space<hbm>> -> memref<3200xf32, #tpu.memory_space<hbm>>
        %dma_start3A_1134 = tpu.memref_slice %arg14[%rem3A_1122] : memref<3x!tpu.dma_semaphore, #tpu.memory_space<semaphore_mem>> -> memref<1x!tpu.dma_semaphore, #tpu.memory_space<semaphore_mem>>
        %dma_start3A_1135 = tpu.memref_squeeze %dma_start3A_1134 : memref<1x!tpu.dma_semaphore, #tpu.memory_space<semaphore_mem>> -> memref<!tpu.dma_semaphore, #tpu.memory_space<semaphore_mem>>
        %dma_start3A_1136 = tpu.memref_slice %arg8[%mul3A_1125] : memref<9600xf32, #tpu.memory_space<vmem>> -> memref<3200xf32, #tpu.memory_space<vmem>>
        %dma_start3A_1137 = arith.constant 0 : i32
        %dma_start3A_1138 = tpu.memref_slice %arg2[%add3A_1123, %dma_start3A_1137] : memref<1024x3200xf32, #tpu.memory_space<hbm>> -> memref<1x3200xf32, #tpu.memory_space<hbm>>
        %dma_start3A_1139 = tpu.memref_squeeze %dma_start3A_1138 : memref<1x3200xf32, #tpu.memory_space<hbm>> -> memref<3200xf32, #tpu.memory_space<hbm>>
        tpu.enqueue_dma source(%dma_start3A_1139 : memref<3200xf32, #tpu.memory_space<hbm>>) target(%dma_start3A_1136 : memref<3200xf32, #tpu.memory_space<vmem>>) target_semaphore(%dma_start3A_1135 : memref<!tpu.dma_semaphore, #tpu.memory_space<semaphore_mem>>)
        %dma_start3A_1140 = tpu.memref_slice %arg10[%mul3A_1129] : memref<624xi32, #tpu.memory_space<vmem>> -> memref<200xi32, #tpu.memory_space<vmem>>
        %dma_start3A_1141 = tpu.memref_slice %arg3[%mul3A_1127] : memref<204800xi32, #tpu.memory_space<hbm>> -> memref<200xi32, #tpu.memory_space<hbm>>
        %dma_start3A_1142 = tpu.memref_slice %arg14[%rem3A_1122] : memref<3x!tpu.dma_semaphore, #tpu.memory_space<semaphore_mem>> -> memref<1x!tpu.dma_semaphore, #tpu.memory_space<semaphore_mem>>
        %dma_start3A_1143 = tpu.memref_squeeze %dma_start3A_1142 : memref<1x!tpu.dma_semaphore, #tpu.memory_space<semaphore_mem>> -> memref<!tpu.dma_semaphore, #tpu.memory_space<semaphore_mem>>
        %dma_start3A_1144 = tpu.memref_slice %arg10[%mul3A_1129] : memref<624xi32, #tpu.memory_space<vmem>> -> memref<200xi32, #tpu.memory_space<vmem>>
        %dma_start3A_1145 = tpu.memref_slice %arg3[%mul3A_1127] : memref<204800xi32, #tpu.memory_space<hbm>> -> memref<200xi32, #tpu.memory_space<hbm>>
        tpu.enqueue_dma source(%dma_start3A_1145 : memref<200xi32, #tpu.memory_space<hbm>>) target(%dma_start3A_1144 : memref<200xi32, #tpu.memory_space<vmem>>) target_semaphore(%dma_start3A_1143 : memref<!tpu.dma_semaphore, #tpu.memory_space<semaphore_mem>>)
      } else {
      }
      %add3A_845 = arith.constant 1 : i32
      %add3A_846 = arith.addi %scan3A_838, %add3A_845 : i32
      %and3A_847 = arith.constant 1 : i32
      %and3A_848 = arith.andi %add3A_846, %and3A_847 : i32
      %rem3A_849 = arith.constant 3 : i32
      %rem3A_850 = arith.remsi %add3A_846, %rem3A_849 : i32
      %mul3A_851 = arith.constant 208 : i32
      %mul3A_852 = arith.muli %rem3A_850, %mul3A_851 : i32
      %add3A_853 = arith.constant 0 : i32
      %add3A_854 = arith.addi %mul3A_852, %add3A_853 : i32
      %mul3A_855 = arith.constant 208 : i32
      %mul3A_856 = arith.muli %rem3A_850, %mul3A_855 : i32
      %add3A_857 = arith.constant 104 : i32
      %add3A_858 = arith.addi %mul3A_856, %add3A_857 : i32
      %dma_start3A_859 = arith.constant 0 : i32
      %dma_start3A_860 = arith.constant 0 : i32
      %dma_start3A_861 = tpu.memref_slice %arg11[%and3A_848, %dma_start3A_859, %dma_start3A_860] : memref<2x208x128xf32, #tpu.memory_space<vmem>> -> memref<1x104x128xf32, #tpu.memory_space<vmem>>
      %dma_start3A_862 = tpu.memref_squeeze %dma_start3A_861 : memref<1x104x128xf32, #tpu.memory_space<vmem>> -> memref<104x128xf32, #tpu.memory_space<vmem>>
      %dma_start3A_863 = tpu.memref_slice %arg9[%add3A_854] : memref<624xi32, #tpu.memory_space<vmem>> -> memref<104xi32, #tpu.memory_space<vmem>>
      %dma_start3A_864 = arith.constant 0 : i32
      %dma_start3A_865 = arith.constant 0 : i32
      %dma_start3A_866 = tpu.memref_slice %arg4[%dma_start3A_864, %dma_start3A_865] : memref<65536x128xf32, #tpu.memory_space<hbm>> -> memref<65536x128xf32, #tpu.memory_space<hbm>>
      %dma_start3A_867 = tpu.memref_slice %arg15[%and3A_848] : memref<2x!tpu.dma_semaphore, #tpu.memory_space<semaphore_mem>> -> memref<1x!tpu.dma_semaphore, #tpu.memory_space<semaphore_mem>>
      %dma_start3A_868 = tpu.memref_squeeze %dma_start3A_867 : memref<1x!tpu.dma_semaphore, #tpu.memory_space<semaphore_mem>> -> memref<!tpu.dma_semaphore, #tpu.memory_space<semaphore_mem>>
      tpu.enqueue_indirect_dma source(%dma_start3A_866 : memref<65536x128xf32, #tpu.memory_space<hbm>>) target(%dma_start3A_862 : memref<104x128xf32, #tpu.memory_space<vmem>>) offsets(%dma_start3A_863 : memref<104xi32, #tpu.memory_space<vmem>>) semaphore(%dma_start3A_868 : memref<!tpu.dma_semaphore, #tpu.memory_space<semaphore_mem>>)
      %dma_start3A_869 = arith.constant 104 : i32
      %dma_start3A_870 = arith.constant 0 : i32
      %dma_start3A_871 = tpu.memref_slice %arg11[%and3A_848, %dma_start3A_869, %dma_start3A_870] : memref<2x208x128xf32, #tpu.memory_space<vmem>> -> memref<1x104x128xf32, #tpu.memory_space<vmem>>
      %dma_start3A_872 = tpu.memref_squeeze %dma_start3A_871 : memref<1x104x128xf32, #tpu.memory_space<vmem>> -> memref<104x128xf32, #tpu.memory_space<vmem>>
      %dma_start3A_873 = tpu.memref_slice %arg9[%add3A_858] : memref<624xi32, #tpu.memory_space<vmem>> -> memref<104xi32, #tpu.memory_space<vmem>>
      %dma_start3A_874 = arith.constant 0 : i32
      %dma_start3A_875 = arith.constant 0 : i32
      %dma_start3A_876 = tpu.memref_slice %arg4[%dma_start3A_874, %dma_start3A_875] : memref<65536x128xf32, #tpu.memory_space<hbm>> -> memref<65536x128xf32, #tpu.memory_space<hbm>>
      %dma_start3A_877 = tpu.memref_slice %arg15[%and3A_848] : memref<2x!tpu.dma_semaphore, #tpu.memory_space<semaphore_mem>> -> memref<1x!tpu.dma_semaphore, #tpu.memory_space<semaphore_mem>>
      %dma_start3A_878 = tpu.memref_squeeze %dma_start3A_877 : memref<1x!tpu.dma_semaphore, #tpu.memory_space<semaphore_mem>> -> memref<!tpu.dma_semaphore, #tpu.memory_space<semaphore_mem>>
      tpu.enqueue_indirect_dma source(%dma_start3A_876 : memref<65536x128xf32, #tpu.memory_space<hbm>>) target(%dma_start3A_872 : memref<104x128xf32, #tpu.memory_space<vmem>>) offsets(%dma_start3A_873 : memref<104xi32, #tpu.memory_space<vmem>>) semaphore(%dma_start3A_878 : memref<!tpu.dma_semaphore, #tpu.memory_space<semaphore_mem>>)
      %ge3A = arith.constant 1 : i32
      %ge3A_879 = arith.cmpi sge, %scan3A_838, %ge3A : i32
      %convert_element_type3A_880 = arith.extui %ge3A_879 : i1 to i32
      %cond3A_881 = arith.constant 0 : i32
      %cond3A_882 = arith.cmpi ne, %convert_element_type3A_880, %cond3A_881 : i32
      scf.if %cond3A_882 {
        %sub3A_1119 = arith.constant 1 : i32
        %sub3A_1120 = arith.subi %scan3A_838, %sub3A_1119 : i32
        %and3A_1121 = arith.constant 1 : i32
        %and3A_1122 = arith.andi %sub3A_1120, %and3A_1121 : i32
        %add3A_1123 = arith.addi %mul3A_2, %sub3A_1120 : i32
        %dma_wait3A_1124 = arith.constant 0 : i32
        %dma_wait3A_1125 = arith.constant 0 : i32
        %dma_wait3A_1126 = tpu.memref_slice %arg12[%and3A_1122, %dma_wait3A_1124, %dma_wait3A_1125] : memref<2x208x128xf32, #tpu.memory_space<vmem>> -> memref<1x201x128xf32, #tpu.memory_space<vmem>>
        %dma_wait3A_1127 = tpu.memref_squeeze %dma_wait3A_1126 : memref<1x201x128xf32, #tpu.memory_space<vmem>> -> memref<201x128xf32, #tpu.memory_space<vmem>>
        %dma_wait3A_1128 = arith.constant 0 : i32
        %dma_wait3A_1129 = arith.constant 0 : i32
        %dma_wait3A_1130 = tpu.memref_slice %arg7[%add3A_1123, %dma_wait3A_1128, %dma_wait3A_1129] : memref<1024x201x128xf32, #tpu.memory_space<hbm>> -> memref<1x201x128xf32, #tpu.memory_space<hbm>>
        %dma_wait3A_1131 = tpu.memref_squeeze %dma_wait3A_1130 : memref<1x201x128xf32, #tpu.memory_space<hbm>> -> memref<201x128xf32, #tpu.memory_space<hbm>>
        %dma_wait3A_1132 = tpu.memref_slice %arg16[%and3A_1122] : memref<2x!tpu.dma_semaphore, #tpu.memory_space<semaphore_mem>> -> memref<1x!tpu.dma_semaphore, #tpu.memory_space<semaphore_mem>>
        %dma_wait3A_1133 = tpu.memref_squeeze %dma_wait3A_1132 : memref<1x!tpu.dma_semaphore, #tpu.memory_space<semaphore_mem>> -> memref<!tpu.dma_semaphore, #tpu.memory_space<semaphore_mem>>
        %dma_wait3A_1134 = arith.constant 0 : i32
        %dma_wait3A_1135 = arith.constant 0 : i32
        %dma_wait3A_1136 = tpu.memref_slice %arg7[%add3A_1123, %dma_wait3A_1134, %dma_wait3A_1135] : memref<1024x201x128xf32, #tpu.memory_space<hbm>> -> memref<1x201x128xf32, #tpu.memory_space<hbm>>
        %dma_wait3A_1137 = tpu.memref_squeeze %dma_wait3A_1136 : memref<1x201x128xf32, #tpu.memory_space<hbm>> -> memref<201x128xf32, #tpu.memory_space<hbm>>
        %dma_wait3A_1138 = arith.constant 0 : i32
        %dma_wait3A_1139 = arith.constant 0 : i32
        %dma_wait3A_1140 = tpu.memref_slice %arg12[%and3A_1122, %dma_wait3A_1138, %dma_wait3A_1139] : memref<2x208x128xf32, #tpu.memory_space<vmem>> -> memref<1x201x128xf32, #tpu.memory_space<vmem>>
        %dma_wait3A_1141 = tpu.memref_squeeze %dma_wait3A_1140 : memref<1x201x128xf32, #tpu.memory_space<vmem>> -> memref<201x128xf32, #tpu.memory_space<vmem>>
        tpu.wait_dma2 semaphore(%dma_wait3A_1133 : memref<!tpu.dma_semaphore, #tpu.memory_space<semaphore_mem>>) src(%dma_wait3A_1141 : memref<201x128xf32, #tpu.memory_space<vmem>>) dst(%dma_wait3A_1137 : memref<201x128xf32, #tpu.memory_space<hbm>>)
      } else {
      }
      %add3A_883 = arith.constant 1 : i32
      %add3A_884 = arith.addi %scan3A_838, %add3A_883 : i32
      %and3A_885 = arith.constant 1 : i32
      %and3A_886 = arith.andi %add3A_884, %and3A_885 : i32
      %rem3A_887 = arith.constant 3 : i32
      %rem3A_888 = arith.remsi %add3A_884, %rem3A_887 : i32
      %mul3A_889 = arith.constant 208 : i32
      %mul3A_890 = arith.muli %rem3A_888, %mul3A_889 : i32
      %add3A_891 = arith.constant 0 : i32
      %add3A_892 = arith.addi %mul3A_890, %add3A_891 : i32
      %mul3A_893 = arith.constant 208 : i32
      %mul3A_894 = arith.muli %rem3A_888, %mul3A_893 : i32
      %add3A_895 = arith.constant 104 : i32
      %add3A_896 = arith.addi %mul3A_894, %add3A_895 : i32
      %dma_start3A_897 = arith.constant 0 : i32
      %dma_start3A_898 = arith.constant 0 : i32
      %dma_start3A_899 = tpu.memref_slice %arg12[%and3A_886, %dma_start3A_897, %dma_start3A_898] : memref<2x208x128xf32, #tpu.memory_space<vmem>> -> memref<1x104x128xf32, #tpu.memory_space<vmem>>
      %dma_start3A_900 = tpu.memref_squeeze %dma_start3A_899 : memref<1x104x128xf32, #tpu.memory_space<vmem>> -> memref<104x128xf32, #tpu.memory_space<vmem>>
      %dma_start3A_901 = tpu.memref_slice %arg10[%add3A_892] : memref<624xi32, #tpu.memory_space<vmem>> -> memref<104xi32, #tpu.memory_space<vmem>>
      %dma_start3A_902 = arith.constant 0 : i32
      %dma_start3A_903 = arith.constant 0 : i32
      %dma_start3A_904 = tpu.memref_slice %arg5[%dma_start3A_902, %dma_start3A_903] : memref<65537x128xf32, #tpu.memory_space<hbm>> -> memref<65537x128xf32, #tpu.memory_space<hbm>>
      %dma_start3A_905 = tpu.memref_slice %arg15[%and3A_886] : memref<2x!tpu.dma_semaphore, #tpu.memory_space<semaphore_mem>> -> memref<1x!tpu.dma_semaphore, #tpu.memory_space<semaphore_mem>>
      %dma_start3A_906 = tpu.memref_squeeze %dma_start3A_905 : memref<1x!tpu.dma_semaphore, #tpu.memory_space<semaphore_mem>> -> memref<!tpu.dma_semaphore, #tpu.memory_space<semaphore_mem>>
      tpu.enqueue_indirect_dma source(%dma_start3A_904 : memref<65537x128xf32, #tpu.memory_space<hbm>>) target(%dma_start3A_900 : memref<104x128xf32, #tpu.memory_space<vmem>>) offsets(%dma_start3A_901 : memref<104xi32, #tpu.memory_space<vmem>>) semaphore(%dma_start3A_906 : memref<!tpu.dma_semaphore, #tpu.memory_space<semaphore_mem>>)
      %dma_start3A_907 = arith.constant 104 : i32
      %dma_start3A_908 = arith.constant 0 : i32
      %dma_start3A_909 = tpu.memref_slice %arg12[%and3A_886, %dma_start3A_907, %dma_start3A_908] : memref<2x208x128xf32, #tpu.memory_space<vmem>> -> memref<1x104x128xf32, #tpu.memory_space<vmem>>
      %dma_start3A_910 = tpu.memref_squeeze %dma_start3A_909 : memref<1x104x128xf32, #tpu.memory_space<vmem>> -> memref<104x128xf32, #tpu.memory_space<vmem>>
      %dma_start3A_911 = tpu.memref_slice %arg10[%add3A_896] : memref<624xi32, #tpu.memory_space<vmem>> -> memref<104xi32, #tpu.memory_space<vmem>>
      %dma_start3A_912 = arith.constant 0 : i32
      %dma_start3A_913 = arith.constant 0 : i32
      %dma_start3A_914 = tpu.memref_slice %arg5[%dma_start3A_912, %dma_start3A_913] : memref<65537x128xf32, #tpu.memory_space<hbm>> -> memref<65537x128xf32, #tpu.memory_space<hbm>>
      %dma_start3A_915 = tpu.memref_slice %arg15[%and3A_886] : memref<2x!tpu.dma_semaphore, #tpu.memory_space<semaphore_mem>> -> memref<1x!tpu.dma_semaphore, #tpu.memory_space<semaphore_mem>>
      %dma_start3A_916 = tpu.memref_squeeze %dma_start3A_915 : memref<1x!tpu.dma_semaphore, #tpu.memory_space<semaphore_mem>> -> memref<!tpu.dma_semaphore, #tpu.memory_space<semaphore_mem>>
      tpu.enqueue_indirect_dma source(%dma_start3A_914 : memref<65537x128xf32, #tpu.memory_space<hbm>>) target(%dma_start3A_910 : memref<104x128xf32, #tpu.memory_space<vmem>>) offsets(%dma_start3A_911 : memref<104xi32, #tpu.memory_space<vmem>>) semaphore(%dma_start3A_916 : memref<!tpu.dma_semaphore, #tpu.memory_space<semaphore_mem>>)
      %and3A_917 = arith.constant 1 : i32
      %and3A_918 = arith.andi %scan3A_838, %and3A_917 : i32
      %rem3A_919 = arith.constant 3 : i32
      %rem3A_920 = arith.remsi %scan3A_838, %rem3A_919 : i32
      %mul3A_921 = arith.constant 208 : i32
      %mul3A_922 = arith.muli %rem3A_920, %mul3A_921 : i32
      %add3A_923 = arith.constant 0 : i32
      %add3A_924 = arith.addi %mul3A_922, %add3A_923 : i32
      %mul3A_925 = arith.constant 208 : i32
      %mul3A_926 = arith.muli %rem3A_920, %mul3A_925 : i32
      %add3A_927 = arith.constant 104 : i32
      %add3A_928 = arith.addi %mul3A_926, %add3A_927 : i32
      %and3A_929 = arith.constant 1 : i32
      %and3A_930 = arith.andi %scan3A_838, %and3A_929 : i32
      %rem3A_931 = arith.constant 3 : i32
      %rem3A_932 = arith.remsi %scan3A_838, %rem3A_931 : i32
      %mul3A_933 = arith.constant 208 : i32
      %mul3A_934 = arith.muli %rem3A_932, %mul3A_933 : i32
      %add3A_935 = arith.constant 0 : i32
      %add3A_936 = arith.addi %mul3A_934, %add3A_935 : i32
      %mul3A_937 = arith.constant 208 : i32
      %mul3A_938 = arith.muli %rem3A_932, %mul3A_937 : i32
      %add3A_939 = arith.constant 104 : i32
      %add3A_940 = arith.addi %mul3A_938, %add3A_939 : i32
      %dma_wait3A_941 = arith.constant 0 : i32
      %dma_wait3A_942 = arith.constant 0 : i32
      %dma_wait3A_943 = tpu.memref_slice %arg11[%and3A_918, %dma_wait3A_941, %dma_wait3A_942] : memref<2x208x128xf32, #tpu.memory_space<vmem>> -> memref<1x104x128xf32, #tpu.memory_space<vmem>>
      %dma_wait3A_944 = tpu.memref_squeeze %dma_wait3A_943 : memref<1x104x128xf32, #tpu.memory_space<vmem>> -> memref<104x128xf32, #tpu.memory_space<vmem>>
      %dma_wait3A_945 = tpu.memref_slice %arg9[%add3A_924] : memref<624xi32, #tpu.memory_space<vmem>> -> memref<104xi32, #tpu.memory_space<vmem>>
      %dma_wait3A_946 = arith.constant 0 : i32
      %dma_wait3A_947 = arith.constant 0 : i32
      %dma_wait3A_948 = tpu.memref_slice %arg4[%dma_wait3A_946, %dma_wait3A_947] : memref<65536x128xf32, #tpu.memory_space<hbm>> -> memref<65536x128xf32, #tpu.memory_space<hbm>>
      %dma_wait3A_949 = tpu.memref_slice %arg15[%and3A_918] : memref<2x!tpu.dma_semaphore, #tpu.memory_space<semaphore_mem>> -> memref<1x!tpu.dma_semaphore, #tpu.memory_space<semaphore_mem>>
      %dma_wait3A_950 = tpu.memref_squeeze %dma_wait3A_949 : memref<1x!tpu.dma_semaphore, #tpu.memory_space<semaphore_mem>> -> memref<!tpu.dma_semaphore, #tpu.memory_space<semaphore_mem>>
      tpu.wait_indirect_dma semaphore(%dma_wait3A_950 : memref<!tpu.dma_semaphore, #tpu.memory_space<semaphore_mem>>) src(%dma_wait3A_948 : memref<65536x128xf32, #tpu.memory_space<hbm>>) dst(%dma_wait3A_944 : memref<104x128xf32, #tpu.memory_space<vmem>>)
      %dma_wait3A_951 = arith.constant 104 : i32
      %dma_wait3A_952 = arith.constant 0 : i32
      %dma_wait3A_953 = tpu.memref_slice %arg11[%and3A_918, %dma_wait3A_951, %dma_wait3A_952] : memref<2x208x128xf32, #tpu.memory_space<vmem>> -> memref<1x104x128xf32, #tpu.memory_space<vmem>>
      %dma_wait3A_954 = tpu.memref_squeeze %dma_wait3A_953 : memref<1x104x128xf32, #tpu.memory_space<vmem>> -> memref<104x128xf32, #tpu.memory_space<vmem>>
      %dma_wait3A_955 = tpu.memref_slice %arg9[%add3A_928] : memref<624xi32, #tpu.memory_space<vmem>> -> memref<104xi32, #tpu.memory_space<vmem>>
      %dma_wait3A_956 = arith.constant 0 : i32
      %dma_wait3A_957 = arith.constant 0 : i32
      %dma_wait3A_958 = tpu.memref_slice %arg4[%dma_wait3A_956, %dma_wait3A_957] : memref<65536x128xf32, #tpu.memory_space<hbm>> -> memref<65536x128xf32, #tpu.memory_space<hbm>>
      %dma_wait3A_959 = tpu.memref_slice %arg15[%and3A_918] : memref<2x!tpu.dma_semaphore, #tpu.memory_space<semaphore_mem>> -> memref<1x!tpu.dma_semaphore, #tpu.memory_space<semaphore_mem>>
      %dma_wait3A_960 = tpu.memref_squeeze %dma_wait3A_959 : memref<1x!tpu.dma_semaphore, #tpu.memory_space<semaphore_mem>> -> memref<!tpu.dma_semaphore, #tpu.memory_space<semaphore_mem>>
      tpu.wait_indirect_dma semaphore(%dma_wait3A_960 : memref<!tpu.dma_semaphore, #tpu.memory_space<semaphore_mem>>) src(%dma_wait3A_958 : memref<65536x128xf32, #tpu.memory_space<hbm>>) dst(%dma_wait3A_954 : memref<104x128xf32, #tpu.memory_space<vmem>>)
      %dma_wait3A_961 = arith.constant 0 : i32
      %dma_wait3A_962 = arith.constant 0 : i32
      %dma_wait3A_963 = tpu.memref_slice %arg12[%and3A_930, %dma_wait3A_961, %dma_wait3A_962] : memref<2x208x128xf32, #tpu.memory_space<vmem>> -> memref<1x104x128xf32, #tpu.memory_space<vmem>>
      %dma_wait3A_964 = tpu.memref_squeeze %dma_wait3A_963 : memref<1x104x128xf32, #tpu.memory_space<vmem>> -> memref<104x128xf32, #tpu.memory_space<vmem>>
      %dma_wait3A_965 = tpu.memref_slice %arg10[%add3A_936] : memref<624xi32, #tpu.memory_space<vmem>> -> memref<104xi32, #tpu.memory_space<vmem>>
      %dma_wait3A_966 = arith.constant 0 : i32
      %dma_wait3A_967 = arith.constant 0 : i32
      %dma_wait3A_968 = tpu.memref_slice %arg5[%dma_wait3A_966, %dma_wait3A_967] : memref<65537x128xf32, #tpu.memory_space<hbm>> -> memref<65537x128xf32, #tpu.memory_space<hbm>>
      %dma_wait3A_969 = tpu.memref_slice %arg15[%and3A_930] : memref<2x!tpu.dma_semaphore, #tpu.memory_space<semaphore_mem>> -> memref<1x!tpu.dma_semaphore, #tpu.memory_space<semaphore_mem>>
      %dma_wait3A_970 = tpu.memref_squeeze %dma_wait3A_969 : memref<1x!tpu.dma_semaphore, #tpu.memory_space<semaphore_mem>> -> memref<!tpu.dma_semaphore, #tpu.memory_space<semaphore_mem>>
      tpu.wait_indirect_dma semaphore(%dma_wait3A_970 : memref<!tpu.dma_semaphore, #tpu.memory_space<semaphore_mem>>) src(%dma_wait3A_968 : memref<65537x128xf32, #tpu.memory_space<hbm>>) dst(%dma_wait3A_964 : memref<104x128xf32, #tpu.memory_space<vmem>>)
      %dma_wait3A_971 = arith.constant 104 : i32
      %dma_wait3A_972 = arith.constant 0 : i32
      %dma_wait3A_973 = tpu.memref_slice %arg12[%and3A_930, %dma_wait3A_971, %dma_wait3A_972] : memref<2x208x128xf32, #tpu.memory_space<vmem>> -> memref<1x104x128xf32, #tpu.memory_space<vmem>>
      %dma_wait3A_974 = tpu.memref_squeeze %dma_wait3A_973 : memref<1x104x128xf32, #tpu.memory_space<vmem>> -> memref<104x128xf32, #tpu.memory_space<vmem>>
      %dma_wait3A_975 = tpu.memref_slice %arg10[%add3A_940] : memref<624xi32, #tpu.memory_space<vmem>> -> memref<104xi32, #tpu.memory_space<vmem>>
      %dma_wait3A_976 = arith.constant 0 : i32
      %dma_wait3A_977 = arith.constant 0 : i32
      %dma_wait3A_978 = tpu.memref_slice %arg5[%dma_wait3A_976, %dma_wait3A_977] : memref<65537x128xf32, #tpu.memory_space<hbm>> -> memref<65537x128xf32, #tpu.memory_space<hbm>>
      %dma_wait3A_979 = tpu.memref_slice %arg15[%and3A_930] : memref<2x!tpu.dma_semaphore, #tpu.memory_space<semaphore_mem>> -> memref<1x!tpu.dma_semaphore, #tpu.memory_space<semaphore_mem>>
      %dma_wait3A_980 = tpu.memref_squeeze %dma_wait3A_979 : memref<1x!tpu.dma_semaphore, #tpu.memory_space<semaphore_mem>> -> memref<!tpu.dma_semaphore, #tpu.memory_space<semaphore_mem>>
      tpu.wait_indirect_dma semaphore(%dma_wait3A_980 : memref<!tpu.dma_semaphore, #tpu.memory_space<semaphore_mem>>) src(%dma_wait3A_978 : memref<65537x128xf32, #tpu.memory_space<hbm>>) dst(%dma_wait3A_974 : memref<104x128xf32, #tpu.memory_space<vmem>>)
      %and3A_981 = arith.constant 1 : i32
      %and3A_982 = arith.andi %scan3A_838, %and3A_981 : i32
      %get3A_983 = arith.constant 0 : i32
      %get3A_984 = arith.index_cast %and3A_982 : i32 to index
      %get3A_985 = arith.index_cast %get3A_983 : i32 to index
      %get3A_986 = arith.constant 0 : index
      %get3A_987 = tpu.vector_load %arg12[%get3A_984, %get3A_985, %get3A_986] {strides = array<i32>} : memref<2x208x128xf32, #tpu.memory_space<vmem>>, vector<16xf32>,
      %get3A_988 = arith.constant 0 : index
      %get3A_989 = tpu.vector_load %arg13[%get3A_988] {strides = array<i32>} : memref<128xf32, #tpu.memory_space<vmem>>, vector<16xf32>,
      %add3A_990 = arith.addf %get3A_987, %get3A_989 : vector<16xf32>
      %swap3A_991 = arith.constant 0 : i32
      %swap3A_992 = arith.index_cast %and3A_982 : i32 to index
      %swap3A_993 = arith.index_cast %swap3A_991 : i32 to index
      %swap3A_994 = arith.constant 0 : index
      %swap3A_995 = tpu.vector_load %arg12[%swap3A_992, %swap3A_993, %swap3A_994] {strides = array<i32>} : memref<2x208x128xf32, #tpu.memory_space<vmem>>, vector<16xf32>,
      tpu.vector_store %arg12[%swap3A_992, %swap3A_993, %swap3A_994], %add3A_990 {strides = array<i32>} : memref<2x208x128xf32, #tpu.memory_space<vmem>>, vector<16xf32>,
      %get3A_996 = arith.constant 0 : i32
      %get3A_997 = arith.index_cast %and3A_982 : i32 to index
      %get3A_998 = arith.index_cast %get3A_996 : i32 to index
      %get3A_999 = arith.constant 16 : index
      %get3A_1000 = tpu.vector_load %arg12[%get3A_997, %get3A_998, %get3A_999] {strides = array<i32>} : memref<2x208x128xf32, #tpu.memory_space<vmem>>, vector<16xf32>,
      %get3A_1001 = arith.constant 16 : index
      %get3A_1002 = tpu.vector_load %arg13[%get3A_1001] {strides = array<i32>} : memref<128xf32, #tpu.memory_space<vmem>>, vector<16xf32>,
      %add3A_1003 = arith.addf %get3A_1000, %get3A_1002 : vector<16xf32>
      %swap3A_1004 = arith.constant 0 : i32
      %swap3A_1005 = arith.index_cast %and3A_982 : i32 to index
      %swap3A_1006 = arith.index_cast %swap3A_1004 : i32 to index
      %swap3A_1007 = arith.constant 16 : index
      %swap3A_1008 = tpu.vector_load %arg12[%swap3A_1005, %swap3A_1006, %swap3A_1007] {strides = array<i32>} : memref<2x208x128xf32, #tpu.memory_space<vmem>>, vector<16xf32>,
      tpu.vector_store %arg12[%swap3A_1005, %swap3A_1006, %swap3A_1007], %add3A_1003 {strides = array<i32>} : memref<2x208x128xf32, #tpu.memory_space<vmem>>, vector<16xf32>,
      %get3A_1009 = arith.constant 0 : i32
      %get3A_1010 = arith.index_cast %and3A_982 : i32 to index
      %get3A_1011 = arith.index_cast %get3A_1009 : i32 to index
      %get3A_1012 = arith.constant 32 : index
      %get3A_1013 = tpu.vector_load %arg12[%get3A_1010, %get3A_1011, %get3A_1012] {strides = array<i32>} : memref<2x208x128xf32, #tpu.memory_space<vmem>>, vector<16xf32>,
      %get3A_1014 = arith.constant 32 : index
      %get3A_1015 = tpu.vector_load %arg13[%get3A_1014] {strides = array<i32>} : memref<128xf32, #tpu.memory_space<vmem>>, vector<16xf32>,
      %add3A_1016 = arith.addf %get3A_1013, %get3A_1015 : vector<16xf32>
      %swap3A_1017 = arith.constant 0 : i32
      %swap3A_1018 = arith.index_cast %and3A_982 : i32 to index
      %swap3A_1019 = arith.index_cast %swap3A_1017 : i32 to index
      %swap3A_1020 = arith.constant 32 : index
      %swap3A_1021 = tpu.vector_load %arg12[%swap3A_1018, %swap3A_1019, %swap3A_1020] {strides = array<i32>} : memref<2x208x128xf32, #tpu.memory_space<vmem>>, vector<16xf32>,
      tpu.vector_store %arg12[%swap3A_1018, %swap3A_1019, %swap3A_1020], %add3A_1016 {strides = array<i32>} : memref<2x208x128xf32, #tpu.memory_space<vmem>>, vector<16xf32>,
      %get3A_1022 = arith.constant 0 : i32
      %get3A_1023 = arith.index_cast %and3A_982 : i32 to index
      %get3A_1024 = arith.index_cast %get3A_1022 : i32 to index
      %get3A_1025 = arith.constant 48 : index
      %get3A_1026 = tpu.vector_load %arg12[%get3A_1023, %get3A_1024, %get3A_1025] {strides = array<i32>} : memref<2x208x128xf32, #tpu.memory_space<vmem>>, vector<16xf32>,
      %get3A_1027 = arith.constant 48 : index
      %get3A_1028 = tpu.vector_load %arg13[%get3A_1027] {strides = array<i32>} : memref<128xf32, #tpu.memory_space<vmem>>, vector<16xf32>,
      %add3A_1029 = arith.addf %get3A_1026, %get3A_1028 : vector<16xf32>
      %swap3A_1030 = arith.constant 0 : i32
      %swap3A_1031 = arith.index_cast %and3A_982 : i32 to index
      %swap3A_1032 = arith.index_cast %swap3A_1030 : i32 to index
      %swap3A_1033 = arith.constant 48 : index
      %swap3A_1034 = tpu.vector_load %arg12[%swap3A_1031, %swap3A_1032, %swap3A_1033] {strides = array<i32>} : memref<2x208x128xf32, #tpu.memory_space<vmem>>, vector<16xf32>,
      tpu.vector_store %arg12[%swap3A_1031, %swap3A_1032, %swap3A_1033], %add3A_1029 {strides = array<i32>} : memref<2x208x128xf32, #tpu.memory_space<vmem>>, vector<16xf32>,
      %get3A_1035 = arith.constant 0 : i32
      %get3A_1036 = arith.index_cast %and3A_982 : i32 to index
      %get3A_1037 = arith.index_cast %get3A_1035 : i32 to index
      %get3A_1038 = arith.constant 64 : index
      %get3A_1039 = tpu.vector_load %arg12[%get3A_1036, %get3A_1037, %get3A_1038] {strides = array<i32>} : memref<2x208x128xf32, #tpu.memory_space<vmem>>, vector<16xf32>,
      %get3A_1040 = arith.constant 64 : index
      %get3A_1041 = tpu.vector_load %arg13[%get3A_1040] {strides = array<i32>} : memref<128xf32, #tpu.memory_space<vmem>>, vector<16xf32>,
      %add3A_1042 = arith.addf %get3A_1039, %get3A_1041 : vector<16xf32>
      %swap3A_1043 = arith.constant 0 : i32
      %swap3A_1044 = arith.index_cast %and3A_982 : i32 to index
      %swap3A_1045 = arith.index_cast %swap3A_1043 : i32 to index
      %swap3A_1046 = arith.constant 64 : index
      %swap3A_1047 = tpu.vector_load %arg12[%swap3A_1044, %swap3A_1045, %swap3A_1046] {strides = array<i32>} : memref<2x208x128xf32, #tpu.memory_space<vmem>>, vector<16xf32>,
      tpu.vector_store %arg12[%swap3A_1044, %swap3A_1045, %swap3A_1046], %add3A_1042 {strides = array<i32>} : memref<2x208x128xf32, #tpu.memory_space<vmem>>, vector<16xf32>,
      %get3A_1048 = arith.constant 0 : i32
      %get3A_1049 = arith.index_cast %and3A_982 : i32 to index
      %get3A_1050 = arith.index_cast %get3A_1048 : i32 to index
      %get3A_1051 = arith.constant 80 : index
      %get3A_1052 = tpu.vector_load %arg12[%get3A_1049, %get3A_1050, %get3A_1051] {strides = array<i32>} : memref<2x208x128xf32, #tpu.memory_space<vmem>>, vector<16xf32>,
      %get3A_1053 = arith.constant 80 : index
      %get3A_1054 = tpu.vector_load %arg13[%get3A_1053] {strides = array<i32>} : memref<128xf32, #tpu.memory_space<vmem>>, vector<16xf32>,
      %add3A_1055 = arith.addf %get3A_1052, %get3A_1054 : vector<16xf32>
      %swap3A_1056 = arith.constant 0 : i32
      %swap3A_1057 = arith.index_cast %and3A_982 : i32 to index
      %swap3A_1058 = arith.index_cast %swap3A_1056 : i32 to index
      %swap3A_1059 = arith.constant 80 : index
      %swap3A_1060 = tpu.vector_load %arg12[%swap3A_1057, %swap3A_1058, %swap3A_1059] {strides = array<i32>} : memref<2x208x128xf32, #tpu.memory_space<vmem>>, vector<16xf32>,
      tpu.vector_store %arg12[%swap3A_1057, %swap3A_1058, %swap3A_1059], %add3A_1055 {strides = array<i32>} : memref<2x208x128xf32, #tpu.memory_space<vmem>>, vector<16xf32>,
      %get3A_1061 = arith.constant 0 : i32
      %get3A_1062 = arith.index_cast %and3A_982 : i32 to index
      %get3A_1063 = arith.index_cast %get3A_1061 : i32 to index
      %get3A_1064 = arith.constant 96 : index
      %get3A_1065 = tpu.vector_load %arg12[%get3A_1062, %get3A_1063, %get3A_1064] {strides = array<i32>} : memref<2x208x128xf32, #tpu.memory_space<vmem>>, vector<16xf32>,
      %get3A_1066 = arith.constant 96 : index
      %get3A_1067 = tpu.vector_load %arg13[%get3A_1066] {strides = array<i32>} : memref<128xf32, #tpu.memory_space<vmem>>, vector<16xf32>,
      %add3A_1068 = arith.addf %get3A_1065, %get3A_1067 : vector<16xf32>
      %swap3A_1069 = arith.constant 0 : i32
      %swap3A_1070 = arith.index_cast %and3A_982 : i32 to index
      %swap3A_1071 = arith.index_cast %swap3A_1069 : i32 to index
      %swap3A_1072 = arith.constant 96 : index
      %swap3A_1073 = tpu.vector_load %arg12[%swap3A_1070, %swap3A_1071, %swap3A_1072] {strides = array<i32>} : memref<2x208x128xf32, #tpu.memory_space<vmem>>, vector<16xf32>,
      tpu.vector_store %arg12[%swap3A_1070, %swap3A_1071, %swap3A_1072], %add3A_1068 {strides = array<i32>} : memref<2x208x128xf32, #tpu.memory_space<vmem>>, vector<16xf32>,
      %get3A_1074 = arith.constant 0 : i32
      %get3A_1075 = arith.index_cast %and3A_982 : i32 to index
      %get3A_1076 = arith.index_cast %get3A_1074 : i32 to index
      %get3A_1077 = arith.constant 112 : index
      %get3A_1078 = tpu.vector_load %arg12[%get3A_1075, %get3A_1076, %get3A_1077] {strides = array<i32>} : memref<2x208x128xf32, #tpu.memory_space<vmem>>, vector<16xf32>,
      %get3A_1079 = arith.constant 112 : index
      %get3A_1080 = tpu.vector_load %arg13[%get3A_1079] {strides = array<i32>} : memref<128xf32, #tpu.memory_space<vmem>>, vector<16xf32>,
      %add3A_1081 = arith.addf %get3A_1078, %get3A_1080 : vector<16xf32>
      %swap3A_1082 = arith.constant 0 : i32
      %swap3A_1083 = arith.index_cast %and3A_982 : i32 to index
      %swap3A_1084 = arith.index_cast %swap3A_1082 : i32 to index
      %swap3A_1085 = arith.constant 112 : index
      %swap3A_1086 = tpu.vector_load %arg12[%swap3A_1083, %swap3A_1084, %swap3A_1085] {strides = array<i32>} : memref<2x208x128xf32, #tpu.memory_space<vmem>>, vector<16xf32>,
      tpu.vector_store %arg12[%swap3A_1083, %swap3A_1084, %swap3A_1085], %add3A_1081 {strides = array<i32>} : memref<2x208x128xf32, #tpu.memory_space<vmem>>, vector<16xf32>,
      %parallel_loop3A_1087 = arith.constant 0 : i32
      %parallel_loop3A_1088 = arith.constant 200 : i32
      %parallel_loop3A_1089 = arith.constant 1 : i32
      scf.for %parallel_loop3A_1119 = %parallel_loop3A_1087 to %parallel_loop3A_1088 step %parallel_loop3A_1089  : i32 {
        %parallel_loop3A_1120 = arith.constant 0.000000e+00 : f32
        %parallel_loop3A_1121 = vector.broadcast %parallel_loop3A_1120 : f32 to vector<16xf32>
        %parallel_loop3A_1122 = arith.index_cast %and3A_982 : i32 to index
        %parallel_loop3A_1123 = arith.index_cast %parallel_loop3A_1119 : i32 to index
        %parallel_loop3A_1124 = arith.constant 0 : index
        %parallel_loop3A_1125 = tpu.vector_load %arg11[%parallel_loop3A_1122, %parallel_loop3A_1123, %parallel_loop3A_1124] {strides = array<i32>} : memref<2x208x128xf32, #tpu.memory_space<vmem>>, vector<16xf32>,
        %parallel_loop3A_1126 = arith.mulf %parallel_loop3A_1125, %parallel_loop3A_1125 : vector<16xf32>
        %parallel_loop3A_1127 = arith.addf %parallel_loop3A_1121, %parallel_loop3A_1126 : vector<16xf32>
        %parallel_loop3A_1128 = arith.index_cast %and3A_982 : i32 to index
        %parallel_loop3A_1129 = arith.index_cast %parallel_loop3A_1119 : i32 to index
        %parallel_loop3A_1130 = arith.constant 16 : index
        %parallel_loop3A_1131 = tpu.vector_load %arg11[%parallel_loop3A_1128, %parallel_loop3A_1129, %parallel_loop3A_1130] {strides = array<i32>} : memref<2x208x128xf32, #tpu.memory_space<vmem>>, vector<16xf32>,
        %parallel_loop3A_1132 = arith.mulf %parallel_loop3A_1131, %parallel_loop3A_1131 : vector<16xf32>
        %parallel_loop3A_1133 = arith.addf %parallel_loop3A_1127, %parallel_loop3A_1132 : vector<16xf32>
        %parallel_loop3A_1134 = arith.index_cast %and3A_982 : i32 to index
        %parallel_loop3A_1135 = arith.index_cast %parallel_loop3A_1119 : i32 to index
        %parallel_loop3A_1136 = arith.constant 32 : index
        %parallel_loop3A_1137 = tpu.vector_load %arg11[%parallel_loop3A_1134, %parallel_loop3A_1135, %parallel_loop3A_1136] {strides = array<i32>} : memref<2x208x128xf32, #tpu.memory_space<vmem>>, vector<16xf32>,
        %parallel_loop3A_1138 = arith.mulf %parallel_loop3A_1137, %parallel_loop3A_1137 : vector<16xf32>
        %parallel_loop3A_1139 = arith.addf %parallel_loop3A_1133, %parallel_loop3A_1138 : vector<16xf32>
        %parallel_loop3A_1140 = arith.index_cast %and3A_982 : i32 to index
        %parallel_loop3A_1141 = arith.index_cast %parallel_loop3A_1119 : i32 to index
        %parallel_loop3A_1142 = arith.constant 48 : index
        %parallel_loop3A_1143 = tpu.vector_load %arg11[%parallel_loop3A_1140, %parallel_loop3A_1141, %parallel_loop3A_1142] {strides = array<i32>} : memref<2x208x128xf32, #tpu.memory_space<vmem>>, vector<16xf32>,
        %parallel_loop3A_1144 = arith.mulf %parallel_loop3A_1143, %parallel_loop3A_1143 : vector<16xf32>
        %parallel_loop3A_1145 = arith.addf %parallel_loop3A_1139, %parallel_loop3A_1144 : vector<16xf32>
        %parallel_loop3A_1146 = arith.index_cast %and3A_982 : i32 to index
        %parallel_loop3A_1147 = arith.index_cast %parallel_loop3A_1119 : i32 to index
        %parallel_loop3A_1148 = arith.constant 64 : index
        %parallel_loop3A_1149 = tpu.vector_load %arg11[%parallel_loop3A_1146, %parallel_loop3A_1147, %parallel_loop3A_1148] {strides = array<i32>} : memref<2x208x128xf32, #tpu.memory_space<vmem>>, vector<16xf32>,
        %parallel_loop3A_1150 = arith.mulf %parallel_loop3A_1149, %parallel_loop3A_1149 : vector<16xf32>
        %parallel_loop3A_1151 = arith.addf %parallel_loop3A_1145, %parallel_loop3A_1150 : vector<16xf32>
        %parallel_loop3A_1152 = arith.index_cast %and3A_982 : i32 to index
        %parallel_loop3A_1153 = arith.index_cast %parallel_loop3A_1119 : i32 to index
        %parallel_loop3A_1154 = arith.constant 80 : index
        %parallel_loop3A_1155 = tpu.vector_load %arg11[%parallel_loop3A_1152, %parallel_loop3A_1153, %parallel_loop3A_1154] {strides = array<i32>} : memref<2x208x128xf32, #tpu.memory_space<vmem>>, vector<16xf32>,
        %parallel_loop3A_1156 = arith.mulf %parallel_loop3A_1155, %parallel_loop3A_1155 : vector<16xf32>
        %parallel_loop3A_1157 = arith.addf %parallel_loop3A_1151, %parallel_loop3A_1156 : vector<16xf32>
        %parallel_loop3A_1158 = arith.index_cast %and3A_982 : i32 to index
        %parallel_loop3A_1159 = arith.index_cast %parallel_loop3A_1119 : i32 to index
        %parallel_loop3A_1160 = arith.constant 96 : index
        %parallel_loop3A_1161 = tpu.vector_load %arg11[%parallel_loop3A_1158, %parallel_loop3A_1159, %parallel_loop3A_1160] {strides = array<i32>} : memref<2x208x128xf32, #tpu.memory_space<vmem>>, vector<16xf32>,
        %parallel_loop3A_1162 = arith.mulf %parallel_loop3A_1161, %parallel_loop3A_1161 : vector<16xf32>
        %parallel_loop3A_1163 = arith.addf %parallel_loop3A_1157, %parallel_loop3A_1162 : vector<16xf32>
        %parallel_loop3A_1164 = arith.index_cast %and3A_982 : i32 to index
        %parallel_loop3A_1165 = arith.index_cast %parallel_loop3A_1119 : i32 to index
        %parallel_loop3A_1166 = arith.constant 112 : index
        %parallel_loop3A_1167 = tpu.vector_load %arg11[%parallel_loop3A_1164, %parallel_loop3A_1165, %parallel_loop3A_1166] {strides = array<i32>} : memref<2x208x128xf32, #tpu.memory_space<vmem>>, vector<16xf32>,
        %parallel_loop3A_1168 = arith.mulf %parallel_loop3A_1167, %parallel_loop3A_1167 : vector<16xf32>
        %parallel_loop3A_1169 = arith.addf %parallel_loop3A_1163, %parallel_loop3A_1168 : vector<16xf32>
        %parallel_loop3A_1170 = arith.constant true
        %parallel_loop3A_1171 = vector.broadcast %parallel_loop3A_1170 : i1 to vector<16xi1>
        %parallel_loop3A_1172 = tpu.scan <sum>, %parallel_loop3A_1169 masked %parallel_loop3A_1171 : vector<16xf32>, vector<16xi1> -> vector<16xf32>
        %parallel_loop3A_1173 = vector.extract %parallel_loop3A_1172[15] : f32 from vector<16xf32>
        %parallel_loop3A_1174 = vector.broadcast %parallel_loop3A_1173 : f32 to vector<16xf32>
        %parallel_loop3A_1175 = tpu.bitcast %parallel_loop3A_1174 : vector<16xf32> -> vector<16xi32>
        %parallel_loop3A_1176 = arith.constant 1 : i32
        %parallel_loop3A_1177 = vector.broadcast %parallel_loop3A_1176 : i32 to vector<16xi32>
        %parallel_loop3A_1178 = arith.shrui %parallel_loop3A_1175, %parallel_loop3A_1177 : vector<16xi32>
        %parallel_loop3A_1179 = arith.constant 1597463007 : i32
        %parallel_loop3A_1180 = vector.broadcast %parallel_loop3A_1179 : i32 to vector<16xi32>
        %parallel_loop3A_1181 = arith.subi %parallel_loop3A_1180, %parallel_loop3A_1178 : vector<16xi32>
        %parallel_loop3A_1182 = tpu.bitcast %parallel_loop3A_1181 : vector<16xi32> -> vector<16xf32>
        %parallel_loop3A_1183 = arith.constant 5.000000e-01 : f32
        %parallel_loop3A_1184 = vector.broadcast %parallel_loop3A_1183 : f32 to vector<16xf32>
        %parallel_loop3A_1185 = arith.mulf %parallel_loop3A_1184, %parallel_loop3A_1174 : vector<16xf32>
        %parallel_loop3A_1186 = arith.mulf %parallel_loop3A_1185, %parallel_loop3A_1182 : vector<16xf32>
        %parallel_loop3A_1187 = arith.mulf %parallel_loop3A_1186, %parallel_loop3A_1182 : vector<16xf32>
        %parallel_loop3A_1188 = arith.constant 1.500000e+00 : f32
        %parallel_loop3A_1189 = vector.broadcast %parallel_loop3A_1188 : f32 to vector<16xf32>
        %parallel_loop3A_1190 = arith.subf %parallel_loop3A_1189, %parallel_loop3A_1187 : vector<16xf32>
        %parallel_loop3A_1191 = arith.mulf %parallel_loop3A_1182, %parallel_loop3A_1190 : vector<16xf32>
        %parallel_loop3A_1192 = arith.constant 5.000000e-01 : f32
        %parallel_loop3A_1193 = vector.broadcast %parallel_loop3A_1192 : f32 to vector<16xf32>
        %parallel_loop3A_1194 = arith.mulf %parallel_loop3A_1193, %parallel_loop3A_1174 : vector<16xf32>
        %parallel_loop3A_1195 = arith.mulf %parallel_loop3A_1194, %parallel_loop3A_1191 : vector<16xf32>
        %parallel_loop3A_1196 = arith.mulf %parallel_loop3A_1195, %parallel_loop3A_1191 : vector<16xf32>
        %parallel_loop3A_1197 = arith.constant 1.500000e+00 : f32
        %parallel_loop3A_1198 = vector.broadcast %parallel_loop3A_1197 : f32 to vector<16xf32>
        %parallel_loop3A_1199 = arith.subf %parallel_loop3A_1198, %parallel_loop3A_1196 : vector<16xf32>
        %parallel_loop3A_1200 = arith.mulf %parallel_loop3A_1191, %parallel_loop3A_1199 : vector<16xf32>
        %parallel_loop3A_1201 = arith.constant 5.000000e-01 : f32
        %parallel_loop3A_1202 = vector.broadcast %parallel_loop3A_1201 : f32 to vector<16xf32>
        %parallel_loop3A_1203 = arith.mulf %parallel_loop3A_1202, %parallel_loop3A_1174 : vector<16xf32>
        %parallel_loop3A_1204 = arith.mulf %parallel_loop3A_1203, %parallel_loop3A_1200 : vector<16xf32>
        %parallel_loop3A_1205 = arith.mulf %parallel_loop3A_1204, %parallel_loop3A_1200 : vector<16xf32>
        %parallel_loop3A_1206 = arith.constant 1.500000e+00 : f32
        %parallel_loop3A_1207 = vector.broadcast %parallel_loop3A_1206 : f32 to vector<16xf32>
        %parallel_loop3A_1208 = arith.subf %parallel_loop3A_1207, %parallel_loop3A_1205 : vector<16xf32>
        %parallel_loop3A_1209 = arith.mulf %parallel_loop3A_1200, %parallel_loop3A_1208 : vector<16xf32>
        %parallel_loop3A_1210 = arith.mulf %parallel_loop3A_1174, %parallel_loop3A_1209 : vector<16xf32>
        %parallel_loop3A_1211 = arith.constant 9.99999996E-13 : f32
        %parallel_loop3A_1212 = vector.broadcast %parallel_loop3A_1211 : f32 to vector<16xf32>
        %parallel_loop3A_1213 = arith.maximumf %parallel_loop3A_1210, %parallel_loop3A_1212 : vector<16xf32>
        %parallel_loop3A_1214 = arith.constant 1.000000e+00 : f32
        %parallel_loop3A_1215 = vector.broadcast %parallel_loop3A_1214 : f32 to vector<16xf32>
        %parallel_loop3A_1216 = arith.divf %parallel_loop3A_1215, %parallel_loop3A_1213 : vector<16xf32>
        %parallel_loop3A_1217 = arith.constant 1 : i32
        %parallel_loop3A_1218 = arith.addi %parallel_loop3A_1119, %parallel_loop3A_1217 : i32
        %parallel_loop3A_1219 = arith.index_cast %and3A_982 : i32 to index
        %parallel_loop3A_1220 = arith.index_cast %parallel_loop3A_1218 : i32 to index
        %parallel_loop3A_1221 = arith.constant 0 : index
        %parallel_loop3A_1222 = tpu.vector_load %arg12[%parallel_loop3A_1219, %parallel_loop3A_1220, %parallel_loop3A_1221] {strides = array<i32>} : memref<2x208x128xf32, #tpu.memory_space<vmem>>, vector<16xf32>,
        %parallel_loop3A_1223 = arith.mulf %parallel_loop3A_1125, %parallel_loop3A_1216 : vector<16xf32>
        %parallel_loop3A_1224 = arith.addf %parallel_loop3A_1222, %parallel_loop3A_1223 : vector<16xf32>
        %parallel_loop3A_1225 = arith.constant 1 : i32
        %parallel_loop3A_1226 = arith.addi %parallel_loop3A_1119, %parallel_loop3A_1225 : i32
        %parallel_loop3A_1227 = arith.index_cast %and3A_982 : i32 to index
        %parallel_loop3A_1228 = arith.index_cast %parallel_loop3A_1226 : i32 to index
        %parallel_loop3A_1229 = arith.constant 0 : index
        %parallel_loop3A_1230 = tpu.vector_load %arg12[%parallel_loop3A_1227, %parallel_loop3A_1228, %parallel_loop3A_1229] {strides = array<i32>} : memref<2x208x128xf32, #tpu.memory_space<vmem>>, vector<16xf32>,
        tpu.vector_store %arg12[%parallel_loop3A_1227, %parallel_loop3A_1228, %parallel_loop3A_1229], %parallel_loop3A_1224 {strides = array<i32>} : memref<2x208x128xf32, #tpu.memory_space<vmem>>, vector<16xf32>,
        %parallel_loop3A_1231 = arith.constant 1 : i32
        %parallel_loop3A_1232 = arith.addi %parallel_loop3A_1119, %parallel_loop3A_1231 : i32
        %parallel_loop3A_1233 = arith.index_cast %and3A_982 : i32 to index
        %parallel_loop3A_1234 = arith.index_cast %parallel_loop3A_1232 : i32 to index
        %parallel_loop3A_1235 = arith.constant 16 : index
        %parallel_loop3A_1236 = tpu.vector_load %arg12[%parallel_loop3A_1233, %parallel_loop3A_1234, %parallel_loop3A_1235] {strides = array<i32>} : memref<2x208x128xf32, #tpu.memory_space<vmem>>, vector<16xf32>,
        %parallel_loop3A_1237 = arith.mulf %parallel_loop3A_1131, %parallel_loop3A_1216 : vector<16xf32>
        %parallel_loop3A_1238 = arith.addf %parallel_loop3A_1236, %parallel_loop3A_1237 : vector<16xf32>
        %parallel_loop3A_1239 = arith.constant 1 : i32
        %parallel_loop3A_1240 = arith.addi %parallel_loop3A_1119, %parallel_loop3A_1239 : i32
        %parallel_loop3A_1241 = arith.index_cast %and3A_982 : i32 to index
        %parallel_loop3A_1242 = arith.index_cast %parallel_loop3A_1240 : i32 to index
        %parallel_loop3A_1243 = arith.constant 16 : index
        %parallel_loop3A_1244 = tpu.vector_load %arg12[%parallel_loop3A_1241, %parallel_loop3A_1242, %parallel_loop3A_1243] {strides = array<i32>} : memref<2x208x128xf32, #tpu.memory_space<vmem>>, vector<16xf32>,
        tpu.vector_store %arg12[%parallel_loop3A_1241, %parallel_loop3A_1242, %parallel_loop3A_1243], %parallel_loop3A_1238 {strides = array<i32>} : memref<2x208x128xf32, #tpu.memory_space<vmem>>, vector<16xf32>,
        %parallel_loop3A_1245 = arith.constant 1 : i32
        %parallel_loop3A_1246 = arith.addi %parallel_loop3A_1119, %parallel_loop3A_1245 : i32
        %parallel_loop3A_1247 = arith.index_cast %and3A_982 : i32 to index
        %parallel_loop3A_1248 = arith.index_cast %parallel_loop3A_1246 : i32 to index
        %parallel_loop3A_1249 = arith.constant 32 : index
        %parallel_loop3A_1250 = tpu.vector_load %arg12[%parallel_loop3A_1247, %parallel_loop3A_1248, %parallel_loop3A_1249] {strides = array<i32>} : memref<2x208x128xf32, #tpu.memory_space<vmem>>, vector<16xf32>,
        %parallel_loop3A_1251 = arith.mulf %parallel_loop3A_1137, %parallel_loop3A_1216 : vector<16xf32>
        %parallel_loop3A_1252 = arith.addf %parallel_loop3A_1250, %parallel_loop3A_1251 : vector<16xf32>
        %parallel_loop3A_1253 = arith.constant 1 : i32
        %parallel_loop3A_1254 = arith.addi %parallel_loop3A_1119, %parallel_loop3A_1253 : i32
        %parallel_loop3A_1255 = arith.index_cast %and3A_982 : i32 to index
        %parallel_loop3A_1256 = arith.index_cast %parallel_loop3A_1254 : i32 to index
        %parallel_loop3A_1257 = arith.constant 32 : index
        %parallel_loop3A_1258 = tpu.vector_load %arg12[%parallel_loop3A_1255, %parallel_loop3A_1256, %parallel_loop3A_1257] {strides = array<i32>} : memref<2x208x128xf32, #tpu.memory_space<vmem>>, vector<16xf32>,
        tpu.vector_store %arg12[%parallel_loop3A_1255, %parallel_loop3A_1256, %parallel_loop3A_1257], %parallel_loop3A_1252 {strides = array<i32>} : memref<2x208x128xf32, #tpu.memory_space<vmem>>, vector<16xf32>,
        %parallel_loop3A_1259 = arith.constant 1 : i32
        %parallel_loop3A_1260 = arith.addi %parallel_loop3A_1119, %parallel_loop3A_1259 : i32
        %parallel_loop3A_1261 = arith.index_cast %and3A_982 : i32 to index
        %parallel_loop3A_1262 = arith.index_cast %parallel_loop3A_1260 : i32 to index
        %parallel_loop3A_1263 = arith.constant 48 : index
        %parallel_loop3A_1264 = tpu.vector_load %arg12[%parallel_loop3A_1261, %parallel_loop3A_1262, %parallel_loop3A_1263] {strides = array<i32>} : memref<2x208x128xf32, #tpu.memory_space<vmem>>, vector<16xf32>,
        %parallel_loop3A_1265 = arith.mulf %parallel_loop3A_1143, %parallel_loop3A_1216 : vector<16xf32>
        %parallel_loop3A_1266 = arith.addf %parallel_loop3A_1264, %parallel_loop3A_1265 : vector<16xf32>
        %parallel_loop3A_1267 = arith.constant 1 : i32
        %parallel_loop3A_1268 = arith.addi %parallel_loop3A_1119, %parallel_loop3A_1267 : i32
        %parallel_loop3A_1269 = arith.index_cast %and3A_982 : i32 to index
        %parallel_loop3A_1270 = arith.index_cast %parallel_loop3A_1268 : i32 to index
        %parallel_loop3A_1271 = arith.constant 48 : index
        %parallel_loop3A_1272 = tpu.vector_load %arg12[%parallel_loop3A_1269, %parallel_loop3A_1270, %parallel_loop3A_1271] {strides = array<i32>} : memref<2x208x128xf32, #tpu.memory_space<vmem>>, vector<16xf32>,
        tpu.vector_store %arg12[%parallel_loop3A_1269, %parallel_loop3A_1270, %parallel_loop3A_1271], %parallel_loop3A_1266 {strides = array<i32>} : memref<2x208x128xf32, #tpu.memory_space<vmem>>, vector<16xf32>,
        %parallel_loop3A_1273 = arith.constant 1 : i32
        %parallel_loop3A_1274 = arith.addi %parallel_loop3A_1119, %parallel_loop3A_1273 : i32
        %parallel_loop3A_1275 = arith.index_cast %and3A_982 : i32 to index
        %parallel_loop3A_1276 = arith.index_cast %parallel_loop3A_1274 : i32 to index
        %parallel_loop3A_1277 = arith.constant 64 : index
        %parallel_loop3A_1278 = tpu.vector_load %arg12[%parallel_loop3A_1275, %parallel_loop3A_1276, %parallel_loop3A_1277] {strides = array<i32>} : memref<2x208x128xf32, #tpu.memory_space<vmem>>, vector<16xf32>,
        %parallel_loop3A_1279 = arith.mulf %parallel_loop3A_1149, %parallel_loop3A_1216 : vector<16xf32>
        %parallel_loop3A_1280 = arith.addf %parallel_loop3A_1278, %parallel_loop3A_1279 : vector<16xf32>
        %parallel_loop3A_1281 = arith.constant 1 : i32
        %parallel_loop3A_1282 = arith.addi %parallel_loop3A_1119, %parallel_loop3A_1281 : i32
        %parallel_loop3A_1283 = arith.index_cast %and3A_982 : i32 to index
        %parallel_loop3A_1284 = arith.index_cast %parallel_loop3A_1282 : i32 to index
        %parallel_loop3A_1285 = arith.constant 64 : index
        %parallel_loop3A_1286 = tpu.vector_load %arg12[%parallel_loop3A_1283, %parallel_loop3A_1284, %parallel_loop3A_1285] {strides = array<i32>} : memref<2x208x128xf32, #tpu.memory_space<vmem>>, vector<16xf32>,
        tpu.vector_store %arg12[%parallel_loop3A_1283, %parallel_loop3A_1284, %parallel_loop3A_1285], %parallel_loop3A_1280 {strides = array<i32>} : memref<2x208x128xf32, #tpu.memory_space<vmem>>, vector<16xf32>,
        %parallel_loop3A_1287 = arith.constant 1 : i32
        %parallel_loop3A_1288 = arith.addi %parallel_loop3A_1119, %parallel_loop3A_1287 : i32
        %parallel_loop3A_1289 = arith.index_cast %and3A_982 : i32 to index
        %parallel_loop3A_1290 = arith.index_cast %parallel_loop3A_1288 : i32 to index
        %parallel_loop3A_1291 = arith.constant 80 : index
        %parallel_loop3A_1292 = tpu.vector_load %arg12[%parallel_loop3A_1289, %parallel_loop3A_1290, %parallel_loop3A_1291] {strides = array<i32>} : memref<2x208x128xf32, #tpu.memory_space<vmem>>, vector<16xf32>,
        %parallel_loop3A_1293 = arith.mulf %parallel_loop3A_1155, %parallel_loop3A_1216 : vector<16xf32>
        %parallel_loop3A_1294 = arith.addf %parallel_loop3A_1292, %parallel_loop3A_1293 : vector<16xf32>
        %parallel_loop3A_1295 = arith.constant 1 : i32
        %parallel_loop3A_1296 = arith.addi %parallel_loop3A_1119, %parallel_loop3A_1295 : i32
        %parallel_loop3A_1297 = arith.index_cast %and3A_982 : i32 to index
        %parallel_loop3A_1298 = arith.index_cast %parallel_loop3A_1296 : i32 to index
        %parallel_loop3A_1299 = arith.constant 80 : index
        %parallel_loop3A_1300 = tpu.vector_load %arg12[%parallel_loop3A_1297, %parallel_loop3A_1298, %parallel_loop3A_1299] {strides = array<i32>} : memref<2x208x128xf32, #tpu.memory_space<vmem>>, vector<16xf32>,
        tpu.vector_store %arg12[%parallel_loop3A_1297, %parallel_loop3A_1298, %parallel_loop3A_1299], %parallel_loop3A_1294 {strides = array<i32>} : memref<2x208x128xf32, #tpu.memory_space<vmem>>, vector<16xf32>,
        %parallel_loop3A_1301 = arith.constant 1 : i32
        %parallel_loop3A_1302 = arith.addi %parallel_loop3A_1119, %parallel_loop3A_1301 : i32
        %parallel_loop3A_1303 = arith.index_cast %and3A_982 : i32 to index
        %parallel_loop3A_1304 = arith.index_cast %parallel_loop3A_1302 : i32 to index
        %parallel_loop3A_1305 = arith.constant 96 : index
        %parallel_loop3A_1306 = tpu.vector_load %arg12[%parallel_loop3A_1303, %parallel_loop3A_1304, %parallel_loop3A_1305] {strides = array<i32>} : memref<2x208x128xf32, #tpu.memory_space<vmem>>, vector<16xf32>,
        %parallel_loop3A_1307 = arith.mulf %parallel_loop3A_1161, %parallel_loop3A_1216 : vector<16xf32>
        %parallel_loop3A_1308 = arith.addf %parallel_loop3A_1306, %parallel_loop3A_1307 : vector<16xf32>
        %parallel_loop3A_1309 = arith.constant 1 : i32
        %parallel_loop3A_1310 = arith.addi %parallel_loop3A_1119, %parallel_loop3A_1309 : i32
        %parallel_loop3A_1311 = arith.index_cast %and3A_982 : i32 to index
        %parallel_loop3A_1312 = arith.index_cast %parallel_loop3A_1310 : i32 to index
        %parallel_loop3A_1313 = arith.constant 96 : index
        %parallel_loop3A_1314 = tpu.vector_load %arg12[%parallel_loop3A_1311, %parallel_loop3A_1312, %parallel_loop3A_1313] {strides = array<i32>} : memref<2x208x128xf32, #tpu.memory_space<vmem>>, vector<16xf32>,
        tpu.vector_store %arg12[%parallel_loop3A_1311, %parallel_loop3A_1312, %parallel_loop3A_1313], %parallel_loop3A_1308 {strides = array<i32>} : memref<2x208x128xf32, #tpu.memory_space<vmem>>, vector<16xf32>,
        %parallel_loop3A_1315 = arith.constant 1 : i32
        %parallel_loop3A_1316 = arith.addi %parallel_loop3A_1119, %parallel_loop3A_1315 : i32
        %parallel_loop3A_1317 = arith.index_cast %and3A_982 : i32 to index
        %parallel_loop3A_1318 = arith.index_cast %parallel_loop3A_1316 : i32 to index
        %parallel_loop3A_1319 = arith.constant 112 : index
        %parallel_loop3A_1320 = tpu.vector_load %arg12[%parallel_loop3A_1317, %parallel_loop3A_1318, %parallel_loop3A_1319] {strides = array<i32>} : memref<2x208x128xf32, #tpu.memory_space<vmem>>, vector<16xf32>,
        %parallel_loop3A_1321 = arith.mulf %parallel_loop3A_1167, %parallel_loop3A_1216 : vector<16xf32>
        %parallel_loop3A_1322 = arith.addf %parallel_loop3A_1320, %parallel_loop3A_1321 : vector<16xf32>
        %parallel_loop3A_1323 = arith.constant 1 : i32
        %parallel_loop3A_1324 = arith.addi %parallel_loop3A_1119, %parallel_loop3A_1323 : i32
        %parallel_loop3A_1325 = arith.index_cast %and3A_982 : i32 to index
        %parallel_loop3A_1326 = arith.index_cast %parallel_loop3A_1324 : i32 to index
        %parallel_loop3A_1327 = arith.constant 112 : index
        %parallel_loop3A_1328 = tpu.vector_load %arg12[%parallel_loop3A_1325, %parallel_loop3A_1326, %parallel_loop3A_1327] {strides = array<i32>} : memref<2x208x128xf32, #tpu.memory_space<vmem>>, vector<16xf32>,
        tpu.vector_store %arg12[%parallel_loop3A_1325, %parallel_loop3A_1326, %parallel_loop3A_1327], %parallel_loop3A_1322 {strides = array<i32>} : memref<2x208x128xf32, #tpu.memory_space<vmem>>, vector<16xf32>,
      } {sc.loop_unroll_factor = 2 : i64, sc.parallel_access}
      %and3A_1090 = arith.constant 1 : i32
      %and3A_1091 = arith.andi %scan3A_838, %and3A_1090 : i32
      %add3A_1092 = arith.addi %mul3A_2, %scan3A_838 : i32
      %dma_start3A_1093 = arith.constant 0 : i32
      %dma_start3A_1094 = arith.constant 0 : i32
      %dma_start3A_1095 = tpu.memref_slice %arg12[%and3A_1091, %dma_start3A_1093, %dma_start3A_1094] : memref<2x208x128xf32, #tpu.memory_space<vmem>> -> memref<1x201x128xf32, #tpu.memory_space<vmem>>
      %dma_start3A_1096 = tpu.memref_squeeze %dma_start3A_1095 : memref<1x201x128xf32, #tpu.memory_space<vmem>> -> memref<201x128xf32, #tpu.memory_space<vmem>>
      %dma_start3A_1097 = arith.constant 0 : i32
      %dma_start3A_1098 = arith.constant 0 : i32
      %dma_start3A_1099 = tpu.memref_slice %arg7[%add3A_1092, %dma_start3A_1097, %dma_start3A_1098] : memref<1024x201x128xf32, #tpu.memory_space<hbm>> -> memref<1x201x128xf32, #tpu.memory_space<hbm>>
      %dma_start3A_1100 = tpu.memref_squeeze %dma_start3A_1099 : memref<1x201x128xf32, #tpu.memory_space<hbm>> -> memref<201x128xf32, #tpu.memory_space<hbm>>
      %dma_start3A_1101 = tpu.memref_slice %arg16[%and3A_1091] : memref<2x!tpu.dma_semaphore, #tpu.memory_space<semaphore_mem>> -> memref<1x!tpu.dma_semaphore, #tpu.memory_space<semaphore_mem>>
      %dma_start3A_1102 = tpu.memref_squeeze %dma_start3A_1101 : memref<1x!tpu.dma_semaphore, #tpu.memory_space<semaphore_mem>> -> memref<!tpu.dma_semaphore, #tpu.memory_space<semaphore_mem>>
      %dma_start3A_1103 = arith.constant 0 : i32
      %dma_start3A_1104 = arith.constant 0 : i32
      %dma_start3A_1105 = tpu.memref_slice %arg7[%add3A_1092, %dma_start3A_1103, %dma_start3A_1104] : memref<1024x201x128xf32, #tpu.memory_space<hbm>> -> memref<1x201x128xf32, #tpu.memory_space<hbm>>
      %dma_start3A_1106 = tpu.memref_squeeze %dma_start3A_1105 : memref<1x201x128xf32, #tpu.memory_space<hbm>> -> memref<201x128xf32, #tpu.memory_space<hbm>>
      %dma_start3A_1107 = arith.constant 0 : i32
      %dma_start3A_1108 = arith.constant 0 : i32
      %dma_start3A_1109 = tpu.memref_slice %arg12[%and3A_1091, %dma_start3A_1107, %dma_start3A_1108] : memref<2x208x128xf32, #tpu.memory_space<vmem>> -> memref<1x201x128xf32, #tpu.memory_space<vmem>>
      %dma_start3A_1110 = tpu.memref_squeeze %dma_start3A_1109 : memref<1x201x128xf32, #tpu.memory_space<vmem>> -> memref<201x128xf32, #tpu.memory_space<vmem>>
      tpu.enqueue_dma source(%dma_start3A_1110 : memref<201x128xf32, #tpu.memory_space<vmem>>) target(%dma_start3A_1106 : memref<201x128xf32, #tpu.memory_space<hbm>>) target_semaphore(%dma_start3A_1102 : memref<!tpu.dma_semaphore, #tpu.memory_space<semaphore_mem>>)
      %add3A_1111 = arith.constant 2 : i32
      %add3A_1112 = arith.addi %scan3A_838, %add3A_1111 : i32
      %lt3A_1113 = arith.constant 32 : i32
      %lt3A_1114 = arith.cmpi slt, %add3A_1112, %lt3A_1113 : i32
      %convert_element_type3A_1115 = arith.extui %lt3A_1114 : i1 to i32
      %cond3A_1116 = arith.constant 0 : i32
      %cond3A_1117 = arith.cmpi ne, %convert_element_type3A_1115, %cond3A_1116 : i32
      scf.if %cond3A_1117 {
        %add3A_1119 = arith.constant 2 : i32
        %add3A_1120 = arith.addi %scan3A_838, %add3A_1119 : i32
        %rem3A_1121 = arith.constant 3 : i32
        %rem3A_1122 = arith.remsi %add3A_1120, %rem3A_1121 : i32
        %add3A_1123 = arith.addi %mul3A_2, %add3A_1120 : i32
        %mul3A_1124 = arith.constant 3200 : i32
        %mul3A_1125 = arith.muli %rem3A_1122, %mul3A_1124 : i32
        %mul3A_1126 = arith.constant 200 : i32
        %mul3A_1127 = arith.muli %add3A_1123, %mul3A_1126 : i32
        %mul3A_1128 = arith.constant 208 : i32
        %mul3A_1129 = arith.muli %rem3A_1122, %mul3A_1128 : i32
        %dma_wait3A_1130 = tpu.memref_slice %arg8[%mul3A_1125] : memref<9600xf32, #tpu.memory_space<vmem>> -> memref<3200xf32, #tpu.memory_space<vmem>>
        %dma_wait3A_1131 = arith.constant 0 : i32
        %dma_wait3A_1132 = tpu.memref_slice %arg2[%add3A_1123, %dma_wait3A_1131] : memref<1024x3200xf32, #tpu.memory_space<hbm>> -> memref<1x3200xf32, #tpu.memory_space<hbm>>
        %dma_wait3A_1133 = tpu.memref_squeeze %dma_wait3A_1132 : memref<1x3200xf32, #tpu.memory_space<hbm>> -> memref<3200xf32, #tpu.memory_space<hbm>>
        %dma_wait3A_1134 = tpu.memref_slice %arg14[%rem3A_1122] : memref<3x!tpu.dma_semaphore, #tpu.memory_space<semaphore_mem>> -> memref<1x!tpu.dma_semaphore, #tpu.memory_space<semaphore_mem>>
        %dma_wait3A_1135 = tpu.memref_squeeze %dma_wait3A_1134 : memref<1x!tpu.dma_semaphore, #tpu.memory_space<semaphore_mem>> -> memref<!tpu.dma_semaphore, #tpu.memory_space<semaphore_mem>>
        %dma_wait3A_1136 = tpu.memref_slice %arg8[%mul3A_1125] : memref<9600xf32, #tpu.memory_space<vmem>> -> memref<3200xf32, #tpu.memory_space<vmem>>
        %dma_wait3A_1137 = arith.constant 0 : i32
        %dma_wait3A_1138 = tpu.memref_slice %arg2[%add3A_1123, %dma_wait3A_1137] : memref<1024x3200xf32, #tpu.memory_space<hbm>> -> memref<1x3200xf32, #tpu.memory_space<hbm>>
        %dma_wait3A_1139 = tpu.memref_squeeze %dma_wait3A_1138 : memref<1x3200xf32, #tpu.memory_space<hbm>> -> memref<3200xf32, #tpu.memory_space<hbm>>
        tpu.wait_dma2 semaphore(%dma_wait3A_1135 : memref<!tpu.dma_semaphore, #tpu.memory_space<semaphore_mem>>) src(%dma_wait3A_1139 : memref<3200xf32, #tpu.memory_space<hbm>>) dst(%dma_wait3A_1136 : memref<3200xf32, #tpu.memory_space<vmem>>)
        %dma_wait3A_1140 = tpu.memref_slice %arg10[%mul3A_1129] : memref<624xi32, #tpu.memory_space<vmem>> -> memref<200xi32, #tpu.memory_space<vmem>>
        %dma_wait3A_1141 = tpu.memref_slice %arg3[%mul3A_1127] : memref<204800xi32, #tpu.memory_space<hbm>> -> memref<200xi32, #tpu.memory_space<hbm>>
        %dma_wait3A_1142 = tpu.memref_slice %arg14[%rem3A_1122] : memref<3x!tpu.dma_semaphore, #tpu.memory_space<semaphore_mem>> -> memref<1x!tpu.dma_semaphore, #tpu.memory_space<semaphore_mem>>
        %dma_wait3A_1143 = tpu.memref_squeeze %dma_wait3A_1142 : memref<1x!tpu.dma_semaphore, #tpu.memory_space<semaphore_mem>> -> memref<!tpu.dma_semaphore, #tpu.memory_space<semaphore_mem>>
        %dma_wait3A_1144 = tpu.memref_slice %arg10[%mul3A_1129] : memref<624xi32, #tpu.memory_space<vmem>> -> memref<200xi32, #tpu.memory_space<vmem>>
        %dma_wait3A_1145 = tpu.memref_slice %arg3[%mul3A_1127] : memref<204800xi32, #tpu.memory_space<hbm>> -> memref<200xi32, #tpu.memory_space<hbm>>
        tpu.wait_dma2 semaphore(%dma_wait3A_1143 : memref<!tpu.dma_semaphore, #tpu.memory_space<semaphore_mem>>) src(%dma_wait3A_1145 : memref<200xi32, #tpu.memory_space<hbm>>) dst(%dma_wait3A_1144 : memref<200xi32, #tpu.memory_space<vmem>>)
        %add3A_1146 = arith.constant 2 : i32
        %add3A_1147 = arith.addi %scan3A_838, %add3A_1146 : i32
        %rem3A_1148 = arith.constant 3 : i32
        %rem3A_1149 = arith.remsi %add3A_1147, %rem3A_1148 : i32
        %parallel_loop3A_1150 = arith.constant 0 : i32
        %parallel_loop3A_1151 = arith.constant 13 : i32
        %parallel_loop3A_1152 = arith.constant 1 : i32
        scf.for %parallel_loop3A_1357 = %parallel_loop3A_1150 to %parallel_loop3A_1151 step %parallel_loop3A_1152  : i32 {
          %parallel_loop3A_1358 = arith.constant 16 : i32
          %parallel_loop3A_1359 = arith.muli %parallel_loop3A_1357, %parallel_loop3A_1358 : i32
          %parallel_loop3A_1360 = arith.constant 184 : i32
          %parallel_loop3A_1361 = arith.minsi %parallel_loop3A_1359, %parallel_loop3A_1360 : i32
          %parallel_loop3A_1362 = vector.broadcast %parallel_loop3A_1361 : i32 to vector<16xi32>
          %parallel_loop3A_1363 = arith.addi %parallel_loop3A_1362, %iota3A : vector<16xi32>
          %parallel_loop3A_1364 = arith.constant 16 : i32
          %parallel_loop3A_1365 = vector.broadcast %parallel_loop3A_1364 : i32 to vector<16xi32>
          %parallel_loop3A_1366 = arith.muli %parallel_loop3A_1363, %parallel_loop3A_1365 : vector<16xi32>
          %parallel_loop3A_1367 = arith.constant 3200 : i32
          %parallel_loop3A_1368 = arith.muli %rem3A_1149, %parallel_loop3A_1367 : i32
          %parallel_loop3A_1369 = vector.broadcast %parallel_loop3A_1368 : i32 to vector<16xi32>
          %parallel_loop3A_1370 = arith.addi %parallel_loop3A_1369, %parallel_loop3A_1366 : vector<16xi32>
          %parallel_loop3A_1371 = arith.constant 0 : i32
          %parallel_loop3A_1372 = vector.broadcast %parallel_loop3A_1371 : i32 to vector<16xi32>
          %parallel_loop3A_1373 = arith.addi %parallel_loop3A_1370, %parallel_loop3A_1372 : vector<16xi32>
          %parallel_loop3A_1374 = tpu.vector_load_idx %arg8[%parallel_loop3A_1373] : memref<9600xf32, #tpu.memory_space<vmem>>[vector<16xi32>], vector<16xf32>,
          %parallel_loop3A_1375 = arith.constant 3200 : i32
          %parallel_loop3A_1376 = arith.muli %rem3A_1149, %parallel_loop3A_1375 : i32
          %parallel_loop3A_1377 = vector.broadcast %parallel_loop3A_1376 : i32 to vector<16xi32>
          %parallel_loop3A_1378 = arith.addi %parallel_loop3A_1377, %parallel_loop3A_1366 : vector<16xi32>
          %parallel_loop3A_1379 = arith.constant 1 : i32
          %parallel_loop3A_1380 = vector.broadcast %parallel_loop3A_1379 : i32 to vector<16xi32>
          %parallel_loop3A_1381 = arith.addi %parallel_loop3A_1378, %parallel_loop3A_1380 : vector<16xi32>
          %parallel_loop3A_1382 = tpu.vector_load_idx %arg8[%parallel_loop3A_1381] : memref<9600xf32, #tpu.memory_space<vmem>>[vector<16xi32>], vector<16xf32>,
          %parallel_loop3A_1383 = arith.constant 3200 : i32
          %parallel_loop3A_1384 = arith.muli %rem3A_1149, %parallel_loop3A_1383 : i32
          %parallel_loop3A_1385 = vector.broadcast %parallel_loop3A_1384 : i32 to vector<16xi32>
          %parallel_loop3A_1386 = arith.addi %parallel_loop3A_1385, %parallel_loop3A_1366 : vector<16xi32>
          %parallel_loop3A_1387 = arith.constant 2 : i32
          %parallel_loop3A_1388 = vector.broadcast %parallel_loop3A_1387 : i32 to vector<16xi32>
          %parallel_loop3A_1389 = arith.addi %parallel_loop3A_1386, %parallel_loop3A_1388 : vector<16xi32>
          %parallel_loop3A_1390 = tpu.vector_load_idx %arg8[%parallel_loop3A_1389] : memref<9600xf32, #tpu.memory_space<vmem>>[vector<16xi32>], vector<16xf32>,
          %parallel_loop3A_1391 = arith.constant 3200 : i32
          %parallel_loop3A_1392 = arith.muli %rem3A_1149, %parallel_loop3A_1391 : i32
          %parallel_loop3A_1393 = vector.broadcast %parallel_loop3A_1392 : i32 to vector<16xi32>
          %parallel_loop3A_1394 = arith.addi %parallel_loop3A_1393, %parallel_loop3A_1366 : vector<16xi32>
          %parallel_loop3A_1395 = arith.constant 3 : i32
          %parallel_loop3A_1396 = vector.broadcast %parallel_loop3A_1395 : i32 to vector<16xi32>
          %parallel_loop3A_1397 = arith.addi %parallel_loop3A_1394, %parallel_loop3A_1396 : vector<16xi32>
          %parallel_loop3A_1398 = tpu.vector_load_idx %arg8[%parallel_loop3A_1397] : memref<9600xf32, #tpu.memory_space<vmem>>[vector<16xi32>], vector<16xf32>,
          %parallel_loop3A_1399 = arith.constant 3200 : i32
          %parallel_loop3A_1400 = arith.muli %rem3A_1149, %parallel_loop3A_1399 : i32
          %parallel_loop3A_1401 = vector.broadcast %parallel_loop3A_1400 : i32 to vector<16xi32>
          %parallel_loop3A_1402 = arith.addi %parallel_loop3A_1401, %parallel_loop3A_1366 : vector<16xi32>
          %parallel_loop3A_1403 = arith.constant 4 : i32
          %parallel_loop3A_1404 = vector.broadcast %parallel_loop3A_1403 : i32 to vector<16xi32>
          %parallel_loop3A_1405 = arith.addi %parallel_loop3A_1402, %parallel_loop3A_1404 : vector<16xi32>
          %parallel_loop3A_1406 = tpu.vector_load_idx %arg8[%parallel_loop3A_1405] : memref<9600xf32, #tpu.memory_space<vmem>>[vector<16xi32>], vector<16xf32>,
          %parallel_loop3A_1407 = arith.constant 3200 : i32
          %parallel_loop3A_1408 = arith.muli %rem3A_1149, %parallel_loop3A_1407 : i32
          %parallel_loop3A_1409 = vector.broadcast %parallel_loop3A_1408 : i32 to vector<16xi32>
          %parallel_loop3A_1410 = arith.addi %parallel_loop3A_1409, %parallel_loop3A_1366 : vector<16xi32>
          %parallel_loop3A_1411 = arith.constant 5 : i32
          %parallel_loop3A_1412 = vector.broadcast %parallel_loop3A_1411 : i32 to vector<16xi32>
          %parallel_loop3A_1413 = arith.addi %parallel_loop3A_1410, %parallel_loop3A_1412 : vector<16xi32>
          %parallel_loop3A_1414 = tpu.vector_load_idx %arg8[%parallel_loop3A_1413] : memref<9600xf32, #tpu.memory_space<vmem>>[vector<16xi32>], vector<16xf32>,
          %parallel_loop3A_1415 = arith.constant 3200 : i32
          %parallel_loop3A_1416 = arith.muli %rem3A_1149, %parallel_loop3A_1415 : i32
          %parallel_loop3A_1417 = vector.broadcast %parallel_loop3A_1416 : i32 to vector<16xi32>
          %parallel_loop3A_1418 = arith.addi %parallel_loop3A_1417, %parallel_loop3A_1366 : vector<16xi32>
          %parallel_loop3A_1419 = arith.constant 6 : i32
          %parallel_loop3A_1420 = vector.broadcast %parallel_loop3A_1419 : i32 to vector<16xi32>
          %parallel_loop3A_1421 = arith.addi %parallel_loop3A_1418, %parallel_loop3A_1420 : vector<16xi32>
          %parallel_loop3A_1422 = tpu.vector_load_idx %arg8[%parallel_loop3A_1421] : memref<9600xf32, #tpu.memory_space<vmem>>[vector<16xi32>], vector<16xf32>,
          %parallel_loop3A_1423 = arith.constant 3200 : i32
          %parallel_loop3A_1424 = arith.muli %rem3A_1149, %parallel_loop3A_1423 : i32
          %parallel_loop3A_1425 = vector.broadcast %parallel_loop3A_1424 : i32 to vector<16xi32>
          %parallel_loop3A_1426 = arith.addi %parallel_loop3A_1425, %parallel_loop3A_1366 : vector<16xi32>
          %parallel_loop3A_1427 = arith.constant 7 : i32
          %parallel_loop3A_1428 = vector.broadcast %parallel_loop3A_1427 : i32 to vector<16xi32>
          %parallel_loop3A_1429 = arith.addi %parallel_loop3A_1426, %parallel_loop3A_1428 : vector<16xi32>
          %parallel_loop3A_1430 = tpu.vector_load_idx %arg8[%parallel_loop3A_1429] : memref<9600xf32, #tpu.memory_space<vmem>>[vector<16xi32>], vector<16xf32>,
          %parallel_loop3A_1431 = arith.constant 3200 : i32
          %parallel_loop3A_1432 = arith.muli %rem3A_1149, %parallel_loop3A_1431 : i32
          %parallel_loop3A_1433 = vector.broadcast %parallel_loop3A_1432 : i32 to vector<16xi32>
          %parallel_loop3A_1434 = arith.addi %parallel_loop3A_1433, %parallel_loop3A_1366 : vector<16xi32>
          %parallel_loop3A_1435 = arith.constant 8 : i32
          %parallel_loop3A_1436 = vector.broadcast %parallel_loop3A_1435 : i32 to vector<16xi32>
          %parallel_loop3A_1437 = arith.addi %parallel_loop3A_1434, %parallel_loop3A_1436 : vector<16xi32>
          %parallel_loop3A_1438 = tpu.vector_load_idx %arg8[%parallel_loop3A_1437] : memref<9600xf32, #tpu.memory_space<vmem>>[vector<16xi32>], vector<16xf32>,
          %parallel_loop3A_1439 = arith.constant 3200 : i32
          %parallel_loop3A_1440 = arith.muli %rem3A_1149, %parallel_loop3A_1439 : i32
          %parallel_loop3A_1441 = vector.broadcast %parallel_loop3A_1440 : i32 to vector<16xi32>
          %parallel_loop3A_1442 = arith.addi %parallel_loop3A_1441, %parallel_loop3A_1366 : vector<16xi32>
          %parallel_loop3A_1443 = arith.constant 9 : i32
          %parallel_loop3A_1444 = vector.broadcast %parallel_loop3A_1443 : i32 to vector<16xi32>
          %parallel_loop3A_1445 = arith.addi %parallel_loop3A_1442, %parallel_loop3A_1444 : vector<16xi32>
          %parallel_loop3A_1446 = tpu.vector_load_idx %arg8[%parallel_loop3A_1445] : memref<9600xf32, #tpu.memory_space<vmem>>[vector<16xi32>], vector<16xf32>,
          %parallel_loop3A_1447 = arith.constant 3200 : i32
          %parallel_loop3A_1448 = arith.muli %rem3A_1149, %parallel_loop3A_1447 : i32
          %parallel_loop3A_1449 = vector.broadcast %parallel_loop3A_1448 : i32 to vector<16xi32>
          %parallel_loop3A_1450 = arith.addi %parallel_loop3A_1449, %parallel_loop3A_1366 : vector<16xi32>
          %parallel_loop3A_1451 = arith.constant 10 : i32
          %parallel_loop3A_1452 = vector.broadcast %parallel_loop3A_1451 : i32 to vector<16xi32>
          %parallel_loop3A_1453 = arith.addi %parallel_loop3A_1450, %parallel_loop3A_1452 : vector<16xi32>
          %parallel_loop3A_1454 = tpu.vector_load_idx %arg8[%parallel_loop3A_1453] : memref<9600xf32, #tpu.memory_space<vmem>>[vector<16xi32>], vector<16xf32>,
          %parallel_loop3A_1455 = arith.constant 3200 : i32
          %parallel_loop3A_1456 = arith.muli %rem3A_1149, %parallel_loop3A_1455 : i32
          %parallel_loop3A_1457 = vector.broadcast %parallel_loop3A_1456 : i32 to vector<16xi32>
          %parallel_loop3A_1458 = arith.addi %parallel_loop3A_1457, %parallel_loop3A_1366 : vector<16xi32>
          %parallel_loop3A_1459 = arith.constant 11 : i32
          %parallel_loop3A_1460 = vector.broadcast %parallel_loop3A_1459 : i32 to vector<16xi32>
          %parallel_loop3A_1461 = arith.addi %parallel_loop3A_1458, %parallel_loop3A_1460 : vector<16xi32>
          %parallel_loop3A_1462 = tpu.vector_load_idx %arg8[%parallel_loop3A_1461] : memref<9600xf32, #tpu.memory_space<vmem>>[vector<16xi32>], vector<16xf32>,
          %parallel_loop3A_1463 = arith.constant 3200 : i32
          %parallel_loop3A_1464 = arith.muli %rem3A_1149, %parallel_loop3A_1463 : i32
          %parallel_loop3A_1465 = vector.broadcast %parallel_loop3A_1464 : i32 to vector<16xi32>
          %parallel_loop3A_1466 = arith.addi %parallel_loop3A_1465, %parallel_loop3A_1366 : vector<16xi32>
          %parallel_loop3A_1467 = arith.constant 12 : i32
          %parallel_loop3A_1468 = vector.broadcast %parallel_loop3A_1467 : i32 to vector<16xi32>
          %parallel_loop3A_1469 = arith.addi %parallel_loop3A_1466, %parallel_loop3A_1468 : vector<16xi32>
          %parallel_loop3A_1470 = tpu.vector_load_idx %arg8[%parallel_loop3A_1469] : memref<9600xf32, #tpu.memory_space<vmem>>[vector<16xi32>], vector<16xf32>,
          %parallel_loop3A_1471 = arith.constant 3200 : i32
          %parallel_loop3A_1472 = arith.muli %rem3A_1149, %parallel_loop3A_1471 : i32
          %parallel_loop3A_1473 = vector.broadcast %parallel_loop3A_1472 : i32 to vector<16xi32>
          %parallel_loop3A_1474 = arith.addi %parallel_loop3A_1473, %parallel_loop3A_1366 : vector<16xi32>
          %parallel_loop3A_1475 = arith.constant 13 : i32
          %parallel_loop3A_1476 = vector.broadcast %parallel_loop3A_1475 : i32 to vector<16xi32>
          %parallel_loop3A_1477 = arith.addi %parallel_loop3A_1474, %parallel_loop3A_1476 : vector<16xi32>
          %parallel_loop3A_1478 = tpu.vector_load_idx %arg8[%parallel_loop3A_1477] : memref<9600xf32, #tpu.memory_space<vmem>>[vector<16xi32>], vector<16xf32>,
          %parallel_loop3A_1479 = arith.constant 3200 : i32
          %parallel_loop3A_1480 = arith.muli %rem3A_1149, %parallel_loop3A_1479 : i32
          %parallel_loop3A_1481 = vector.broadcast %parallel_loop3A_1480 : i32 to vector<16xi32>
          %parallel_loop3A_1482 = arith.addi %parallel_loop3A_1481, %parallel_loop3A_1366 : vector<16xi32>
          %parallel_loop3A_1483 = arith.constant 14 : i32
          %parallel_loop3A_1484 = vector.broadcast %parallel_loop3A_1483 : i32 to vector<16xi32>
          %parallel_loop3A_1485 = arith.addi %parallel_loop3A_1482, %parallel_loop3A_1484 : vector<16xi32>
          %parallel_loop3A_1486 = tpu.vector_load_idx %arg8[%parallel_loop3A_1485] : memref<9600xf32, #tpu.memory_space<vmem>>[vector<16xi32>], vector<16xf32>,
          %parallel_loop3A_1487 = arith.constant 3200 : i32
          %parallel_loop3A_1488 = arith.muli %rem3A_1149, %parallel_loop3A_1487 : i32
          %parallel_loop3A_1489 = vector.broadcast %parallel_loop3A_1488 : i32 to vector<16xi32>
          %parallel_loop3A_1490 = arith.addi %parallel_loop3A_1489, %parallel_loop3A_1366 : vector<16xi32>
          %parallel_loop3A_1491 = arith.constant 15 : i32
          %parallel_loop3A_1492 = vector.broadcast %parallel_loop3A_1491 : i32 to vector<16xi32>
          %parallel_loop3A_1493 = arith.addi %parallel_loop3A_1490, %parallel_loop3A_1492 : vector<16xi32>
          %parallel_loop3A_1494 = tpu.vector_load_idx %arg8[%parallel_loop3A_1493] : memref<9600xf32, #tpu.memory_space<vmem>>[vector<16xi32>], vector<16xf32>,
          %parallel_loop3A_1495 = tpu.bitcast %parallel_loop3A_1374 : vector<16xf32> -> vector<16xi32>
          %parallel_loop3A_1496 = arith.constant 16 : i32
          %parallel_loop3A_1497 = vector.broadcast %parallel_loop3A_1496 : i32 to vector<16xi32>
          %parallel_loop3A_1498 = arith.shrui %parallel_loop3A_1495, %parallel_loop3A_1497 : vector<16xi32>
          %parallel_loop3A_1499 = arith.constant 1 : i32
          %parallel_loop3A_1500 = vector.broadcast %parallel_loop3A_1499 : i32 to vector<16xi32>
          %parallel_loop3A_1501 = arith.andi %parallel_loop3A_1498, %parallel_loop3A_1500 : vector<16xi32>
          %parallel_loop3A_1502 = arith.constant 32767 : i32
          %parallel_loop3A_1503 = vector.broadcast %parallel_loop3A_1502 : i32 to vector<16xi32>
          %parallel_loop3A_1504 = arith.addi %parallel_loop3A_1495, %parallel_loop3A_1503 : vector<16xi32>
          %parallel_loop3A_1505 = arith.addi %parallel_loop3A_1504, %parallel_loop3A_1501 : vector<16xi32>
          %parallel_loop3A_1506 = arith.constant -65536 : i32
          %parallel_loop3A_1507 = vector.broadcast %parallel_loop3A_1506 : i32 to vector<16xi32>
          %parallel_loop3A_1508 = arith.andi %parallel_loop3A_1505, %parallel_loop3A_1507 : vector<16xi32>
          %parallel_loop3A_1509 = tpu.bitcast %parallel_loop3A_1508 : vector<16xi32> -> vector<16xf32>
          %parallel_loop3A_1510 = arith.constant 3.276800e+04 : f32
          %parallel_loop3A_1511 = vector.broadcast %parallel_loop3A_1510 : f32 to vector<16xf32>
          %parallel_loop3A_1512 = arith.mulf %parallel_loop3A_1509, %parallel_loop3A_1511 : vector<16xf32>
          %parallel_loop3A_1513 = tpu.bitcast %parallel_loop3A_1382 : vector<16xf32> -> vector<16xi32>
          %parallel_loop3A_1514 = arith.constant 16 : i32
          %parallel_loop3A_1515 = vector.broadcast %parallel_loop3A_1514 : i32 to vector<16xi32>
          %parallel_loop3A_1516 = arith.shrui %parallel_loop3A_1513, %parallel_loop3A_1515 : vector<16xi32>
          %parallel_loop3A_1517 = arith.constant 1 : i32
          %parallel_loop3A_1518 = vector.broadcast %parallel_loop3A_1517 : i32 to vector<16xi32>
          %parallel_loop3A_1519 = arith.andi %parallel_loop3A_1516, %parallel_loop3A_1518 : vector<16xi32>
          %parallel_loop3A_1520 = arith.constant 32767 : i32
          %parallel_loop3A_1521 = vector.broadcast %parallel_loop3A_1520 : i32 to vector<16xi32>
          %parallel_loop3A_1522 = arith.addi %parallel_loop3A_1513, %parallel_loop3A_1521 : vector<16xi32>
          %parallel_loop3A_1523 = arith.addi %parallel_loop3A_1522, %parallel_loop3A_1519 : vector<16xi32>
          %parallel_loop3A_1524 = arith.constant -65536 : i32
          %parallel_loop3A_1525 = vector.broadcast %parallel_loop3A_1524 : i32 to vector<16xi32>
          %parallel_loop3A_1526 = arith.andi %parallel_loop3A_1523, %parallel_loop3A_1525 : vector<16xi32>
          %parallel_loop3A_1527 = tpu.bitcast %parallel_loop3A_1526 : vector<16xi32> -> vector<16xf32>
          %parallel_loop3A_1528 = arith.constant 1.638400e+04 : f32
          %parallel_loop3A_1529 = vector.broadcast %parallel_loop3A_1528 : f32 to vector<16xf32>
          %parallel_loop3A_1530 = arith.mulf %parallel_loop3A_1527, %parallel_loop3A_1529 : vector<16xf32>
          %parallel_loop3A_1531 = tpu.bitcast %parallel_loop3A_1390 : vector<16xf32> -> vector<16xi32>
          %parallel_loop3A_1532 = arith.constant 16 : i32
          %parallel_loop3A_1533 = vector.broadcast %parallel_loop3A_1532 : i32 to vector<16xi32>
          %parallel_loop3A_1534 = arith.shrui %parallel_loop3A_1531, %parallel_loop3A_1533 : vector<16xi32>
          %parallel_loop3A_1535 = arith.constant 1 : i32
          %parallel_loop3A_1536 = vector.broadcast %parallel_loop3A_1535 : i32 to vector<16xi32>
          %parallel_loop3A_1537 = arith.andi %parallel_loop3A_1534, %parallel_loop3A_1536 : vector<16xi32>
          %parallel_loop3A_1538 = arith.constant 32767 : i32
          %parallel_loop3A_1539 = vector.broadcast %parallel_loop3A_1538 : i32 to vector<16xi32>
          %parallel_loop3A_1540 = arith.addi %parallel_loop3A_1531, %parallel_loop3A_1539 : vector<16xi32>
          %parallel_loop3A_1541 = arith.addi %parallel_loop3A_1540, %parallel_loop3A_1537 : vector<16xi32>
          %parallel_loop3A_1542 = arith.constant -65536 : i32
          %parallel_loop3A_1543 = vector.broadcast %parallel_loop3A_1542 : i32 to vector<16xi32>
          %parallel_loop3A_1544 = arith.andi %parallel_loop3A_1541, %parallel_loop3A_1543 : vector<16xi32>
          %parallel_loop3A_1545 = tpu.bitcast %parallel_loop3A_1544 : vector<16xi32> -> vector<16xf32>
          %parallel_loop3A_1546 = arith.constant 8.192000e+03 : f32
          %parallel_loop3A_1547 = vector.broadcast %parallel_loop3A_1546 : f32 to vector<16xf32>
          %parallel_loop3A_1548 = arith.mulf %parallel_loop3A_1545, %parallel_loop3A_1547 : vector<16xf32>
          %parallel_loop3A_1549 = tpu.bitcast %parallel_loop3A_1398 : vector<16xf32> -> vector<16xi32>
          %parallel_loop3A_1550 = arith.constant 16 : i32
          %parallel_loop3A_1551 = vector.broadcast %parallel_loop3A_1550 : i32 to vector<16xi32>
          %parallel_loop3A_1552 = arith.shrui %parallel_loop3A_1549, %parallel_loop3A_1551 : vector<16xi32>
          %parallel_loop3A_1553 = arith.constant 1 : i32
          %parallel_loop3A_1554 = vector.broadcast %parallel_loop3A_1553 : i32 to vector<16xi32>
          %parallel_loop3A_1555 = arith.andi %parallel_loop3A_1552, %parallel_loop3A_1554 : vector<16xi32>
          %parallel_loop3A_1556 = arith.constant 32767 : i32
          %parallel_loop3A_1557 = vector.broadcast %parallel_loop3A_1556 : i32 to vector<16xi32>
          %parallel_loop3A_1558 = arith.addi %parallel_loop3A_1549, %parallel_loop3A_1557 : vector<16xi32>
          %parallel_loop3A_1559 = arith.addi %parallel_loop3A_1558, %parallel_loop3A_1555 : vector<16xi32>
          %parallel_loop3A_1560 = arith.constant -65536 : i32
          %parallel_loop3A_1561 = vector.broadcast %parallel_loop3A_1560 : i32 to vector<16xi32>
          %parallel_loop3A_1562 = arith.andi %parallel_loop3A_1559, %parallel_loop3A_1561 : vector<16xi32>
          %parallel_loop3A_1563 = tpu.bitcast %parallel_loop3A_1562 : vector<16xi32> -> vector<16xf32>
          %parallel_loop3A_1564 = arith.constant 4.096000e+03 : f32
          %parallel_loop3A_1565 = vector.broadcast %parallel_loop3A_1564 : f32 to vector<16xf32>
          %parallel_loop3A_1566 = arith.mulf %parallel_loop3A_1563, %parallel_loop3A_1565 : vector<16xf32>
          %parallel_loop3A_1567 = tpu.bitcast %parallel_loop3A_1406 : vector<16xf32> -> vector<16xi32>
          %parallel_loop3A_1568 = arith.constant 16 : i32
          %parallel_loop3A_1569 = vector.broadcast %parallel_loop3A_1568 : i32 to vector<16xi32>
          %parallel_loop3A_1570 = arith.shrui %parallel_loop3A_1567, %parallel_loop3A_1569 : vector<16xi32>
          %parallel_loop3A_1571 = arith.constant 1 : i32
          %parallel_loop3A_1572 = vector.broadcast %parallel_loop3A_1571 : i32 to vector<16xi32>
          %parallel_loop3A_1573 = arith.andi %parallel_loop3A_1570, %parallel_loop3A_1572 : vector<16xi32>
          %parallel_loop3A_1574 = arith.constant 32767 : i32
          %parallel_loop3A_1575 = vector.broadcast %parallel_loop3A_1574 : i32 to vector<16xi32>
          %parallel_loop3A_1576 = arith.addi %parallel_loop3A_1567, %parallel_loop3A_1575 : vector<16xi32>
          %parallel_loop3A_1577 = arith.addi %parallel_loop3A_1576, %parallel_loop3A_1573 : vector<16xi32>
          %parallel_loop3A_1578 = arith.constant -65536 : i32
          %parallel_loop3A_1579 = vector.broadcast %parallel_loop3A_1578 : i32 to vector<16xi32>
          %parallel_loop3A_1580 = arith.andi %parallel_loop3A_1577, %parallel_loop3A_1579 : vector<16xi32>
          %parallel_loop3A_1581 = tpu.bitcast %parallel_loop3A_1580 : vector<16xi32> -> vector<16xf32>
          %parallel_loop3A_1582 = arith.constant 2.048000e+03 : f32
          %parallel_loop3A_1583 = vector.broadcast %parallel_loop3A_1582 : f32 to vector<16xf32>
          %parallel_loop3A_1584 = arith.mulf %parallel_loop3A_1581, %parallel_loop3A_1583 : vector<16xf32>
          %parallel_loop3A_1585 = tpu.bitcast %parallel_loop3A_1414 : vector<16xf32> -> vector<16xi32>
          %parallel_loop3A_1586 = arith.constant 16 : i32
          %parallel_loop3A_1587 = vector.broadcast %parallel_loop3A_1586 : i32 to vector<16xi32>
          %parallel_loop3A_1588 = arith.shrui %parallel_loop3A_1585, %parallel_loop3A_1587 : vector<16xi32>
          %parallel_loop3A_1589 = arith.constant 1 : i32
          %parallel_loop3A_1590 = vector.broadcast %parallel_loop3A_1589 : i32 to vector<16xi32>
          %parallel_loop3A_1591 = arith.andi %parallel_loop3A_1588, %parallel_loop3A_1590 : vector<16xi32>
          %parallel_loop3A_1592 = arith.constant 32767 : i32
          %parallel_loop3A_1593 = vector.broadcast %parallel_loop3A_1592 : i32 to vector<16xi32>
          %parallel_loop3A_1594 = arith.addi %parallel_loop3A_1585, %parallel_loop3A_1593 : vector<16xi32>
          %parallel_loop3A_1595 = arith.addi %parallel_loop3A_1594, %parallel_loop3A_1591 : vector<16xi32>
          %parallel_loop3A_1596 = arith.constant -65536 : i32
          %parallel_loop3A_1597 = vector.broadcast %parallel_loop3A_1596 : i32 to vector<16xi32>
          %parallel_loop3A_1598 = arith.andi %parallel_loop3A_1595, %parallel_loop3A_1597 : vector<16xi32>
          %parallel_loop3A_1599 = tpu.bitcast %parallel_loop3A_1598 : vector<16xi32> -> vector<16xf32>
          %parallel_loop3A_1600 = arith.constant 1.024000e+03 : f32
          %parallel_loop3A_1601 = vector.broadcast %parallel_loop3A_1600 : f32 to vector<16xf32>
          %parallel_loop3A_1602 = arith.mulf %parallel_loop3A_1599, %parallel_loop3A_1601 : vector<16xf32>
          %parallel_loop3A_1603 = tpu.bitcast %parallel_loop3A_1422 : vector<16xf32> -> vector<16xi32>
          %parallel_loop3A_1604 = arith.constant 16 : i32
          %parallel_loop3A_1605 = vector.broadcast %parallel_loop3A_1604 : i32 to vector<16xi32>
          %parallel_loop3A_1606 = arith.shrui %parallel_loop3A_1603, %parallel_loop3A_1605 : vector<16xi32>
          %parallel_loop3A_1607 = arith.constant 1 : i32
          %parallel_loop3A_1608 = vector.broadcast %parallel_loop3A_1607 : i32 to vector<16xi32>
          %parallel_loop3A_1609 = arith.andi %parallel_loop3A_1606, %parallel_loop3A_1608 : vector<16xi32>
          %parallel_loop3A_1610 = arith.constant 32767 : i32
          %parallel_loop3A_1611 = vector.broadcast %parallel_loop3A_1610 : i32 to vector<16xi32>
          %parallel_loop3A_1612 = arith.addi %parallel_loop3A_1603, %parallel_loop3A_1611 : vector<16xi32>
          %parallel_loop3A_1613 = arith.addi %parallel_loop3A_1612, %parallel_loop3A_1609 : vector<16xi32>
          %parallel_loop3A_1614 = arith.constant -65536 : i32
          %parallel_loop3A_1615 = vector.broadcast %parallel_loop3A_1614 : i32 to vector<16xi32>
          %parallel_loop3A_1616 = arith.andi %parallel_loop3A_1613, %parallel_loop3A_1615 : vector<16xi32>
          %parallel_loop3A_1617 = tpu.bitcast %parallel_loop3A_1616 : vector<16xi32> -> vector<16xf32>
          %parallel_loop3A_1618 = arith.constant 5.120000e+02 : f32
          %parallel_loop3A_1619 = vector.broadcast %parallel_loop3A_1618 : f32 to vector<16xf32>
          %parallel_loop3A_1620 = arith.mulf %parallel_loop3A_1617, %parallel_loop3A_1619 : vector<16xf32>
          %parallel_loop3A_1621 = tpu.bitcast %parallel_loop3A_1430 : vector<16xf32> -> vector<16xi32>
          %parallel_loop3A_1622 = arith.constant 16 : i32
          %parallel_loop3A_1623 = vector.broadcast %parallel_loop3A_1622 : i32 to vector<16xi32>
          %parallel_loop3A_1624 = arith.shrui %parallel_loop3A_1621, %parallel_loop3A_1623 : vector<16xi32>
          %parallel_loop3A_1625 = arith.constant 1 : i32
          %parallel_loop3A_1626 = vector.broadcast %parallel_loop3A_1625 : i32 to vector<16xi32>
          %parallel_loop3A_1627 = arith.andi %parallel_loop3A_1624, %parallel_loop3A_1626 : vector<16xi32>
          %parallel_loop3A_1628 = arith.constant 32767 : i32
          %parallel_loop3A_1629 = vector.broadcast %parallel_loop3A_1628 : i32 to vector<16xi32>
          %parallel_loop3A_1630 = arith.addi %parallel_loop3A_1621, %parallel_loop3A_1629 : vector<16xi32>
          %parallel_loop3A_1631 = arith.addi %parallel_loop3A_1630, %parallel_loop3A_1627 : vector<16xi32>
          %parallel_loop3A_1632 = arith.constant -65536 : i32
          %parallel_loop3A_1633 = vector.broadcast %parallel_loop3A_1632 : i32 to vector<16xi32>
          %parallel_loop3A_1634 = arith.andi %parallel_loop3A_1631, %parallel_loop3A_1633 : vector<16xi32>
          %parallel_loop3A_1635 = tpu.bitcast %parallel_loop3A_1634 : vector<16xi32> -> vector<16xf32>
          %parallel_loop3A_1636 = arith.constant 2.560000e+02 : f32
          %parallel_loop3A_1637 = vector.broadcast %parallel_loop3A_1636 : f32 to vector<16xf32>
          %parallel_loop3A_1638 = arith.mulf %parallel_loop3A_1635, %parallel_loop3A_1637 : vector<16xf32>
          %parallel_loop3A_1639 = tpu.bitcast %parallel_loop3A_1438 : vector<16xf32> -> vector<16xi32>
          %parallel_loop3A_1640 = arith.constant 16 : i32
          %parallel_loop3A_1641 = vector.broadcast %parallel_loop3A_1640 : i32 to vector<16xi32>
          %parallel_loop3A_1642 = arith.shrui %parallel_loop3A_1639, %parallel_loop3A_1641 : vector<16xi32>
          %parallel_loop3A_1643 = arith.constant 1 : i32
          %parallel_loop3A_1644 = vector.broadcast %parallel_loop3A_1643 : i32 to vector<16xi32>
          %parallel_loop3A_1645 = arith.andi %parallel_loop3A_1642, %parallel_loop3A_1644 : vector<16xi32>
          %parallel_loop3A_1646 = arith.constant 32767 : i32
          %parallel_loop3A_1647 = vector.broadcast %parallel_loop3A_1646 : i32 to vector<16xi32>
          %parallel_loop3A_1648 = arith.addi %parallel_loop3A_1639, %parallel_loop3A_1647 : vector<16xi32>
          %parallel_loop3A_1649 = arith.addi %parallel_loop3A_1648, %parallel_loop3A_1645 : vector<16xi32>
          %parallel_loop3A_1650 = arith.constant -65536 : i32
          %parallel_loop3A_1651 = vector.broadcast %parallel_loop3A_1650 : i32 to vector<16xi32>
          %parallel_loop3A_1652 = arith.andi %parallel_loop3A_1649, %parallel_loop3A_1651 : vector<16xi32>
          %parallel_loop3A_1653 = tpu.bitcast %parallel_loop3A_1652 : vector<16xi32> -> vector<16xf32>
          %parallel_loop3A_1654 = arith.constant 1.280000e+02 : f32
          %parallel_loop3A_1655 = vector.broadcast %parallel_loop3A_1654 : f32 to vector<16xf32>
          %parallel_loop3A_1656 = arith.mulf %parallel_loop3A_1653, %parallel_loop3A_1655 : vector<16xf32>
          %parallel_loop3A_1657 = tpu.bitcast %parallel_loop3A_1446 : vector<16xf32> -> vector<16xi32>
          %parallel_loop3A_1658 = arith.constant 16 : i32
          %parallel_loop3A_1659 = vector.broadcast %parallel_loop3A_1658 : i32 to vector<16xi32>
          %parallel_loop3A_1660 = arith.shrui %parallel_loop3A_1657, %parallel_loop3A_1659 : vector<16xi32>
          %parallel_loop3A_1661 = arith.constant 1 : i32
          %parallel_loop3A_1662 = vector.broadcast %parallel_loop3A_1661 : i32 to vector<16xi32>
          %parallel_loop3A_1663 = arith.andi %parallel_loop3A_1660, %parallel_loop3A_1662 : vector<16xi32>
          %parallel_loop3A_1664 = arith.constant 32767 : i32
          %parallel_loop3A_1665 = vector.broadcast %parallel_loop3A_1664 : i32 to vector<16xi32>
          %parallel_loop3A_1666 = arith.addi %parallel_loop3A_1657, %parallel_loop3A_1665 : vector<16xi32>
          %parallel_loop3A_1667 = arith.addi %parallel_loop3A_1666, %parallel_loop3A_1663 : vector<16xi32>
          %parallel_loop3A_1668 = arith.constant -65536 : i32
          %parallel_loop3A_1669 = vector.broadcast %parallel_loop3A_1668 : i32 to vector<16xi32>
          %parallel_loop3A_1670 = arith.andi %parallel_loop3A_1667, %parallel_loop3A_1669 : vector<16xi32>
          %parallel_loop3A_1671 = tpu.bitcast %parallel_loop3A_1670 : vector<16xi32> -> vector<16xf32>
          %parallel_loop3A_1672 = arith.constant 6.400000e+01 : f32
          %parallel_loop3A_1673 = vector.broadcast %parallel_loop3A_1672 : f32 to vector<16xf32>
          %parallel_loop3A_1674 = arith.mulf %parallel_loop3A_1671, %parallel_loop3A_1673 : vector<16xf32>
          %parallel_loop3A_1675 = tpu.bitcast %parallel_loop3A_1454 : vector<16xf32> -> vector<16xi32>
          %parallel_loop3A_1676 = arith.constant 16 : i32
          %parallel_loop3A_1677 = vector.broadcast %parallel_loop3A_1676 : i32 to vector<16xi32>
          %parallel_loop3A_1678 = arith.shrui %parallel_loop3A_1675, %parallel_loop3A_1677 : vector<16xi32>
          %parallel_loop3A_1679 = arith.constant 1 : i32
          %parallel_loop3A_1680 = vector.broadcast %parallel_loop3A_1679 : i32 to vector<16xi32>
          %parallel_loop3A_1681 = arith.andi %parallel_loop3A_1678, %parallel_loop3A_1680 : vector<16xi32>
          %parallel_loop3A_1682 = arith.constant 32767 : i32
          %parallel_loop3A_1683 = vector.broadcast %parallel_loop3A_1682 : i32 to vector<16xi32>
          %parallel_loop3A_1684 = arith.addi %parallel_loop3A_1675, %parallel_loop3A_1683 : vector<16xi32>
          %parallel_loop3A_1685 = arith.addi %parallel_loop3A_1684, %parallel_loop3A_1681 : vector<16xi32>
          %parallel_loop3A_1686 = arith.constant -65536 : i32
          %parallel_loop3A_1687 = vector.broadcast %parallel_loop3A_1686 : i32 to vector<16xi32>
          %parallel_loop3A_1688 = arith.andi %parallel_loop3A_1685, %parallel_loop3A_1687 : vector<16xi32>
          %parallel_loop3A_1689 = tpu.bitcast %parallel_loop3A_1688 : vector<16xi32> -> vector<16xf32>
          %parallel_loop3A_1690 = arith.constant 3.200000e+01 : f32
          %parallel_loop3A_1691 = vector.broadcast %parallel_loop3A_1690 : f32 to vector<16xf32>
          %parallel_loop3A_1692 = arith.mulf %parallel_loop3A_1689, %parallel_loop3A_1691 : vector<16xf32>
          %parallel_loop3A_1693 = tpu.bitcast %parallel_loop3A_1462 : vector<16xf32> -> vector<16xi32>
          %parallel_loop3A_1694 = arith.constant 16 : i32
          %parallel_loop3A_1695 = vector.broadcast %parallel_loop3A_1694 : i32 to vector<16xi32>
          %parallel_loop3A_1696 = arith.shrui %parallel_loop3A_1693, %parallel_loop3A_1695 : vector<16xi32>
          %parallel_loop3A_1697 = arith.constant 1 : i32
          %parallel_loop3A_1698 = vector.broadcast %parallel_loop3A_1697 : i32 to vector<16xi32>
          %parallel_loop3A_1699 = arith.andi %parallel_loop3A_1696, %parallel_loop3A_1698 : vector<16xi32>
          %parallel_loop3A_1700 = arith.constant 32767 : i32
          %parallel_loop3A_1701 = vector.broadcast %parallel_loop3A_1700 : i32 to vector<16xi32>
          %parallel_loop3A_1702 = arith.addi %parallel_loop3A_1693, %parallel_loop3A_1701 : vector<16xi32>
          %parallel_loop3A_1703 = arith.addi %parallel_loop3A_1702, %parallel_loop3A_1699 : vector<16xi32>
          %parallel_loop3A_1704 = arith.constant -65536 : i32
          %parallel_loop3A_1705 = vector.broadcast %parallel_loop3A_1704 : i32 to vector<16xi32>
          %parallel_loop3A_1706 = arith.andi %parallel_loop3A_1703, %parallel_loop3A_1705 : vector<16xi32>
          %parallel_loop3A_1707 = tpu.bitcast %parallel_loop3A_1706 : vector<16xi32> -> vector<16xf32>
          %parallel_loop3A_1708 = arith.constant 1.600000e+01 : f32
          %parallel_loop3A_1709 = vector.broadcast %parallel_loop3A_1708 : f32 to vector<16xf32>
          %parallel_loop3A_1710 = arith.mulf %parallel_loop3A_1707, %parallel_loop3A_1709 : vector<16xf32>
          %parallel_loop3A_1711 = tpu.bitcast %parallel_loop3A_1470 : vector<16xf32> -> vector<16xi32>
          %parallel_loop3A_1712 = arith.constant 16 : i32
          %parallel_loop3A_1713 = vector.broadcast %parallel_loop3A_1712 : i32 to vector<16xi32>
          %parallel_loop3A_1714 = arith.shrui %parallel_loop3A_1711, %parallel_loop3A_1713 : vector<16xi32>
          %parallel_loop3A_1715 = arith.constant 1 : i32
          %parallel_loop3A_1716 = vector.broadcast %parallel_loop3A_1715 : i32 to vector<16xi32>
          %parallel_loop3A_1717 = arith.andi %parallel_loop3A_1714, %parallel_loop3A_1716 : vector<16xi32>
          %parallel_loop3A_1718 = arith.constant 32767 : i32
          %parallel_loop3A_1719 = vector.broadcast %parallel_loop3A_1718 : i32 to vector<16xi32>
          %parallel_loop3A_1720 = arith.addi %parallel_loop3A_1711, %parallel_loop3A_1719 : vector<16xi32>
          %parallel_loop3A_1721 = arith.addi %parallel_loop3A_1720, %parallel_loop3A_1717 : vector<16xi32>
          %parallel_loop3A_1722 = arith.constant -65536 : i32
          %parallel_loop3A_1723 = vector.broadcast %parallel_loop3A_1722 : i32 to vector<16xi32>
          %parallel_loop3A_1724 = arith.andi %parallel_loop3A_1721, %parallel_loop3A_1723 : vector<16xi32>
          %parallel_loop3A_1725 = tpu.bitcast %parallel_loop3A_1724 : vector<16xi32> -> vector<16xf32>
          %parallel_loop3A_1726 = arith.constant 8.000000e+00 : f32
          %parallel_loop3A_1727 = vector.broadcast %parallel_loop3A_1726 : f32 to vector<16xf32>
          %parallel_loop3A_1728 = arith.mulf %parallel_loop3A_1725, %parallel_loop3A_1727 : vector<16xf32>
          %parallel_loop3A_1729 = tpu.bitcast %parallel_loop3A_1478 : vector<16xf32> -> vector<16xi32>
          %parallel_loop3A_1730 = arith.constant 16 : i32
          %parallel_loop3A_1731 = vector.broadcast %parallel_loop3A_1730 : i32 to vector<16xi32>
          %parallel_loop3A_1732 = arith.shrui %parallel_loop3A_1729, %parallel_loop3A_1731 : vector<16xi32>
          %parallel_loop3A_1733 = arith.constant 1 : i32
          %parallel_loop3A_1734 = vector.broadcast %parallel_loop3A_1733 : i32 to vector<16xi32>
          %parallel_loop3A_1735 = arith.andi %parallel_loop3A_1732, %parallel_loop3A_1734 : vector<16xi32>
          %parallel_loop3A_1736 = arith.constant 32767 : i32
          %parallel_loop3A_1737 = vector.broadcast %parallel_loop3A_1736 : i32 to vector<16xi32>
          %parallel_loop3A_1738 = arith.addi %parallel_loop3A_1729, %parallel_loop3A_1737 : vector<16xi32>
          %parallel_loop3A_1739 = arith.addi %parallel_loop3A_1738, %parallel_loop3A_1735 : vector<16xi32>
          %parallel_loop3A_1740 = arith.constant -65536 : i32
          %parallel_loop3A_1741 = vector.broadcast %parallel_loop3A_1740 : i32 to vector<16xi32>
          %parallel_loop3A_1742 = arith.andi %parallel_loop3A_1739, %parallel_loop3A_1741 : vector<16xi32>
          %parallel_loop3A_1743 = tpu.bitcast %parallel_loop3A_1742 : vector<16xi32> -> vector<16xf32>
          %parallel_loop3A_1744 = arith.constant 4.000000e+00 : f32
          %parallel_loop3A_1745 = vector.broadcast %parallel_loop3A_1744 : f32 to vector<16xf32>
          %parallel_loop3A_1746 = arith.mulf %parallel_loop3A_1743, %parallel_loop3A_1745 : vector<16xf32>
          %parallel_loop3A_1747 = tpu.bitcast %parallel_loop3A_1486 : vector<16xf32> -> vector<16xi32>
          %parallel_loop3A_1748 = arith.constant 16 : i32
          %parallel_loop3A_1749 = vector.broadcast %parallel_loop3A_1748 : i32 to vector<16xi32>
          %parallel_loop3A_1750 = arith.shrui %parallel_loop3A_1747, %parallel_loop3A_1749 : vector<16xi32>
          %parallel_loop3A_1751 = arith.constant 1 : i32
          %parallel_loop3A_1752 = vector.broadcast %parallel_loop3A_1751 : i32 to vector<16xi32>
          %parallel_loop3A_1753 = arith.andi %parallel_loop3A_1750, %parallel_loop3A_1752 : vector<16xi32>
          %parallel_loop3A_1754 = arith.constant 32767 : i32
          %parallel_loop3A_1755 = vector.broadcast %parallel_loop3A_1754 : i32 to vector<16xi32>
          %parallel_loop3A_1756 = arith.addi %parallel_loop3A_1747, %parallel_loop3A_1755 : vector<16xi32>
          %parallel_loop3A_1757 = arith.addi %parallel_loop3A_1756, %parallel_loop3A_1753 : vector<16xi32>
          %parallel_loop3A_1758 = arith.constant -65536 : i32
          %parallel_loop3A_1759 = vector.broadcast %parallel_loop3A_1758 : i32 to vector<16xi32>
          %parallel_loop3A_1760 = arith.andi %parallel_loop3A_1757, %parallel_loop3A_1759 : vector<16xi32>
          %parallel_loop3A_1761 = tpu.bitcast %parallel_loop3A_1760 : vector<16xi32> -> vector<16xf32>
          %parallel_loop3A_1762 = arith.constant 2.000000e+00 : f32
          %parallel_loop3A_1763 = vector.broadcast %parallel_loop3A_1762 : f32 to vector<16xf32>
          %parallel_loop3A_1764 = arith.mulf %parallel_loop3A_1761, %parallel_loop3A_1763 : vector<16xf32>
          %parallel_loop3A_1765 = tpu.bitcast %parallel_loop3A_1494 : vector<16xf32> -> vector<16xi32>
          %parallel_loop3A_1766 = arith.constant 16 : i32
          %parallel_loop3A_1767 = vector.broadcast %parallel_loop3A_1766 : i32 to vector<16xi32>
          %parallel_loop3A_1768 = arith.shrui %parallel_loop3A_1765, %parallel_loop3A_1767 : vector<16xi32>
          %parallel_loop3A_1769 = arith.constant 1 : i32
          %parallel_loop3A_1770 = vector.broadcast %parallel_loop3A_1769 : i32 to vector<16xi32>
          %parallel_loop3A_1771 = arith.andi %parallel_loop3A_1768, %parallel_loop3A_1770 : vector<16xi32>
          %parallel_loop3A_1772 = arith.constant 32767 : i32
          %parallel_loop3A_1773 = vector.broadcast %parallel_loop3A_1772 : i32 to vector<16xi32>
          %parallel_loop3A_1774 = arith.addi %parallel_loop3A_1765, %parallel_loop3A_1773 : vector<16xi32>
          %parallel_loop3A_1775 = arith.addi %parallel_loop3A_1774, %parallel_loop3A_1771 : vector<16xi32>
          %parallel_loop3A_1776 = arith.constant -65536 : i32
          %parallel_loop3A_1777 = vector.broadcast %parallel_loop3A_1776 : i32 to vector<16xi32>
          %parallel_loop3A_1778 = arith.andi %parallel_loop3A_1775, %parallel_loop3A_1777 : vector<16xi32>
          %parallel_loop3A_1779 = tpu.bitcast %parallel_loop3A_1778 : vector<16xi32> -> vector<16xf32>
          %parallel_loop3A_1780 = arith.constant 1.000000e+00 : f32
          %parallel_loop3A_1781 = vector.broadcast %parallel_loop3A_1780 : f32 to vector<16xf32>
          %parallel_loop3A_1782 = arith.mulf %parallel_loop3A_1779, %parallel_loop3A_1781 : vector<16xf32>
          %parallel_loop3A_1783 = arith.addf %parallel_loop3A_1512, %parallel_loop3A_1530 : vector<16xf32>
          %parallel_loop3A_1784 = arith.addf %parallel_loop3A_1548, %parallel_loop3A_1566 : vector<16xf32>
          %parallel_loop3A_1785 = arith.addf %parallel_loop3A_1584, %parallel_loop3A_1602 : vector<16xf32>
          %parallel_loop3A_1786 = arith.addf %parallel_loop3A_1620, %parallel_loop3A_1638 : vector<16xf32>
          %parallel_loop3A_1787 = arith.addf %parallel_loop3A_1656, %parallel_loop3A_1674 : vector<16xf32>
          %parallel_loop3A_1788 = arith.addf %parallel_loop3A_1692, %parallel_loop3A_1710 : vector<16xf32>
          %parallel_loop3A_1789 = arith.addf %parallel_loop3A_1728, %parallel_loop3A_1746 : vector<16xf32>
          %parallel_loop3A_1790 = arith.addf %parallel_loop3A_1764, %parallel_loop3A_1782 : vector<16xf32>
          %parallel_loop3A_1791 = arith.addf %parallel_loop3A_1783, %parallel_loop3A_1784 : vector<16xf32>
          %parallel_loop3A_1792 = arith.addf %parallel_loop3A_1785, %parallel_loop3A_1786 : vector<16xf32>
          %parallel_loop3A_1793 = arith.addf %parallel_loop3A_1787, %parallel_loop3A_1788 : vector<16xf32>
          %parallel_loop3A_1794 = arith.addf %parallel_loop3A_1789, %parallel_loop3A_1790 : vector<16xf32>
          %parallel_loop3A_1795 = arith.addf %parallel_loop3A_1791, %parallel_loop3A_1792 : vector<16xf32>
          %parallel_loop3A_1796 = arith.addf %parallel_loop3A_1793, %parallel_loop3A_1794 : vector<16xf32>
          %parallel_loop3A_1797 = arith.addf %parallel_loop3A_1795, %parallel_loop3A_1796 : vector<16xf32>
          %parallel_loop3A_1798 = arith.fptosi %parallel_loop3A_1797 : vector<16xf32> to vector<16xi32>
          %parallel_loop3A_1799 = arith.constant 0 : i32
          %parallel_loop3A_1800 = arith.constant 65535 : i32
          %parallel_loop3A_1801 = vector.broadcast %parallel_loop3A_1799 : i32 to vector<16xi32>
          %parallel_loop3A_1802 = arith.maxsi %parallel_loop3A_1801, %parallel_loop3A_1798 : vector<16xi32>
          %parallel_loop3A_1803 = vector.broadcast %parallel_loop3A_1800 : i32 to vector<16xi32>
          %parallel_loop3A_1804 = arith.minsi %parallel_loop3A_1803, %parallel_loop3A_1802 : vector<16xi32>
          %parallel_loop3A_1805 = arith.constant 208 : i32
          %parallel_loop3A_1806 = arith.muli %rem3A_1149, %parallel_loop3A_1805 : i32
          %parallel_loop3A_1807 = arith.addi %parallel_loop3A_1806, %parallel_loop3A_1361 : i32
          %parallel_loop3A_1808 = arith.index_cast %parallel_loop3A_1807 : i32 to index
          %parallel_loop3A_1809 = tpu.vector_load %arg9[%parallel_loop3A_1808] {strides = array<i32>} : memref<624xi32, #tpu.memory_space<vmem>>, vector<16xi32>,
          tpu.vector_store %arg9[%parallel_loop3A_1808], %parallel_loop3A_1804 {strides = array<i32>} : memref<624xi32, #tpu.memory_space<vmem>>, vector<16xi32>,
        } {sc.loop_unroll_factor = 1 : i64, sc.parallel_access}
        %mul3A_1153 = arith.constant 208 : i32
        %mul3A_1154 = arith.muli %rem3A_1149, %mul3A_1153 : i32
        %add3A_1155 = arith.constant 208 : i32
        %add3A_1156 = arith.addi %mul3A_1154, %add3A_1155 : i32
        %sub3A_1157 = arith.constant 16 : i32
        %sub3A_1158 = arith.subi %add3A_1156, %sub3A_1157 : i32
        %get3A_1159 = arith.index_cast %sub3A_1158 : i32 to index
        %get3A_1160 = tpu.vector_load %arg9[%get3A_1159] {strides = array<i32>} : memref<624xi32, #tpu.memory_space<vmem>>, vector<16xi32>,
        %mul3A_1161 = arith.constant 16 : i32
        %mul3A_1162 = arith.muli %add3A, %mul3A_1161 : i32
        %add3A_1163 = vector.broadcast %mul3A_1162 : i32 to vector<16xi32>
        %add3A_1164 = arith.addi %add3A_1163, %iota3A : vector<16xi32>
        %lt3A_1165 = arith.constant 8 : i32
        %lt3A_1166 = vector.broadcast %lt3A_1165 : i32 to vector<16xi32>
        %lt3A_1167 = arith.cmpi slt, %iota3A, %lt3A_1166 : vector<16xi32>
        %select_n3A_1168 = arith.select %lt3A_1167, %get3A_1160, %add3A_1164 : vector<16xi1>, vector<16xi32>
        %mul3A_1169 = arith.constant 208 : i32
        %mul3A_1170 = arith.muli %rem3A_1149, %mul3A_1169 : i32
        %add3A_1171 = arith.constant 208 : i32
        %add3A_1172 = arith.addi %mul3A_1170, %add3A_1171 : i32
        %sub3A_1173 = arith.constant 16 : i32
        %sub3A_1174 = arith.subi %add3A_1172, %sub3A_1173 : i32
        %swap3A_1175 = arith.index_cast %sub3A_1174 : i32 to index
        %swap3A_1176 = tpu.vector_load %arg9[%swap3A_1175] {strides = array<i32>} : memref<624xi32, #tpu.memory_space<vmem>>, vector<16xi32>,
        tpu.vector_store %arg9[%swap3A_1175], %select_n3A_1168 {strides = array<i32>} : memref<624xi32, #tpu.memory_space<vmem>>, vector<16xi32>,
        %broadcast_in_dim3A_1177 = arith.constant 0 : i32
        %broadcast_in_dim3A_1178 = vector.broadcast %broadcast_in_dim3A_1177 : i32 to vector<16xi32>
        %scan3A_1179 = arith.constant 0 : i32
        %mul3A_1180 = arith.constant 16 : i32
        %mul3A_1181 = arith.muli %scan3A_1179, %mul3A_1180 : i32
        %min3A_1182 = arith.constant 184 : i32
        %min3A_1183 = arith.minsi %mul3A_1181, %min3A_1182 : i32
        %mul3A_1184 = arith.constant 208 : i32
        %mul3A_1185 = arith.muli %rem3A_1149, %mul3A_1184 : i32
        %add3A_1186 = arith.addi %mul3A_1185, %min3A_1183 : i32
        %get3A_1187 = arith.index_cast %add3A_1186 : i32 to index
        %get3A_1188 = tpu.vector_load %arg10[%get3A_1187] {strides = array<i32>} : memref<624xi32, #tpu.memory_space<vmem>>, vector<16xi32>,
        %max3A_1189 = arith.maxsi %broadcast_in_dim3A_1178, %get3A_1188 : vector<16xi32>
        %scan3A_1190 = arith.constant 1 : i32
        %mul3A_1191 = arith.constant 16 : i32
        %mul3A_1192 = arith.muli %scan3A_1190, %mul3A_1191 : i32
        %min3A_1193 = arith.constant 184 : i32
        %min3A_1194 = arith.minsi %mul3A_1192, %min3A_1193 : i32
        %mul3A_1195 = arith.constant 208 : i32
        %mul3A_1196 = arith.muli %rem3A_1149, %mul3A_1195 : i32
        %add3A_1197 = arith.addi %mul3A_1196, %min3A_1194 : i32
        %get3A_1198 = arith.index_cast %add3A_1197 : i32 to index
        %get3A_1199 = tpu.vector_load %arg10[%get3A_1198] {strides = array<i32>} : memref<624xi32, #tpu.memory_space<vmem>>, vector<16xi32>,
        %max3A_1200 = arith.maxsi %max3A_1189, %get3A_1199 : vector<16xi32>
        %scan3A_1201 = arith.constant 2 : i32
        %mul3A_1202 = arith.constant 16 : i32
        %mul3A_1203 = arith.muli %scan3A_1201, %mul3A_1202 : i32
        %min3A_1204 = arith.constant 184 : i32
        %min3A_1205 = arith.minsi %mul3A_1203, %min3A_1204 : i32
        %mul3A_1206 = arith.constant 208 : i32
        %mul3A_1207 = arith.muli %rem3A_1149, %mul3A_1206 : i32
        %add3A_1208 = arith.addi %mul3A_1207, %min3A_1205 : i32
        %get3A_1209 = arith.index_cast %add3A_1208 : i32 to index
        %get3A_1210 = tpu.vector_load %arg10[%get3A_1209] {strides = array<i32>} : memref<624xi32, #tpu.memory_space<vmem>>, vector<16xi32>,
        %max3A_1211 = arith.maxsi %max3A_1200, %get3A_1210 : vector<16xi32>
        %scan3A_1212 = arith.constant 3 : i32
        %mul3A_1213 = arith.constant 16 : i32
        %mul3A_1214 = arith.muli %scan3A_1212, %mul3A_1213 : i32
        %min3A_1215 = arith.constant 184 : i32
        %min3A_1216 = arith.minsi %mul3A_1214, %min3A_1215 : i32
        %mul3A_1217 = arith.constant 208 : i32
        %mul3A_1218 = arith.muli %rem3A_1149, %mul3A_1217 : i32
        %add3A_1219 = arith.addi %mul3A_1218, %min3A_1216 : i32
        %get3A_1220 = arith.index_cast %add3A_1219 : i32 to index
        %get3A_1221 = tpu.vector_load %arg10[%get3A_1220] {strides = array<i32>} : memref<624xi32, #tpu.memory_space<vmem>>, vector<16xi32>,
        %max3A_1222 = arith.maxsi %max3A_1211, %get3A_1221 : vector<16xi32>
        %scan3A_1223 = arith.constant 4 : i32
        %mul3A_1224 = arith.constant 16 : i32
        %mul3A_1225 = arith.muli %scan3A_1223, %mul3A_1224 : i32
        %min3A_1226 = arith.constant 184 : i32
        %min3A_1227 = arith.minsi %mul3A_1225, %min3A_1226 : i32
        %mul3A_1228 = arith.constant 208 : i32
        %mul3A_1229 = arith.muli %rem3A_1149, %mul3A_1228 : i32
        %add3A_1230 = arith.addi %mul3A_1229, %min3A_1227 : i32
        %get3A_1231 = arith.index_cast %add3A_1230 : i32 to index
        %get3A_1232 = tpu.vector_load %arg10[%get3A_1231] {strides = array<i32>} : memref<624xi32, #tpu.memory_space<vmem>>, vector<16xi32>,
        %max3A_1233 = arith.maxsi %max3A_1222, %get3A_1232 : vector<16xi32>
        %scan3A_1234 = arith.constant 5 : i32
        %mul3A_1235 = arith.constant 16 : i32
        %mul3A_1236 = arith.muli %scan3A_1234, %mul3A_1235 : i32
        %min3A_1237 = arith.constant 184 : i32
        %min3A_1238 = arith.minsi %mul3A_1236, %min3A_1237 : i32
        %mul3A_1239 = arith.constant 208 : i32
        %mul3A_1240 = arith.muli %rem3A_1149, %mul3A_1239 : i32
        %add3A_1241 = arith.addi %mul3A_1240, %min3A_1238 : i32
        %get3A_1242 = arith.index_cast %add3A_1241 : i32 to index
        %get3A_1243 = tpu.vector_load %arg10[%get3A_1242] {strides = array<i32>} : memref<624xi32, #tpu.memory_space<vmem>>, vector<16xi32>,
        %max3A_1244 = arith.maxsi %max3A_1233, %get3A_1243 : vector<16xi32>
        %scan3A_1245 = arith.constant 6 : i32
        %mul3A_1246 = arith.constant 16 : i32
        %mul3A_1247 = arith.muli %scan3A_1245, %mul3A_1246 : i32
        %min3A_1248 = arith.constant 184 : i32
        %min3A_1249 = arith.minsi %mul3A_1247, %min3A_1248 : i32
        %mul3A_1250 = arith.constant 208 : i32
        %mul3A_1251 = arith.muli %rem3A_1149, %mul3A_1250 : i32
        %add3A_1252 = arith.addi %mul3A_1251, %min3A_1249 : i32
        %get3A_1253 = arith.index_cast %add3A_1252 : i32 to index
        %get3A_1254 = tpu.vector_load %arg10[%get3A_1253] {strides = array<i32>} : memref<624xi32, #tpu.memory_space<vmem>>, vector<16xi32>,
        %max3A_1255 = arith.maxsi %max3A_1244, %get3A_1254 : vector<16xi32>
        %scan3A_1256 = arith.constant 7 : i32
        %mul3A_1257 = arith.constant 16 : i32
        %mul3A_1258 = arith.muli %scan3A_1256, %mul3A_1257 : i32
        %min3A_1259 = arith.constant 184 : i32
        %min3A_1260 = arith.minsi %mul3A_1258, %min3A_1259 : i32
        %mul3A_1261 = arith.constant 208 : i32
        %mul3A_1262 = arith.muli %rem3A_1149, %mul3A_1261 : i32
        %add3A_1263 = arith.addi %mul3A_1262, %min3A_1260 : i32
        %get3A_1264 = arith.index_cast %add3A_1263 : i32 to index
        %get3A_1265 = tpu.vector_load %arg10[%get3A_1264] {strides = array<i32>} : memref<624xi32, #tpu.memory_space<vmem>>, vector<16xi32>,
        %max3A_1266 = arith.maxsi %max3A_1255, %get3A_1265 : vector<16xi32>
        %scan3A_1267 = arith.constant 8 : i32
        %mul3A_1268 = arith.constant 16 : i32
        %mul3A_1269 = arith.muli %scan3A_1267, %mul3A_1268 : i32
        %min3A_1270 = arith.constant 184 : i32
        %min3A_1271 = arith.minsi %mul3A_1269, %min3A_1270 : i32
        %mul3A_1272 = arith.constant 208 : i32
        %mul3A_1273 = arith.muli %rem3A_1149, %mul3A_1272 : i32
        %add3A_1274 = arith.addi %mul3A_1273, %min3A_1271 : i32
        %get3A_1275 = arith.index_cast %add3A_1274 : i32 to index
        %get3A_1276 = tpu.vector_load %arg10[%get3A_1275] {strides = array<i32>} : memref<624xi32, #tpu.memory_space<vmem>>, vector<16xi32>,
        %max3A_1277 = arith.maxsi %max3A_1266, %get3A_1276 : vector<16xi32>
        %scan3A_1278 = arith.constant 9 : i32
        %mul3A_1279 = arith.constant 16 : i32
        %mul3A_1280 = arith.muli %scan3A_1278, %mul3A_1279 : i32
        %min3A_1281 = arith.constant 184 : i32
        %min3A_1282 = arith.minsi %mul3A_1280, %min3A_1281 : i32
        %mul3A_1283 = arith.constant 208 : i32
        %mul3A_1284 = arith.muli %rem3A_1149, %mul3A_1283 : i32
        %add3A_1285 = arith.addi %mul3A_1284, %min3A_1282 : i32
        %get3A_1286 = arith.index_cast %add3A_1285 : i32 to index
        %get3A_1287 = tpu.vector_load %arg10[%get3A_1286] {strides = array<i32>} : memref<624xi32, #tpu.memory_space<vmem>>, vector<16xi32>,
        %max3A_1288 = arith.maxsi %max3A_1277, %get3A_1287 : vector<16xi32>
        %scan3A_1289 = arith.constant 10 : i32
        %mul3A_1290 = arith.constant 16 : i32
        %mul3A_1291 = arith.muli %scan3A_1289, %mul3A_1290 : i32
        %min3A_1292 = arith.constant 184 : i32
        %min3A_1293 = arith.minsi %mul3A_1291, %min3A_1292 : i32
        %mul3A_1294 = arith.constant 208 : i32
        %mul3A_1295 = arith.muli %rem3A_1149, %mul3A_1294 : i32
        %add3A_1296 = arith.addi %mul3A_1295, %min3A_1293 : i32
        %get3A_1297 = arith.index_cast %add3A_1296 : i32 to index
        %get3A_1298 = tpu.vector_load %arg10[%get3A_1297] {strides = array<i32>} : memref<624xi32, #tpu.memory_space<vmem>>, vector<16xi32>,
        %max3A_1299 = arith.maxsi %max3A_1288, %get3A_1298 : vector<16xi32>
        %scan3A_1300 = arith.constant 11 : i32
        %mul3A_1301 = arith.constant 16 : i32
        %mul3A_1302 = arith.muli %scan3A_1300, %mul3A_1301 : i32
        %min3A_1303 = arith.constant 184 : i32
        %min3A_1304 = arith.minsi %mul3A_1302, %min3A_1303 : i32
        %mul3A_1305 = arith.constant 208 : i32
        %mul3A_1306 = arith.muli %rem3A_1149, %mul3A_1305 : i32
        %add3A_1307 = arith.addi %mul3A_1306, %min3A_1304 : i32
        %get3A_1308 = arith.index_cast %add3A_1307 : i32 to index
        %get3A_1309 = tpu.vector_load %arg10[%get3A_1308] {strides = array<i32>} : memref<624xi32, #tpu.memory_space<vmem>>, vector<16xi32>,
        %max3A_1310 = arith.maxsi %max3A_1299, %get3A_1309 : vector<16xi32>
        %scan3A_1311 = arith.constant 12 : i32
        %mul3A_1312 = arith.constant 16 : i32
        %mul3A_1313 = arith.muli %scan3A_1311, %mul3A_1312 : i32
        %min3A_1314 = arith.constant 184 : i32
        %min3A_1315 = arith.minsi %mul3A_1313, %min3A_1314 : i32
        %mul3A_1316 = arith.constant 208 : i32
        %mul3A_1317 = arith.muli %rem3A_1149, %mul3A_1316 : i32
        %add3A_1318 = arith.addi %mul3A_1317, %min3A_1315 : i32
        %get3A_1319 = arith.index_cast %add3A_1318 : i32 to index
        %get3A_1320 = tpu.vector_load %arg10[%get3A_1319] {strides = array<i32>} : memref<624xi32, #tpu.memory_space<vmem>>, vector<16xi32>,
        %max3A_1321 = arith.maxsi %max3A_1310, %get3A_1320 : vector<16xi32>
        %scan3A_1322 = arith.constant 13 : i32
        %reduce_max3A_1323 = arith.constant true
        %reduce_max3A_1324 = vector.broadcast %reduce_max3A_1323 : i1 to vector<16xi1>
        %reduce_max3A_1325 = arith.constant -2147483648 : i32
        %reduce_max3A_1326 = vector.broadcast %reduce_max3A_1325 : i32 to vector<16xi32>
        %reduce_max3A_1327 = arith.xori %max3A_1321, %reduce_max3A_1326 : vector<16xi32>
        %reduce_max3A_1328 = tpu.scan <max>, %reduce_max3A_1327 masked %reduce_max3A_1324 : vector<16xi32>, vector<16xi1> -> vector<16xi32>
        %reduce_max3A_1329 = arith.xori %reduce_max3A_1328, %reduce_max3A_1326 : vector<16xi32>
        %reduce_max3A_1330 = vector.extract %reduce_max3A_1329[15] : i32 from vector<16xi32>
        %add3A_1331 = arith.constant 1 : i32
        %add3A_1332 = arith.addi %reduce_max3A_1330, %add3A_1331 : i32
        %mul3A_1333 = arith.constant 208 : i32
        %mul3A_1334 = arith.muli %rem3A_1149, %mul3A_1333 : i32
        %add3A_1335 = arith.constant 208 : i32
        %add3A_1336 = arith.addi %mul3A_1334, %add3A_1335 : i32
        %sub3A_1337 = arith.constant 16 : i32
        %sub3A_1338 = arith.subi %add3A_1336, %sub3A_1337 : i32
        %get3A_1339 = arith.index_cast %sub3A_1338 : i32 to index
        %get3A_1340 = tpu.vector_load %arg10[%get3A_1339] {strides = array<i32>} : memref<624xi32, #tpu.memory_space<vmem>>, vector<16xi32>,
        %lt3A_1341 = arith.constant 8 : i32
        %lt3A_1342 = vector.broadcast %lt3A_1341 : i32 to vector<16xi32>
        %lt3A_1343 = arith.cmpi slt, %iota3A, %lt3A_1342 : vector<16xi32>
        %broadcast_in_dim3A_1344 = arith.constant 0 : i32
        %broadcast_in_dim3A_1345 = vector.broadcast %broadcast_in_dim3A_1344 : i32 to vector<16xi32>
        %add3A_1346 = vector.broadcast %add3A_1332 : i32 to vector<16xi32>
        %add3A_1347 = arith.addi %broadcast_in_dim3A_1345, %add3A_1346 : vector<16xi32>
        %select_n3A_1348 = arith.select %lt3A_1343, %get3A_1340, %add3A_1347 : vector<16xi1>, vector<16xi32>
        %mul3A_1349 = arith.constant 208 : i32
        %mul3A_1350 = arith.muli %rem3A_1149, %mul3A_1349 : i32
        %add3A_1351 = arith.constant 208 : i32
        %add3A_1352 = arith.addi %mul3A_1350, %add3A_1351 : i32
        %sub3A_1353 = arith.constant 16 : i32
        %sub3A_1354 = arith.subi %add3A_1352, %sub3A_1353 : i32
        %swap3A_1355 = arith.index_cast %sub3A_1354 : i32 to index
        %swap3A_1356 = tpu.vector_load %arg10[%swap3A_1355] {strides = array<i32>} : memref<624xi32, #tpu.memory_space<vmem>>, vector<16xi32>,
        tpu.vector_store %arg10[%swap3A_1355], %select_n3A_1348 {strides = array<i32>} : memref<624xi32, #tpu.memory_space<vmem>>, vector<16xi32>,
      } else {
      }
      %scan3A_1118 = arith.constant 0 : i32
      scf.yield %scan3A_1118 : i32
    }
    %scan3A_590 = arith.constant 31 : i32
    %and3A_591 = arith.constant 31 : i32
    %and3A_592 = arith.constant 1 : i32
    %and3A_593 = arith.andi %and3A_591, %and3A_592 : i32
    %rem3A_594 = arith.constant 31 : i32
    %rem3A_595 = arith.constant 3 : i32
    %rem3A_596 = arith.remsi %rem3A_594, %rem3A_595 : i32
    %mul3A_597 = arith.constant 208 : i32
    %mul3A_598 = arith.muli %rem3A_596, %mul3A_597 : i32
    %add3A_599 = arith.constant 0 : i32
    %add3A_600 = arith.addi %mul3A_598, %add3A_599 : i32
    %mul3A_601 = arith.constant 208 : i32
    %mul3A_602 = arith.muli %rem3A_596, %mul3A_601 : i32
    %add3A_603 = arith.constant 104 : i32
    %add3A_604 = arith.addi %mul3A_602, %add3A_603 : i32
    %and3A_605 = arith.constant 31 : i32
    %and3A_606 = arith.constant 1 : i32
    %and3A_607 = arith.andi %and3A_605, %and3A_606 : i32
    %rem3A_608 = arith.constant 31 : i32
    %rem3A_609 = arith.constant 3 : i32
    %rem3A_610 = arith.remsi %rem3A_608, %rem3A_609 : i32
    %mul3A_611 = arith.constant 208 : i32
    %mul3A_612 = arith.muli %rem3A_610, %mul3A_611 : i32
    %add3A_613 = arith.constant 0 : i32
    %add3A_614 = arith.addi %mul3A_612, %add3A_613 : i32
    %mul3A_615 = arith.constant 208 : i32
    %mul3A_616 = arith.muli %rem3A_610, %mul3A_615 : i32
    %add3A_617 = arith.constant 104 : i32
    %add3A_618 = arith.addi %mul3A_616, %add3A_617 : i32
    %dma_wait3A_619 = arith.constant 0 : i32
    %dma_wait3A_620 = arith.constant 0 : i32
    %dma_wait3A_621 = tpu.memref_slice %arg11[%and3A_593, %dma_wait3A_619, %dma_wait3A_620] : memref<2x208x128xf32, #tpu.memory_space<vmem>> -> memref<1x104x128xf32, #tpu.memory_space<vmem>>
    %dma_wait3A_622 = tpu.memref_squeeze %dma_wait3A_621 : memref<1x104x128xf32, #tpu.memory_space<vmem>> -> memref<104x128xf32, #tpu.memory_space<vmem>>
    %dma_wait3A_623 = tpu.memref_slice %arg9[%add3A_600] : memref<624xi32, #tpu.memory_space<vmem>> -> memref<104xi32, #tpu.memory_space<vmem>>
    %dma_wait3A_624 = arith.constant 0 : i32
    %dma_wait3A_625 = arith.constant 0 : i32
    %dma_wait3A_626 = tpu.memref_slice %arg4[%dma_wait3A_624, %dma_wait3A_625] : memref<65536x128xf32, #tpu.memory_space<hbm>> -> memref<65536x128xf32, #tpu.memory_space<hbm>>
    %dma_wait3A_627 = tpu.memref_slice %arg15[%and3A_593] : memref<2x!tpu.dma_semaphore, #tpu.memory_space<semaphore_mem>> -> memref<1x!tpu.dma_semaphore, #tpu.memory_space<semaphore_mem>>
    %dma_wait3A_628 = tpu.memref_squeeze %dma_wait3A_627 : memref<1x!tpu.dma_semaphore, #tpu.memory_space<semaphore_mem>> -> memref<!tpu.dma_semaphore, #tpu.memory_space<semaphore_mem>>
    tpu.wait_indirect_dma semaphore(%dma_wait3A_628 : memref<!tpu.dma_semaphore, #tpu.memory_space<semaphore_mem>>) src(%dma_wait3A_626 : memref<65536x128xf32, #tpu.memory_space<hbm>>) dst(%dma_wait3A_622 : memref<104x128xf32, #tpu.memory_space<vmem>>)
    %dma_wait3A_629 = arith.constant 104 : i32
    %dma_wait3A_630 = arith.constant 0 : i32
    %dma_wait3A_631 = tpu.memref_slice %arg11[%and3A_593, %dma_wait3A_629, %dma_wait3A_630] : memref<2x208x128xf32, #tpu.memory_space<vmem>> -> memref<1x104x128xf32, #tpu.memory_space<vmem>>
    %dma_wait3A_632 = tpu.memref_squeeze %dma_wait3A_631 : memref<1x104x128xf32, #tpu.memory_space<vmem>> -> memref<104x128xf32, #tpu.memory_space<vmem>>
    %dma_wait3A_633 = tpu.memref_slice %arg9[%add3A_604] : memref<624xi32, #tpu.memory_space<vmem>> -> memref<104xi32, #tpu.memory_space<vmem>>
    %dma_wait3A_634 = arith.constant 0 : i32
    %dma_wait3A_635 = arith.constant 0 : i32
    %dma_wait3A_636 = tpu.memref_slice %arg4[%dma_wait3A_634, %dma_wait3A_635] : memref<65536x128xf32, #tpu.memory_space<hbm>> -> memref<65536x128xf32, #tpu.memory_space<hbm>>
    %dma_wait3A_637 = tpu.memref_slice %arg15[%and3A_593] : memref<2x!tpu.dma_semaphore, #tpu.memory_space<semaphore_mem>> -> memref<1x!tpu.dma_semaphore, #tpu.memory_space<semaphore_mem>>
    %dma_wait3A_638 = tpu.memref_squeeze %dma_wait3A_637 : memref<1x!tpu.dma_semaphore, #tpu.memory_space<semaphore_mem>> -> memref<!tpu.dma_semaphore, #tpu.memory_space<semaphore_mem>>
    tpu.wait_indirect_dma semaphore(%dma_wait3A_638 : memref<!tpu.dma_semaphore, #tpu.memory_space<semaphore_mem>>) src(%dma_wait3A_636 : memref<65536x128xf32, #tpu.memory_space<hbm>>) dst(%dma_wait3A_632 : memref<104x128xf32, #tpu.memory_space<vmem>>)
    %dma_wait3A_639 = arith.constant 0 : i32
    %dma_wait3A_640 = arith.constant 0 : i32
    %dma_wait3A_641 = tpu.memref_slice %arg12[%and3A_607, %dma_wait3A_639, %dma_wait3A_640] : memref<2x208x128xf32, #tpu.memory_space<vmem>> -> memref<1x104x128xf32, #tpu.memory_space<vmem>>
    %dma_wait3A_642 = tpu.memref_squeeze %dma_wait3A_641 : memref<1x104x128xf32, #tpu.memory_space<vmem>> -> memref<104x128xf32, #tpu.memory_space<vmem>>
    %dma_wait3A_643 = tpu.memref_slice %arg10[%add3A_614] : memref<624xi32, #tpu.memory_space<vmem>> -> memref<104xi32, #tpu.memory_space<vmem>>
    %dma_wait3A_644 = arith.constant 0 : i32
    %dma_wait3A_645 = arith.constant 0 : i32
    %dma_wait3A_646 = tpu.memref_slice %arg5[%dma_wait3A_644, %dma_wait3A_645] : memref<65537x128xf32, #tpu.memory_space<hbm>> -> memref<65537x128xf32, #tpu.memory_space<hbm>>
    %dma_wait3A_647 = tpu.memref_slice %arg15[%and3A_607] : memref<2x!tpu.dma_semaphore, #tpu.memory_space<semaphore_mem>> -> memref<1x!tpu.dma_semaphore, #tpu.memory_space<semaphore_mem>>
    %dma_wait3A_648 = tpu.memref_squeeze %dma_wait3A_647 : memref<1x!tpu.dma_semaphore, #tpu.memory_space<semaphore_mem>> -> memref<!tpu.dma_semaphore, #tpu.memory_space<semaphore_mem>>
    tpu.wait_indirect_dma semaphore(%dma_wait3A_648 : memref<!tpu.dma_semaphore, #tpu.memory_space<semaphore_mem>>) src(%dma_wait3A_646 : memref<65537x128xf32, #tpu.memory_space<hbm>>) dst(%dma_wait3A_642 : memref<104x128xf32, #tpu.memory_space<vmem>>)
    %dma_wait3A_649 = arith.constant 104 : i32
    %dma_wait3A_650 = arith.constant 0 : i32
    %dma_wait3A_651 = tpu.memref_slice %arg12[%and3A_607, %dma_wait3A_649, %dma_wait3A_650] : memref<2x208x128xf32, #tpu.memory_space<vmem>> -> memref<1x104x128xf32, #tpu.memory_space<vmem>>
    %dma_wait3A_652 = tpu.memref_squeeze %dma_wait3A_651 : memref<1x104x128xf32, #tpu.memory_space<vmem>> -> memref<104x128xf32, #tpu.memory_space<vmem>>
    %dma_wait3A_653 = tpu.memref_slice %arg10[%add3A_618] : memref<624xi32, #tpu.memory_space<vmem>> -> memref<104xi32, #tpu.memory_space<vmem>>
    %dma_wait3A_654 = arith.constant 0 : i32
    %dma_wait3A_655 = arith.constant 0 : i32
    %dma_wait3A_656 = tpu.memref_slice %arg5[%dma_wait3A_654, %dma_wait3A_655] : memref<65537x128xf32, #tpu.memory_space<hbm>> -> memref<65537x128xf32, #tpu.memory_space<hbm>>
    %dma_wait3A_657 = tpu.memref_slice %arg15[%and3A_607] : memref<2x!tpu.dma_semaphore, #tpu.memory_space<semaphore_mem>> -> memref<1x!tpu.dma_semaphore, #tpu.memory_space<semaphore_mem>>
    %dma_wait3A_658 = tpu.memref_squeeze %dma_wait3A_657 : memref<1x!tpu.dma_semaphore, #tpu.memory_space<semaphore_mem>> -> memref<!tpu.dma_semaphore, #tpu.memory_space<semaphore_mem>>
    tpu.wait_indirect_dma semaphore(%dma_wait3A_658 : memref<!tpu.dma_semaphore, #tpu.memory_space<semaphore_mem>>) src(%dma_wait3A_656 : memref<65537x128xf32, #tpu.memory_space<hbm>>) dst(%dma_wait3A_652 : memref<104x128xf32, #tpu.memory_space<vmem>>)
    %and3A_659 = arith.constant 31 : i32
    %and3A_660 = arith.constant 1 : i32
    %and3A_661 = arith.andi %and3A_659, %and3A_660 : i32
    %get3A_662 = arith.constant 0 : i32
    %get3A_663 = arith.index_cast %and3A_661 : i32 to index
    %get3A_664 = arith.index_cast %get3A_662 : i32 to index
    %get3A_665 = arith.constant 0 : index
    %get3A_666 = tpu.vector_load %arg12[%get3A_663, %get3A_664, %get3A_665] {strides = array<i32>} : memref<2x208x128xf32, #tpu.memory_space<vmem>>, vector<16xf32>,
    %get3A_667 = arith.constant 0 : index
    %get3A_668 = tpu.vector_load %arg13[%get3A_667] {strides = array<i32>} : memref<128xf32, #tpu.memory_space<vmem>>, vector<16xf32>,
    %add3A_669 = arith.addf %get3A_666, %get3A_668 : vector<16xf32>
    %swap3A_670 = arith.constant 0 : i32
    %swap3A_671 = arith.index_cast %and3A_661 : i32 to index
    %swap3A_672 = arith.index_cast %swap3A_670 : i32 to index
    %swap3A_673 = arith.constant 0 : index
    %swap3A_674 = tpu.vector_load %arg12[%swap3A_671, %swap3A_672, %swap3A_673] {strides = array<i32>} : memref<2x208x128xf32, #tpu.memory_space<vmem>>, vector<16xf32>,
    tpu.vector_store %arg12[%swap3A_671, %swap3A_672, %swap3A_673], %add3A_669 {strides = array<i32>} : memref<2x208x128xf32, #tpu.memory_space<vmem>>, vector<16xf32>,
    %get3A_675 = arith.constant 0 : i32
    %get3A_676 = arith.index_cast %and3A_661 : i32 to index
    %get3A_677 = arith.index_cast %get3A_675 : i32 to index
    %get3A_678 = arith.constant 16 : index
    %get3A_679 = tpu.vector_load %arg12[%get3A_676, %get3A_677, %get3A_678] {strides = array<i32>} : memref<2x208x128xf32, #tpu.memory_space<vmem>>, vector<16xf32>,
    %get3A_680 = arith.constant 16 : index
    %get3A_681 = tpu.vector_load %arg13[%get3A_680] {strides = array<i32>} : memref<128xf32, #tpu.memory_space<vmem>>, vector<16xf32>,
    %add3A_682 = arith.addf %get3A_679, %get3A_681 : vector<16xf32>
    %swap3A_683 = arith.constant 0 : i32
    %swap3A_684 = arith.index_cast %and3A_661 : i32 to index
    %swap3A_685 = arith.index_cast %swap3A_683 : i32 to index
    %swap3A_686 = arith.constant 16 : index
    %swap3A_687 = tpu.vector_load %arg12[%swap3A_684, %swap3A_685, %swap3A_686] {strides = array<i32>} : memref<2x208x128xf32, #tpu.memory_space<vmem>>, vector<16xf32>,
    tpu.vector_store %arg12[%swap3A_684, %swap3A_685, %swap3A_686], %add3A_682 {strides = array<i32>} : memref<2x208x128xf32, #tpu.memory_space<vmem>>, vector<16xf32>,
    %get3A_688 = arith.constant 0 : i32
    %get3A_689 = arith.index_cast %and3A_661 : i32 to index
    %get3A_690 = arith.index_cast %get3A_688 : i32 to index
    %get3A_691 = arith.constant 32 : index
    %get3A_692 = tpu.vector_load %arg12[%get3A_689, %get3A_690, %get3A_691] {strides = array<i32>} : memref<2x208x128xf32, #tpu.memory_space<vmem>>, vector<16xf32>,
    %get3A_693 = arith.constant 32 : index
    %get3A_694 = tpu.vector_load %arg13[%get3A_693] {strides = array<i32>} : memref<128xf32, #tpu.memory_space<vmem>>, vector<16xf32>,
    %add3A_695 = arith.addf %get3A_692, %get3A_694 : vector<16xf32>
    %swap3A_696 = arith.constant 0 : i32
    %swap3A_697 = arith.index_cast %and3A_661 : i32 to index
    %swap3A_698 = arith.index_cast %swap3A_696 : i32 to index
    %swap3A_699 = arith.constant 32 : index
    %swap3A_700 = tpu.vector_load %arg12[%swap3A_697, %swap3A_698, %swap3A_699] {strides = array<i32>} : memref<2x208x128xf32, #tpu.memory_space<vmem>>, vector<16xf32>,
    tpu.vector_store %arg12[%swap3A_697, %swap3A_698, %swap3A_699], %add3A_695 {strides = array<i32>} : memref<2x208x128xf32, #tpu.memory_space<vmem>>, vector<16xf32>,
    %get3A_701 = arith.constant 0 : i32
    %get3A_702 = arith.index_cast %and3A_661 : i32 to index
    %get3A_703 = arith.index_cast %get3A_701 : i32 to index
    %get3A_704 = arith.constant 48 : index
    %get3A_705 = tpu.vector_load %arg12[%get3A_702, %get3A_703, %get3A_704] {strides = array<i32>} : memref<2x208x128xf32, #tpu.memory_space<vmem>>, vector<16xf32>,
    %get3A_706 = arith.constant 48 : index
    %get3A_707 = tpu.vector_load %arg13[%get3A_706] {strides = array<i32>} : memref<128xf32, #tpu.memory_space<vmem>>, vector<16xf32>,
    %add3A_708 = arith.addf %get3A_705, %get3A_707 : vector<16xf32>
    %swap3A_709 = arith.constant 0 : i32
    %swap3A_710 = arith.index_cast %and3A_661 : i32 to index
    %swap3A_711 = arith.index_cast %swap3A_709 : i32 to index
    %swap3A_712 = arith.constant 48 : index
    %swap3A_713 = tpu.vector_load %arg12[%swap3A_710, %swap3A_711, %swap3A_712] {strides = array<i32>} : memref<2x208x128xf32, #tpu.memory_space<vmem>>, vector<16xf32>,
    tpu.vector_store %arg12[%swap3A_710, %swap3A_711, %swap3A_712], %add3A_708 {strides = array<i32>} : memref<2x208x128xf32, #tpu.memory_space<vmem>>, vector<16xf32>,
    %get3A_714 = arith.constant 0 : i32
    %get3A_715 = arith.index_cast %and3A_661 : i32 to index
    %get3A_716 = arith.index_cast %get3A_714 : i32 to index
    %get3A_717 = arith.constant 64 : index
    %get3A_718 = tpu.vector_load %arg12[%get3A_715, %get3A_716, %get3A_717] {strides = array<i32>} : memref<2x208x128xf32, #tpu.memory_space<vmem>>, vector<16xf32>,
    %get3A_719 = arith.constant 64 : index
    %get3A_720 = tpu.vector_load %arg13[%get3A_719] {strides = array<i32>} : memref<128xf32, #tpu.memory_space<vmem>>, vector<16xf32>,
    %add3A_721 = arith.addf %get3A_718, %get3A_720 : vector<16xf32>
    %swap3A_722 = arith.constant 0 : i32
    %swap3A_723 = arith.index_cast %and3A_661 : i32 to index
    %swap3A_724 = arith.index_cast %swap3A_722 : i32 to index
    %swap3A_725 = arith.constant 64 : index
    %swap3A_726 = tpu.vector_load %arg12[%swap3A_723, %swap3A_724, %swap3A_725] {strides = array<i32>} : memref<2x208x128xf32, #tpu.memory_space<vmem>>, vector<16xf32>,
    tpu.vector_store %arg12[%swap3A_723, %swap3A_724, %swap3A_725], %add3A_721 {strides = array<i32>} : memref<2x208x128xf32, #tpu.memory_space<vmem>>, vector<16xf32>,
    %get3A_727 = arith.constant 0 : i32
    %get3A_728 = arith.index_cast %and3A_661 : i32 to index
    %get3A_729 = arith.index_cast %get3A_727 : i32 to index
    %get3A_730 = arith.constant 80 : index
    %get3A_731 = tpu.vector_load %arg12[%get3A_728, %get3A_729, %get3A_730] {strides = array<i32>} : memref<2x208x128xf32, #tpu.memory_space<vmem>>, vector<16xf32>,
    %get3A_732 = arith.constant 80 : index
    %get3A_733 = tpu.vector_load %arg13[%get3A_732] {strides = array<i32>} : memref<128xf32, #tpu.memory_space<vmem>>, vector<16xf32>,
    %add3A_734 = arith.addf %get3A_731, %get3A_733 : vector<16xf32>
    %swap3A_735 = arith.constant 0 : i32
    %swap3A_736 = arith.index_cast %and3A_661 : i32 to index
    %swap3A_737 = arith.index_cast %swap3A_735 : i32 to index
    %swap3A_738 = arith.constant 80 : index
    %swap3A_739 = tpu.vector_load %arg12[%swap3A_736, %swap3A_737, %swap3A_738] {strides = array<i32>} : memref<2x208x128xf32, #tpu.memory_space<vmem>>, vector<16xf32>,
    tpu.vector_store %arg12[%swap3A_736, %swap3A_737, %swap3A_738], %add3A_734 {strides = array<i32>} : memref<2x208x128xf32, #tpu.memory_space<vmem>>, vector<16xf32>,
    %get3A_740 = arith.constant 0 : i32
    %get3A_741 = arith.index_cast %and3A_661 : i32 to index
    %get3A_742 = arith.index_cast %get3A_740 : i32 to index
    %get3A_743 = arith.constant 96 : index
    %get3A_744 = tpu.vector_load %arg12[%get3A_741, %get3A_742, %get3A_743] {strides = array<i32>} : memref<2x208x128xf32, #tpu.memory_space<vmem>>, vector<16xf32>,
    %get3A_745 = arith.constant 96 : index
    %get3A_746 = tpu.vector_load %arg13[%get3A_745] {strides = array<i32>} : memref<128xf32, #tpu.memory_space<vmem>>, vector<16xf32>,
    %add3A_747 = arith.addf %get3A_744, %get3A_746 : vector<16xf32>
    %swap3A_748 = arith.constant 0 : i32
    %swap3A_749 = arith.index_cast %and3A_661 : i32 to index
    %swap3A_750 = arith.index_cast %swap3A_748 : i32 to index
    %swap3A_751 = arith.constant 96 : index
    %swap3A_752 = tpu.vector_load %arg12[%swap3A_749, %swap3A_750, %swap3A_751] {strides = array<i32>} : memref<2x208x128xf32, #tpu.memory_space<vmem>>, vector<16xf32>,
    tpu.vector_store %arg12[%swap3A_749, %swap3A_750, %swap3A_751], %add3A_747 {strides = array<i32>} : memref<2x208x128xf32, #tpu.memory_space<vmem>>, vector<16xf32>,
    %get3A_753 = arith.constant 0 : i32
    %get3A_754 = arith.index_cast %and3A_661 : i32 to index
    %get3A_755 = arith.index_cast %get3A_753 : i32 to index
    %get3A_756 = arith.constant 112 : index
    %get3A_757 = tpu.vector_load %arg12[%get3A_754, %get3A_755, %get3A_756] {strides = array<i32>} : memref<2x208x128xf32, #tpu.memory_space<vmem>>, vector<16xf32>,
    %get3A_758 = arith.constant 112 : index
    %get3A_759 = tpu.vector_load %arg13[%get3A_758] {strides = array<i32>} : memref<128xf32, #tpu.memory_space<vmem>>, vector<16xf32>,
    %add3A_760 = arith.addf %get3A_757, %get3A_759 : vector<16xf32>
    %swap3A_761 = arith.constant 0 : i32
    %swap3A_762 = arith.index_cast %and3A_661 : i32 to index
    %swap3A_763 = arith.index_cast %swap3A_761 : i32 to index
    %swap3A_764 = arith.constant 112 : index
    %swap3A_765 = tpu.vector_load %arg12[%swap3A_762, %swap3A_763, %swap3A_764] {strides = array<i32>} : memref<2x208x128xf32, #tpu.memory_space<vmem>>, vector<16xf32>,
    tpu.vector_store %arg12[%swap3A_762, %swap3A_763, %swap3A_764], %add3A_760 {strides = array<i32>} : memref<2x208x128xf32, #tpu.memory_space<vmem>>, vector<16xf32>,
    %parallel_loop3A_766 = arith.constant 0 : i32
    %parallel_loop3A_767 = arith.constant 200 : i32
    %parallel_loop3A_768 = arith.constant 1 : i32
    scf.for %parallel_loop3A_838 = %parallel_loop3A_766 to %parallel_loop3A_767 step %parallel_loop3A_768  : i32 {
      %parallel_loop3A_839 = arith.constant 0.000000e+00 : f32
      %parallel_loop3A_840 = vector.broadcast %parallel_loop3A_839 : f32 to vector<16xf32>
      %parallel_loop3A_841 = arith.index_cast %and3A_661 : i32 to index
      %parallel_loop3A_842 = arith.index_cast %parallel_loop3A_838 : i32 to index
      %parallel_loop3A_843 = arith.constant 0 : index
      %parallel_loop3A_844 = tpu.vector_load %arg11[%parallel_loop3A_841, %parallel_loop3A_842, %parallel_loop3A_843] {strides = array<i32>} : memref<2x208x128xf32, #tpu.memory_space<vmem>>, vector<16xf32>,
      %parallel_loop3A_845 = arith.mulf %parallel_loop3A_844, %parallel_loop3A_844 : vector<16xf32>
      %parallel_loop3A_846 = arith.addf %parallel_loop3A_840, %parallel_loop3A_845 : vector<16xf32>
      %parallel_loop3A_847 = arith.index_cast %and3A_661 : i32 to index
      %parallel_loop3A_848 = arith.index_cast %parallel_loop3A_838 : i32 to index
      %parallel_loop3A_849 = arith.constant 16 : index
      %parallel_loop3A_850 = tpu.vector_load %arg11[%parallel_loop3A_847, %parallel_loop3A_848, %parallel_loop3A_849] {strides = array<i32>} : memref<2x208x128xf32, #tpu.memory_space<vmem>>, vector<16xf32>,
      %parallel_loop3A_851 = arith.mulf %parallel_loop3A_850, %parallel_loop3A_850 : vector<16xf32>
      %parallel_loop3A_852 = arith.addf %parallel_loop3A_846, %parallel_loop3A_851 : vector<16xf32>
      %parallel_loop3A_853 = arith.index_cast %and3A_661 : i32 to index
      %parallel_loop3A_854 = arith.index_cast %parallel_loop3A_838 : i32 to index
      %parallel_loop3A_855 = arith.constant 32 : index
      %parallel_loop3A_856 = tpu.vector_load %arg11[%parallel_loop3A_853, %parallel_loop3A_854, %parallel_loop3A_855] {strides = array<i32>} : memref<2x208x128xf32, #tpu.memory_space<vmem>>, vector<16xf32>,
      %parallel_loop3A_857 = arith.mulf %parallel_loop3A_856, %parallel_loop3A_856 : vector<16xf32>
      %parallel_loop3A_858 = arith.addf %parallel_loop3A_852, %parallel_loop3A_857 : vector<16xf32>
      %parallel_loop3A_859 = arith.index_cast %and3A_661 : i32 to index
      %parallel_loop3A_860 = arith.index_cast %parallel_loop3A_838 : i32 to index
      %parallel_loop3A_861 = arith.constant 48 : index
      %parallel_loop3A_862 = tpu.vector_load %arg11[%parallel_loop3A_859, %parallel_loop3A_860, %parallel_loop3A_861] {strides = array<i32>} : memref<2x208x128xf32, #tpu.memory_space<vmem>>, vector<16xf32>,
      %parallel_loop3A_863 = arith.mulf %parallel_loop3A_862, %parallel_loop3A_862 : vector<16xf32>
      %parallel_loop3A_864 = arith.addf %parallel_loop3A_858, %parallel_loop3A_863 : vector<16xf32>
      %parallel_loop3A_865 = arith.index_cast %and3A_661 : i32 to index
      %parallel_loop3A_866 = arith.index_cast %parallel_loop3A_838 : i32 to index
      %parallel_loop3A_867 = arith.constant 64 : index
      %parallel_loop3A_868 = tpu.vector_load %arg11[%parallel_loop3A_865, %parallel_loop3A_866, %parallel_loop3A_867] {strides = array<i32>} : memref<2x208x128xf32, #tpu.memory_space<vmem>>, vector<16xf32>,
      %parallel_loop3A_869 = arith.mulf %parallel_loop3A_868, %parallel_loop3A_868 : vector<16xf32>
      %parallel_loop3A_870 = arith.addf %parallel_loop3A_864, %parallel_loop3A_869 : vector<16xf32>
      %parallel_loop3A_871 = arith.index_cast %and3A_661 : i32 to index
      %parallel_loop3A_872 = arith.index_cast %parallel_loop3A_838 : i32 to index
      %parallel_loop3A_873 = arith.constant 80 : index
      %parallel_loop3A_874 = tpu.vector_load %arg11[%parallel_loop3A_871, %parallel_loop3A_872, %parallel_loop3A_873] {strides = array<i32>} : memref<2x208x128xf32, #tpu.memory_space<vmem>>, vector<16xf32>,
      %parallel_loop3A_875 = arith.mulf %parallel_loop3A_874, %parallel_loop3A_874 : vector<16xf32>
      %parallel_loop3A_876 = arith.addf %parallel_loop3A_870, %parallel_loop3A_875 : vector<16xf32>
      %parallel_loop3A_877 = arith.index_cast %and3A_661 : i32 to index
      %parallel_loop3A_878 = arith.index_cast %parallel_loop3A_838 : i32 to index
      %parallel_loop3A_879 = arith.constant 96 : index
      %parallel_loop3A_880 = tpu.vector_load %arg11[%parallel_loop3A_877, %parallel_loop3A_878, %parallel_loop3A_879] {strides = array<i32>} : memref<2x208x128xf32, #tpu.memory_space<vmem>>, vector<16xf32>,
      %parallel_loop3A_881 = arith.mulf %parallel_loop3A_880, %parallel_loop3A_880 : vector<16xf32>
      %parallel_loop3A_882 = arith.addf %parallel_loop3A_876, %parallel_loop3A_881 : vector<16xf32>
      %parallel_loop3A_883 = arith.index_cast %and3A_661 : i32 to index
      %parallel_loop3A_884 = arith.index_cast %parallel_loop3A_838 : i32 to index
      %parallel_loop3A_885 = arith.constant 112 : index
      %parallel_loop3A_886 = tpu.vector_load %arg11[%parallel_loop3A_883, %parallel_loop3A_884, %parallel_loop3A_885] {strides = array<i32>} : memref<2x208x128xf32, #tpu.memory_space<vmem>>, vector<16xf32>,
      %parallel_loop3A_887 = arith.mulf %parallel_loop3A_886, %parallel_loop3A_886 : vector<16xf32>
      %parallel_loop3A_888 = arith.addf %parallel_loop3A_882, %parallel_loop3A_887 : vector<16xf32>
      %parallel_loop3A_889 = arith.constant true
      %parallel_loop3A_890 = vector.broadcast %parallel_loop3A_889 : i1 to vector<16xi1>
      %parallel_loop3A_891 = tpu.scan <sum>, %parallel_loop3A_888 masked %parallel_loop3A_890 : vector<16xf32>, vector<16xi1> -> vector<16xf32>
      %parallel_loop3A_892 = vector.extract %parallel_loop3A_891[15] : f32 from vector<16xf32>
      %parallel_loop3A_893 = vector.broadcast %parallel_loop3A_892 : f32 to vector<16xf32>
      %parallel_loop3A_894 = tpu.bitcast %parallel_loop3A_893 : vector<16xf32> -> vector<16xi32>
      %parallel_loop3A_895 = arith.constant 1 : i32
      %parallel_loop3A_896 = vector.broadcast %parallel_loop3A_895 : i32 to vector<16xi32>
      %parallel_loop3A_897 = arith.shrui %parallel_loop3A_894, %parallel_loop3A_896 : vector<16xi32>
      %parallel_loop3A_898 = arith.constant 1597463007 : i32
      %parallel_loop3A_899 = vector.broadcast %parallel_loop3A_898 : i32 to vector<16xi32>
      %parallel_loop3A_900 = arith.subi %parallel_loop3A_899, %parallel_loop3A_897 : vector<16xi32>
      %parallel_loop3A_901 = tpu.bitcast %parallel_loop3A_900 : vector<16xi32> -> vector<16xf32>
      %parallel_loop3A_902 = arith.constant 5.000000e-01 : f32
      %parallel_loop3A_903 = vector.broadcast %parallel_loop3A_902 : f32 to vector<16xf32>
      %parallel_loop3A_904 = arith.mulf %parallel_loop3A_903, %parallel_loop3A_893 : vector<16xf32>
      %parallel_loop3A_905 = arith.mulf %parallel_loop3A_904, %parallel_loop3A_901 : vector<16xf32>
      %parallel_loop3A_906 = arith.mulf %parallel_loop3A_905, %parallel_loop3A_901 : vector<16xf32>
      %parallel_loop3A_907 = arith.constant 1.500000e+00 : f32
      %parallel_loop3A_908 = vector.broadcast %parallel_loop3A_907 : f32 to vector<16xf32>
      %parallel_loop3A_909 = arith.subf %parallel_loop3A_908, %parallel_loop3A_906 : vector<16xf32>
      %parallel_loop3A_910 = arith.mulf %parallel_loop3A_901, %parallel_loop3A_909 : vector<16xf32>
      %parallel_loop3A_911 = arith.constant 5.000000e-01 : f32
      %parallel_loop3A_912 = vector.broadcast %parallel_loop3A_911 : f32 to vector<16xf32>
      %parallel_loop3A_913 = arith.mulf %parallel_loop3A_912, %parallel_loop3A_893 : vector<16xf32>
      %parallel_loop3A_914 = arith.mulf %parallel_loop3A_913, %parallel_loop3A_910 : vector<16xf32>
      %parallel_loop3A_915 = arith.mulf %parallel_loop3A_914, %parallel_loop3A_910 : vector<16xf32>
      %parallel_loop3A_916 = arith.constant 1.500000e+00 : f32
      %parallel_loop3A_917 = vector.broadcast %parallel_loop3A_916 : f32 to vector<16xf32>
      %parallel_loop3A_918 = arith.subf %parallel_loop3A_917, %parallel_loop3A_915 : vector<16xf32>
      %parallel_loop3A_919 = arith.mulf %parallel_loop3A_910, %parallel_loop3A_918 : vector<16xf32>
      %parallel_loop3A_920 = arith.constant 5.000000e-01 : f32
      %parallel_loop3A_921 = vector.broadcast %parallel_loop3A_920 : f32 to vector<16xf32>
      %parallel_loop3A_922 = arith.mulf %parallel_loop3A_921, %parallel_loop3A_893 : vector<16xf32>
      %parallel_loop3A_923 = arith.mulf %parallel_loop3A_922, %parallel_loop3A_919 : vector<16xf32>
      %parallel_loop3A_924 = arith.mulf %parallel_loop3A_923, %parallel_loop3A_919 : vector<16xf32>
      %parallel_loop3A_925 = arith.constant 1.500000e+00 : f32
      %parallel_loop3A_926 = vector.broadcast %parallel_loop3A_925 : f32 to vector<16xf32>
      %parallel_loop3A_927 = arith.subf %parallel_loop3A_926, %parallel_loop3A_924 : vector<16xf32>
      %parallel_loop3A_928 = arith.mulf %parallel_loop3A_919, %parallel_loop3A_927 : vector<16xf32>
      %parallel_loop3A_929 = arith.mulf %parallel_loop3A_893, %parallel_loop3A_928 : vector<16xf32>
      %parallel_loop3A_930 = arith.constant 9.99999996E-13 : f32
      %parallel_loop3A_931 = vector.broadcast %parallel_loop3A_930 : f32 to vector<16xf32>
      %parallel_loop3A_932 = arith.maximumf %parallel_loop3A_929, %parallel_loop3A_931 : vector<16xf32>
      %parallel_loop3A_933 = arith.constant 1.000000e+00 : f32
      %parallel_loop3A_934 = vector.broadcast %parallel_loop3A_933 : f32 to vector<16xf32>
      %parallel_loop3A_935 = arith.divf %parallel_loop3A_934, %parallel_loop3A_932 : vector<16xf32>
      %parallel_loop3A_936 = arith.constant 1 : i32
      %parallel_loop3A_937 = arith.addi %parallel_loop3A_838, %parallel_loop3A_936 : i32
      %parallel_loop3A_938 = arith.index_cast %and3A_661 : i32 to index
      %parallel_loop3A_939 = arith.index_cast %parallel_loop3A_937 : i32 to index
      %parallel_loop3A_940 = arith.constant 0 : index
      %parallel_loop3A_941 = tpu.vector_load %arg12[%parallel_loop3A_938, %parallel_loop3A_939, %parallel_loop3A_940] {strides = array<i32>} : memref<2x208x128xf32, #tpu.memory_space<vmem>>, vector<16xf32>,
      %parallel_loop3A_942 = arith.mulf %parallel_loop3A_844, %parallel_loop3A_935 : vector<16xf32>
      %parallel_loop3A_943 = arith.addf %parallel_loop3A_941, %parallel_loop3A_942 : vector<16xf32>
      %parallel_loop3A_944 = arith.constant 1 : i32
      %parallel_loop3A_945 = arith.addi %parallel_loop3A_838, %parallel_loop3A_944 : i32
      %parallel_loop3A_946 = arith.index_cast %and3A_661 : i32 to index
      %parallel_loop3A_947 = arith.index_cast %parallel_loop3A_945 : i32 to index
      %parallel_loop3A_948 = arith.constant 0 : index
      %parallel_loop3A_949 = tpu.vector_load %arg12[%parallel_loop3A_946, %parallel_loop3A_947, %parallel_loop3A_948] {strides = array<i32>} : memref<2x208x128xf32, #tpu.memory_space<vmem>>, vector<16xf32>,
      tpu.vector_store %arg12[%parallel_loop3A_946, %parallel_loop3A_947, %parallel_loop3A_948], %parallel_loop3A_943 {strides = array<i32>} : memref<2x208x128xf32, #tpu.memory_space<vmem>>, vector<16xf32>,
      %parallel_loop3A_950 = arith.constant 1 : i32
      %parallel_loop3A_951 = arith.addi %parallel_loop3A_838, %parallel_loop3A_950 : i32
      %parallel_loop3A_952 = arith.index_cast %and3A_661 : i32 to index
      %parallel_loop3A_953 = arith.index_cast %parallel_loop3A_951 : i32 to index
      %parallel_loop3A_954 = arith.constant 16 : index
      %parallel_loop3A_955 = tpu.vector_load %arg12[%parallel_loop3A_952, %parallel_loop3A_953, %parallel_loop3A_954] {strides = array<i32>} : memref<2x208x128xf32, #tpu.memory_space<vmem>>, vector<16xf32>,
      %parallel_loop3A_956 = arith.mulf %parallel_loop3A_850, %parallel_loop3A_935 : vector<16xf32>
      %parallel_loop3A_957 = arith.addf %parallel_loop3A_955, %parallel_loop3A_956 : vector<16xf32>
      %parallel_loop3A_958 = arith.constant 1 : i32
      %parallel_loop3A_959 = arith.addi %parallel_loop3A_838, %parallel_loop3A_958 : i32
      %parallel_loop3A_960 = arith.index_cast %and3A_661 : i32 to index
      %parallel_loop3A_961 = arith.index_cast %parallel_loop3A_959 : i32 to index
      %parallel_loop3A_962 = arith.constant 16 : index
      %parallel_loop3A_963 = tpu.vector_load %arg12[%parallel_loop3A_960, %parallel_loop3A_961, %parallel_loop3A_962] {strides = array<i32>} : memref<2x208x128xf32, #tpu.memory_space<vmem>>, vector<16xf32>,
      tpu.vector_store %arg12[%parallel_loop3A_960, %parallel_loop3A_961, %parallel_loop3A_962], %parallel_loop3A_957 {strides = array<i32>} : memref<2x208x128xf32, #tpu.memory_space<vmem>>, vector<16xf32>,
      %parallel_loop3A_964 = arith.constant 1 : i32
      %parallel_loop3A_965 = arith.addi %parallel_loop3A_838, %parallel_loop3A_964 : i32
      %parallel_loop3A_966 = arith.index_cast %and3A_661 : i32 to index
      %parallel_loop3A_967 = arith.index_cast %parallel_loop3A_965 : i32 to index
      %parallel_loop3A_968 = arith.constant 32 : index
      %parallel_loop3A_969 = tpu.vector_load %arg12[%parallel_loop3A_966, %parallel_loop3A_967, %parallel_loop3A_968] {strides = array<i32>} : memref<2x208x128xf32, #tpu.memory_space<vmem>>, vector<16xf32>,
      %parallel_loop3A_970 = arith.mulf %parallel_loop3A_856, %parallel_loop3A_935 : vector<16xf32>
      %parallel_loop3A_971 = arith.addf %parallel_loop3A_969, %parallel_loop3A_970 : vector<16xf32>
      %parallel_loop3A_972 = arith.constant 1 : i32
      %parallel_loop3A_973 = arith.addi %parallel_loop3A_838, %parallel_loop3A_972 : i32
      %parallel_loop3A_974 = arith.index_cast %and3A_661 : i32 to index
      %parallel_loop3A_975 = arith.index_cast %parallel_loop3A_973 : i32 to index
      %parallel_loop3A_976 = arith.constant 32 : index
      %parallel_loop3A_977 = tpu.vector_load %arg12[%parallel_loop3A_974, %parallel_loop3A_975, %parallel_loop3A_976] {strides = array<i32>} : memref<2x208x128xf32, #tpu.memory_space<vmem>>, vector<16xf32>,
      tpu.vector_store %arg12[%parallel_loop3A_974, %parallel_loop3A_975, %parallel_loop3A_976], %parallel_loop3A_971 {strides = array<i32>} : memref<2x208x128xf32, #tpu.memory_space<vmem>>, vector<16xf32>,
      %parallel_loop3A_978 = arith.constant 1 : i32
      %parallel_loop3A_979 = arith.addi %parallel_loop3A_838, %parallel_loop3A_978 : i32
      %parallel_loop3A_980 = arith.index_cast %and3A_661 : i32 to index
      %parallel_loop3A_981 = arith.index_cast %parallel_loop3A_979 : i32 to index
      %parallel_loop3A_982 = arith.constant 48 : index
      %parallel_loop3A_983 = tpu.vector_load %arg12[%parallel_loop3A_980, %parallel_loop3A_981, %parallel_loop3A_982] {strides = array<i32>} : memref<2x208x128xf32, #tpu.memory_space<vmem>>, vector<16xf32>,
      %parallel_loop3A_984 = arith.mulf %parallel_loop3A_862, %parallel_loop3A_935 : vector<16xf32>
      %parallel_loop3A_985 = arith.addf %parallel_loop3A_983, %parallel_loop3A_984 : vector<16xf32>
      %parallel_loop3A_986 = arith.constant 1 : i32
      %parallel_loop3A_987 = arith.addi %parallel_loop3A_838, %parallel_loop3A_986 : i32
      %parallel_loop3A_988 = arith.index_cast %and3A_661 : i32 to index
      %parallel_loop3A_989 = arith.index_cast %parallel_loop3A_987 : i32 to index
      %parallel_loop3A_990 = arith.constant 48 : index
      %parallel_loop3A_991 = tpu.vector_load %arg12[%parallel_loop3A_988, %parallel_loop3A_989, %parallel_loop3A_990] {strides = array<i32>} : memref<2x208x128xf32, #tpu.memory_space<vmem>>, vector<16xf32>,
      tpu.vector_store %arg12[%parallel_loop3A_988, %parallel_loop3A_989, %parallel_loop3A_990], %parallel_loop3A_985 {strides = array<i32>} : memref<2x208x128xf32, #tpu.memory_space<vmem>>, vector<16xf32>,
      %parallel_loop3A_992 = arith.constant 1 : i32
      %parallel_loop3A_993 = arith.addi %parallel_loop3A_838, %parallel_loop3A_992 : i32
      %parallel_loop3A_994 = arith.index_cast %and3A_661 : i32 to index
      %parallel_loop3A_995 = arith.index_cast %parallel_loop3A_993 : i32 to index
      %parallel_loop3A_996 = arith.constant 64 : index
      %parallel_loop3A_997 = tpu.vector_load %arg12[%parallel_loop3A_994, %parallel_loop3A_995, %parallel_loop3A_996] {strides = array<i32>} : memref<2x208x128xf32, #tpu.memory_space<vmem>>, vector<16xf32>,
      %parallel_loop3A_998 = arith.mulf %parallel_loop3A_868, %parallel_loop3A_935 : vector<16xf32>
      %parallel_loop3A_999 = arith.addf %parallel_loop3A_997, %parallel_loop3A_998 : vector<16xf32>
      %parallel_loop3A_1000 = arith.constant 1 : i32
      %parallel_loop3A_1001 = arith.addi %parallel_loop3A_838, %parallel_loop3A_1000 : i32
      %parallel_loop3A_1002 = arith.index_cast %and3A_661 : i32 to index
      %parallel_loop3A_1003 = arith.index_cast %parallel_loop3A_1001 : i32 to index
      %parallel_loop3A_1004 = arith.constant 64 : index
      %parallel_loop3A_1005 = tpu.vector_load %arg12[%parallel_loop3A_1002, %parallel_loop3A_1003, %parallel_loop3A_1004] {strides = array<i32>} : memref<2x208x128xf32, #tpu.memory_space<vmem>>, vector<16xf32>,
      tpu.vector_store %arg12[%parallel_loop3A_1002, %parallel_loop3A_1003, %parallel_loop3A_1004], %parallel_loop3A_999 {strides = array<i32>} : memref<2x208x128xf32, #tpu.memory_space<vmem>>, vector<16xf32>,
      %parallel_loop3A_1006 = arith.constant 1 : i32
      %parallel_loop3A_1007 = arith.addi %parallel_loop3A_838, %parallel_loop3A_1006 : i32
      %parallel_loop3A_1008 = arith.index_cast %and3A_661 : i32 to index
      %parallel_loop3A_1009 = arith.index_cast %parallel_loop3A_1007 : i32 to index
      %parallel_loop3A_1010 = arith.constant 80 : index
      %parallel_loop3A_1011 = tpu.vector_load %arg12[%parallel_loop3A_1008, %parallel_loop3A_1009, %parallel_loop3A_1010] {strides = array<i32>} : memref<2x208x128xf32, #tpu.memory_space<vmem>>, vector<16xf32>,
      %parallel_loop3A_1012 = arith.mulf %parallel_loop3A_874, %parallel_loop3A_935 : vector<16xf32>
      %parallel_loop3A_1013 = arith.addf %parallel_loop3A_1011, %parallel_loop3A_1012 : vector<16xf32>
      %parallel_loop3A_1014 = arith.constant 1 : i32
      %parallel_loop3A_1015 = arith.addi %parallel_loop3A_838, %parallel_loop3A_1014 : i32
      %parallel_loop3A_1016 = arith.index_cast %and3A_661 : i32 to index
      %parallel_loop3A_1017 = arith.index_cast %parallel_loop3A_1015 : i32 to index
      %parallel_loop3A_1018 = arith.constant 80 : index
      %parallel_loop3A_1019 = tpu.vector_load %arg12[%parallel_loop3A_1016, %parallel_loop3A_1017, %parallel_loop3A_1018] {strides = array<i32>} : memref<2x208x128xf32, #tpu.memory_space<vmem>>, vector<16xf32>,
      tpu.vector_store %arg12[%parallel_loop3A_1016, %parallel_loop3A_1017, %parallel_loop3A_1018], %parallel_loop3A_1013 {strides = array<i32>} : memref<2x208x128xf32, #tpu.memory_space<vmem>>, vector<16xf32>,
      %parallel_loop3A_1020 = arith.constant 1 : i32
      %parallel_loop3A_1021 = arith.addi %parallel_loop3A_838, %parallel_loop3A_1020 : i32
      %parallel_loop3A_1022 = arith.index_cast %and3A_661 : i32 to index
      %parallel_loop3A_1023 = arith.index_cast %parallel_loop3A_1021 : i32 to index
      %parallel_loop3A_1024 = arith.constant 96 : index
      %parallel_loop3A_1025 = tpu.vector_load %arg12[%parallel_loop3A_1022, %parallel_loop3A_1023, %parallel_loop3A_1024] {strides = array<i32>} : memref<2x208x128xf32, #tpu.memory_space<vmem>>, vector<16xf32>,
      %parallel_loop3A_1026 = arith.mulf %parallel_loop3A_880, %parallel_loop3A_935 : vector<16xf32>
      %parallel_loop3A_1027 = arith.addf %parallel_loop3A_1025, %parallel_loop3A_1026 : vector<16xf32>
      %parallel_loop3A_1028 = arith.constant 1 : i32
      %parallel_loop3A_1029 = arith.addi %parallel_loop3A_838, %parallel_loop3A_1028 : i32
      %parallel_loop3A_1030 = arith.index_cast %and3A_661 : i32 to index
      %parallel_loop3A_1031 = arith.index_cast %parallel_loop3A_1029 : i32 to index
      %parallel_loop3A_1032 = arith.constant 96 : index
      %parallel_loop3A_1033 = tpu.vector_load %arg12[%parallel_loop3A_1030, %parallel_loop3A_1031, %parallel_loop3A_1032] {strides = array<i32>} : memref<2x208x128xf32, #tpu.memory_space<vmem>>, vector<16xf32>,
      tpu.vector_store %arg12[%parallel_loop3A_1030, %parallel_loop3A_1031, %parallel_loop3A_1032], %parallel_loop3A_1027 {strides = array<i32>} : memref<2x208x128xf32, #tpu.memory_space<vmem>>, vector<16xf32>,
      %parallel_loop3A_1034 = arith.constant 1 : i32
      %parallel_loop3A_1035 = arith.addi %parallel_loop3A_838, %parallel_loop3A_1034 : i32
      %parallel_loop3A_1036 = arith.index_cast %and3A_661 : i32 to index
      %parallel_loop3A_1037 = arith.index_cast %parallel_loop3A_1035 : i32 to index
      %parallel_loop3A_1038 = arith.constant 112 : index
      %parallel_loop3A_1039 = tpu.vector_load %arg12[%parallel_loop3A_1036, %parallel_loop3A_1037, %parallel_loop3A_1038] {strides = array<i32>} : memref<2x208x128xf32, #tpu.memory_space<vmem>>, vector<16xf32>,
      %parallel_loop3A_1040 = arith.mulf %parallel_loop3A_886, %parallel_loop3A_935 : vector<16xf32>
      %parallel_loop3A_1041 = arith.addf %parallel_loop3A_1039, %parallel_loop3A_1040 : vector<16xf32>
      %parallel_loop3A_1042 = arith.constant 1 : i32
      %parallel_loop3A_1043 = arith.addi %parallel_loop3A_838, %parallel_loop3A_1042 : i32
      %parallel_loop3A_1044 = arith.index_cast %and3A_661 : i32 to index
      %parallel_loop3A_1045 = arith.index_cast %parallel_loop3A_1043 : i32 to index
      %parallel_loop3A_1046 = arith.constant 112 : index
      %parallel_loop3A_1047 = tpu.vector_load %arg12[%parallel_loop3A_1044, %parallel_loop3A_1045, %parallel_loop3A_1046] {strides = array<i32>} : memref<2x208x128xf32, #tpu.memory_space<vmem>>, vector<16xf32>,
      tpu.vector_store %arg12[%parallel_loop3A_1044, %parallel_loop3A_1045, %parallel_loop3A_1046], %parallel_loop3A_1041 {strides = array<i32>} : memref<2x208x128xf32, #tpu.memory_space<vmem>>, vector<16xf32>,
    } {sc.loop_unroll_factor = 2 : i64, sc.parallel_access}
    %and3A_769 = arith.constant 31 : i32
    %and3A_770 = arith.constant 1 : i32
    %and3A_771 = arith.andi %and3A_769, %and3A_770 : i32
    %add3A_772 = arith.constant 31 : i32
    %add3A_773 = arith.addi %mul3A_2, %add3A_772 : i32
    %dma_start3A_774 = arith.constant 0 : i32
    %dma_start3A_775 = arith.constant 0 : i32
    %dma_start3A_776 = tpu.memref_slice %arg12[%and3A_771, %dma_start3A_774, %dma_start3A_775] : memref<2x208x128xf32, #tpu.memory_space<vmem>> -> memref<1x201x128xf32, #tpu.memory_space<vmem>>
    %dma_start3A_777 = tpu.memref_squeeze %dma_start3A_776 : memref<1x201x128xf32, #tpu.memory_space<vmem>> -> memref<201x128xf32, #tpu.memory_space<vmem>>
    %dma_start3A_778 = arith.constant 0 : i32
    %dma_start3A_779 = arith.constant 0 : i32
    %dma_start3A_780 = tpu.memref_slice %arg7[%add3A_773, %dma_start3A_778, %dma_start3A_779] : memref<1024x201x128xf32, #tpu.memory_space<hbm>> -> memref<1x201x128xf32, #tpu.memory_space<hbm>>
    %dma_start3A_781 = tpu.memref_squeeze %dma_start3A_780 : memref<1x201x128xf32, #tpu.memory_space<hbm>> -> memref<201x128xf32, #tpu.memory_space<hbm>>
    %dma_start3A_782 = tpu.memref_slice %arg16[%and3A_771] : memref<2x!tpu.dma_semaphore, #tpu.memory_space<semaphore_mem>> -> memref<1x!tpu.dma_semaphore, #tpu.memory_space<semaphore_mem>>
    %dma_start3A_783 = tpu.memref_squeeze %dma_start3A_782 : memref<1x!tpu.dma_semaphore, #tpu.memory_space<semaphore_mem>> -> memref<!tpu.dma_semaphore, #tpu.memory_space<semaphore_mem>>
    %dma_start3A_784 = arith.constant 0 : i32
    %dma_start3A_785 = arith.constant 0 : i32
    %dma_start3A_786 = tpu.memref_slice %arg7[%add3A_773, %dma_start3A_784, %dma_start3A_785] : memref<1024x201x128xf32, #tpu.memory_space<hbm>> -> memref<1x201x128xf32, #tpu.memory_space<hbm>>
    %dma_start3A_787 = tpu.memref_squeeze %dma_start3A_786 : memref<1x201x128xf32, #tpu.memory_space<hbm>> -> memref<201x128xf32, #tpu.memory_space<hbm>>
    %dma_start3A_788 = arith.constant 0 : i32
    %dma_start3A_789 = arith.constant 0 : i32
    %dma_start3A_790 = tpu.memref_slice %arg12[%and3A_771, %dma_start3A_788, %dma_start3A_789] : memref<2x208x128xf32, #tpu.memory_space<vmem>> -> memref<1x201x128xf32, #tpu.memory_space<vmem>>
    %dma_start3A_791 = tpu.memref_squeeze %dma_start3A_790 : memref<1x201x128xf32, #tpu.memory_space<vmem>> -> memref<201x128xf32, #tpu.memory_space<vmem>>
    tpu.enqueue_dma source(%dma_start3A_791 : memref<201x128xf32, #tpu.memory_space<vmem>>) target(%dma_start3A_787 : memref<201x128xf32, #tpu.memory_space<hbm>>) target_semaphore(%dma_start3A_783 : memref<!tpu.dma_semaphore, #tpu.memory_space<semaphore_mem>>)
    %and3A_792 = arith.constant 30 : i32
    %and3A_793 = arith.constant 1 : i32
    %and3A_794 = arith.andi %and3A_792, %and3A_793 : i32
    %add3A_795 = arith.constant 30 : i32
    %add3A_796 = arith.addi %mul3A_2, %add3A_795 : i32
    %dma_wait3A_797 = arith.constant 0 : i32
    %dma_wait3A_798 = arith.constant 0 : i32
    %dma_wait3A_799 = tpu.memref_slice %arg12[%and3A_794, %dma_wait3A_797, %dma_wait3A_798] : memref<2x208x128xf32, #tpu.memory_space<vmem>> -> memref<1x201x128xf32, #tpu.memory_space<vmem>>
    %dma_wait3A_800 = tpu.memref_squeeze %dma_wait3A_799 : memref<1x201x128xf32, #tpu.memory_space<vmem>> -> memref<201x128xf32, #tpu.memory_space<vmem>>
    %dma_wait3A_801 = arith.constant 0 : i32
    %dma_wait3A_802 = arith.constant 0 : i32
    %dma_wait3A_803 = tpu.memref_slice %arg7[%add3A_796, %dma_wait3A_801, %dma_wait3A_802] : memref<1024x201x128xf32, #tpu.memory_space<hbm>> -> memref<1x201x128xf32, #tpu.memory_space<hbm>>
    %dma_wait3A_804 = tpu.memref_squeeze %dma_wait3A_803 : memref<1x201x128xf32, #tpu.memory_space<hbm>> -> memref<201x128xf32, #tpu.memory_space<hbm>>
    %dma_wait3A_805 = tpu.memref_slice %arg16[%and3A_794] : memref<2x!tpu.dma_semaphore, #tpu.memory_space<semaphore_mem>> -> memref<1x!tpu.dma_semaphore, #tpu.memory_space<semaphore_mem>>
    %dma_wait3A_806 = tpu.memref_squeeze %dma_wait3A_805 : memref<1x!tpu.dma_semaphore, #tpu.memory_space<semaphore_mem>> -> memref<!tpu.dma_semaphore, #tpu.memory_space<semaphore_mem>>
    %dma_wait3A_807 = arith.constant 0 : i32
    %dma_wait3A_808 = arith.constant 0 : i32
    %dma_wait3A_809 = tpu.memref_slice %arg7[%add3A_796, %dma_wait3A_807, %dma_wait3A_808] : memref<1024x201x128xf32, #tpu.memory_space<hbm>> -> memref<1x201x128xf32, #tpu.memory_space<hbm>>
    %dma_wait3A_810 = tpu.memref_squeeze %dma_wait3A_809 : memref<1x201x128xf32, #tpu.memory_space<hbm>> -> memref<201x128xf32, #tpu.memory_space<hbm>>
    %dma_wait3A_811 = arith.constant 0 : i32
    %dma_wait3A_812 = arith.constant 0 : i32
    %dma_wait3A_813 = tpu.memref_slice %arg12[%and3A_794, %dma_wait3A_811, %dma_wait3A_812] : memref<2x208x128xf32, #tpu.memory_space<vmem>> -> memref<1x201x128xf32, #tpu.memory_space<vmem>>
    %dma_wait3A_814 = tpu.memref_squeeze %dma_wait3A_813 : memref<1x201x128xf32, #tpu.memory_space<vmem>> -> memref<201x128xf32, #tpu.memory_space<vmem>>
    tpu.wait_dma2 semaphore(%dma_wait3A_806 : memref<!tpu.dma_semaphore, #tpu.memory_space<semaphore_mem>>) src(%dma_wait3A_814 : memref<201x128xf32, #tpu.memory_space<vmem>>) dst(%dma_wait3A_810 : memref<201x128xf32, #tpu.memory_space<hbm>>)
    %and3A_815 = arith.constant 31 : i32
    %and3A_816 = arith.constant 1 : i32
    %and3A_817 = arith.andi %and3A_815, %and3A_816 : i32
    %add3A_818 = arith.constant 31 : i32
    %add3A_819 = arith.addi %mul3A_2, %add3A_818 : i32
    %dma_wait3A_820 = arith.constant 0 : i32
    %dma_wait3A_821 = arith.constant 0 : i32
    %dma_wait3A_822 = tpu.memref_slice %arg12[%and3A_817, %dma_wait3A_820, %dma_wait3A_821] : memref<2x208x128xf32, #tpu.memory_space<vmem>> -> memref<1x201x128xf32, #tpu.memory_space<vmem>>
    %dma_wait3A_823 = tpu.memref_squeeze %dma_wait3A_822 : memref<1x201x128xf32, #tpu.memory_space<vmem>> -> memref<201x128xf32, #tpu.memory_space<vmem>>
    %dma_wait3A_824 = arith.constant 0 : i32
    %dma_wait3A_825 = arith.constant 0 : i32
    %dma_wait3A_826 = tpu.memref_slice %arg7[%add3A_819, %dma_wait3A_824, %dma_wait3A_825] : memref<1024x201x128xf32, #tpu.memory_space<hbm>> -> memref<1x201x128xf32, #tpu.memory_space<hbm>>
    %dma_wait3A_827 = tpu.memref_squeeze %dma_wait3A_826 : memref<1x201x128xf32, #tpu.memory_space<hbm>> -> memref<201x128xf32, #tpu.memory_space<hbm>>
    %dma_wait3A_828 = tpu.memref_slice %arg16[%and3A_817] : memref<2x!tpu.dma_semaphore, #tpu.memory_space<semaphore_mem>> -> memref<1x!tpu.dma_semaphore, #tpu.memory_space<semaphore_mem>>
    %dma_wait3A_829 = tpu.memref_squeeze %dma_wait3A_828 : memref<1x!tpu.dma_semaphore, #tpu.memory_space<semaphore_mem>> -> memref<!tpu.dma_semaphore, #tpu.memory_space<semaphore_mem>>
    %dma_wait3A_830 = arith.constant 0 : i32
    %dma_wait3A_831 = arith.constant 0 : i32
    %dma_wait3A_832 = tpu.memref_slice %arg7[%add3A_819, %dma_wait3A_830, %dma_wait3A_831] : memref<1024x201x128xf32, #tpu.memory_space<hbm>> -> memref<1x201x128xf32, #tpu.memory_space<hbm>>
    %dma_wait3A_833 = tpu.memref_squeeze %dma_wait3A_832 : memref<1x201x128xf32, #tpu.memory_space<hbm>> -> memref<201x128xf32, #tpu.memory_space<hbm>>
    %dma_wait3A_834 = arith.constant 0 : i32
    %dma_wait3A_835 = arith.constant 0 : i32
    %dma_wait3A_836 = tpu.memref_slice %arg12[%and3A_817, %dma_wait3A_834, %dma_wait3A_835] : memref<2x208x128xf32, #tpu.memory_space<vmem>> -> memref<1x201x128xf32, #tpu.memory_space<vmem>>
    %dma_wait3A_837 = tpu.memref_squeeze %dma_wait3A_836 : memref<1x201x128xf32, #tpu.memory_space<vmem>> -> memref<201x128xf32, #tpu.memory_space<vmem>>
    tpu.wait_dma2 semaphore(%dma_wait3A_829 : memref<!tpu.dma_semaphore, #tpu.memory_space<semaphore_mem>>) src(%dma_wait3A_837 : memref<201x128xf32, #tpu.memory_space<vmem>>) dst(%dma_wait3A_833 : memref<201x128xf32, #tpu.memory_space<hbm>>)
    return
  }
}

</mosaic_0001>

<sc_bundles>
// kernel: kernel.3.cloned.1.call-start
scs
__scs_entry_jumppad:
0x0: {  	(pc) =	sbr.rel $0x88, $3  }
0x1: {  	(tag) =	ssettag $0x0;
	lr =	simm.s32 $0x1  }
0x2: {  	[smem:$0x3F9C] =	sst lr;
	_ =	strace $0xD0000000  }
0x3: {  	_ = 	snop  }
0x4: {  	_ = 	snop  }
0x5: {  	_ = 	snop  }
0x6: {  	_ = 	snop  }
0x7: {  	_ = 	snop  }
__scs_overlays_trampoline_lowered:
0x8: {  	[smem:$0x3FAB] =	sst s0  }
0x9: {  	[smem:$0x3FAC] =	sst s1  }
0xa: {  	[smem:$0x3FAD] =	sst s2  }
0xb: {  	[smem:$0x3FAE] =	sst s3  }
0xc: {  	[smem:$0x3FAF] =	sst s4  }
0xd: {  	[smem:$0x3FB0] =	sst s5  }
0xe: {  	[smem:$0x3FB1] =	sst s6  }
0xf: {  	[smem:$0x3FB2] =	sst s7  }
0x10: {  	[smem:$0x3FB3] =	sst s8  }
0x11: {  	[smem:$0x3FB4] =	sst s9;
	s0 =	simm.s32 @!p0 $0x0  }
0x12: {  	s1 =	sld [smem:$0x3F9A];
	s0 =	simm.s32 @p0 $0x1  }
0x13: {  	[smem:$0x3FB5] =	sst s0;
	s0 =	simm.s32 @!p1 $0x0  }
0x14: {  	s2 =	sld [smem:$0x3F99];
	s0 =	simm.s32 @p1 $0x1  }
0x15: {  	[smem:$0x3FB6] =	sst s0;
	s0 =	simm.s32 @!p2 $0x0  }
0x16: {  	s3 =	sld [smem:$0x3FDB];
	s0 =	simm.s32 @p2 $0x1  }
0x17: {  	s4 =	simm.s32 $0x1BF5;
	[smem:$0x3FB8] =	sst s0  }
0x18: {  	s0 =	sld [smem:$0x3F9B];
	_ =	swait.ge [sflag:s4], $0x0  }
0x19: {  	s7 =	sld [smem:$0x3F9C]  }
0x1a: {  	s8 =	sadd.s32 $0xFFFFE003, lr  }
0x1b: {  	s9 =	sadd.s32 $0xFFFFFEF7, lr;
	s5 =	simm.s32 $0xFFFFFFFF;
	p2 =	slt.u32 s8, $0xFFFFF086  }
0x1c: {  	p1 =	slt.u32 s9, $0xF7A;
	s5 =	simm.s32 @!p2 $0x0  }
0x1d: {  	s5 =	simm.s32 @p1 $0x1;
	p0 =	seq.s32 s7, s2  }
0x1e: {  	s7 =	smul.u32 @!p0 $0xF7A, s2;
	p2 =	seq.s32 @!p0 s5, $0x0  }
0x1f: {  	s9 =	smul.u32 $0xF7A, s1;
	s8 =	simm.s32 @!p0 $0x1BF5;
	p2 =	por !p2, p0  }
0x20: {  	[sflag:s8] =	ssyncset.s32 @!p0 $0xFFFFF086;
	s6 =	sadd.s32 @!p0 s3, s7;
	s7 =	simm.s32 @!p0 $0x108  }
0x21: {  	s3 =	sadd.s32 s3, s9;
	s6 =	sadd.s32 @!p0 $0x88, s6;
	s7 =	simm.s32 @p2 $0x1082  }
0x22: {  	[simem:s7], [sflag:s8] =	dma.local @!p0 [hbm:s6], $0xF7A  }
0x23: {  	s9 =	sor.u32 $0xD0000000, s2;
	s6 =	simm.s32 $0x108;
	_ =	swait.ge @!p0 [sflag:s8], $0x0  }
0x24: {  	s3 =	sadd.s32 $0x88, s3;
	s6 =	simm.s32 @!p1 $0x1082;
	[sflag:s4] =	ssyncset.s32 $0xFFFFF086  }
0x25: {  	[simem:s6], [sflag:s4] =	dma.local [hbm:s3], $0xF7A  }
0x26: {  	[smem:$0x3F9C] =	sst s1;
	(tag) =	ssettag s2;
	_ =	strace s9  }
0x27: {  	s1 =	sld [smem:$0x3FAC]  }
0x28: {  	s2 =	sld [smem:$0x3FAD]  }
0x29: {  	s4 =	sld [smem:$0x3FAF]  }
0x2a: {  	p0 =	seq.s32 s5, $0x0;
	s5 =	sld [smem:$0x3FB0]  }
0x2b: {  	s6 =	sld [smem:$0x3FB1]  }
0x2c: {  	s7 =	sld [smem:$0x3FB2]  }
0x2d: {  	s3 =	simm.s32 $0x108;
	s8 =	sld [smem:$0x3FB3]  }
0x2e: {  	s3 =	simm.s32 @!p0 $0x1082;
	s9 =	sld [smem:$0x3FB4]  }
0x2f: {  	lr =	sadd.s32 s0, s3;
	s0 =	sld [smem:$0x3FAB]  }
0x30: {  	s3 =	sld [smem:$0x3FAE]  }
0x31: {  	[smem:$0x3FB7] =	sst s10  }
0x32: {  	s10 =	sld [smem:$0x3FB5];
	_ =	sdelay $0x3  }
0x33: {  	p0 =	seq.s32 s10, $0x1;
	s10 =	sld [smem:$0x3FB7];
	_ =	sdelay $0x3  }
0x34: {  	[smem:$0x3FB7] =	sst s10  }
0x35: {  	s10 =	sld [smem:$0x3FB6];
	_ =	sdelay $0x3  }
0x36: {  	p1 =	seq.s32 s10, $0x1;
	s10 =	sld [smem:$0x3FB7];
	_ =	sdelay $0x3  }
0x37: {  	[smem:$0x3FB7] =	sst s10  }
0x38: {  	s10 =	sld [smem:$0x3FB8]  }
0x39: {  	_ = 	snop;
	(pc) =	sbr.ind lr, $3  }
0x3a: {  	_ = 	snop  }
0x3b: {  	_ = 	snop  }
0x3c: {  	p2 =	seq.s32 s10, $0x1;
	s10 =	sld [smem:$0x3FB7]  }
0x3d: {  	_ =	shalt  }
0x3e: {  	_ =	shalt  }
0x3f: {  	_ =	shalt  }
0x40: {  	_ =	shalt  }
0x41: {  	_ =	shalt  }
0x42: {  	_ =	shalt  }
0x43: {  	_ =	shalt  }
0x44: {  	_ =	shalt  }
0x45: {  	_ =	shalt  }
0x46: {  	_ =	shalt  }
0x47: {  	_ =	shalt  }
0x48: {  	_ =	shalt  }
0x49: {  	_ =	shalt  }
0x4a: {  	_ =	shalt  }
0x4b: {  	_ =	shalt  }
0x4c: {  	_ =	shalt  }
0x4d: {  	_ =	shalt  }
0x4e: {  	_ =	shalt  }
0x4f: {  	_ =	shalt  }
0x50: {  	_ =	shalt  }
0x51: {  	_ =	shalt  }
0x52: {  	_ =	shalt  }
0x53: {  	_ =	shalt  }
0x54: {  	_ =	shalt  }
0x55: {  	_ =	shalt  }
0x56: {  	_ =	shalt  }
0x57: {  	_ =	shalt  }
0x58: {  	_ =	shalt  }
0x59: {  	_ =	shalt  }
0x5a: {  	_ =	shalt  }
0x5b: {  	_ =	shalt  }
0x5c: {  	_ =	shalt  }
0x5d: {  	_ =	shalt  }
0x5e: {  	_ =	shalt  }
0x5f: {  	_ =	shalt  }
0x60: {  	_ =	shalt  }
0x61: {  	_ =	shalt  }
0x62: {  	_ =	shalt  }
0x63: {  	_ =	shalt  }
0x64: {  	_ =	shalt  }
0x65: {  	_ =	shalt  }
0x66: {  	_ =	shalt  }
0x67: {  	_ =	shalt  }
0x68: {  	_ =	shalt  }
0x69: {  	_ =	shalt  }
0x6a: {  	_ =	shalt  }
0x6b: {  	_ =	shalt  }
0x6c: {  	_ =	shalt  }
0x6d: {  	_ =	shalt  }
0x6e: {  	_ =	shalt  }
0x6f: {  	_ =	shalt  }
0x70: {  	_ =	shalt  }
0x71: {  	_ =	shalt  }
0x72: {  	_ =	shalt  }
0x73: {  	_ =	shalt  }
0x74: {  	_ =	shalt  }
0x75: {  	_ =	shalt  }
0x76: {  	_ =	shalt  }
0x77: {  	_ =	shalt  }
0x78: {  	_ =	shalt  }
0x79: {  	_ =	shalt  }
0x7a: {  	_ =	shalt  }
0x7b: {  	_ =	shalt  }
0x7c: {  	_ =	shalt  }
0x7d: {  	_ =	shalt  }
0x7e: {  	_ =	shalt  }
0x7f: {  	_ =	shalt  }
0x80: {  	_ =	shalt  }
0x81: {  	_ =	shalt  }
0x82: {  	_ =	shalt  }
0x83: {  	_ =	shalt  }
0x84: {  	_ =	shalt  }
0x85: {  	_ =	shalt  }
0x86: {  	_ =	shalt  }
0x87: {  	_ =	shalt  }
.Lfunc_end0:
.L_simem_size_0:
called_computation_lowered:
.L_overlay_start_0:
0x88: {  	s2 =	sld [smem:$0x3FD9]  }
0x89: {  	s3 =	sld [smem:$0x3FFE];
	_ =	sdelay $0x1  }
0x8a: {  	s1 =	srdreg.scid  }
0x8b: {  	s0 =	sand.u32 $0x1, s1  }
0x8c: {  	s17 =	sshll.u32 s0, $0xA;
	s2 =	sadd.s32 s3, s2  }
0x8d: {  	s2 =	sadd.s32 s2, s17  }
0x8e: {  	[smem:$0x3FC3] =	sst s2  }
0x8f: {  	_ = 	snop  }
0x90: {  	s2 =	sld [smem:$0x3FC7]  }
0x91: {  	s18 =	sld [smem:$0x3FC6]  }
0x92: {  	s4 =	sld [smem:$0x3FC5]  }
0x93: {  	s5 =	sld [smem:$0x3FD0];
	(tm) =	ssettm $0x1  }
0x94: {  	s6 =	sld [smem:$0x3FFB];
	_ =	sdelay $0x3  }
0x95: {  	_ =	strace s6  }
0x96: {  	s6 =	sld [smem:$0x3FFC];
	_ =	sdelay $0x3  }
0x97: {  	_ =	strace s6  }
0x98: {  	s6 =	sld [smem:$0x3FFD];
	_ =	sdelay $0x3  }
0x99: {  	_ =	strace s6  }
0x9a: {  	_ =	strace $0x8FFFFFFF  }
0x9b: {  	s19 =	sld [smem:$0x3FDB];
	_ =	sdelay $0x1  }
0x9c: {  	s7 =	simm.s32 $_scs_section_size  }
0x9d: {  	s8 =	simm.s32 $_size__tile_overlayer_lowered;
	s9 =	simm.s32 $_tile_overlayer_lowered  }
0x9e: {  	s22 =	simm.s32 $0x1BFF;
	s21 =	sshll.u32 s9, $0x1;
	s6 =	sadd.s32 s7, s19  }
0x9f: {  	s10 =	simm.s32 $0x0;
	s20 =	sshll.u32 s8, $0x1;
	s8 =	sadd.s32 s21, s6  }
0xa0: {  	[timem:s10], [sflag:s22] =	dma.local [hbm:s8], s20  }
0xa1: {  	_ =	swait.ge [sflag:s22], s20  }
0xa2: {  	s7 =	ssub.s32 $0x0, s20;
	[sflag:s22] =	ssyncset.done $0x0  }
0xa3: {  	[sflag:s22] =	ssyncadd.s32 s7;
	_ =	sdelay $0x1  }
0xa4: {  	s23 =	simm.s32 $0x1B8B  }
0xa5: {  	_ =	swait.ge [sflag:s23], $0x1  }
0xa6: {  	[sflag:s23] =	ssyncset.done $0x0  }
0xa7: {  	s25 =	simm.s32 $0x1B8E;
	s24 =	sld [smem:$0x3FFE];
	[sflag:s23] =	ssyncadd.s32 $0xFFFFFFFF  }
0xa8: {  	s26 =	simm.s32 $execute0_lowered;
	[smem:$0x3FD2] =	sst s25  }
0xa9: {  	s8 =	sshll.u32 s26, $0x1;
	_ =	strace $0x80000046;
	[dreg:$0x1] =	wrdreg $0xFFFFFFFF  }
0xaa: {  	s28 =	simm.s32 $_size_execute0_lowered;
	s6 =	sadd.s32 s6, s8;
	[dreg:$0x0] =	wrdreg $0x0  }
0xab: {  	s8 =	sshll.u32 s28, $0x1;
	[dreg:$0x2] =	wrdreg s6  }
0xac: {  	[dreg:$0x3] =	wrdreg s8  }
0xad: {  	[dreg:$0x4] =	wrdreg $0xC0  }
0xae: {  	_ =	task [dreg:s10], $0x5FFFF  }
0xaf: {  	[dreg:$0x1] =	wrdreg $0xFFFFFFFF  }
0xb0: {  	[dreg:$0x0] =	wrdreg $0x60  }
0xb1: {  	[dreg:$0x2] =	wrdreg s5  }
0xb2: {  	[dreg:$0x3] =	wrdreg s24  }
0xb3: {  	[dreg:$0x4] =	wrdreg s2  }
0xb4: {  	[dreg:$0x5] =	wrdreg s18  }
0xb5: {  	[dreg:$0x6] =	wrdreg s4  }
0xb6: {  	[dreg:$0x7] =	wrdreg $0x9  }
0xb7: {  	_ =	task.clear_ibuf [dreg:s10], $0x8FFFF;
	_ =	strace $0x90000046  }
0xb8: {  	s29 =	simm.s32 $0x9;
	_ =	strace $0x80000048  }
0xb9: {  	_ =	swait.ge [sflag:s29], $0x1  }
0xba: {  	[sflag:s29] =	ssyncadd.s32 $0xFFFFFFFF  }
0xbb: {  	_ =	strace $0x90000048  }
0xbc: {  	_ =	sfence  }
0xbd: {  	s30 =	sld [smem:$0x0];
	_ =	sdelay $0x2  }
0xbe: {  	s31 =	sshll.u32 s1, $0xD;
	s1 =	sshrl.u32 s1, $0x2  }
0xbf: {  	s3 =	sand.u32 $0x4000, s31;
	s1 =	sadd.s32 s1, s30  }
0xc0: {  	s0 =	sor.u32 s3, s0;
	s1 =	sshll.u32 s1, $0x11  }
0xc1: {  	s0 =	sor.u32 s1, s0  }
0xc2: {  	s0 =	sadd.s32 $0x8F2B, s0  }
0xc3: {  	[sflag:s0] =	ssyncadd.remote.s32 $0x1  }
0xc4: {  	_ =	sfence.sel $0xFFFF  }
0xc5: {  	[dreg:$0x0] =	wrdreg $0xFFFFFFFF;
	(pc) =	sbr.abs _section_cstart, $3  }
0xc6: {  	[dreg:$0x1] =	wrdreg $0xFFFFFFFF  }
0xc7: {  	_ =	task.clear_ibuf [dreg:s10], $0x2FFFF;
	_ =	strace $0x9FFFFFFF  }
0xc8: {  	(tm) =	ssettm $0x7FFFFFFF  }
0xc9: {  	_ =	shalt  }
tec
execute0_lowered:
.L_overlay_start_1:
0x0: {  	(tag) =	ssettag $0x1  }
0x1: {  	s1 =	rddreg [dreg:$0x0]  }
0x2: {  	s0 =	rddreg [dreg:$0x1]  }
0x3: {  	s2 =	rddreg [dreg:$0x2]  }
0x4: {  	s4 =	rddreg [dreg:$0x3]  }
0x5: {  	s3 =	srdreg.scid;
	s5 =	stileid.u32  }
0x6: {  	s6 =	simm.s32 $0x0;
	s17 =	simm.s32 $0x8;
	s18 =	simm.s32 $0x80  }
0x7: {  	s19 =	simm.s32 $0x400;
	s20 =	simm.s32 $0x2800;
	s21 =	simm.s32 $0x1  }
0x8: {  	s22 =	simm.s32 $0x68;
	s23 =	simm.s32 $0x6;
	s24 =	simm.s32 $0x7  }
0x9: {  	s25 =	simm.s32 $0x0;
	s3 =	sand.u32 $0x1, s3;
	s5 =	sshll.u32 s5, $0x1  }
0xa: {  	[smem:$0x7FF] =	sst s6;
	s7 =	sadd.s32 $0x400, s0;
	s5 =	sor.u32 s3, s5  }
0xb: {  	s8 =	sadd.s32 $0x6800, s0;
	s3 =	ssub.s32 $0x2, s3;
	s10 =	smul.u32 $0x3200, s5  }
0xc: {  	_ =	strace $0x80000047;
	s11 =	smul.u32 $0x320, s5;
	s28 =	sshrl.u32 s3, $0x1  }
0xd: {  	v0 =	vlaneseq.u32;
	s12 =	smul.u32 $0xD0000, s5;
	s9 =	sshll.u32 s5, $0x5;
	s29 =	sshll.u32 s5, $0x4  }
0xe: {  	v30 =	vmul.u32 $0x10, v0;
	s0 =	ssub.s32 s3, s28;
	s3 =	simm.s32 $0x2;
	s10 =	sadd.s32 s1, s10  }
0xf: {  	s11 =	sadd.s32 s7, s11;
	s30 =	sshrl.u32 s12, $0x3;
	s15 =	smax.u32 s0, $0x1  }
0x10: {  	[tilespmem:$0x1FFF0] =	vst v30;
	v1 =	vor.u32 s29, v0;
	s31 =	sadd.s32 $0x10, s10;
	s13 =	sadd.s32 $0x19, s11;
	s5 =	sadd.s32 s8, s30  }
0x11: {  	vm0 =	vmmov $0xff;
	vm1 =	vcmask $0x3F20;
	[tilespmem:$0x1FFE0] =	vst v1;
	[dreg:$0x6] =	wrdreg s31;
	s14 =	sadd.s32 $0x19300, s5;
	s5 =	simm.s32 $0x5  }
.LBB2_1:
0x12: {  	s0 =	rddreg [dreg:$0x4];
	s12 =	simm.s32 $0x1CA80  }
0x13: {  	[tilespmem:s12], [sflag:$0x8] =	stream.linear.gather [hbm4b:s0+s6], $0x80, $0x38;
	[tilespmem:$0x1CB00] =	vst v63  }
0x14: {  	_ =	swait.ge [sflag:s17], $0x80  }
0x15: {  	[sflag:s17] =	ssyncset.done $0x0  }
0x16: {  	[sflag:s17] =	ssyncadd.s32 $0xFFFFFF80  }
0x17: {  	[tilespmem:s6], [sflag:$0x1] =	stream.strided.gather [hbm4b:s10+s18], $0xC80, s19, s18, $0x38;
	[tilespmem:$0x1CB00] =	vst v63  }
0x18: {  	s26 =	smin.u32 s6, $0xB8  }
0x19: {  	v0 =	vmov s26;
	[tilespmem:s20], [sflag:$0x1] =	stream.linear.gather [hbm4b:s11+s6], $0xC8, $0x38;
	[tilespmem:$0x1CB00] =	vst v63  }
0x1a: {  	v0 =	vshll.u32 v0, $0x4;
	_ =	swait.ge [sflag:s21], $0xC80  }
0x1b: {  	v0 =	vadd.s32 v30, v0;
	[sflag:s21] =	ssyncset.done $0x0  }
0x1c: {  	v1 =	vor.u32 $0x2, v0;
	[sflag:s21] =	ssyncadd.s32 $0xFFFFF380  }
0x1d: {  	v2 =	vor.u32 $0x4, v0;
	_ =	swait.ge [sflag:s21], $0xC8  }
0x1e: {  	v5 =	vor.u32 $0x8, v0;
	[sflag:s21] =	ssyncset.done $0x0  }
0x1f: {  	v3 =	vor.u32 $0x1, v0;
	[sflag:s21] =	ssyncadd.s32 $0xFFFFFF38  }
0x20: {  	v4 =	vor.u32 $0x5, v0;
	v6 =	vld.idx.msk [tilespmem:v0+s6+$0x0], $0xffff  }
0x21: {  	v11 =	vor.u32 $0xD, v0;
	v1 =	vld.idx.msk [tilespmem:v1+s6+$0x0], $0xffff  }
0x22: {  	v14 =	vor.u32 $0xB, v0;
	v9 =	vld.idx.msk [tilespmem:v2+s6+$0x0], $0xffff  }
0x23: {  	v7 =	vor.u32 $0xF, v0;
	v15 =	vld.idx.msk [tilespmem:v5+s6+$0x0], $0xffff  }
0x24: {  	v8 =	vor.u32 $0x3, v0;
	v3 =	vld.idx.msk [tilespmem:v3+s6+$0x0], $0xffff  }
0x25: {  	v2 =	vor.u32 $0xC, v0;
	v12 =	vld.idx.msk [tilespmem:v4+s6+$0x0], $0xffff  }
0x26: {  	v10 =	vor.u32 $0x7, v0;
	v13 =	vor.u32 $0xA, v0;
	v16 =	vor.u32 $0x9, v0;
	v11 =	vld.idx.msk [tilespmem:v11+s6+$0x0], $0xffff  }
0x27: {  	v17 =	vor.u32 $0xE, v0;
	v14 =	vld.idx.msk [tilespmem:v14+s6+$0x0], $0xffff;
	v4 =	vshrl.u32 v6, $0x10;
	v18 =	vshrl.u32 v9, $0x10  }
0x28: {  	v23 =	vshrl.u32 v15, $0x10;
	v5 =	vand.u32 $0x1, v4;
	v4 =	vld.idx.msk [tilespmem:v7+s6+$0x0], $0xffff;
	v7 =	vor.u32 $0x6, v0  }
0x29: {  	v0 =	vshrl.u32 v1, $0x10;
	v18 =	vand.u32 $0x1, v18;
	v6 =	vadd.s32 v5, v6;
	v5 =	vld.idx.msk [tilespmem:v8+s6+$0x0], $0xffff  }
0x2a: {  	v8 =	vld.idx.msk [tilespmem:v2+s6+$0x0], $0xffff;
	v0 =	vand.u32 $0x1, v0;
	v2 =	vadd.s32 $0x7FFF, v6;
	v6 =	vshrl.u32 v3, $0x10  }
0x2b: {  	v0 =	vadd.s32 v0, v1;
	v2 =	vand.u32 $0xFFFF0000, v2;
	v1 =	vand.u32 $0x1, v6  }
0x2c: {  	v0 =	vadd.s32 $0x7FFF, v0;
	v6 =	vmul.f32 $3.276800000e+04, v2;
	v1 =	vadd.s32 v1, v3  }
0x2d: {  	v3 =	vshrl.u32 v12, $0x10;
	v0 =	vand.u32 $0xFFFF0000, v0;
	v1 =	vadd.s32 $0x7FFF, v1  }
0x2e: {  	v16 =	vld.idx.msk [tilespmem:v16+s6+$0x0], $0xffff;
	v19 =	vshrl.u32 v4, $0x10;
	v2 =	vmul.f32 $8.192000000e+03, v0;
	v0 =	vshrl.u32 v11, $0x10  }
0x2f: {  	v17 =	vld.idx.msk [tilespmem:v17+s6+$0x0], $0xffff;
	v22 =	vand.u32 $0x1, v3;
	v3 =	vshrl.u32 v14, $0x10;
	v1 =	vand.u32 $0xFFFF0000, v1  }
0x30: {  	v13 =	vld.idx.msk [tilespmem:v13+s6+$0x0], $0xffff;
	v20 =	vshrl.u32 v5, $0x10;
	v21 =	vshrl.u32 v8, $0x10;
	v24 =	vand.u32 $0x1, v3  }
0x31: {  	v12 =	vadd.s32 v22, v12;
	v1 =	vmul.f32 $1.638400000e+04, v1;
	v21 =	vand.u32 $0x1, v21  }
0x32: {  	v0 =	vand.u32 $0x1, v0;
	v12 =	vadd.s32 $0x7FFF, v12;
	v8 =	vadd.s32 v21, v8  }
0x33: {  	v10 =	vld.idx.msk [tilespmem:v10+s6+$0x0], $0xffff;
	v3 =	vadd.f32 v1, v6;
	v1 =	vadd.s32 v18, v9;
	v6 =	vadd.s32 v0, v11  }
0x34: {  	v0 =	vand.u32 $0x1, v19;
	v11 =	vshrl.u32 v16, $0x10;
	v18 =	vld.idx.msk [tilespmem:v7+s6+$0x0], $0xffff;
	v7 =	vand.u32 $0x1, v23  }
0x35: {  	v9 =	vadd.s32 v24, v14;
	v14 =	vshrl.u32 v17, $0x10;
	v19 =	vshrl.u32 v13, $0x10  }
0x36: {  	v8 =	vadd.s32 $0x7FFF, v8;
	v1 =	vadd.s32 $0x7FFF, v1;
	v6 =	vadd.s32 $0x7FFF, v6  }
0x37: {  	v14 =	vand.u32 $0x1, v14;
	v7 =	vadd.s32 v7, v15;
	v9 =	vadd.s32 $0x7FFF, v9  }
0x38: {  	v15 =	vand.u32 $0x1, v19;
	v8 =	vand.u32 $0xFFFF0000, v8;
	v19 =	vshrl.u32 v10, $0x10  }
0x39: {  	v11 =	vand.u32 $0x1, v11;
	v1 =	vand.u32 $0xFFFF0000, v1;
	v6 =	vand.u32 $0xFFFF0000, v6  }
0x3a: {  	v17 =	vadd.s32 v14, v17;
	v7 =	vadd.s32 $0x7FFF, v7;
	v14 =	vand.u32 $0xFFFF0000, v12  }
0x3b: {  	v16 =	vadd.s32 v11, v16;
	v13 =	vadd.s32 v15, v13;
	v1 =	vmul.f32 $2.048000000e+03, v1  }
0x3c: {  	v6 =	vmul.f32 $4.000000000e+00, v6;
	v7 =	vand.u32 $0xFFFF0000, v7;
	v12 =	vshrl.u32 v18, $0x10  }
0x3d: {  	v11 =	vmul.f32 $1.024000000e+03, v14;
	v14 =	vadd.s32 $0x7FFF, v13;
	v12 =	vand.u32 $0x1, v12  }
0x3e: {  	v13 =	vadd.s32 $0x7FFF, v16;
	v16 =	vadd.s32 $0x7FFF, v17;
	v18 =	vadd.s32 v12, v18  }
0x3f: {  	v7 =	vmul.f32 $1.280000000e+02, v7;
	v15 =	vadd.s32 $0x7FFF, v18;
	v18 =	vand.u32 $0x1, v19  }
0x40: {  	s0 =	simm.s32 $0x10;
	v12 =	vand.u32 $0x1, v20;
	v15 =	vand.u32 $0xFFFF0000, v15;
	v10 =	vadd.s32 v18, v10  }
.LBB2_2:
0x41: {  	s16 =	smin.u32 s0, $0xB8;
	p0 =	sne.s32 s0, $0xC0;
	s0 =	sadd.s32 $0x10, s0;
	v15 =	vmul.f32 $5.120000000e+02, v15;
	v14 =	vand.u32 $0xFFFF0000, v14;
	v16 =	vand.u32 $0xFFFF0000, v16  }
0x42: {  	v5 =	vadd.s32 v12, v5;
	v0 =	vadd.s32 v0, v4;
	v17 =	vmov s16  }
0x43: {  	v12 =	vand.u32 $0xFFFF0000, v13;
	v13 =	vadd.f32 v16, v16;
	v4 =	vshll.u32 v17, $0x4  }
0x44: {  	v9 =	vand.u32 $0xFFFF0000, v9;
	v1 =	vadd.f32 v11, v1;
	v4 =	vadd.s32 v30, v4  }
0x45: {  	v0 =	vadd.s32 $0x7FFF, v0;
	v11 =	vor.u32 $0x1, v4;
	v16 =	vor.u32 $0x2, v4  }
0x46: {  	v12 =	vmul.f32 $6.400000000e+01, v12;
	v17 =	vor.u32 $0x4, v4;
	v18 =	vor.u32 $0x5, v4  }
0x47: {  	v5 =	vadd.s32 $0x7FFF, v5;
	v19 =	vor.u32 $0x7, v4;
	v20 =	vor.u32 $0x8, v4  }
0x48: {  	v9 =	vmul.f32 $1.600000000e+01, v9;
	v21 =	vor.u32 $0xA, v4;
	v22 =	vor.u32 $0xB, v4  }
0x49: {  	v8 =	vmul.f32 $8.000000000e+00, v8;
	v24 =	vor.u32 $0x9, v4;
	v25 =	vor.u32 $0xD, v4;
	v23 =	vld.idx.msk [tilespmem:v4+s6+$0x0], $0xffff  }
0x4a: {  	v5 =	vand.u32 $0xFFFF0000, v5;
	v26 =	vor.u32 $0x3, v4;
	v27 =	vor.u32 $0xE, v4;
	v16 =	vld.idx.msk [tilespmem:v16+s6+$0x0], $0xffff  }
0x4b: {  	v6 =	vadd.f32 v6, v8;
	v28 =	vor.u32 $0x6, v4;
	v29 =	vor.u32 $0xC, v4;
	v17 =	vld.idx.msk [tilespmem:v17+s6+$0x0], $0xffff  }
0x4c: {  	v10 =	vadd.s32 $0x7FFF, v10;
	v4 =	vor.u32 $0xF, v4;
	v8 =	vld.idx.msk [tilespmem:v11+s6+$0x0], $0xffff;
	v11 =	vmul.f32 $3.200000000e+01, v14  }
0x4d: {  	v10 =	vand.u32 $0xFFFF0000, v10;
	v0 =	vand.u32 $0xFFFF0000, v0;
	v5 =	vmul.f32 $4.096000000e+03, v5;
	v14 =	vld.idx.msk [tilespmem:v18+s6+$0x0], $0xffff  }
0x4e: {  	v10 =	vmul.f32 $2.560000000e+02, v10;
	v0 =	vadd.f32 v0, v13;
	v18 =	vld.idx.msk [tilespmem:v20+s6+$0x0], $0xffff;
	v9 =	vadd.f32 v9, v11  }
0x4f: {  	v7 =	vadd.f32 v12, v7;
	v2 =	vadd.f32 v5, v2;
	v13 =	vshrl.u32 v23, $0x10;
	v11 =	vld.idx.msk [tilespmem:v25+s6+$0x0], $0xffff  }
0x50: {  	v10 =	vadd.f32 v10, v15;
	v5 =	vand.u32 $0x1, v13;
	v13 =	vshrl.u32 v16, $0x10;
	v12 =	vld.idx.msk [tilespmem:v29+s6+$0x0], $0xffff  }
0x51: {  	v2 =	vadd.f32 v2, v3;
	v15 =	vadd.s32 v5, v23;
	v13 =	vand.u32 $0x1, v13;
	v4 =	vld.idx.msk [tilespmem:v4+s6+$0x0], $0xffff  }
0x52: {  	v7 =	vadd.f32 v9, v7;
	v3 =	vadd.s32 $0x7FFF, v15;
	v15 =	vshrl.u32 v8, $0x10;
	v5 =	vld.idx.msk [tilespmem:v26+s6+$0x0], $0xffff  }
0x53: {  	v1 =	vadd.f32 v10, v1;
	v13 =	vadd.s32 v13, v16;
	v3 =	vand.u32 $0xFFFF0000, v3;
	v9 =	vld.idx.msk [tilespmem:v27+s6+$0x0], $0xffff  }
0x54: {  	v0 =	vadd.f32 v0, v6;
	v15 =	vand.u32 $0x1, v15;
	v3 =	vmul.f32 $3.276800000e+04, v3;
	v10 =	vld.idx.msk [tilespmem:v24+s6+$0x0], $0xffff  }
0x55: {  	v1 =	vadd.f32 v1, v2;
	v8 =	vadd.s32 v15, v8;
	v15 =	vshrl.u32 v14, $0x10;
	v6 =	vld.idx.msk [tilespmem:v22+s6+$0x0], $0xffff  }
0x56: {  	v0 =	vadd.f32 v0, v7;
	v16 =	vld.idx.msk [tilespmem:v19+s6+$0x0], $0xffff;
	v19 =	vshrl.u32 v17, $0x10  }
0x57: {  	v2 =	vadd.s32 $0x7FFF, v8;
	v7 =	vshrl.u32 v4, $0x10;
	v20 =	vld.idx.msk [tilespmem:v28+s6+$0x0], $0xffff  }
0x58: {  	v8 =	vadd.s32 $0x7FFF, v13;
	v2 =	vand.u32 $0xFFFF0000, v2;
	v13 =	vshrl.u32 v5, $0x10  }
0x59: {  	v0 =	vadd.f32 v0, v1;
	v8 =	vand.u32 $0xFFFF0000, v8;
	v22 =	vshrl.u32 v12, $0x10  }
0x5a: {  	v1 =	vmul.f32 $1.638400000e+04, v2;
	v2 =	vmul.f32 $8.192000000e+03, v8;
	v8 =	vshrl.u32 v11, $0x10  }
0x5b: {  	v15 =	vand.u32 $0x1, v15;
	v22 =	vand.u32 $0x1, v22;
	v23 =	vshrl.u32 v6, $0x10  }
0x5c: {  	v24 =	vshrl.u32 v18, $0x10;
	v3 =	vadd.f32 v1, v3;
	v23 =	vand.u32 $0x1, v23  }
0x5d: {  	v8 =	vand.u32 $0x1, v8;
	v1 =	vand.u32 $0x1, v19;
	v19 =	vtrunc.f32 v0;
	v21 =	vld.idx.msk [tilespmem:v21+s6+$0x0], $0xffff  }
0x5e: {  	v8 =	vadd.s32 v8, v11;
	v0 =	vand.u32 $0x1, v7;
	v1 =	vadd.s32 v1, v17  }
0x5f: {  	v7 =	vadd.s32 $0x7FFF, v8;
	v8 =	vcvt.f32.s32 v19;
	v1 =	vadd.s32 $0x7FFF, v1  }
0x60: {  	v11 =	vshrl.u32 v10, $0x10;
	v7 =	vand.u32 $0xFFFF0000, v7;
	v1 =	vand.u32 $0xFFFF0000, v1  }
0x61: {  	v17 =	vand.u32 $0x1, v24;
	vm2 =	vgt.s32 v8, $0x0;
	v1 =	vmul.f32 $2.048000000e+03, v1  }
0x62: {  	v19 =	vadd.s32 v23, v6;
	v6 =	vmul.f32 $4.000000000e+00, v7;
	v7 =	vshrl.u32 v9, $0x10  }
0x63: {  	v12 =	vadd.s32 v22, v12;
	v7 =	vand.u32 $0x1, v7;
	v23 =	vshrl.u32 v21, $0x10  }
0x64: {  	v17 =	vadd.s32 v17, v18;
	v18 =	vadd.s32 v7, v9;
	v7 =	vnsel vm2, $0x0, v8  }
0x65: {  	v12 =	vadd.s32 $0x7FFF, v12;
	v8 =	vadd.s32 v15, v14;
	v9 =	vadd.s32 $0x7FFF, v19  }
0x66: {  	v14 =	vadd.s32 $0x7FFF, v17;
	v8 =	vadd.s32 $0x7FFF, v8;
	v7 =	vmin.u32 v7, $0xFFFF  }
0x67: {  	v17 =	vshrl.u32 v20, $0x10;
	v15 =	vand.u32 $0xFFFF0000, v8;
	v8 =	vand.u32 $0xFFFF0000, v14;
	[tilespmem:s26+$0x2580] =	vst v7;
	s26 =	smov.u32 s16  }
0x68: {  	v14 =	vand.u32 $0x1, v23;
	v7 =	vmul.f32 $1.280000000e+02, v8;
	v8 =	vand.u32 $0xFFFF0000, v12  }
.Ltmp0:
0x69: {  	v11 =	vand.u32 $0x1, v11;
	v12 =	vand.u32 $0x1, v17;
	v17 =	vshrl.u32 v16, $0x10;
	(pc) =	sbr.rel @p0 .LBB2_2-.Ltmp0, $4  }
0x6a: {  	v10 =	vadd.s32 v11, v10;
	v14 =	vadd.s32 v14, v21;
	v19 =	vadd.s32 v12, v20  }
0x6b: {  	v11 =	vmul.f32 $1.024000000e+03, v15;
	v14 =	vadd.s32 $0x7FFF, v14;
	v12 =	vand.u32 $0x1, v13  }
0x6c: {  	v17 =	vand.u32 $0x1, v17;
	v13 =	vadd.s32 $0x7FFF, v10;
	v15 =	vadd.s32 $0x7FFF, v19  }
0x6d: {  	v10 =	vadd.s32 v17, v16;
	v16 =	vadd.s32 $0x7FFF, v18;
	v15 =	vand.u32 $0xFFFF0000, v15  }
0x6e: {  	v15 =	vmul.f32 $5.120000000e+02, v15;
	v14 =	vand.u32 $0xFFFF0000, v14  }
0x6f: {  	v16 =	vand.u32 $0xFFFF0000, v16;
	v5 =	vadd.s32 v12, v5;
	v0 =	vadd.s32 v0, v4  }
0x70: {  	v4 =	vand.u32 $0xFFFF0000, v13;
	v9 =	vand.u32 $0xFFFF0000, v9;
	v1 =	vadd.f32 v11, v1  }
0x71: {  	v8 =	vmul.f32 $8.000000000e+00, v8;
	v10 =	vadd.s32 $0x7FFF, v10;
	v12 =	vadd.f32 v16, v16  }
0x72: {  	v0 =	vadd.s32 $0x7FFF, v0;
	v5 =	vadd.s32 $0x7FFF, v5;
	v9 =	vmul.f32 $1.600000000e+01, v9  }
0x73: {  	v11 =	vmul.f32 $3.200000000e+01, v14;
	v4 =	vmul.f32 $6.400000000e+01, v4;
	v5 =	vand.u32 $0xFFFF0000, v5  }
0x74: {  	v10 =	vand.u32 $0xFFFF0000, v10;
	v6 =	vadd.f32 v6, v8;
	v5 =	vmul.f32 $4.096000000e+03, v5  }
0x75: {  	v8 =	vmul.f32 $2.560000000e+02, v10;
	v0 =	vand.u32 $0xFFFF0000, v0;
	v9 =	vadd.f32 v9, v11  }
0x76: {  	v0 =	vadd.f32 v0, v12;
	v2 =	vadd.f32 v5, v2  }
0x77: {  	v4 =	vadd.f32 v4, v7;
	v5 =	vadd.f32 v8, v15  }
0x78: {  	v0 =	vadd.f32 v0, v6;
	v2 =	vadd.f32 v2, v3  }
0x79: {  	v3 =	vadd.f32 v9, v4;
	v1 =	vadd.f32 v5, v1;
	_ =	sdelay $0x1  }
0x7a: {  	v1 =	vadd.f32 v1, v2;
	v0 =	vadd.f32 v0, v3;
	_ =	sdelay $0x1  }
0x7b: {  	v0 =	vadd.f32 v0, v1;
	_ =	sdelay $0x1  }
0x7c: {  	v0 =	vtrunc.f32 v0  }
0x7d: {  	v0 =	vcvt.f32.s32 v0;
	_ =	sdelay $0x1  }
0x7e: {  	vm2 =	vgt.s32 v0, $0x0  }
0x7f: {  	v0 =	vnsel vm2, $0x0, v0  }
0x80: {  	v0 =	vmin.u32 v0, $0xFFFF  }
0x81: {  	[tilespmem:s26+$0x2580] =	vst v0  }
0x82: {  	v0 =	vld [tilespmem:$0x2800]  }
0x83: {  	v1 =	vld [tilespmem:$0x2810];
	_ =	sdelay $0x1  }
0x84: {  	v2 =	vld [tilespmem:$0x2820];
	_ =	sdelay $0x1  }
0x85: {  	v3 =	vld [tilespmem:$0x2830]  }
0x86: {  	vm2 =	vgt.s32 v0, v1  }
0x87: {  	v0 =	vsel vm2, v0, v1;
	v1 =	vld [tilespmem:$0x2840]  }
0x88: {  	vm2 =	vgt.s32 v0, v2  }
0x89: {  	v0 =	vsel vm2, v0, v2;
	v2 =	vld [tilespmem:$0x2850]  }
0x8a: {  	vm2 =	vgt.s32 v0, v3  }
0x8b: {  	v0 =	vsel vm2, v0, v3;
	v3 =	vld [tilespmem:$0x2860]  }
0x8c: {  	vm2 =	vgt.s32 v0, v1  }
0x8d: {  	v0 =	vsel vm2, v0, v1;
	v1 =	vld [tilespmem:$0x2870]  }
0x8e: {  	vm2 =	vgt.s32 v0, v2  }
0x8f: {  	v0 =	vsel vm2, v0, v2;
	v2 =	vld [tilespmem:$0x2880]  }
0x90: {  	vm2 =	vgt.s32 v0, v3  }
0x91: {  	v0 =	vsel vm2, v0, v3;
	v3 =	vld [tilespmem:$0x2890]  }
0x92: {  	vm2 =	vgt.s32 v0, v1  }
0x93: {  	v0 =	vsel vm2, v0, v1;
	v1 =	vld [tilespmem:$0x28A0]  }
0x94: {  	vm2 =	vgt.s32 v0, v2  }
0x95: {  	v0 =	vsel vm2, v0, v2;
	v2 =	vld [tilespmem:$0x28B0]  }
0x96: {  	vm2 =	vgt.s32 v0, v3  }
0x97: {  	v0 =	vsel vm2, v0, v3;
	v3 =	vld [tilespmem:$0x28B8]  }
0x98: {  	vm2 =	vgt.s32 v0, v1  }
0x99: {  	v0 =	vsel vm2, v0, v1  }
0x9a: {  	vm2 =	vgt.s32 v0, v2  }
0x9b: {  	v0 =	vsel vm2, v0, v2  }
0x9c: {  	vm2 =	vgt.s32 v0, v3  }
0x9d: {  	v0 =	vsel vm2, v0, v3  }
0x9e: {  	vm2 =	vgt.s32 v0, $0x0  }
0x9f: {  	v0 =	vnsel vm2, $0x0, v0  }
0xa0: {  	v0 =	vor.u32 $0x80000000, v0  }
0xa1: {  	(xrf0) =	vmax.scan.msk.u32 $0xffff, v0;
	_ =	sdelay $0x5  }
0xa2: {  	v0, _, _ =	vpop (xrf0)  }
0xa3: {  	(v2sf) =	vpush v0, $0xF;
	_ =	sdelay $0x9  }
0xa4: {  	v2 =	vld [tilespmem:$0x1FFE0]  }
0xa5: {  	v0 =	vld [tilespmem:$0x2640]  }
0xa6: {  	v1 =	vld [tilespmem:$0x28C0];
	_ =	sdelay $0x2  }
0xa7: {  	s0 =	spop (v2sf)  }
0xa8: {  	v0 =	vsel vm0, v0, v2;
	s0 =	sadd.s32 $0x80000001, s0  }
0xa9: {  	[tilespmem:$0x2640] =	vst v0;
	v0 =	vsel vm1, s0, v1  }
0xaa: {  	s29 =	simm.s32 $0x2580;
	s12 =	simm.s32 $0x2A80;
	[tilespmem:$0x28C0] =	vst v0  }
0xab: {  	[tilespmem:s12], [sflag:$0x4] =	stream.indirect.gather [hbm4b:s2+s22], $0x80, s29, s22, $0xb8;
	[tilespmem:$0x1CB00] =	vst v63  }
0xac: {  	s30 =	simm.s32 $0x25E8;
	s31 =	simm.s32 $0x5E80  }
0xad: {  	[tilespmem:s31], [sflag:$0x4] =	stream.indirect.gather [hbm4b:s2+s22], $0x80, s30, s22, $0xb8;
	[tilespmem:$0x1CB00] =	vst v63  }
0xae: {  	s16 =	simm.s32 $0xFA80  }
0xaf: {  	[tilespmem:s16], [sflag:$0x4] =	stream.indirect.gather [hbm4b:s4+s22], $0x80, s20, s22, $0xb8;
	[tilespmem:$0x1CB00] =	vst v63  }
0xb0: {  	s26 =	simm.s32 $0x12E80;
	s30 =	simm.s32 $0x0;
	s20 =	simm.s32 $0x2868  }
0xb1: {  	[tilespmem:s26], [sflag:$0x4] =	stream.indirect.gather [hbm4b:s4+s22], $0x80, s20, s22, $0xb8;
	[tilespmem:$0x1CB00] =	vst v63  }
0xb2: {  	s28 =	rddreg [dreg:$0x6];
	s29 =	simm.s32 $0xC80;
	s26 =	smin.u32 s30, $0xB8  }
0xb3: {  	[tilespmem:s29], [sflag:$0x2] =	stream.strided.gather [hbm4b:s28+s18], $0xC80, s19, s18, $0x38;
	[tilespmem:$0x1CB00] =	vst v63  }
0xb4: {  	s31 =	simm.s32 $0x28D0;
	v0 =	vmov s26  }
0xb5: {  	v0 =	vshll.u32 v0, $0x4;
	[tilespmem:s31], [sflag:$0x2] =	stream.linear.gather [hbm4b:s13+s30], $0xC8, $0x38;
	[tilespmem:$0x1CB00] =	vst v63  }
0xb6: {  	v0 =	vadd.s32 v30, v0;
	_ =	swait.ge [sflag:s3], $0xC80  }
0xb7: {  	v1 =	vadd.s32 $0xC80, v0;
	[sflag:s3] =	ssyncset.done $0x0  }
0xb8: {  	v2 =	vadd.s32 $0xC81, v0;
	[sflag:s3] =	ssyncadd.s32 $0xFFFFF380  }
0xb9: {  	v3 =	vadd.s32 $0xC83, v0;
	_ =	swait.ge [sflag:s3], $0xC8  }
0xba: {  	v5 =	vadd.s32 $0xC86, v0;
	[sflag:s3] =	ssyncset.done $0x0  }
0xbb: {  	v6 =	vadd.s32 $0xC8B, v0;
	[sflag:s3] =	ssyncadd.s32 $0xFFFFFF38  }
0xbc: {  	v7 =	vadd.s32 $0xC88, v0;
	v1 =	vld.idx.msk [tilespmem:v1+s6+$0x0], $0xffff  }
0xbd: {  	v15 =	vadd.s32 $0xC85, v0;
	v2 =	vld.idx.msk [tilespmem:v2+s6+$0x0], $0xffff  }
0xbe: {  	v11 =	vadd.s32 $0xC87, v0;
	v9 =	vld.idx.msk [tilespmem:v3+s6+$0x0], $0xffff  }
0xbf: {  	v14 =	vld.idx.msk [tilespmem:v5+s6+$0x0], $0xffff  }
0xc0: {  	v3 =	vld.idx.msk [tilespmem:v6+s6+$0x0], $0xffff  }
0xc1: {  	v4 =	vadd.s32 $0xC84, v0;
	v7 =	vld.idx.msk [tilespmem:v7+s6+$0x0], $0xffff  }
0xc2: {  	v8 =	vadd.s32 $0xC8F, v0;
	v19 =	vld.idx.msk [tilespmem:v15+s6+$0x0], $0xffff  }
0xc3: {  	v11 =	vld.idx.msk [tilespmem:v11+s6+$0x0], $0xffff  }
0xc4: {  	v10 =	vadd.s32 $0xC82, v0;
	v12 =	vadd.s32 $0xC89, v0  }
0xc5: {  	v13 =	vadd.s32 $0xC8A, v0;
	v16 =	vadd.s32 $0xC8D, v0;
	v5 =	vadd.s32 $0xC8C, v0  }
0xc6: {  	v4 =	vld.idx.msk [tilespmem:v4+s6+$0x0], $0xffff;
	v0 =	vadd.s32 $0xC8E, v0;
	v6 =	vshrl.u32 v1, $0x10;
	v17 =	vshrl.u32 v2, $0x10  }
0xc7: {  	v18 =	vld.idx.msk [tilespmem:v8+s6+$0x0], $0xffff;
	v8 =	vshrl.u32 v9, $0x10;
	v15 =	vshrl.u32 v14, $0x10;
	v20 =	vshrl.u32 v7, $0x10  }
0xc8: {  	v21 =	vshrl.u32 v3, $0x10;
	v23 =	vshrl.u32 v19, $0x10;
	v26 =	vshrl.u32 v11, $0x10  }
0xc9: {  	v6 =	vand.u32 $0x1, v6;
	v8 =	vand.u32 $0x1, v8;
	v15 =	vand.u32 $0x1, v15  }
0xca: {  	v20 =	vand.u32 $0x1, v20;
	v62 =	vand.u32 $0x1, v26;
	v1 =	vadd.s32 v6, v1  }
0xcb: {  	v6 =	vand.u32 $0x1, v17;
	v17 =	vld.idx.msk [tilespmem:v10+s6+$0x0], $0xffff;
	v10 =	vshrl.u32 v4, $0x10;
	v8 =	vadd.s32 v8, v9  }
0xcc: {  	v12 =	vld.idx.msk [tilespmem:v12+s6+$0x0], $0xffff;
	v20 =	vadd.s32 v20, v7;
	v14 =	vadd.s32 v15, v14;
	v11 =	vadd.s32 v62, v11  }
0xcd: {  	v0 =	vld.idx.msk [tilespmem:v0+s6+$0x0], $0xffff;
	v1 =	vadd.s32 $0x7FFF, v1;
	v2 =	vadd.s32 v6, v2;
	v6 =	vand.u32 $0x1, v10  }
0xce: {  	v14 =	vadd.s32 $0x7FFF, v14;
	v2 =	vadd.s32 $0x7FFF, v2;
	v4 =	vadd.s32 v6, v4  }
0xcf: {  	v16 =	vld.idx.msk [tilespmem:v16+s6+$0x0], $0xffff;
	v1 =	vand.u32 $0xFFFF0000, v1;
	v6 =	vadd.s32 $0x7FFF, v8;
	v8 =	vshrl.u32 v18, $0x10  }
0xd0: {  	v9 =	vld.idx.msk [tilespmem:v5+s6+$0x0], $0xffff;
	v14 =	vand.u32 $0xFFFF0000, v14;
	v2 =	vand.u32 $0xFFFF0000, v2;
	v4 =	vadd.s32 $0x7FFF, v4  }
0xd1: {  	v5 =	vmul.f32 $3.276800000e+04, v1;
	v10 =	vand.u32 $0x1, v8;
	v6 =	vand.u32 $0xFFFF0000, v6  }
0xd2: {  	v8 =	vshrl.u32 v12, $0x10;
	v24 =	vshrl.u32 v0, $0x10;
	v2 =	vmul.f32 $1.638400000e+04, v2  }
0xd3: {  	v4 =	vand.u32 $0xFFFF0000, v4;
	v22 =	vand.u32 $0x1, v8;
	v61 =	vand.u32 $0x1, v24  }
0xd4: {  	v1 =	vld.idx.msk [tilespmem:v13+s6+$0x0], $0xffff;
	v10 =	vadd.s32 v10, v18;
	v4 =	vmul.f32 $2.048000000e+03, v4;
	v13 =	vshrl.u32 v17, $0x10  }
0xd5: {  	v8 =	vshrl.u32 v9, $0x10;
	v7 =	vadd.s32 v22, v12;
	v12 =	vshrl.u32 v16, $0x10  }
0xd6: {  	v0 =	vadd.s32 v61, v0;
	v10 =	vadd.s32 $0x7FFF, v10;
	v8 =	vand.u32 $0x1, v8  }
0xd7: {  	v12 =	vand.u32 $0x1, v12;
	v15 =	vadd.s32 $0x7FFF, v0;
	v0 =	vand.u32 $0xFFFF0000, v10  }
0xd8: {  	v13 =	vand.u32 $0x1, v13;
	v10 =	vadd.s32 $0x7FFF, v7;
	v9 =	vadd.s32 v8, v9  }
0xd9: {  	v8 =	vand.u32 $0x1, v21;
	v7 =	vand.u32 $0xFFFF0000, v15;
	v12 =	vadd.s32 v12, v16  }
0xda: {  	v13 =	vadd.s32 v13, v17;
	v16 =	vand.u32 $0x1, v23;
	v17 =	vadd.s32 $0x7FFF, v20  }
0xdb: {  	v25 =	vshrl.u32 v1, $0x10;
	v9 =	vadd.s32 $0x7FFF, v9;
	v12 =	vadd.s32 $0x7FFF, v12  }
0xdc: {  	v7 =	vadd.f32 v7, v7;
	v13 =	vadd.s32 $0x7FFF, v13;
	v9 =	vand.u32 $0xFFFF0000, v9  }
0xdd: {  	v15 =	vand.u32 $0x1, v25;
	v12 =	vand.u32 $0xFFFF0000, v12;
	v9 =	vmul.f32 $8.000000000e+00, v9  }
0xde: {  	v15 =	vadd.s32 v15, v1;
	v63 =	vmul.f32 $4.000000000e+00, v12;
	v12 =	vand.u32 $0xFFFF0000, v17  }
0xdf: {  	v1 =	vmul.f32 $5.120000000e+02, v14;
	v14 =	vadd.s32 $0x7FFF, v15;
	v12 =	vmul.f32 $1.280000000e+02, v12  }
0xe0: {  	s0 =	simm.s32 $0x10;
	v15 =	vand.u32 $0xFFFF0000, v14;
	v14 =	vadd.s32 v16, v19;
	v9 =	vadd.f32 v63, v9  }
.LBB2_4:
0xe1: {  	s16 =	smin.u32 s0, $0xB8;
	p0 =	sne.s32 s0, $0xC0;
	s0 =	sadd.s32 $0x10, s0;
	v11 =	vadd.s32 $0x7FFF, v11;
	v15 =	vmul.f32 $3.200000000e+01, v15;
	v3 =	vadd.s32 v8, v3  }
0xe2: {  	v10 =	vand.u32 $0xFFFF0000, v10;
	v8 =	vmov s16;
	v11 =	vand.u32 $0xFFFF0000, v11  }
0xe3: {  	v13 =	vand.u32 $0xFFFF0000, v13;
	v14 =	vadd.s32 $0x7FFF, v14;
	v8 =	vshll.u32 v8, $0x4  }
0xe4: {  	v13 =	vmul.f32 $8.192000000e+03, v13;
	v10 =	vmul.f32 $6.400000000e+01, v10;
	v8 =	vadd.s32 v30, v8  }
0xe5: {  	v14 =	vand.u32 $0xFFFF0000, v14;
	v16 =	vadd.s32 $0xC80, v8;
	v17 =	vadd.s32 $0xC81, v8  }
0xe6: {  	v3 =	vadd.s32 $0x7FFF, v3;
	v18 =	vadd.s32 $0xC83, v8;
	v19 =	vadd.s32 $0xC84, v8  }
0xe7: {  	v10 =	vadd.f32 v10, v12;
	v20 =	vadd.s32 $0xC86, v8;
	v21 =	vadd.s32 $0xC87, v8  }
0xe8: {  	v3 =	vand.u32 $0xFFFF0000, v3;
	v12 =	vadd.s32 $0xC89, v8;
	v22 =	vadd.s32 $0xC8A, v8  }
0xe9: {  	v3 =	vmul.f32 $1.600000000e+01, v3;
	v23 =	vadd.s32 $0xC8C, v8;
	v24 =	vadd.s32 $0xC8D, v8  }
0xea: {  	v6 =	vmul.f32 $4.096000000e+03, v6;
	v25 =	vadd.s32 $0xC85, v8;
	v26 =	vadd.s32 $0xC8B, v8;
	v16 =	vld.idx.msk [tilespmem:v16+s6+$0x0], $0xffff  }
0xeb: {  	v27 =	vadd.s32 $0xC82, v8;
	v28 =	vadd.s32 $0xC88, v8;
	v29 =	vadd.s32 $0xC8F, v8;
	v17 =	vld.idx.msk [tilespmem:v17+s6+$0x0], $0xffff  }
0xec: {  	v0 =	vadd.f32 v0, v7;
	v14 =	vmul.f32 $1.024000000e+03, v14;
	v3 =	vadd.f32 v3, v15;
	v18 =	vld.idx.msk [tilespmem:v18+s6+$0x0], $0xffff  }
0xed: {  	v2 =	vadd.f32 v2, v5;
	v11 =	vmul.f32 $2.560000000e+02, v11;
	v5 =	vadd.f32 v6, v13;
	v7 =	vld.idx.msk [tilespmem:v19+s6+$0x0], $0xffff  }
0xee: {  	v0 =	vadd.f32 v0, v9;
	v6 =	vadd.s32 $0xC8E, v8;
	v8 =	vadd.f32 v3, v10;
	v13 =	vld.idx.msk [tilespmem:v20+s6+$0x0], $0xffff  }
0xef: {  	v4 =	vadd.f32 v14, v4;
	v1 =	vadd.f32 v11, v1;
	v3 =	vld.idx.msk [tilespmem:v26+s6+$0x0], $0xffff  }
0xf0: {  	v2 =	vadd.f32 v5, v2;
	v0 =	vadd.f32 v0, v8;
	v10 =	vshrl.u32 v16, $0x10;
	v9 =	vld.idx.msk [tilespmem:v28+s6+$0x0], $0xffff  }
0xf1: {  	v1 =	vadd.f32 v1, v4;
	v5 =	vand.u32 $0x1, v10;
	v8 =	vshrl.u32 v17, $0x10;
	v11 =	vld.idx.msk [tilespmem:v29+s6+$0x0], $0xffff  }
0xf2: {  	v4 =	vadd.s32 v5, v16;
	v5 =	vand.u32 $0x1, v8;
	v8 =	vshrl.u32 v18, $0x10;
	v14 =	vld.idx.msk [tilespmem:v27+s6+$0x0], $0xffff  }
0xf3: {  	v4 =	vadd.s32 $0x7FFF, v4;
	v8 =	vand.u32 $0x1, v8;
	v10 =	vld.idx.msk [tilespmem:v12+s6+$0x0], $0xffff;
	v12 =	vshrl.u32 v7, $0x10  }
0xf4: {  	v5 =	vadd.s32 v5, v17;
	v8 =	vadd.s32 v8, v18;
	v16 =	vld.idx.msk [tilespmem:v25+s6+$0x0], $0xffff;
	v12 =	vand.u32 $0x1, v12  }
0xf5: {  	v1 =	vadd.f32 v1, v2;
	v5 =	vadd.s32 $0x7FFF, v5;
	v15 =	vld.idx.msk [tilespmem:v21+s6+$0x0], $0xffff;
	v7 =	vadd.s32 v12, v7  }
0xf6: {  	v4 =	vand.u32 $0xFFFF0000, v4;
	v2 =	vand.u32 $0xFFFF0000, v5;
	v12 =	vld.idx.msk [tilespmem:v23+s6+$0x0], $0xffff;
	v5 =	vadd.s32 $0x7FFF, v7  }
0xf7: {  	v0 =	vadd.f32 v0, v1;
	v2 =	vmul.f32 $1.638400000e+04, v2;
	v7 =	vld.idx.msk [tilespmem:v6+s6+$0x0], $0xffff;
	v6 =	vand.u32 $0xFFFF0000, v5  }
0xf8: {  	v8 =	vadd.s32 $0x7FFF, v8;
	v17 =	vshrl.u32 v11, $0x10;
	v5 =	vmul.f32 $3.276800000e+04, v4;
	v1 =	vld.idx.msk [tilespmem:v22+s6+$0x0], $0xffff  }
0xf9: {  	v0 =	vtrunc.f32 v0;
	v17 =	vand.u32 $0x1, v17;
	v4 =	vmul.f32 $2.048000000e+03, v6  }
0xfa: {  	v18 =	vshrl.u32 v14, $0x10;
	v6 =	vand.u32 $0xFFFF0000, v8;
	v8 =	vshrl.u32 v10, $0x10  }
0xfb: {  	v19 =	vshrl.u32 v13, $0x10;
	v20 =	vshrl.u32 v9, $0x10;
	v21 =	vshrl.u32 v3, $0x10  }
0xfc: {  	v0 =	vcvt.f32.s32 v0;
	v22 =	vand.u32 $0x1, v8;
	v8 =	vshrl.u32 v12, $0x10  }
0xfd: {  	v19 =	vand.u32 $0x1, v19;
	v25 =	vshrl.u32 v7, $0x10;
	v23 =	vld.idx.msk [tilespmem:v24+s6+$0x0], $0xffff;
	v24 =	vshrl.u32 v16, $0x10  }
0xfe: {  	vm2 =	vgt.s32 v0, $0x0;
	v8 =	vand.u32 $0x1, v8;
	v26 =	vshrl.u32 v1, $0x10  }
0xff: {  	v0 =	vnsel vm2, $0x0, v0;
	v27 =	vshrl.u32 v15, $0x10;
	v12 =	vadd.s32 v8, v12  }
0x100: {  	v8 =	vand.u32 $0x1, v21;
	v21 =	vand.u32 $0x1, v25;
	v12 =	vadd.s32 $0x7FFF, v12  }
0x101: {  	v0 =	vmin.u32 v0, $0xFFFF;
	v20 =	vand.u32 $0x1, v20;
	v12 =	vand.u32 $0xFFFF0000, v12  }
0x102: {  	v9 =	vadd.s32 v20, v9;
	v25 =	vand.u32 $0x1, v27;
	v20 =	vmul.f32 $8.000000000e+00, v12;
	[tilespmem:s26+$0x2650] =	vst v0;
	s26 =	smov.u32 s16  }
0x103: {  	v11 =	vadd.s32 v17, v11;
	v10 =	vadd.s32 v22, v10;
	v0 =	vshrl.u32 v23, $0x10  }
0x104: {  	v12 =	vand.u32 $0x1, v0;
	v0 =	vadd.s32 v21, v7;
	v7 =	vadd.s32 $0x7FFF, v11  }
0x105: {  	v11 =	vadd.s32 v19, v13;
	v13 =	vadd.s32 $0x7FFF, v0;
	v0 =	vand.u32 $0xFFFF0000, v7  }
0x106: {  	v10 =	vadd.s32 $0x7FFF, v10;
	v7 =	vand.u32 $0x1, v18;
	v13 =	vand.u32 $0xFFFF0000, v13  }
0x107: {  	v17 =	vadd.s32 $0x7FFF, v11;
	v11 =	vadd.s32 v25, v15;
	v12 =	vadd.s32 v12, v23  }
0x108: {  	v14 =	vadd.s32 v7, v14;
	v12 =	vadd.s32 $0x7FFF, v12;
	v7 =	vadd.f32 v13, v13  }
.Ltmp1:
0x109: {  	v18 =	vand.u32 $0x1, v24;
	v13 =	vand.u32 $0x1, v26;
	v12 =	vand.u32 $0xFFFF0000, v12;
	(pc) =	sbr.rel @p0 .LBB2_4-.Ltmp1, $4  }
0x10a: {  	v9 =	vadd.s32 $0x7FFF, v9;
	v15 =	vand.u32 $0xFFFF0000, v17;
	v13 =	vadd.s32 v13, v1  }
0x10b: {  	v1 =	vmul.f32 $5.120000000e+02, v15;
	v17 =	vmul.f32 $4.000000000e+00, v12;
	v15 =	vadd.s32 $0x7FFF, v13  }
0x10c: {  	v9 =	vand.u32 $0xFFFF0000, v9;
	v13 =	vadd.s32 $0x7FFF, v14;
	v15 =	vand.u32 $0xFFFF0000, v15  }
0x10d: {  	v12 =	vmul.f32 $1.280000000e+02, v9;
	v14 =	vadd.s32 v18, v16;
	v9 =	vadd.f32 v17, v20  }
0x10e: {  	v11 =	vadd.s32 $0x7FFF, v11  }
0x10f: {  	v15 =	vmul.f32 $3.200000000e+01, v15;
	v3 =	vadd.s32 v8, v3;
	v10 =	vand.u32 $0xFFFF0000, v10  }
0x110: {  	v43 =	vand.u32 $0xFFFF0000, v13;
	v44 =	vadd.s32 $0x7FFF, v14;
	v6 =	vmul.f32 $4.096000000e+03, v6  }
0x111: {  	v0 =	vadd.f32 v0, v7;
	v2 =	vadd.f32 v2, v5;
	v42 =	vand.u32 $0xFFFF0000, v11  }
0x112: {  	v3 =	vadd.s32 $0x7FFF, v3;
	v10 =	vmul.f32 $6.400000000e+01, v10;
	v13 =	vand.u32 $0xFFFF0000, v44  }
0x113: {  	v11 =	vmul.f32 $8.192000000e+03, v43;
	v3 =	vand.u32 $0xFFFF0000, v3;
	v45 =	vmul.f32 $1.024000000e+03, v13  }
0x114: {  	v46 =	vmul.f32 $2.560000000e+02, v42;
	v3 =	vmul.f32 $1.600000000e+01, v3;
	v10 =	vadd.f32 v10, v12  }
0x115: {  	v47 =	vadd.f32 v6, v11;
	v4 =	vadd.f32 v45, v4  }
0x116: {  	v1 =	vadd.f32 v46, v1;
	v3 =	vadd.f32 v3, v15  }
0x117: {  	v0 =	vadd.f32 v0, v9;
	v2 =	vadd.f32 v47, v2  }
0x118: {  	v1 =	vadd.f32 v1, v4;
	v3 =	vadd.f32 v3, v10;
	_ =	sdelay $0x1  }
0x119: {  	v1 =	vadd.f32 v1, v2;
	v0 =	vadd.f32 v0, v3;
	_ =	sdelay $0x1  }
0x11a: {  	v0 =	vadd.f32 v0, v1;
	_ =	sdelay $0x1  }
0x11b: {  	v0 =	vtrunc.f32 v0  }
0x11c: {  	v0 =	vcvt.f32.s32 v0;
	_ =	sdelay $0x1  }
0x11d: {  	vm2 =	vgt.s32 v0, $0x0  }
0x11e: {  	v0 =	vnsel vm2, $0x0, v0  }
0x11f: {  	v0 =	vmin.u32 v0, $0xFFFF  }
0x120: {  	[tilespmem:s26+$0x2650] =	vst v0  }
0x121: {  	v0 =	vld [tilespmem:$0x28D0]  }
0x122: {  	v48 =	vld [tilespmem:$0x28E0];
	_ =	sdelay $0x1  }
0x123: {  	v49 =	vld [tilespmem:$0x28F0];
	_ =	sdelay $0x1  }
0x124: {  	v50 =	vld [tilespmem:$0x2900]  }
0x125: {  	vm2 =	vgt.s32 v0, v48  }
0x126: {  	v51 =	vld [tilespmem:$0x2910];
	v0 =	vsel vm2, v0, v48  }
0x127: {  	vm2 =	vgt.s32 v0, v49  }
0x128: {  	v52 =	vld [tilespmem:$0x2920];
	v0 =	vsel vm2, v0, v49  }
0x129: {  	vm2 =	vgt.s32 v0, v50  }
0x12a: {  	v53 =	vld [tilespmem:$0x2930];
	v0 =	vsel vm2, v0, v50  }
0x12b: {  	vm2 =	vgt.s32 v0, v51  }
0x12c: {  	v54 =	vld [tilespmem:$0x2940];
	v0 =	vsel vm2, v0, v51  }
0x12d: {  	vm2 =	vgt.s32 v0, v52  }
0x12e: {  	v55 =	vld [tilespmem:$0x2950];
	v0 =	vsel vm2, v0, v52  }
0x12f: {  	vm2 =	vgt.s32 v0, v53  }
0x130: {  	v56 =	vld [tilespmem:$0x2960];
	v0 =	vsel vm2, v0, v53  }
0x131: {  	vm2 =	vgt.s32 v0, v54  }
0x132: {  	v57 =	vld [tilespmem:$0x2970];
	v0 =	vsel vm2, v0, v54  }
0x133: {  	vm2 =	vgt.s32 v0, v55  }
0x134: {  	v58 =	vld [tilespmem:$0x2980];
	v0 =	vsel vm2, v0, v55  }
0x135: {  	vm2 =	vgt.s32 v0, v56  }
0x136: {  	v59 =	vld [tilespmem:$0x2988];
	v0 =	vsel vm2, v0, v56  }
0x137: {  	vm2 =	vgt.s32 v0, v57  }
0x138: {  	v0 =	vsel vm2, v0, v57  }
0x139: {  	vm2 =	vgt.s32 v0, v58  }
0x13a: {  	v0 =	vsel vm2, v0, v58  }
0x13b: {  	vm2 =	vgt.s32 v0, v59  }
0x13c: {  	v0 =	vsel vm2, v0, v59  }
0x13d: {  	vm2 =	vgt.s32 v0, $0x0  }
0x13e: {  	v0 =	vnsel vm2, $0x0, v0  }
0x13f: {  	v0 =	vor.u32 $0x80000000, v0  }
0x140: {  	(xrf0) =	vmax.scan.msk.u32 $0xffff, v0;
	_ =	sdelay $0x5  }
0x141: {  	v0, _, _ =	vpop (xrf0)  }
0x142: {  	(v2sf) =	vpush v0, $0xF;
	_ =	sdelay $0x9  }
0x143: {  	v60 =	vld [tilespmem:$0x2710]  }
0x144: {  	v62 =	vld [tilespmem:$0x1FFE0]  }
0x145: {  	v61 =	vld [tilespmem:$0x2990];
	_ =	sdelay $0x2  }
0x146: {  	s0 =	spop (v2sf)  }
0x147: {  	v0 =	vsel vm0, v60, v62;
	s0 =	sadd.s32 $0x80000001, s0  }
0x148: {  	[tilespmem:$0x2710] =	vst v0;
	v63 =	vsel vm1, s0, v61  }
0x149: {  	s26 =	simm.s32 $0x0;
	[tilespmem:$0x2990] =	vst v63  }
.LBB2_6:
0x14a: {  	s28 =	sadd.s32 $0x2, s26;
	p0 =	seq.s32 s26, $0x1E  }
0x14b: {  	s0 =	smul.u32 @!p0 $0xAB, s28  }
0x14c: {  	s29 =	sadd.s32 $0x1, s26;
	p1 =	seq.s32 s26, $0x0  }
0x14d: {  	s16 =	sadd.s32 @!p0 s9, s28;
	s12 =	smul.u32 $0xAB, s29;
	s0 =	sshrl.u32 @!p0 s0, $0x9  }
0x14e: {  	s19 =	sshll.u32 @!p0 s28, $0x7;
	s31 =	simm.s32 @!p0 $0x80;
	s0 =	sand.u32 @!p0 $0x7F, s0  }
0x14f: {  	s18 =	sshrl.u32 @!p0 s16, $0x3;
	s12 =	sshrl.u32 s12, $0x9;
	s0 =	smul.u32 @!p0 $0x3, s0  }
0x150: {  	s20 =	simm.s32 @!p0 $0x400;
	s18 =	smul.u32 @!p0 $0x6400, s18;
	s12 =	sand.u32 $0x7F, s12  }
0x151: {  	s19 =	sand.u32 @!p0 $0x380, s19;
	s12 =	smul.u32 $0x3, s12;
	s0 =	ssub.s32 @!p0 s28, s0  }
0x152: {  	s16 =	smul.u32 @!p0 $0x19, s16;
	s18 =	sor.u32 @!p0 s19, s18;
	s0 =	sand.u32 @!p0 $0xFF, s0  }
0x153: {  	s18 =	sshrl.u32 @!p0 s18, $0x3;
	s12 =	ssub.s32 s29, s12;
	s19 =	smul.u32 @!p0 $0x3200, s0  }
0x154: {  	s16 =	sadd.s32 @!p0 s7, s16;
	s18 =	sadd.s32 @!p0 s1, s18;
	s12 =	sand.u32 $0xFF, s12  }
0x155: {  	s30 =	sadd.s32 @!p0 $0x1, s0;
	s0 =	smul.u32 @!p0 $0x340, s0;
	s19 =	sshrl.u32 @!p0 s19, $0x2  }
0x156: {  	[tilespmem:s19], [sflag:s30] =	stream.strided.gather @!p0 [hbm4b:s18+s31], $0xC80, s20, s31, $0x38;
	[tilespmem:$0x1CB00] =	vst v63  }
0x157: {  	s12 =	smul.u32 $0xD0, s12;
	s0 =	sshrl.u32 @!p0 s0, $0x2;
	s18 =	sand.u32 $0x1, s29  }
0x158: {  	s0 =	sor.u32 @!p0 $0x2800, s0;
	s19 =	simm.s32 @!p0 $0x0;
	s20 =	smul.u32 $0x6800, s18  }
0x159: {  	[tilespmem:s0], [sflag:s30] =	stream.linear.gather @!p0 [hbm4b:s16+s19], $0xC8, $0x38;
	[tilespmem:$0x1CB00] =	vst v63  }
0x15a: {  	s18 =	sor.u32 $0x4, s18;
	s30 =	sand.u32 @!p1 $0x1, s26  }
0x15b: {  	s19 =	sadd.s32 $0x2580, s12;
	s16 =	sadd.s32 $0x2A80, s20;
	s0 =	sxor.u32 @!p1 $0x1, s30  }
0x15c: {  	[tilespmem:s16], [sflag:s18] =	stream.indirect.gather [hbm4b:s2+s22], $0x80, s19, s22, $0xb8;
	[tilespmem:$0x1CB00] =	vst v63  }
0x15d: {  	s16 =	sadd.s32 $0x5E80, s20;
	s19 =	sadd.s32 $0x25E8, s12;
	s0 =	sor.u32 @!p1 $0x6, s0  }
0x15e: {  	[tilespmem:s16], [sflag:s18] =	stream.indirect.gather [hbm4b:s2+s22], $0x80, s19, s22, $0xb8;
	[tilespmem:$0x1CB00] =	vst v63  }
0x15f: {  	s30 =	simm.s32 @p1 $0x0;
	_ =	swait.ge @!p1 [sflag:s0], $0x6480  }
0x160: {  	s16 =	sadd.s32 $0x68, s12;
	s19 =	sadd.s32 $0x3400, s20;
	[sflag:s0] =	ssyncset.done @!p1 $0x0  }
0x161: {  	s20 =	sadd.s32 $0xFA80, s20;
	s12 =	sadd.s32 $0x2800, s12;
	[sflag:s0] =	ssyncadd.s32 @!p1 $0xFFFF9B80  }
0x162: {  	[tilespmem:s20], [sflag:s18] =	stream.indirect.gather [hbm4b:s4+s22], $0x80, s12, s22, $0xb8;
	[tilespmem:$0x1CB00] =	vst v63  }
0x163: {  	s19 =	sadd.s32 $0xFA80, s19;
	s20 =	sadd.s32 $0x2800, s16;
	s16 =	sor.u32 $0x4, s30  }
0x164: {  	[tilespmem:s19], [sflag:s18] =	stream.indirect.gather [hbm4b:s4+s22], $0x80, s20, s22, $0xb8;
	[tilespmem:$0x1CB00] =	vst v63  }
0x165: {  	_ =	swait.ge [sflag:s16], $0x3400  }
0x166: {  	[sflag:s16] =	ssyncset.done $0x0  }
0x167: {  	[sflag:s16] =	ssyncadd.s32 $0xFFFFCC00  }
0x168: {  	_ =	swait.ge [sflag:s16], $0x3400  }
0x169: {  	[sflag:s16] =	ssyncset.done $0x0  }
0x16a: {  	[sflag:s16] =	ssyncadd.s32 $0xFFFFCC00  }
0x16b: {  	_ =	swait.ge [sflag:s16], $0x3400  }
0x16c: {  	[sflag:s16] =	ssyncset.done $0x0  }
0x16d: {  	[sflag:s16] =	ssyncadd.s32 $0xFFFFCC00  }
0x16e: {  	_ =	swait.ge [sflag:s16], $0x3400  }
0x16f: {  	s31 =	smul.u32 $0x6800, s30;
	[sflag:s16] =	ssyncset.done $0x0  }
0x170: {  	[sflag:s16] =	ssyncadd.s32 $0xFFFFCC00  }
0x171: {  	v0 =	vld [tilespmem:s31+$0xFA80]  }
0x172: {  	v1 =	vld [tilespmem:$0x1CA80];
	_ =	sdelay $0x4  }
0x173: {  	v0 =	vadd.f32 v1, v0;
	_ =	sdelay $0x1  }
0x174: {  	[tilespmem:s31+$0xFA80] =	vst v0;
	v0 =	vld [tilespmem:s31+$0xFA90]  }
0x175: {  	v1 =	vld [tilespmem:$0x1CA90];
	_ =	sdelay $0x4  }
0x176: {  	v0 =	vadd.f32 v1, v0;
	_ =	sdelay $0x1  }
0x177: {  	[tilespmem:s31+$0xFA90] =	vst v0;
	v0 =	vld [tilespmem:s31+$0xFAA0]  }
0x178: {  	v1 =	vld [tilespmem:$0x1CAA0];
	_ =	sdelay $0x4  }
0x179: {  	v0 =	vadd.f32 v1, v0;
	_ =	sdelay $0x1  }
0x17a: {  	[tilespmem:s31+$0xFAA0] =	vst v0;
	v0 =	vld [tilespmem:s31+$0xFAB0]  }
0x17b: {  	v1 =	vld [tilespmem:$0x1CAB0];
	_ =	sdelay $0x4  }
0x17c: {  	v0 =	vadd.f32 v1, v0;
	_ =	sdelay $0x1  }
0x17d: {  	[tilespmem:s31+$0xFAB0] =	vst v0;
	v0 =	vld [tilespmem:s31+$0xFAC0]  }
0x17e: {  	v1 =	vld [tilespmem:$0x1CAC0];
	_ =	sdelay $0x4  }
0x17f: {  	v0 =	vadd.f32 v1, v0;
	_ =	sdelay $0x1  }
0x180: {  	[tilespmem:s31+$0xFAC0] =	vst v0;
	v0 =	vld [tilespmem:s31+$0xFAD0]  }
0x181: {  	v1 =	vld [tilespmem:$0x1CAD0];
	_ =	sdelay $0x4  }
0x182: {  	v0 =	vadd.f32 v1, v0;
	_ =	sdelay $0x1  }
0x183: {  	[tilespmem:s31+$0xFAD0] =	vst v0;
	v0 =	vld [tilespmem:s31+$0xFAE0]  }
0x184: {  	v1 =	vld [tilespmem:$0x1CAE0];
	_ =	sdelay $0x4  }
0x185: {  	v0 =	vadd.f32 v1, v0;
	_ =	sdelay $0x1  }
0x186: {  	[tilespmem:s31+$0xFAE0] =	vst v0;
	v0 =	vld [tilespmem:s31+$0xFAF0]  }
0x187: {  	v1 =	vld [tilespmem:$0x1CAF0];
	_ =	sdelay $0x3  }
0x188: {  	s18 =	smul.u32 $0x1A000, s30  }
0x189: {  	v0 =	vadd.f32 v1, v0  }
0x18a: {  	s0 =	sshrl.u32 s18, $0x2  }
0x18b: {  	s19 =	sadd.s32 $0x2B00, s0;
	[tilespmem:s31+$0xFAF0] =	vst v0  }
0x18c: {  	v2 =	vld [tilespmem:s19+$0x20];
	_ =	sdelay $0x1  }
0x18d: {  	v38 =	vld [tilespmem:s19+$0x0]  }
0x18e: {  	v39 =	vld [tilespmem:s19+$0x10];
	_ =	sdelay $0x1  }
0x18f: {  	[tilespmem:$0x1FFD0] =	vst v2  }
0x190: {  	v42 =	vld [tilespmem:s19+$0xFFFFFF90]  }
0x191: {  	v36 =	vld [tilespmem:s19+$0x30]  }
0x192: {  	v0 =	vmul.f32 v38, v38;
	v1 =	vmul.f32 v39, v39;
	v46 =	vld [tilespmem:s19+$0xFFFFFF80]  }
0x193: {  	v37 =	vld [tilespmem:s19+$0x40]  }
0x194: {  	v43 =	vld [tilespmem:s19+$0xFFFFFFA0];
	v0 =	vadd.f32 v1, v0;
	v1 =	vmul.f32 v2, v2  }
0x195: {  	v40 =	vld [tilespmem:s19+$0x50]  }
0x196: {  	v44 =	vld [tilespmem:s19+$0xFFFFFFB0];
	v0 =	vadd.f32 v1, v0;
	v1 =	vmul.f32 v36, v36  }
0x197: {  	v41 =	vld [tilespmem:s19+$0x60];
	v2 =	vmul.f32 v42, v42;
	v3 =	vmul.f32 v46, v46  }
0x198: {  	v45 =	vld [tilespmem:s19+$0xFFFFFFC0];
	v0 =	vadd.f32 v1, v0;
	v1 =	vmul.f32 v37, v37  }
0x199: {  	v50 =	vld [tilespmem:s19+$0x70];
	v2 =	vadd.f32 v2, v3;
	v3 =	vmul.f32 v43, v43  }
0x19a: {  	v47 =	vld [tilespmem:s19+$0xFFFFFFD0];
	v0 =	vadd.f32 v1, v0;
	v1 =	vmul.f32 v40, v40  }
0x19b: {  	v2 =	vadd.f32 v3, v2;
	v3 =	vmul.f32 v44, v44  }
0x19c: {  	v48 =	vld [tilespmem:s19+$0xFFFFFFE0];
	v0 =	vadd.f32 v1, v0;
	v1 =	vmul.f32 v41, v41  }
0x19d: {  	v2 =	vadd.f32 v3, v2;
	v3 =	vmul.f32 v45, v45  }
0x19e: {  	v49 =	vld [tilespmem:s19+$0xFFFFFFF0];
	v0 =	vadd.f32 v1, v0;
	v1 =	vmul.f32 v50, v50  }
0x19f: {  	v2 =	vadd.f32 v3, v2;
	v3 =	vmul.f32 v47, v47  }
0x1a0: {  	v0 =	vadd.f32 v1, v0  }
0x1a1: {  	v1 =	vmul.f32 v48, v48;
	v2 =	vadd.f32 v3, v2  }
0x1a2: {  	(xrf2) =	vadd.scan.msk.f32 $0xffff, v0  }
0x1a3: {  	v0 =	vmul.f32 v49, v49;
	v1 =	vadd.f32 v1, v2;
	_ =	sdelay $0x1  }
0x1a4: {  	s20 =	sadd.s32 $0x100, s19;
	v0 =	vadd.f32 v0, v1  }
0x1a5: {  	v4 =	vld [tilespmem:s20+$0x0]  }
0x1a6: {  	(xrf2) =	vadd.scan.msk.f32 $0xffff, v0  }
0x1a7: {  	v6 =	vld [tilespmem:s20+$0x10]  }
0x1a8: {  	v7 =	vld [tilespmem:s20+$0x20]  }
0x1a9: {  	v11 =	vld [tilespmem:s20+$0xFFFFFF90]  }
0x1aa: {  	v2 =	vld [tilespmem:s20+$0x30];
	[tilespmem:$0x1FF80] =	vst v4  }
0x1ab: {  	v14 =	vld [tilespmem:s20+$0xFFFFFF80];
	v0, _, _ =	vpop (xrf2)  }
0x1ac: {  	v0 =	vbroadcast v0, $0xF;
	_ =	sdelay $0x1  }
0x1ad: {  	v5 =	vmul.f32 v4, v4;
	[tilespmem:$0x1FF90] =	vst v6;
	v6 =	vmul.f32 v6, v6;
	v3 =	vshrl.u32 v0, $0x1  }
0x1ae: {  	v13 =	vmul.f32 v7, v7;
	v27 =	vsub.s32 $0x5F3759DF, v3;
	v3 =	vld [tilespmem:s20+$0x40]  }
0x1af: {  	v15 =	vmul.f32 v11, v11;
	v16 =	vld [tilespmem:s20+$0xFFFFFFA0];
	v5 =	vadd.f32 v6, v5;
	v18 =	vmul.f32 v14, v14;
	v12, _, _ =	vpop (xrf2)  }
0x1b0: {  	v4 =	vld [tilespmem:s20+$0x50];
	v1 =	vmul.f32 $5.000000000e-01, v0;
	v17 =	vbroadcast v12, $0xF  }
0x1b1: {  	v21 =	vld [tilespmem:s20+$0xFFFFFFB0];
	[tilespmem:$0x1FFA0] =	vst v2;
	v12 =	vadd.f32 v13, v5;
	v13 =	vmul.f32 v2, v2  }
0x1b2: {  	v15 =	vadd.f32 v15, v18;
	v10 =	vmul.f32 v27, v1;
	v2 =	vld [tilespmem:s20+$0x60];
	v20 =	vshrl.u32 v17, $0x1  }
0x1b3: {  	v19 =	vld [tilespmem:s20+$0xFFFFFFC0];
	v12 =	vadd.f32 v13, v12;
	v23 =	vmul.f32 $5.000000000e-01, v17;
	[tilespmem:$0x1FFB0] =	vst v3;
	v22 =	vmul.f32 v3, v3  }
0x1b4: {  	v18 =	vmul.f32 v16, v16;
	v10 =	vmul.f32 v27, v10;
	v24 =	vsub.s32 $0x5F3759DF, v20;
	v30 =	vld [tilespmem:s20+$0x70]  }
0x1b5: {  	v20 =	vmul.f32 v4, v4;
	v13 =	vld [tilespmem:s20+$0xFFFFFFD0];
	v12 =	vadd.f32 v22, v12;
	v22 =	vmul.f32 v24, v23  }
0x1b6: {  	v25 =	vmul.f32 v21, v21;
	v18 =	vadd.f32 v18, v15;
	v10 =	vsub.f32 $1.500000000e+00, v10  }
0x1b7: {  	v15 =	vld [tilespmem:s20+$0xFFFFFFE0];
	v26 =	vmul.f32 v2, v2;
	v12 =	vadd.f32 v20, v12;
	v22 =	vmul.f32 v24, v22  }
0x1b8: {  	v18 =	vadd.f32 v25, v18;
	[tilespmem:$0x1FFC0] =	vst v2;
	v25 =	vmul.f32 v19, v19;
	v2 =	vmul.f32 v27, v10  }
0x1b9: {  	v10 =	vadd.f32 v26, v12;
	v12 =	vmul.f32 v30, v30;
	v22 =	vsub.f32 $1.500000000e+00, v22  }
0x1ba: {  	v18 =	vadd.f32 v25, v18;
	v20 =	vld [tilespmem:s20+$0xFFFFFFF0];
	v25 =	vmul.f32 v13, v13;
	v26 =	vmul.f32 v2, v1  }
0x1bb: {  	v10 =	vadd.f32 v12, v10;
	v12 =	vmul.f32 v24, v22  }
0x1bc: {  	v22 =	vmul.f32 v15, v15;
	v18 =	vadd.f32 v25, v18;
	v24 =	vmul.f32 v26, v2  }
0x1bd: {  	(xrf2) =	vadd.scan.msk.f32 $0xffff, v10;
	v10 =	vmul.f32 v12, v23  }
0x1be: {  	v18 =	vadd.f32 v22, v18;
	v22 =	vsub.f32 $1.500000000e+00, v24  }
0x1bf: {  	v25 =	vmul.f32 v20, v20;
	v10 =	vmul.f32 v10, v12  }
0x1c0: {  	v2 =	vmul.f32 v22, v2  }
0x1c1: {  	v18 =	vadd.f32 v25, v18;
	v10 =	vsub.f32 $1.500000000e+00, v10  }
0x1c2: {  	v1 =	vmul.f32 v2, v1  }
0x1c3: {  	(xrf2) =	vadd.scan.msk.f32 $0xffff, v18;
	v12 =	vmul.f32 v10, v12  }
0x1c4: {  	v1 =	vmul.f32 v1, v2  }
0x1c5: {  	s16 =	sadd.s32 $0x100, s20;
	v10 =	vmul.f32 v12, v23  }
0x1c6: {  	v3 =	vld [tilespmem:s16+$0x10];
	v1 =	vsub.f32 $1.500000000e+00, v1  }
0x1c7: {  	v18, _, _ =	vpop (xrf2);
	v10 =	vmul.f32 v10, v12  }
0x1c8: {  	v1 =	vmul.f32 v1, v2;
	v2 =	vld [tilespmem:s16+$0x0];
	v51 =	vbroadcast v18, $0xF;
	_ =	sdelay $0x1  }
0x1c9: {  	v18 =	vsub.f32 $1.500000000e+00, v10;
	v22 =	vshrl.u32 v51, $0x1  }
0x1ca: {  	v27 =	vmul.f32 v3, v3;
	v52 =	vmul.f32 $5.000000000e-01, v51  }
0x1cb: {  	v0 =	vmul.f32 v1, v0;
	v1 =	vsub.s32 $0x5F3759DF, v22;
	v18 =	vmul.f32 v18, v12;
	v12 =	vld [tilespmem:s16+$0x20]  }
0x1cc: {  	v23 =	vmul.f32 v1, v52;
	v25 =	vmul.f32 v2, v2;
	v22, _, _ =	vpop (xrf2)  }
0x1cd: {  	v0 =	vmax.f32 v0, $9.999999960e-13;
	v18 =	vmul.f32 v18, v17;
	v17 =	vld [tilespmem:s16+$0x30];
	v34 =	vbroadcast v22, $0xF  }
0x1ce: {  	(erf) = vrcp.f32 v0;
	v22 =	vld [tilespmem:s16+$0xFFFFFF90];
	v24 =	vmul.f32 v1, v23;
	v27 =	vadd.f32 v27, v25  }
0x1cf: {  	v23 =	vld [tilespmem:s16+$0xFFFFFF80];
	v0 =	vmax.f32 v18, $9.999999960e-13;
	v26 =	vshrl.u32 v34, $0x1;
	v53 =	vmul.f32 $5.000000000e-01, v34  }
0x1d0: {  	v28 =	vsub.f32 $1.500000000e+00, v24;
	v24 =	vld [tilespmem:s16+$0x40];
	v29 =	vmul.f32 v12, v12;
	v26 =	vsub.s32 $0x5F3759DF, v26  }
0x1d1: {  	v32 =	vld [tilespmem:s16+$0xFFFFFFA0];
	(erf) = vrcp.f32 v0;
	v18 =	vmul.f32 v26, v53  }
0x1d2: {  	v25 =	vld [tilespmem:s16+$0x50];
	v1 =	vmul.f32 v1, v28;
	v27 =	vadd.f32 v29, v27;
	v29 =	vmul.f32 v17, v17  }
0x1d3: {  	v31 =	vld [tilespmem:s16+$0xFFFFFFB0];
	v54 =	vmul.f32 v22, v22;
	v0 =	vmul.f32 v26, v18  }
0x1d4: {  	v55 =	vmul.f32 v23, v23;
	v33 =	vmul.f32 v1, v52;
	v18 =	vld [tilespmem:s16+$0x60]  }
0x1d5: {  	v28 =	vld [tilespmem:s16+$0xFFFFFFC0];
	v27 =	vadd.f32 v29, v27;
	v56 =	vmul.f32 v24, v24;
	v0 =	vsub.f32 $1.500000000e+00, v0  }
0x1d6: {  	v61 =	vmul.f32 v32, v32;
	v54 =	vadd.f32 v54, v55;
	v57 =	vmul.f32 v33, v1;
	v33 =	vld [tilespmem:s16+$0x70]  }
0x1d7: {  	v62 =	vmul.f32 v25, v25;
	v29 =	vld [tilespmem:s16+$0xFFFFFFD0];
	v0 =	vmul.f32 v26, v0;
	v26 =	vadd.f32 v56, v27  }
0x1d8: {  	v63 =	vmul.f32 v31, v31;
	v54 =	vadd.f32 v61, v54  }
0x1d9: {  	v57 =	vsub.f32 $1.500000000e+00, v57;
	v27 =	vld [tilespmem:s16+$0xFFFFFFE0];
	v59 =	vmul.f32 v18, v18;
	v56 =	vadd.f32 v62, v26  }
0x1da: {  	s0 =	sadd.s32 $0xFB40, s0;
	v35 =	vmul.f32 v28, v28;
	v54 =	vadd.f32 v63, v54;
	v58 =	vmul.f32 v0, v53  }
0x1db: {  	v61 =	vld [tilespmem:s0+$0xFFFFFFC0];
	v1 =	vmul.f32 v57, v1;
	v56 =	vadd.f32 v59, v56;
	v59 =	vmul.f32 v33, v33  }
0x1dc: {  	v54 =	vadd.f32 v35, v54;
	v35 =	vmul.f32 v29, v29;
	v57 =	vmul.f32 v58, v0;
	v58 =	vld [tilespmem:s0+$0xB0]  }
0x1dd: {  	v63 =	vld [tilespmem:s0+$0xFFFFFFE0];
	v52 =	vmul.f32 v1, v52  }
0x1de: {  	v60 =	vpop (erf);
	v62 =	vld [tilespmem:s0+$0xFFFFFFD0];
	v54 =	vadd.f32 v35, v54;
	v55 =	vmul.f32 v27, v27;
	v57 =	vsub.f32 $1.500000000e+00, v57  }
0x1df: {  	v50 =	vmul.f32 v60, v50;
	v26 =	vld [tilespmem:s16+$0xFFFFFFF0];
	v56 =	vadd.f32 v59, v56;
	v52 =	vmul.f32 v52, v1;
	v59 =	vpop (erf)  }
0x1e0: {  	v35 =	vld [tilespmem:s0+$0xFFFFFFF0];
	v54 =	vadd.f32 v55, v54;
	v57 =	vmul.f32 v57, v0;
	v46 =	vmul.f32 v59, v46  }
0x1e1: {  	(xrf2) =	vadd.scan.msk.f32 $0xffff, v56;
	v52 =	vsub.f32 $1.500000000e+00, v52;
	v50 =	vadd.f32 v50, v58;
	v58 =	vld [tilespmem:s0+$0x0];
	v42 =	vmul.f32 v59, v42  }
0x1e2: {  	v43 =	vmul.f32 v59, v43;
	v55 =	vmul.f32 v59, v44;
	v44 =	vld [tilespmem:s0+$0x50];
	v46 =	vadd.f32 v46, v61  }
0x1e3: {  	v53 =	vmul.f32 v57, v53;
	v1 =	vmul.f32 v52, v1;
	v52 =	vld [tilespmem:s0+$0x10];
	[tilespmem:s0+$0xB0] =	vst v50;
	v42 =	vadd.f32 v42, v62  }
0x1e4: {  	v0 =	vmul.f32 v26, v26;
	v48 =	vmul.f32 v59, v48;
	v61 =	vld [tilespmem:s0+$0x20];
	v43 =	vadd.f32 v43, v63;
	[tilespmem:s0+$0xFFFFFFC0] =	vst v46  }
0x1e5: {  	v50 =	vld [tilespmem:s0+$0x40];
	v56 =	vmul.f32 v53, v57;
	v1 =	vmul.f32 v1, v51;
	[tilespmem:s0+$0xFFFFFFD0] =	vst v42  }
0x1e6: {  	v62 =	vmul.f32 v59, v47;
	v47 =	vld [tilespmem:s0+$0x60];
	v53 =	vadd.f32 v0, v54;
	v51 =	vmul.f32 v59, v45;
	[tilespmem:s0+$0xFFFFFFE0] =	vst v43  }
0x1e7: {  	v10 =	vmovc v2;
	v45 =	vsub.f32 $1.500000000e+00, v56;
	v56 =	vmul.f32 v59, v49;
	v1 =	vmax.f32 v1, $9.999999960e-13;
	v2 =	vld [tilespmem:$0x1FFD0]  }
0x1e8: {  	v0 =	vld [tilespmem:s0+$0x30];
	(xrf2) =	vadd.scan.msk.f32 $0xffff, v53;
	v58 =	vadd.f32 v51, v58;
	v53 =	vmul.f32 v60, v36;
	v51 =	vmul.f32 v60, v37  }
0x1e9: {  	v46 =	vld [tilespmem:s0+$0x80];
	(erf) = vrcp.f32 v1;
	v1 =	vadd.f32 v55, v35;
	v55 =	vmul.f32 v60, v39  }
0x1ea: {  	v9 =	vmovc v7;
	v7 =	vmov v4;
	v49 =	vld [tilespmem:s0+$0x90];
	v59 =	vmul.f32 v45, v57;
	v57 =	vmul.f32 v60, v38  }
0x1eb: {  	s18 =	simm.s32 $0x4;
	v45 =	vld [tilespmem:s0+$0x70];
	v38 =	vadd.f32 v62, v52;
	v52 =	vmul.f32 v60, v40;
	[tilespmem:s0+$0xFFFFFFF0] =	vst v1;
	v1 =	vmul.f32 v60, v41;
	v63, _, _ =	vpop (xrf2)  }
0x1ec: {  	s31 =	sadd.s32 $0xFA80, s31;
	s19 =	sadd.s32 $0x100, s16;
	v8 =	vmovc v3;
	s16 =	smov.u32 s0;
	[tilespmem:s0+$0x0] =	vst v58;
	v58 =	vadd.f32 v48, v61;
	v48 =	vld [tilespmem:s0+$0xA0];
	v54 =	vmul.f32 v60, v2;
	v35 =	vbroadcast v63, $0xF  }
.LBB2_7:
0x1ed: {  	v37 =	vld [tilespmem:s19+$0x0]  }
0x1ee: {  	v42 =	vadd.f32 v56, v0;
	v0 =	vld [tilespmem:$0x1FFA0]  }
0x1ef: {  	v40 =	vld [tilespmem:s19+$0x10]  }
0x1f0: {  	v36 =	vmov v12;
	v12 =	vld [tilespmem:s19+$0x20];
	[tilespmem:s0+$0x10] =	vst v38;
	s0 =	sadd.s32 $0x100, s0  }
0x1f1: {  	v2 =	vshrl.u32 v35, $0x1;
	[tilespmem:s16+$0x20] =	vst v58;
	v43 =	vadd.f32 v57, v50;
	v56 =	vld [tilespmem:s0+$0xB0]  }
0x1f2: {  	v3 =	vmovc v24;
	v50 =	vmul.f32 $5.000000000e-01, v35;
	v24 =	vadd.f32 v55, v44;
	v55 =	vsub.s32 $0x5F3759DF, v2;
	v2 =	vld [tilespmem:$0x1FFC0];
	[tilespmem:s16+$0x30] =	vst v42  }
0x1f3: {  	v60 =	vadd.f32 v54, v47;
	v47 =	vld [tilespmem:s19+$0xFFFFFF90];
	v38 =	vmov v0;
	v0 =	vmov v17  }
0x1f4: {  	v41 =	vmovc v7;
	v7 =	vmov v25;
	v34 =	vmul.f32 v59, v34;
	v25 =	vmul.f32 v55, v50;
	[tilespmem:$0x1FFA0] =	vst v0;
	v0 =	vld [tilespmem:$0x1FFB0]  }
0x1f5: {  	v1 =	vadd.f32 v1, v48;
	[tilespmem:s16+$0x40] =	vst v43;
	v48 =	vld [tilespmem:s19+$0xFFFFFF80]  }
0x1f6: {  	v44 =	vmovc v32;
	v45 =	vadd.f32 v53, v45;
	v32 =	vld [tilespmem:s19+$0xFFFFFFA0];
	v25 =	vmul.f32 v55, v25;
	v17 =	vmax.f32 v34, $9.999999960e-13;
	[tilespmem:$0x1FFB0] =	vst v3  }
0x1f7: {  	v46 =	vadd.f32 v51, v46;
	v61 =	vmul.f32 v40, v40;
	v42 =	vpop (erf);
	(erf) = vrcp.f32 v17;
	v17 =	vld [tilespmem:s19+$0x30];
	[tilespmem:s16+$0x50] =	vst v24  }
0x1f8: {  	v3 =	vmul.f32 v42, v30;
	[tilespmem:s16+$0x60] =	vst v60;
	v63 =	vsub.f32 $1.500000000e+00, v25;
	v60 =	vmul.f32 v12, v12  }
0x1f9: {  	v24 =	vld [tilespmem:s19+$0x40];
	[tilespmem:s16+$0x80] =	vst v46;
	v46 =	vmul.f32 v47, v47;
	v39 =	vmov v0;
	v0 =	vmov v21;
	v21, _, _ =	vpop (xrf2)  }
0x1fa: {  	v49 =	vadd.f32 v52, v49;
	v34 =	vbroadcast v21, $0xF;
	v21 =	vmovc v31;
	v31 =	vmul.f32 v37, v37  }
0x1fb: {  	v43 =	vmov v2;
	[tilespmem:s16+$0x70] =	vst v45;
	v54 =	vmul.f32 v55, v63;
	v63 =	vmul.f32 v48, v48  }
0x1fc: {  	v2 =	vmovc v18;
	v56 =	vadd.f32 v3, v56;
	v25 =	vld [tilespmem:s19+$0x50];
	v55 =	vmul.f32 v32, v32;
	v18 =	vadd.f32 v61, v31  }
0x1fd: {  	[tilespmem:s16+$0x90] =	vst v49;
	v46 =	vadd.f32 v46, v63;
	v62 =	vshrl.u32 v34, $0x1;
	v53 =	vmul.f32 $5.000000000e-01, v34  }
0x1fe: {  	v30 =	vmovc v33;
	[tilespmem:s0+$0xB0] =	vst v56;
	v31 =	vld [tilespmem:s19+$0xFFFFFFB0];
	v61 =	vmul.f32 v17, v17;
	v52 =	vsub.s32 $0x5F3759DF, v62;
	v33 =	vadd.f32 v60, v18  }
0x1ff: {  	v45 =	vmovc v19;
	v19 =	vmov v28;
	v46 =	vadd.f32 v55, v46;
	v62 =	vmul.f32 v52, v53;
	v18 =	vld [tilespmem:s19+$0x60]  }
0x200: {  	v28 =	vld [tilespmem:s19+$0xFFFFFFC0];
	v60 =	vmul.f32 v54, v50;
	[tilespmem:s16+$0xA0] =	vst v1;
	v49 =	vadd.f32 v61, v33;
	v61 =	vmul.f32 v24, v24  }
0x201: {  	v57 =	vmul.f32 v25, v25;
	v58 =	vpop (erf);
	v1 =	vmov v13;
	v51 =	vmul.f32 v52, v62;
	v33 =	vld [tilespmem:s19+$0x70]  }
0x202: {  	v13 =	vmovc v29;
	v29 =	vld [tilespmem:s19+$0xFFFFFFD0];
	v3 =	vmul.f32 v58, v11;
	v56 =	vmul.f32 v60, v54;
	v49 =	vadd.f32 v61, v49  }
0x203: {  	v59 =	vmovc v15;
	v15 =	vmovc v27;
	v27 =	vld [tilespmem:s19+$0xFFFFFFE0];
	v1 =	vmul.f32 v58, v1;
	v62 =	vmul.f32 v31, v31;
	v51 =	vsub.f32 $1.500000000e+00, v51  }
0x204: {  	v56 =	vsub.f32 $1.500000000e+00, v56;
	v61 =	vld [tilespmem:s0+$0xFFFFFFD0];
	v63 =	vmul.f32 v18, v18;
	v49 =	vadd.f32 v57, v49  }
0x205: {  	v60 =	vmovc v20;
	v46 =	vadd.f32 v62, v46;
	v51 =	vmul.f32 v52, v51;
	v52 =	vmul.f32 v28, v28  }
0x206: {  	v20 =	vmovc v26;
	v26 =	vld [tilespmem:s19+$0xFFFFFFF0];
	v54 =	vmul.f32 v56, v54;
	v56 =	vmul.f32 v33, v33;
	v49 =	vadd.f32 v63, v49  }
0x207: {  	v4 =	vld [tilespmem:s0+$0x10];
	v57 =	vmul.f32 v51, v53;
	v46 =	vadd.f32 v52, v46;
	v52 =	vmul.f32 v29, v29  }
0x208: {  	v55 =	vld [tilespmem:s0+$0xFFFFFFC0];
	v50 =	vmul.f32 v54, v50;
	v63 =	vmul.f32 v27, v27  }
0x209: {  	v5 =	vld [tilespmem:s0+$0x20];
	v3 =	vadd.f32 v3, v61;
	v49 =	vadd.f32 v56, v49;
	v56 =	vmul.f32 v57, v51  }
0x20a: {  	[tilespmem:$0x1FFC0] =	vst v2;
	v2 =	vld [tilespmem:s0+$0x0];
	v61 =	vmul.f32 v58, v59;
	v46 =	vadd.f32 v52, v46;
	v50 =	vmul.f32 v50, v54  }
0x20b: {  	v62 =	vld [tilespmem:s0+$0xFFFFFFE0];
	v52 =	vmul.f32 v26, v26;
	(xrf2) =	vadd.scan.msk.f32 $0xffff, v49;
	v49 =	vsub.f32 $1.500000000e+00, v56;
	v56 =	vmul.f32 v58, v14  }
0x20c: {  	v11 =	vmovc v22;
	v57 =	vld [tilespmem:s0+$0xFFFFFFF0];
	v46 =	vadd.f32 v63, v46;
	v50 =	vsub.f32 $1.500000000e+00, v50;
	v63 =	vmul.f32 v58, v16  }
0x20d: {  	v22 =	vmovc v47;
	v59 =	vld [tilespmem:$0x1FF80];
	v6 =	vmul.f32 v49, v51;
	v47 =	vadd.f32 v56, v55;
	v49 =	vmul.f32 v58, v0  }
0x20e: {  	v16 =	vmovc v44;
	v44 =	vld [tilespmem:s0+$0x50];
	v46 =	vadd.f32 v52, v46;
	v55 =	vmul.f32 v50, v54;
	v51 =	vmul.f32 v58, v45  }
0x20f: {  	[tilespmem:s0+$0xFFFFFFD0] =	vst v3;
	v14 =	vmovc v23;
	v23 =	vmov v48;
	v48 =	vld [tilespmem:s0+$0xA0];
	v54 =	vmul.f32 v42, v9;
	v56 =	vmul.f32 v6, v53  }
0x210: {  	s18 =	sadd.s32 $0x2, s18;
	v0 =	vld [tilespmem:s0+$0x30];
	[tilespmem:s0+$0xFFFFFFC0] =	vst v47;
	(xrf2) =	vadd.scan.msk.f32 $0xffff, v46;
	v52 =	vmul.f32 v55, v35;
	v53 =	vadd.f32 v63, v62  }
0x211: {  	p1 =	slt.u32 s18, $0xC6;
	v3 =	vadd.f32 v49, v57;
	v62 =	vmovc v10;
	v63 =	vmul.f32 v56, v6;
	v56 =	vmul.f32 v58, v60;
	v60 =	vld [tilespmem:$0x1FF90]  }
.Ltmp2:
0x212: {  	v50 =	vld [tilespmem:s0+$0x40];
	v57 =	vmul.f32 v42, v59;
	v2 =	vadd.f32 v51, v2;
	v51 =	vmul.f32 v42, v39;
	[tilespmem:$0x1FF80] =	vst v62;
	(pc) =	sbr.rel @p1 .LBB2_7-.Ltmp2, $4  }
0x213: {  	v45 =	vld [tilespmem:s0+$0x70];
	v9 =	vmovc v8;
	v8 =	vmovc v40;
	v35 =	vmax.f32 v52, $9.999999960e-13;
	[tilespmem:s0+$0xFFFFFFE0] =	vst v53;
	v53 =	vmul.f32 v42, v38;
	v63 =	vsub.f32 $1.500000000e+00, v63  }
0x214: {  	v47 =	vld [tilespmem:s0+$0x60];
	[tilespmem:s0+$0xFFFFFFF0] =	vst v3;
	v38 =	vadd.f32 v1, v4;
	v52 =	vmul.f32 v42, v41;
	v1 =	vmul.f32 v42, v43  }
0x215: {  	v46 =	vld [tilespmem:s0+$0x80];
	v10 =	vmov v37;
	[tilespmem:$0x1FF90] =	vst v9;
	(erf) = vrcp.f32 v35;
	v3, _, _ =	vpop (xrf2);
	v59 =	vmul.f32 v63, v6  }
0x216: {  	s16 =	smov.u32 s0;
	s19 =	sadd.s32 $0x100, s19;
	v49 =	vld [tilespmem:s0+$0x90];
	[tilespmem:s0+$0x0] =	vst v2;
	v58 =	vadd.f32 v61, v5;
	v9 =	vmovc v36;
	v55 =	vmul.f32 v42, v60;
	v35 =	vbroadcast v3, $0xF  }
0x217: {  	_ =	sdelay $0x2  }
0x218: {  	v2, _, _ =	vpop (xrf2)  }
0x219: {  	v2 =	vbroadcast v2, $0xF  }
0x21a: {  	v3 =	vshrl.u32 v35, $0x1;
	v4 =	vmul.f32 $5.000000000e-01, v35  }
0x21b: {  	v3 =	vsub.s32 $0x5F3759DF, v3;
	v6 =	vshrl.u32 v2, $0x1;
	v36 =	vmul.f32 $5.000000000e-01, v2  }
0x21c: {  	v5 =	vmul.f32 v3, v4;
	v6 =	vsub.s32 $0x5F3759DF, v6  }
0x21d: {  	v37 =	vmul.f32 v6, v36  }
0x21e: {  	v5 =	vmul.f32 v3, v5  }
0x21f: {  	v37 =	vmul.f32 v6, v37  }
0x220: {  	v34 =	vmul.f32 v59, v34;
	v5 =	vsub.f32 $1.500000000e+00, v5  }
0x221: {  	v37 =	vsub.f32 $1.500000000e+00, v37  }
0x222: {  	v34 =	vmax.f32 v34, $9.999999960e-13;
	v3 =	vmul.f32 v3, v5  }
0x223: {  	(erf) = vrcp.f32 v34;
	v5 =	vmul.f32 v6, v37  }
0x224: {  	v39 =	vmul.f32 v3, v4  }
0x225: {  	v40 =	vmul.f32 v5, v36  }
0x226: {  	v6 =	vmul.f32 v39, v3  }
0x227: {  	[tilespmem:s0+$0x10] =	vst v38;
	v0 =	vadd.f32 v56, v0;
	v42 =	vadd.f32 v57, v50;
	s19 =	sadd.s32 $0x100, s0;
	v37 =	vmul.f32 v40, v5  }
0x228: {  	[tilespmem:s16+$0x20] =	vst v58;
	v43 =	vadd.f32 v55, v44;
	v44 =	vld [tilespmem:s19+$0xB0];
	v6 =	vsub.f32 $1.500000000e+00, v6  }
0x229: {  	v1 =	vadd.f32 v1, v48;
	[tilespmem:s16+$0x30] =	vst v0;
	v41 =	vsub.f32 $1.500000000e+00, v37  }
0x22a: {  	v58 =	vld [tilespmem:s19+$0xFFFFFFC0];
	[tilespmem:s16+$0x40] =	vst v42;
	v38 =	vpop (erf);
	v3 =	vmul.f32 v6, v3  }
0x22b: {  	v57 =	vadd.f32 v53, v45;
	v59 =	vld [tilespmem:s19+$0xFFFFFFD0];
	[tilespmem:s16+$0xA0] =	vst v1;
	v30 =	vmul.f32 v38, v30;
	v5 =	vmul.f32 v41, v5  }
0x22c: {  	v56 =	vadd.f32 v54, v47;
	[tilespmem:s16+$0x50] =	vst v43;
	v60 =	vpop (erf);
	v4 =	vmul.f32 v3, v4  }
0x22d: {  	v63 =	vld [tilespmem:s19+$0xFFFFFFF0];
	[tilespmem:s16+$0x70] =	vst v57;
	v62 =	vadd.f32 v30, v44;
	v14 =	vmul.f32 v60, v14;
	v55 =	vmul.f32 v5, v36  }
0x22e: {  	[tilespmem:s16+$0x60] =	vst v56;
	v11 =	vmul.f32 v60, v11;
	v39 =	vadd.f32 v51, v46;
	v50 =	vmul.f32 v4, v3;
	v41 =	vld [tilespmem:s19+$0xFFFFFFE0]  }
0x22f: {  	v42 =	vld [tilespmem:s19+$0x0];
	[tilespmem:s19+$0xB0] =	vst v62;
	v14 =	vadd.f32 v14, v58;
	v4 =	vmul.f32 v55, v5  }
0x230: {  	v43 =	vld [tilespmem:s19+$0x10];
	v45 =	vmul.f32 v60, v21;
	v11 =	vadd.f32 v11, v59;
	[tilespmem:s16+$0x80] =	vst v39;
	v0 =	vsub.f32 $1.500000000e+00, v50  }
0x231: {  	v44 =	vmul.f32 v60, v16;
	v46 =	vld [tilespmem:s19+$0x20];
	[tilespmem:s19+$0xFFFFFFC0] =	vst v14;
	v40 =	vadd.f32 v52, v49;
	v61 =	vsub.f32 $1.500000000e+00, v4  }
0x232: {  	v48 =	vld [tilespmem:s19+$0x40];
	v19 =	vmul.f32 v60, v19;
	[tilespmem:s19+$0xFFFFFFD0] =	vst v11;
	v49 =	vadd.f32 v45, v63;
	v0 =	vmul.f32 v0, v3  }
0x233: {  	v47 =	vld [tilespmem:s19+$0x30];
	v13 =	vmul.f32 v60, v13;
	[tilespmem:s16+$0x90] =	vst v40;
	v3 =	vmul.f32 v61, v5;
	v5 =	vadd.f32 v44, v41  }
0x234: {  	v53 =	vld [tilespmem:s19+$0x70];
	v15 =	vmul.f32 v60, v15;
	v51 =	vadd.f32 v19, v42;
	[tilespmem:s19+$0xFFFFFFF0] =	vst v49;
	v0 =	vmul.f32 v0, v35  }
0x235: {  	v57 =	vld [tilespmem:s19+$0x90];
	v4 =	vadd.f32 v13, v43;
	[tilespmem:s19+$0xFFFFFFE0] =	vst v5  }
0x236: {  	v6 =	vmul.f32 v60, v20;
	v1 =	vadd.f32 v15, v46;
	v0 =	vmax.f32 v0, $9.999999960e-13;
	v54 =	vld [tilespmem:$0x1FF80];
	[tilespmem:s19+$0x0] =	vst v51  }
0x237: {  	(erf) = vrcp.f32 v0;
	v5 =	vld [tilespmem:$0x1FF90];
	[tilespmem:s19+$0x10] =	vst v4  }
0x238: {  	v52 =	vld [tilespmem:s19+$0x60];
	v2 =	vmul.f32 v3, v2;
	v3 =	vadd.f32 v6, v47;
	[tilespmem:s19+$0x20] =	vst v1  }
0x239: {  	v1 =	vld [tilespmem:$0x1FFA0]  }
0x23a: {  	v50 =	vld [tilespmem:s19+$0x50];
	v2 =	vmax.f32 v2, $9.999999960e-13;
	[tilespmem:s19+$0x30] =	vst v3  }
0x23b: {  	s20 =	sadd.s32 $0x100, s19;
	v56 =	vmul.f32 v38, v9;
	(erf) = vrcp.f32 v2;
	v3 =	vld [tilespmem:$0x1FFB0]  }
0x23c: {  	v58 =	vld [tilespmem:s20+$0xB0];
	v13 =	vmul.f32 v38, v54  }
0x23d: {  	v55 =	vld [tilespmem:s19+$0x80];
	v2 =	vadd.f32 v56, v52;
	v5 =	vmul.f32 v38, v5  }
0x23e: {  	v61 =	vld [tilespmem:s20+$0xFFFFFFC0];
	v0 =	vadd.f32 v13, v48;
	v1 =	vmul.f32 v38, v1  }
0x23f: {  	v60 =	vmul.f32 v38, v7;
	v44 =	vld [tilespmem:s20+$0x40];
	[tilespmem:s19+$0x60] =	vst v2;
	v5 =	vadd.f32 v5, v50  }
0x240: {  	v56 =	vld [tilespmem:s20+$0x90];
	v4 =	vpop (erf);
	v3 =	vmul.f32 v38, v3;
	[tilespmem:s19+$0x40] =	vst v0;
	v1 =	vadd.f32 v1, v53  }
0x241: {  	v47 =	vld [tilespmem:s20+$0x50];
	v62 =	vmul.f32 v4, v33;
	v0 =	vadd.f32 v60, v57;
	[tilespmem:s19+$0x50] =	vst v5  }
0x242: {  	v52 =	vmul.f32 v4, v10;
	v3 =	vadd.f32 v3, v55;
	v19 =	vld [tilespmem:$0x1FFC0];
	[tilespmem:s19+$0x70] =	vst v1  }
0x243: {  	v63 =	vld [tilespmem:s20+$0xFFFFFFD0];
	v60 =	vmul.f32 v4, v25;
	v7 =	vadd.f32 v62, v58;
	[tilespmem:s19+$0x90] =	vst v0  }
0x244: {  	v33 =	vld [tilespmem:s20+$0xFFFFFFF0];
	v8 =	vmul.f32 v4, v8;
	v6 =	vadd.f32 v52, v44;
	v21 =	vpop (erf);
	[tilespmem:s19+$0x80] =	vst v3  }
0x245: {  	v35 =	vld [tilespmem:s20+$0x0];
	v62 =	vadd.f32 v60, v56;
	v34 =	vmul.f32 v21, v23;
	[tilespmem:s20+$0xB0] =	vst v7  }
0x246: {  	v37 =	vld [tilespmem:s20+$0x10];
	v36 =	vmul.f32 v21, v22;
	v3 =	vadd.f32 v8, v47;
	[tilespmem:s20+$0x40] =	vst v6  }
0x247: {  	v39 =	vld [tilespmem:s20+$0x20];
	v40 =	vmul.f32 v21, v31;
	[tilespmem:s20+$0x90] =	vst v62;
	v5 =	vadd.f32 v34, v61  }
0x248: {  	v41 =	vld [tilespmem:s20+$0x30];
	v42 =	vmul.f32 v21, v28;
	v2 =	vadd.f32 v36, v63;
	[tilespmem:s20+$0x50] =	vst v3  }
0x249: {  	v49 =	vld [tilespmem:s20+$0x60];
	v45 =	vmul.f32 v21, v29;
	v46 =	vadd.f32 v40, v33;
	[tilespmem:s20+$0xFFFFFFC0] =	vst v5  }
0x24a: {  	v51 =	vld [tilespmem:s20+$0x70];
	v48 =	vmul.f32 v21, v27;
	v0 =	vadd.f32 v42, v35;
	[tilespmem:s20+$0xFFFFFFD0] =	vst v2  }
0x24b: {  	v58 =	vld [tilespmem:s20+$0xA0];
	v1 =	vmul.f32 v21, v26;
	v50 =	vadd.f32 v45, v37;
	[tilespmem:s20+$0xFFFFFFF0] =	vst v46  }
0x24c: {  	v59 =	vld [tilespmem:s19+$0xA0];
	v55 =	vmul.f32 v4, v12;
	v53 =	vadd.f32 v48, v39;
	[tilespmem:s20+$0x0] =	vst v0  }
0x24d: {  	v30 =	vld [tilespmem:s20+$0xFFFFFFE0];
	v57 =	vmul.f32 v4, v17;
	v1 =	vadd.f32 v1, v41;
	[tilespmem:s20+$0x10] =	vst v50  }
0x24e: {  	v54 =	vld [tilespmem:s20+$0x80];
	v61 =	vmul.f32 v4, v18;
	[tilespmem:s20+$0x20] =	vst v53;
	v2 =	vadd.f32 v55, v49  }
0x24f: {  	v20 =	vmul.f32 v38, v19;
	[tilespmem:s20+$0x30] =	vst v1;
	v0 =	vadd.f32 v57, v51  }
0x250: {  	v38 =	vmul.f32 v21, v32;
	v63 =	vadd.f32 v61, v58;
	[tilespmem:s20+$0x60] =	vst v2  }
0x251: {  	v11 =	vadd.f32 v20, v59;
	v59 =	vmul.f32 v4, v24;
	[tilespmem:s20+$0x70] =	vst v0  }
.Ltmp3:
0x252: {  	s26 =	sadd.s32 s9, s26;
	v43 =	vadd.f32 v38, v30;
	[tilespmem:s20+$0xA0] =	vst v63;
	(pc) =	sbr.rel @p0 .LBB2_12-.Ltmp3, $4  }
0x253: {  	s0 =	smul.u32 $0xD00, s26;
	[tilespmem:s19+$0xA0] =	vst v11;
	v1 =	vadd.f32 v59, v54  }
0x254: {  	[tilespmem:s20+$0xFFFFFFE0] =	vst v43  }
0x255: {  	s12 =	sor.u32 $0x6, s30;
	s0 =	sadd.s32 s8, s0;
	[tilespmem:s20+$0x80] =	vst v1  }
0x256: {  	[hbm4b:s0+s6] =	stream.linear.scatter [tilespmem:s31], [sflag:s12], $0x6480, $0x38;
	[tilespmem:$0x1CB00] =	vst v63  }
0x257: {  	s0 =	smulhi.u32 $0xAAAAAAAB, s28;
	_ =	sdelay $0x1  }
0x258: {  	s0 =	sshrl.u32 s0, $0x1  }
0x259: {  	v31 =	vld [tilespmem:$0x1FFF0];
	s0 =	smul.u32 $0x3, s0  }
0x25a: {  	s12 =	simm.s32 $0x0  }
0x25b: {  	s0 =	ssub.s32 s28, s0;
	s28 =	smin.u32 s12, $0xB8  }
0x25c: {  	s30 =	smul.u32 $0xC80, s0;
	v0 =	vmov s28  }
0x25d: {  	v0 =	vshll.u32 v0, $0x4  }
0x25e: {  	v3 =	vmov s30;
	v0 =	vadd.s32 v31, v0  }
0x25f: {  	s31 =	sadd.s32 $0x1, s0;
	v1 =	vadd.s32 v3, v0  }
0x260: {  	_ =	swait.ge [sflag:s31], $0xC80;
	v0 =	vand.u32 $0x70, v0;
	v1 =	vand.u32 $0x7F80, v1  }
0x261: {  	[sflag:s31] =	ssyncset.done $0x0;
	v0 =	vor.u32 v0, v1  }
0x262: {  	[sflag:s31] =	ssyncadd.s32 $0xFFFFF380;
	v1 =	vor.u32 $0x1, v0  }
0x263: {  	_ =	swait.ge [sflag:s31], $0xC8;
	v5 =	vor.u32 $0x4, v0  }
0x264: {  	[sflag:s31] =	ssyncset.done $0x0;
	v11 =	vor.u32 $0x9, v0  }
0x265: {  	[sflag:s31] =	ssyncadd.s32 $0xFFFFFF38;
	v14 =	vor.u32 $0xB, v0  }
0x266: {  	v10 =	vor.u32 $0x7, v0;
	v6 =	vld.idx.msk [tilespmem:v0+s6+$0x0], $0xffff  }
0x267: {  	v16 =	vor.u32 $0xE, v0;
	v1 =	vld.idx.msk [tilespmem:v1+s6+$0x0], $0xffff  }
0x268: {  	v2 =	vor.u32 $0x2, v0;
	v5 =	vld.idx.msk [tilespmem:v5+s6+$0x0], $0xffff  }
0x269: {  	v11 =	vld.idx.msk [tilespmem:v11+s6+$0x0], $0xffff  }
0x26a: {  	v4 =	vor.u32 $0x5, v0;
	v14 =	vld.idx.msk [tilespmem:v14+s6+$0x0], $0xffff  }
0x26b: {  	v10 =	vld.idx.msk [tilespmem:v10+s6+$0x0], $0xffff  }
0x26c: {  	s26 =	smul.u32 $0xD0, s0;
	v9 =	vor.u32 $0xF, v0;
	v16 =	vld.idx.msk [tilespmem:v16+s6+$0x0], $0xffff  }
0x26d: {  	v7 =	vor.u32 $0x6, v0;
	v12 =	vor.u32 $0x8, v0;
	v13 =	vor.u32 $0xA, v0;
	v8 =	vld.idx.msk [tilespmem:v2+s6+$0x0], $0xffff  }
0x26e: {  	s0 =	sadd.s32 $0x2580, s26;
	v15 =	vor.u32 $0xD, v0;
	v18 =	vor.u32 $0xC, v0;
	v17 =	vshrl.u32 v6, $0x10  }
0x26f: {  	v0 =	vor.u32 $0x3, v0;
	v2 =	vmov s0;
	v4 =	vld.idx.msk [tilespmem:v4+s6+$0x0], $0xffff;
	v17 =	vand.u32 $0x1, v17  }
0x270: {  	v19 =	vshrl.u32 v1, $0x10;
	v20 =	vshrl.u32 v5, $0x10;
	v21 =	vshrl.u32 v11, $0x10  }
0x271: {  	v9 =	vld.idx.msk [tilespmem:v9+s6+$0x0], $0xffff;
	v61 =	vshrl.u32 v14, $0x10;
	v22 =	vshrl.u32 v10, $0x10;
	v62 =	vshrl.u32 v16, $0x10  }
0x272: {  	v7 =	vld.idx.msk [tilespmem:v7+s6+$0x0], $0xffff;
	v19 =	vand.u32 $0x1, v19;
	v6 =	vadd.s32 v17, v6;
	v17 =	vshrl.u32 v8, $0x10  }
0x273: {  	v20 =	vand.u32 $0x1, v20;
	v1 =	vadd.s32 v19, v1;
	v6 =	vadd.s32 $0x7FFF, v6  }
0x274: {  	v12 =	vld.idx.msk [tilespmem:v12+s6+$0x0], $0xffff;
	v17 =	vand.u32 $0x1, v17;
	v19 =	vshrl.u32 v4, $0x10;
	v1 =	vadd.s32 $0x7FFF, v1  }
0x275: {  	v18 =	vld.idx.msk [tilespmem:v18+s6+$0x0], $0xffff;
	v19 =	vand.u32 $0x1, v19;
	v8 =	vadd.s32 v17, v8;
	v17 =	vadd.s32 v20, v5  }
0x276: {  	v5 =	vand.u32 $0xFFFF0000, v6;
	v20 =	vshrl.u32 v9, $0x10;
	v6 =	vld.idx.msk [tilespmem:v0+s6+$0x0], $0xffff;
	v0 =	vand.u32 $0x1, v21  }
0x277: {  	v4 =	vadd.s32 v19, v4;
	v19 =	vshrl.u32 v7, $0x10;
	v8 =	vadd.s32 $0x7FFF, v8  }
0x278: {  	v1 =	vand.u32 $0xFFFF0000, v1;
	v11 =	vadd.s32 v0, v11;
	v5 =	vmul.f32 $3.276800000e+04, v5  }
0x279: {  	v24 =	vld.idx.msk [tilespmem:v15+s6+$0x0], $0xffff;
	v15 =	vand.u32 $0x1, v20;
	v20 =	vshrl.u32 v12, $0x10;
	v19 =	vand.u32 $0x1, v19  }
0x27a: {  	v0 =	vadd.s32 $0x7FFF, v4;
	v4 =	vmul.f32 $1.638400000e+04, v1;
	v1 =	vld.idx.msk [tilespmem:v13+s6+$0x0], $0xffff;
	v13 =	vshrl.u32 v18, $0x10  }
0x27b: {  	v9 =	vadd.s32 v15, v9;
	v8 =	vand.u32 $0xFFFF0000, v8;
	v23 =	vand.u32 $0xFFFF0000, v0  }
0x27c: {  	v0 =	vand.u32 $0x1, v22;
	v13 =	vand.u32 $0x1, v13;
	v19 =	vadd.s32 v19, v7  }
0x27d: {  	v7 =	vadd.s32 $0x7FFF, v11;
	v0 =	vadd.s32 v0, v10;
	v10 =	vand.u32 $0x1, v61  }
0x27e: {  	v18 =	vadd.s32 v13, v18;
	v13 =	vadd.s32 $0x7FFF, v17;
	v17 =	vand.u32 $0x1, v20  }
0x27f: {  	v14 =	vadd.s32 v10, v14;
	v10 =	vand.u32 $0x1, v62;
	v15 =	vshrl.u32 v6, $0x10  }
0x280: {  	v0 =	vadd.s32 $0x7FFF, v0;
	v18 =	vadd.s32 $0x7FFF, v18;
	v10 =	vadd.s32 v10, v16  }
0x281: {  	v0 =	vand.u32 $0xFFFF0000, v0;
	v16 =	vshrl.u32 v1, $0x10;
	v63 =	vadd.s32 $0x7FFF, v10  }
0x282: {  	v0 =	vmul.f32 $2.560000000e+02, v0;
	v10 =	vand.u32 $0x1, v16;
	v16 =	vshrl.u32 v24, $0x10  }
0x283: {  	v11 =	vadd.s32 v10, v1;
	v10 =	vadd.s32 $0x7FFF, v9;
	v1 =	vand.u32 $0xFFFF0000, v13  }
0x284: {  	v13 =	vadd.s32 v17, v12;
	v12 =	vadd.s32 $0x7FFF, v14;
	v14 =	vand.u32 $0x1, v16  }
0x285: {  	v17 =	vadd.s32 $0x7FFF, v19;
	v9 =	vadd.s32 $0x7FFF, v11;
	v11 =	vand.u32 $0x1, v15  }
0x286: {  	v12 =	vand.u32 $0xFFFF0000, v12;
	v16 =	vadd.s32 v14, v24;
	v14 =	vand.u32 $0xFFFF0000, v63  }
0x287: {  	s0 =	simm.s32 $0x10;
	v15 =	vand.u32 $0xFFFF0000, v9;
	v9 =	vmul.f32 $1.024000000e+03, v23;
	v14 =	vadd.f32 v14, v14  }
.LBB2_10:
0x288: {  	s16 =	smin.u32 s0, $0xB8;
	p0 =	sne.s32 s0, $0xC0;
	s0 =	sadd.s32 $0x10, s0;
	v15 =	vmul.f32 $3.200000000e+01, v15;
	v18 =	vand.u32 $0xFFFF0000, v18;
	v16 =	vadd.s32 $0x7FFF, v16  }
0x289: {  	v17 =	vand.u32 $0xFFFF0000, v17;
	v19 =	vmov s16;
	v18 =	vmul.f32 $8.000000000e+00, v18  }
0x28a: {  	v13 =	vadd.s32 $0x7FFF, v13;
	v16 =	vand.u32 $0xFFFF0000, v16;
	v19 =	vshll.u32 v19, $0x4  }
0x28b: {  	v6 =	vadd.s32 v11, v6;
	v11 =	vmul.f32 $4.000000000e+00, v16;
	v19 =	vadd.s32 v31, v19  }
0x28c: {  	v12 =	vmul.f32 $1.600000000e+01, v12;
	v10 =	vand.u32 $0xFFFF0000, v10;
	v16 =	vadd.s32 v3, v19  }
0x28d: {  	v10 =	vadd.f32 v10, v14;
	v19 =	vand.u32 $0x70, v19;
	v16 =	vand.u32 $0x7F80, v16  }
0x28e: {  	v8 =	vmul.f32 $8.192000000e+03, v8;
	v14 =	vor.u32 v19, v16;
	v16 =	vmul.f32 $5.120000000e+02, v17  }
0x28f: {  	v13 =	vand.u32 $0xFFFF0000, v13;
	v17 =	vor.u32 $0x1, v14;
	v19 =	vor.u32 $0x2, v14  }
0x290: {  	v1 =	vmul.f32 $2.048000000e+03, v1;
	v20 =	vor.u32 $0x4, v14;
	v21 =	vor.u32 $0x5, v14  }
0x291: {  	v13 =	vmul.f32 $1.280000000e+02, v13;
	v22 =	vor.u32 $0x7, v14;
	v23 =	vor.u32 $0x8, v14  }
0x292: {  	v1 =	vadd.f32 v9, v1;
	v24 =	vor.u32 $0xA, v14;
	v25 =	vor.u32 $0xB, v14  }
0x293: {  	v26 =	vor.u32 $0xD, v14;
	v27 =	vor.u32 $0xE, v14;
	v0 =	vadd.f32 v0, v16;
	v9 =	vld.idx.msk [tilespmem:v14+s6+$0x0], $0xffff  }
0x294: {  	v6 =	vadd.s32 $0x7FFF, v6;
	v28 =	vor.u32 $0xC, v14;
	v16 =	vld.idx.msk [tilespmem:v17+s6+$0x0], $0xffff;
	v17 =	vor.u32 $0x6, v14  }
0x295: {  	v11 =	vadd.f32 v11, v18;
	v29 =	vor.u32 $0x3, v14;
	v30 =	vor.u32 $0x9, v14;
	v19 =	vld.idx.msk [tilespmem:v19+s6+$0x0], $0xffff  }
0x296: {  	v6 =	vand.u32 $0xFFFF0000, v6;
	v12 =	vadd.f32 v12, v15;
	v14 =	vor.u32 $0xF, v14;
	v18 =	vld.idx.msk [tilespmem:v22+s6+$0x0], $0xffff  }
0x297: {  	v7 =	vand.u32 $0xFFFF0000, v7;
	v4 =	vadd.f32 v4, v5;
	v6 =	vmul.f32 $4.096000000e+03, v6;
	v15 =	vld.idx.msk [tilespmem:v21+s6+$0x0], $0xffff  }
0x298: {  	v7 =	vmul.f32 $6.400000000e+01, v7;
	v10 =	vadd.f32 v10, v11;
	v5 =	vld.idx.msk [tilespmem:v20+s6+$0x0], $0xffff  }
0x299: {  	v6 =	vadd.f32 v6, v8;
	v0 =	vadd.f32 v0, v1;
	v11 =	vld.idx.msk [tilespmem:v17+s6+$0x0], $0xffff;
	v17 =	vshrl.u32 v9, $0x10  }
0x29a: {  	v7 =	vadd.f32 v7, v13;
	v1 =	vld.idx.msk [tilespmem:v30+s6+$0x0], $0xffff;
	v8 =	vand.u32 $0x1, v17;
	v17 =	vshrl.u32 v16, $0x10  }
0x29b: {  	v4 =	vadd.f32 v6, v4;
	v13 =	vld.idx.msk [tilespmem:v14+s6+$0x0], $0xffff;
	v14 =	vand.u32 $0x1, v17;
	v17 =	vshrl.u32 v19, $0x10  }
0x29c: {  	v7 =	vadd.f32 v12, v7;
	v8 =	vadd.s32 v8, v9;
	v6 =	vld.idx.msk [tilespmem:v29+s6+$0x0], $0xffff;
	v9 =	vadd.s32 v14, v16  }
0x29d: {  	v8 =	vadd.s32 $0x7FFF, v8;
	v14 =	vand.u32 $0x1, v17;
	v16 =	vshrl.u32 v15, $0x10;
	v12 =	vld.idx.msk [tilespmem:v25+s6+$0x0], $0xffff  }
0x29e: {  	v9 =	vadd.s32 $0x7FFF, v9;
	v20 =	vshrl.u32 v5, $0x10;
	v16 =	vand.u32 $0x1, v16;
	v17 =	vld.idx.msk [tilespmem:v28+s6+$0x0], $0xffff  }
0x29f: {  	v7 =	vadd.f32 v10, v7;
	v14 =	vadd.s32 v14, v19;
	v19 =	vand.u32 $0x1, v20;
	v21 =	vld.idx.msk [tilespmem:v23+s6+$0x0], $0xffff  }
0x2a0: {  	v0 =	vadd.f32 v0, v4;
	v10 =	vadd.s32 v19, v5;
	v5 =	vadd.s32 v16, v15;
	v20 =	vld.idx.msk [tilespmem:v26+s6+$0x0], $0xffff  }
0x2a1: {  	v8 =	vand.u32 $0xFFFF0000, v8;
	v4 =	vshrl.u32 v11, $0x10;
	v16 =	vshrl.u32 v13, $0x10;
	v15 =	vld.idx.msk [tilespmem:v27+s6+$0x0], $0xffff  }
0x2a2: {  	v0 =	vadd.f32 v7, v0;
	v14 =	vadd.s32 $0x7FFF, v14;
	v19 =	vshrl.u32 v1, $0x10  }
0x2a3: {  	v7 =	vand.u32 $0xFFFF0000, v9;
	v9 =	vand.u32 $0x1, v19;
	v19 =	vshrl.u32 v12, $0x10  }
0x2a4: {  	v0 =	vtrunc.f32 v0;
	v22 =	vand.u32 $0x1, v4;
	v1 =	vadd.s32 v9, v1  }
0x2a5: {  	v4 =	vmul.f32 $1.638400000e+04, v7;
	v7 =	vshrl.u32 v18, $0x10;
	v5 =	vadd.s32 $0x7FFF, v5  }
0x2a6: {  	v0 =	vcvt.f32.s32 v0;
	v7 =	vand.u32 $0x1, v7;
	v23 =	vand.u32 $0xFFFF0000, v5;
	v9 =	vld.idx.msk [tilespmem:v24+s6+$0x0], $0xffff  }
0x2a7: {  	v5 =	vmul.f32 $3.276800000e+04, v8;
	v8 =	vshrl.u32 v17, $0x10;
	v24 =	vshrl.u32 v15, $0x10  }
0x2a8: {  	v7 =	vadd.s32 v7, v18;
	v16 =	vand.u32 $0x1, v16;
	v18 =	vand.u32 $0x1, v19  }
0x2a9: {  	v13 =	vadd.s32 v16, v13;
	v12 =	vadd.s32 v18, v12;
	v18 =	vand.u32 $0x1, v24  }
0x2aa: {  	v16 =	vshrl.u32 v6, $0x10;
	v19 =	vshrl.u32 v21, $0x10;
	v8 =	vand.u32 $0x1, v8  }
0x2ab: {  	vm2 =	vgt.s32 v0, $0x0;
	v7 =	vadd.s32 $0x7FFF, v7;
	v15 =	vadd.s32 v18, v15  }
0x2ac: {  	v18 =	vadd.s32 v22, v11;
	v22 =	vadd.s32 $0x7FFF, v15;
	v11 =	vshrl.u32 v9, $0x10  }
0x2ad: {  	v0 =	vnsel vm2, $0x0, v0;
	v24 =	vadd.s32 v8, v17;
	v11 =	vand.u32 $0x1, v11  }
0x2ae: {  	v7 =	vand.u32 $0xFFFF0000, v7;
	v17 =	vshrl.u32 v20, $0x10;
	v8 =	vmin.u32 v0, $0xFFFF  }
0x2af: {  	v0 =	vmul.f32 $2.560000000e+02, v7;
	v7 =	vadd.s32 $0x7FFF, v1;
	v15 =	vadd.s32 $0x7FFF, v10;
	[tilespmem:v2+s28+$0x0 ss:$0x1] =	vst.idx.msk $0xffff, v8;
	s28 =	smov.u32 s16  }
0x2b0: {  	v19 =	vand.u32 $0x1, v19;
	v10 =	vadd.s32 $0x7FFF, v13;
	v9 =	vadd.s32 v11, v9  }
.Ltmp4:
0x2b1: {  	v1 =	vand.u32 $0xFFFF0000, v15;
	v9 =	vadd.s32 $0x7FFF, v9;
	v8 =	vand.u32 $0xFFFF0000, v14;
	(pc) =	sbr.rel @p0 .LBB2_10-.Ltmp4, $4  }
0x2b2: {  	v12 =	vadd.s32 $0x7FFF, v12;
	v13 =	vadd.s32 v19, v21;
	v11 =	vand.u32 $0x1, v16  }
0x2b3: {  	v12 =	vand.u32 $0xFFFF0000, v12;
	v15 =	vand.u32 $0xFFFF0000, v9;
	v14 =	vand.u32 $0x1, v17  }
0x2b4: {  	v9 =	vmul.f32 $1.024000000e+03, v23;
	v16 =	vadd.s32 v14, v20;
	v14 =	vand.u32 $0xFFFF0000, v22  }
0x2b5: {  	v17 =	vadd.s32 $0x7FFF, v18;
	v18 =	vadd.s32 $0x7FFF, v24;
	v14 =	vadd.f32 v14, v14  }
0x2b6: {  	v3 =	vmul.f32 $3.200000000e+01, v15  }
0x2b7: {  	v42 =	vand.u32 $0xFFFF0000, v18;
	v16 =	vadd.s32 $0x7FFF, v16;
	v17 =	vand.u32 $0xFFFF0000, v17  }
0x2b8: {  	v13 =	vadd.s32 $0x7FFF, v13;
	v6 =	vadd.s32 v11, v6;
	v12 =	vmul.f32 $1.600000000e+01, v12  }
0x2b9: {  	v10 =	vand.u32 $0xFFFF0000, v10;
	v1 =	vmul.f32 $2.048000000e+03, v1;
	v8 =	vmul.f32 $8.192000000e+03, v8  }
0x2ba: {  	v7 =	vand.u32 $0xFFFF0000, v7;
	v4 =	vadd.f32 v4, v5;
	v15 =	vmul.f32 $8.000000000e+00, v42  }
0x2bb: {  	v16 =	vand.u32 $0xFFFF0000, v16;
	v10 =	vadd.f32 v10, v14;
	v44 =	vmul.f32 $5.120000000e+02, v17  }
0x2bc: {  	v13 =	vand.u32 $0xFFFF0000, v13;
	v6 =	vadd.s32 $0x7FFF, v6;
	v7 =	vmul.f32 $6.400000000e+01, v7  }
0x2bd: {  	v43 =	vmul.f32 $4.000000000e+00, v16;
	v13 =	vmul.f32 $1.280000000e+02, v13;
	v6 =	vand.u32 $0xFFFF0000, v6  }
0x2be: {  	v1 =	vadd.f32 v9, v1;
	v3 =	vadd.f32 v12, v3;
	v6 =	vmul.f32 $4.096000000e+03, v6  }
0x2bf: {  	v0 =	vadd.f32 v0, v44;
	v45 =	vadd.f32 v43, v15  }
0x2c0: {  	v47 =	vadd.f32 v7, v13;
	v46 =	vadd.f32 v6, v8  }
0x2c1: {  	v0 =	vadd.f32 v0, v1;
	v48 =	vadd.f32 v10, v45  }
0x2c2: {  	v3 =	vadd.f32 v3, v47;
	v49 =	vadd.f32 v46, v4;
	_ =	sdelay $0x1  }
0x2c3: {  	v3 =	vadd.f32 v48, v3;
	v0 =	vadd.f32 v0, v49;
	_ =	sdelay $0x1  }
0x2c4: {  	v0 =	vadd.f32 v3, v0;
	_ =	sdelay $0x1  }
0x2c5: {  	v0 =	vtrunc.f32 v0  }
0x2c6: {  	v0 =	vcvt.f32.s32 v0;
	_ =	sdelay $0x1  }
0x2c7: {  	vm2 =	vgt.s32 v0, $0x0  }
0x2c8: {  	v0 =	vnsel vm2, $0x0, v0  }
0x2c9: {  	v0 =	vmin.u32 v0, $0xFFFF  }
0x2ca: {  	[tilespmem:v2+s28+$0x0 ss:$0x1] =	vst.idx.msk $0xffff, v0  }
0x2cb: {  	v0 =	vld [tilespmem:s26+$0x2800]  }
0x2cc: {  	v50 =	vld [tilespmem:s26+$0x2810];
	_ =	sdelay $0x1  }
0x2cd: {  	v2 =	vld [tilespmem:s26+$0x2820];
	_ =	sdelay $0x1  }
0x2ce: {  	v51 =	vld [tilespmem:s26+$0x2830]  }
0x2cf: {  	v52 =	vld [tilespmem:s26+$0x2840];
	vm2 =	vgt.s32 v0, v50  }
0x2d0: {  	v53 =	vld [tilespmem:s26+$0x2640];
	v0 =	vsel vm2, v0, v50  }
0x2d1: {  	v56 =	vld [tilespmem:$0x1FFE0];
	vm2 =	vgt.s32 v0, v2  }
0x2d2: {  	v54 =	vld [tilespmem:s26+$0x2850];
	v0 =	vsel vm2, v0, v2  }
0x2d3: {  	vm2 =	vgt.s32 v0, v51  }
0x2d4: {  	v55 =	vld [tilespmem:s26+$0x2860];
	v0 =	vsel vm2, v0, v51  }
0x2d5: {  	vm2 =	vgt.s32 v0, v52  }
0x2d6: {  	v57 =	vld [tilespmem:s26+$0x2870];
	v4 =	vsel vm0, v53, v56;
	v0 =	vsel vm2, v0, v52  }
0x2d7: {  	s0 =	sand.u32 $0x3F0, s26;
	[tilespmem:s26+$0x2640] =	vst v4;
	vm2 =	vgt.s32 v0, v54  }
0x2d8: {  	v58 =	vld [tilespmem:s0+$0x2880];
	v0 =	vsel vm2, v0, v54  }
0x2d9: {  	vm2 =	vgt.s32 v0, v55  }
0x2da: {  	v59 =	vld [tilespmem:s26+$0x2890];
	v0 =	vsel vm2, v0, v55  }
0x2db: {  	vm2 =	vgt.s32 v0, v57  }
0x2dc: {  	v60 =	vld [tilespmem:s26+$0x28A0];
	v0 =	vsel vm2, v0, v57  }
0x2dd: {  	vm2 =	vgt.s32 v0, v58  }
0x2de: {  	v61 =	vld [tilespmem:s26+$0x28B0];
	v0 =	vsel vm2, v0, v58  }
0x2df: {  	vm2 =	vgt.s32 v0, v59  }
0x2e0: {  	v62 =	vld [tilespmem:s26+$0x28B8];
	v0 =	vsel vm2, v0, v59  }
0x2e1: {  	vm2 =	vgt.s32 v0, v60  }
0x2e2: {  	v0 =	vsel vm2, v0, v60  }
0x2e3: {  	vm2 =	vgt.s32 v0, v61  }
0x2e4: {  	v0 =	vsel vm2, v0, v61  }
0x2e5: {  	vm2 =	vgt.s32 v0, v62  }
0x2e6: {  	v0 =	vsel vm2, v0, v62  }
0x2e7: {  	vm2 =	vgt.s32 v0, $0x0  }
0x2e8: {  	v0 =	vnsel vm2, $0x0, v0  }
0x2e9: {  	v0 =	vor.u32 $0x80000000, v0  }
0x2ea: {  	(xrf0) =	vmax.scan.msk.u32 $0xffff, v0;
	_ =	sdelay $0x5  }
0x2eb: {  	v0, _, _ =	vpop (xrf0)  }
0x2ec: {  	(v2sf) =	vpush v0, $0xF;
	_ =	sdelay $0xb  }
0x2ed: {  	v63 =	vld [tilespmem:s26+$0x28C0]  }
0x2ee: {  	p0 =	sne.s32 s29, $0x1F  }
.Ltmp5:
0x2ef: {  	_ = 	snop;
	(pc) =	sbr.rel @p0 .LBB2_6-.Ltmp5, $4  }
0x2f0: {  	s31 =	spop (v2sf)  }
0x2f1: {  	s0 =	sadd.s32 $0x80000001, s31  }
0x2f2: {  	v0 =	vsel vm1, s0, v63  }
0x2f3: {  	[tilespmem:s26+$0x28C0] =	vst v0;
	s26 =	smov.u32 s29  }
.LBB2_12:
0x2f4: {  	_ =	swait.ge [sflag:s5], $0x3400  }
0x2f5: {  	[sflag:s5] =	ssyncset.done $0x0  }
0x2f6: {  	[sflag:s5] =	ssyncadd.s32 $0xFFFFCC00  }
0x2f7: {  	_ =	swait.ge [sflag:s5], $0x3400  }
0x2f8: {  	[sflag:s5] =	ssyncset.done $0x0  }
0x2f9: {  	[sflag:s5] =	ssyncadd.s32 $0xFFFFCC00  }
0x2fa: {  	_ =	swait.ge [sflag:s5], $0x3400  }
0x2fb: {  	[sflag:s5] =	ssyncset.done $0x0  }
0x2fc: {  	[sflag:s5] =	ssyncadd.s32 $0xFFFFCC00  }
0x2fd: {  	_ =	swait.ge [sflag:s5], $0x3400  }
0x2fe: {  	[sflag:s5] =	ssyncset.done $0x0  }
0x2ff: {  	[sflag:s5] =	ssyncadd.s32 $0xFFFFCC00  }
0x300: {  	v0 =	vld [tilespmem:$0x16280]  }
0x301: {  	v1 =	vld [tilespmem:$0x1CA80]  }
0x302: {  	v2 =	vld [tilespmem:$0x16290]  }
0x303: {  	v3 =	vld [tilespmem:$0x1CA90]  }
0x304: {  	v4 =	vld [tilespmem:$0x162A0]  }
0x305: {  	v5 =	vld [tilespmem:$0x1CAA0]  }
0x306: {  	v6 =	vld [tilespmem:$0x162B0]  }
0x307: {  	v7 =	vld [tilespmem:$0x1CAB0]  }
0x308: {  	v8 =	vld [tilespmem:$0x162C0]  }
0x309: {  	v9 =	vld [tilespmem:$0x1CAC0]  }
0x30a: {  	v10 =	vld [tilespmem:$0x162D0]  }
0x30b: {  	v11 =	vld [tilespmem:$0x1CAD0]  }
0x30c: {  	v12 =	vld [tilespmem:$0x162E0]  }
0x30d: {  	v0 =	vadd.f32 v1, v0;
	v1 =	vld [tilespmem:$0x1CAE0]  }
0x30e: {  	v2 =	vadd.f32 v3, v2;
	v3 =	vld [tilespmem:$0x162F0]  }
0x30f: {  	[tilespmem:$0x16280] =	vst v0;
	v0 =	vadd.f32 v5, v4;
	v4 =	vld [tilespmem:$0x1CAF0]  }
0x310: {  	[tilespmem:$0x16290] =	vst v2;
	v2 =	vadd.f32 v7, v6  }
0x311: {  	[tilespmem:$0x162A0] =	vst v0;
	v0 =	vadd.f32 v9, v8  }
0x312: {  	[tilespmem:$0x162B0] =	vst v2;
	v2 =	vadd.f32 v11, v10  }
0x313: {  	[tilespmem:$0x162C0] =	vst v0;
	v0 =	vadd.f32 v1, v12  }
0x314: {  	[tilespmem:$0x162D0] =	vst v2;
	v1 =	vadd.f32 v4, v3  }
0x315: {  	[tilespmem:$0x162E0] =	vst v0  }
0x316: {  	s28 =	simm.s32 $0x0;
	[tilespmem:$0x162F0] =	vst v1  }
0x317: {  	v63 =	vld [tilespmem:s28+$0x9300]  }
0x318: {  	v50 =	vld [tilespmem:s28+$0x9310];
	_ =	sdelay $0x1  }
0x319: {  	v49 =	vld [tilespmem:s28+$0x9320]  }
0x31a: {  	v55 =	vld [tilespmem:s28+$0x9330]  }
0x31b: {  	v48 =	vld [tilespmem:s28+$0x9340]  }
0x31c: {  	v28 =	vld [tilespmem:s28+$0x9290];
	v0 =	vmul.f32 v63, v63;
	v1 =	vmul.f32 v50, v50  }
0x31d: {  	v5 =	vld [tilespmem:s28+$0x9370]  }
0x31e: {  	v3 =	vld [tilespmem:s28+$0x9280];
	v0 =	vadd.f32 v1, v0;
	v1 =	vmul.f32 v49, v49  }
0x31f: {  	v62 =	vld [tilespmem:s28+$0x9350]  }
0x320: {  	v14 =	vld [tilespmem:s28+$0x92A0];
	v0 =	vadd.f32 v1, v0;
	v1 =	vmul.f32 v55, v55  }
0x321: {  	v54 =	vld [tilespmem:s28+$0x9360]  }
0x322: {  	[tilespmem:$0x1FF70] =	vst v5;
	v0 =	vadd.f32 v1, v0;
	v1 =	vmul.f32 v48, v48  }
0x323: {  	v2 =	vmul.f32 v28, v28;
	v10 =	vmov v3;
	v3 =	vmul.f32 v3, v3;
	v4 =	vld [tilespmem:s28+$0x92B0]  }
0x324: {  	v0 =	vadd.f32 v1, v0;
	v1 =	vmul.f32 v62, v62  }
0x325: {  	v36 =	vld [tilespmem:s28+$0x92C0];
	v2 =	vadd.f32 v2, v3;
	v3 =	vmul.f32 v14, v14  }
0x326: {  	v0 =	vadd.f32 v1, v0;
	v1 =	vmul.f32 v54, v54  }
0x327: {  	v41 =	vld [tilespmem:s28+$0x92D0];
	v2 =	vadd.f32 v3, v2  }
0x328: {  	[tilespmem:$0x1FF00] =	vst v4;
	v3 =	vmul.f32 v4, v4;
	v0 =	vadd.f32 v1, v0;
	v1 =	vmul.f32 v5, v5  }
0x329: {  	v39 =	vld [tilespmem:s28+$0x92E0]  }
0x32a: {  	v0 =	vadd.f32 v1, v0;
	v1 =	vadd.f32 v3, v2;
	v2 =	vmul.f32 v36, v36  }
0x32b: {  	s26 =	simm.s32 $0x100;
	v31 =	vld [tilespmem:s28+$0x92F0]  }
0x32c: {  	v24 =	vld [tilespmem:s26+$0x9310];
	(xrf2) =	vadd.scan.msk.f32 $0xffff, v0;
	v0 =	vadd.f32 v2, v1;
	v1 =	vmul.f32 v41, v41  }
0x32d: {  	v2 =	vld [tilespmem:s26+$0x9300]  }
0x32e: {  	v0 =	vadd.f32 v1, v0;
	v1 =	vmul.f32 v39, v39  }
0x32f: {  	v23 =	vld [tilespmem:s26+$0x9320]  }
0x330: {  	v0 =	vadd.f32 v1, v0;
	v1 =	vmul.f32 v31, v31  }
0x331: {  	v3 =	vld [tilespmem:s26+$0x9330]  }
0x332: {  	[tilespmem:$0x1FF10] =	vst v2;
	v0 =	vadd.f32 v1, v0;
	v1 =	vmul.f32 v2, v2;
	v2 =	vmul.f32 v24, v24;
	_ =	sdelay $0x1  }
0x333: {  	v5 =	vld [tilespmem:s26+$0x9340];
	v1 =	vadd.f32 v2, v1;
	v2 =	vmul.f32 v23, v23  }
0x334: {  	(xrf2) =	vadd.scan.msk.f32 $0xffff, v0  }
0x335: {  	v8 =	vld [tilespmem:s26+$0x9350];
	v0, _, _ =	vpop (xrf2);
	v1 =	vadd.f32 v2, v1;
	v2 =	vmul.f32 v3, v3  }
0x336: {  	v16 =	vld [tilespmem:s26+$0x9290];
	[tilespmem:$0x1FF20] =	vst v3;
	v0 =	vbroadcast v0, $0xF  }
0x337: {  	v6 =	vld [tilespmem:s26+$0x9360];
	v1 =	vadd.f32 v2, v1  }
0x338: {  	v9 =	vld [tilespmem:s26+$0x9280];
	[tilespmem:$0x1FF30] =	vst v5;
	v2 =	vmul.f32 v5, v5;
	v3 =	vshrl.u32 v0, $0x1;
	v4 =	vmul.f32 $5.000000000e-01, v0  }
0x339: {  	v18 =	vld [tilespmem:s26+$0x9370];
	v3 =	vsub.s32 $0x5F3759DF, v3  }
0x33a: {  	v1 =	vadd.f32 v2, v1;
	v2 =	vmul.f32 v8, v8;
	v7 =	vmul.f32 v3, v4;
	_ =	sdelay $0x1  }
0x33b: {  	v1 =	vadd.f32 v2, v1;
	v2 =	vmul.f32 v6, v6;
	v7 =	vmul.f32 v3, v7  }
0x33c: {  	v11 =	vmov v8;
	v12 =	vmul.f32 v16, v16;
	v15 =	vld [tilespmem:s26+$0x92A0];
	[tilespmem:$0x1FF40] =	vst v6  }
0x33d: {  	[tilespmem:$0x1FF50] =	vst v9;
	v8, _, _ =	vpop (xrf2);
	v1 =	vadd.f32 v2, v1;
	v2 =	vmul.f32 v18, v18;
	v7 =	vsub.f32 $1.500000000e+00, v7  }
0x33e: {  	v13 =	vmul.f32 v9, v9;
	v5 =	vld [tilespmem:s26+$0x92B0];
	v27 =	vbroadcast v8, $0xF  }
0x33f: {  	v1 =	vadd.f32 v2, v1;
	v3 =	vmul.f32 v3, v7  }
0x340: {  	v35 =	vld [tilespmem:s26+$0x92C0];
	v7 =	vadd.f32 v12, v13;
	v12 =	vshrl.u32 v27, $0x1;
	v2 =	vmul.f32 $5.000000000e-01, v27  }
0x341: {  	v13 =	vmul.f32 v15, v15;
	v12 =	vsub.s32 $0x5F3759DF, v12;
	(xrf2) =	vadd.scan.msk.f32 $0xffff, v1;
	v17 =	vmul.f32 v3, v4  }
0x342: {  	v38 =	vld [tilespmem:s26+$0x92D0];
	v1 =	vmul.f32 v12, v2  }
0x343: {  	[tilespmem:$0x1FF60] =	vst v5;
	v5 =	vmul.f32 v5, v5;
	v7 =	vadd.f32 v13, v7;
	v17 =	vmul.f32 v17, v3  }
0x344: {  	v34 =	vld [tilespmem:s26+$0x92E0];
	v1 =	vmul.f32 v12, v1  }
0x345: {  	v7 =	vadd.f32 v5, v7;
	v5 =	vmul.f32 v35, v35;
	v19 =	vsub.f32 $1.500000000e+00, v17  }
0x346: {  	v17 =	vld [tilespmem:s26+$0x92F0];
	v1 =	vsub.f32 $1.500000000e+00, v1  }
0x347: {  	v7 =	vadd.f32 v5, v7;
	v5 =	vmul.f32 v38, v38;
	v3 =	vmul.f32 v19, v3  }
0x348: {  	v1 =	vmul.f32 v12, v1  }
0x349: {  	v7 =	vadd.f32 v5, v7;
	v12 =	vmul.f32 v34, v34;
	v4 =	vmul.f32 v3, v4  }
0x34a: {  	v5 =	vmul.f32 v1, v2  }
0x34b: {  	s29 =	simm.s32 $0x200;
	v7 =	vadd.f32 v12, v7;
	v19 =	vmul.f32 v17, v17;
	v20, _, _ =	vpop (xrf2);
	v4 =	vmul.f32 v4, v3  }
0x34c: {  	v21 =	vmul.f32 v5, v1;
	v45 =	vbroadcast v20, $0xF;
	v20 =	vld [tilespmem:s29+$0x9310]  }
0x34d: {  	v7 =	vadd.f32 v19, v7  }
0x34e: {  	v5 =	vld [tilespmem:s29+$0x9300];
	v4 =	vsub.f32 $1.500000000e+00, v4;
	v19 =	vsub.f32 $1.500000000e+00, v21  }
0x34f: {  	v12 =	vld [tilespmem:s29+$0x9290];
	v21 =	vshrl.u32 v45, $0x1;
	v56 =	vmul.f32 $5.000000000e-01, v45  }
0x350: {  	(xrf2) =	vadd.scan.msk.f32 $0xffff, v7;
	v7 =	vld [tilespmem:s29+$0x9280];
	v3 =	vmul.f32 v4, v3;
	v4 =	vsub.s32 $0x5F3759DF, v21;
	v1 =	vmul.f32 v19, v1  }
0x351: {  	v26 =	vld [tilespmem:s29+$0x9320];
	v21 =	vmul.f32 v4, v56;
	v29 =	vmul.f32 v20, v20  }
0x352: {  	v25 =	vld [tilespmem:s29+$0x92A0];
	v0 =	vmul.f32 v3, v0;
	v2 =	vmul.f32 v1, v2  }
0x353: {  	v3 =	vmul.f32 v5, v5;
	v30 =	vmul.f32 v4, v21  }
0x354: {  	v32 =	vmul.f32 v12, v12;
	v21 =	vld [tilespmem:s29+$0x92B0];
	v0 =	vmax.f32 v0, $9.999999960e-13;
	v2 =	vmul.f32 v2, v1  }
0x355: {  	v40 =	vld [tilespmem:s29+$0x92C0];
	v3 =	vadd.f32 v29, v3;
	v29 =	vsub.f32 $1.500000000e+00, v30;
	v30 =	vmul.f32 v7, v7  }
0x356: {  	v33 =	vmul.f32 v26, v26;
	v19 =	vld [tilespmem:s29+$0x9330];
	(erf) = vrcp.f32 v0;
	v2 =	vsub.f32 $1.500000000e+00, v2  }
0x357: {  	v22 =	vld [tilespmem:s29+$0x9340];
	v4 =	vmul.f32 v4, v29;
	v29 =	vadd.f32 v32, v30;
	v30 =	vmul.f32 v25, v25  }
0x358: {  	v3 =	vadd.f32 v33, v3;
	v33 =	vld [tilespmem:s29+$0x92D0]  }
0x359: {  	v44 =	vld [tilespmem:s28+$0x163D0];
	v0 =	vmul.f32 v2, v1;
	v52 =	vmul.f32 v21, v21;
	v30 =	vadd.f32 v30, v29  }
0x35a: {  	v61 =	vmul.f32 v40, v40;
	v29 =	vld [tilespmem:s29+$0x92E0]  }
0x35b: {  	v37 =	vld [tilespmem:s29+$0x9350];
	v42 =	vmul.f32 v19, v19;
	v1, _, _ =	vpop (xrf2);
	v0 =	vmul.f32 v0, v27;
	v30 =	vadd.f32 v52, v30  }
0x35c: {  	v43 =	vld [tilespmem:s29+$0x9370];
	v47 =	vbroadcast v1, $0xF;
	v1 =	vmul.f32 v4, v56  }
0x35d: {  	v32 =	vld [tilespmem:s29+$0x9360];
	v57 =	vmul.f32 v33, v33;
	v0 =	vmax.f32 v0, $9.999999960e-13;
	v52 =	vadd.f32 v61, v30  }
0x35e: {  	v2 =	vmul.f32 v22, v22;
	v3 =	vadd.f32 v42, v3;
	(erf) = vrcp.f32 v0;
	v0 =	vld [tilespmem:s28+$0x16390]  }
0x35f: {  	v60 =	vld [tilespmem:s28+$0x163B0];
	v1 =	vmul.f32 v1, v4;
	v58 =	vmul.f32 v29, v29;
	v57 =	vadd.f32 v57, v52  }
0x360: {  	v2 =	vadd.f32 v2, v3;
	v3 =	vmul.f32 v37, v37;
	v27 =	vld [tilespmem:s29+$0x92F0];
	v51 =	vpop (erf)  }
0x361: {  	v46 =	vld [tilespmem:s28+$0x163C0];
	v1 =	vsub.f32 $1.500000000e+00, v1;
	v57 =	vadd.f32 v58, v57;
	v58 =	vmul.f32 v51, v50  }
0x362: {  	v53 =	vld [tilespmem:s28+$0x163A0];
	v2 =	vadd.f32 v3, v2;
	v3 =	vmul.f32 v32, v32  }
0x363: {  	v59 =	vmul.f32 v43, v43;
	v42 =	vld [tilespmem:s26+$0x163D0];
	v1 =	vmul.f32 v1, v4;
	v4 =	vadd.f32 v58, v0  }
0x364: {  	v30 =	vld [tilespmem:s29+$0x163D0];
	v3 =	vadd.f32 v3, v2;
	v2 =	vshrl.u32 v47, $0x1;
	v52 =	vmul.f32 $5.000000000e-01, v47  }
0x365: {  	v2 =	vsub.s32 $0x5F3759DF, v2;
	v61 =	vmul.f32 v27, v27;
	v50 =	vld [tilespmem:s28+$0x16320];
	[tilespmem:s28+$0x16390] =	vst v4  }
0x366: {  	v13 =	vmovc v5;
	v55 =	vmul.f32 v51, v55;
	v3 =	vadd.f32 v59, v3;
	v59 =	vmul.f32 v2, v52;
	v5 =	vld [tilespmem:$0x1FF70]  }
0x367: {  	v63 =	vmul.f32 v51, v63;
	v62 =	vmul.f32 v51, v62;
	v57 =	vadd.f32 v61, v57;
	v61 =	vld [tilespmem:s28+$0x16380]  }
0x368: {  	v58 =	vmul.f32 v51, v48;
	v48 =	vadd.f32 v55, v60;
	v55 =	vmul.f32 v2, v59;
	v60 =	vld [tilespmem:s28+$0x163F0]  }
0x369: {  	v56 =	vmul.f32 v1, v56;
	v0 =	vmul.f32 v51, v49;
	v59 =	vld [tilespmem:s28+$0x16350]  }
0x36a: {  	(xrf2) =	vadd.scan.msk.f32 $0xffff, v3;
	v49 =	vmul.f32 v51, v54;
	v46 =	vadd.f32 v58, v46;
	v58 =	vld [tilespmem:s28+$0x16340];
	v3 =	vsub.f32 $1.500000000e+00, v55  }
0x36b: {  	s0 =	simm.s32 $0x4;
	s16 =	simm.s32 $0xC00;
	(xrf2) =	vadd.scan.msk.f32 $0xffff, v57;
	v4 =	vmul.f32 v56, v1;
	v57 =	vadd.f32 v0, v53;
	v0 =	vld [tilespmem:s28+$0x16360];
	v56 =	vmul.f32 v51, v5;
	v51 =	vpop (erf)  }
.LBB2_13:
0x36c: {  	v6 =	vld [tilespmem:$0x1FF30];
	_ =	sdelay $0x2  }
0x36d: {  	v2 =	vmul.f32 v2, v3;
	v3 =	vld [tilespmem:s28+$0x16310]  }
0x36e: {  	s18 =	sshra.s32 s16, $0x2;
	v9 =	vld [tilespmem:$0x1FF60]  }
0x36f: {  	v61 =	vadd.f32 v63, v61;
	v63 =	vld [tilespmem:s18+$0x9280];
	v55 =	vmov v6;
	v6 =	vmov v22  }
0x370: {  	v54 =	vmov v19;
	v19 =	vmul.f32 v51, v41;
	v8 =	vmul.f32 v51, v28;
	[tilespmem:$0x1FF30] =	vst v6;
	v6 =	vld [tilespmem:$0x1FF40]  }
0x371: {  	[tilespmem:s28+$0x163A0] =	vst v57;
	v22 =	vld [tilespmem:s18+$0x9290]  }
0x372: {  	v19 =	vadd.f32 v19, v59;
	v3 =	vadd.f32 v8, v3;
	v8 =	vld [tilespmem:$0x1FF00];
	[tilespmem:s28+$0x16380] =	vst v61  }
0x373: {  	v36 =	vmul.f32 v51, v36;
	v28 =	vmov v16;
	v5, _, _ =	vpop (xrf2);
	v4 =	vsub.f32 $1.500000000e+00, v4;
	v61 =	vld [tilespmem:s18+$0x9300]  }
0x374: {  	v16 =	vmovc v12;
	v57 =	vmovc v11;
	v11 =	vmov v37;
	v37 =	vadd.f32 v56, v60;
	v9 =	vmov v9;
	[tilespmem:s28+$0x16350] =	vst v19;
	v60 =	vld [tilespmem:s18+$0x9310]  }
0x375: {  	v1 =	vmul.f32 v4, v1;
	[tilespmem:$0x1FF00] =	vst v9;
	v59 =	vld [tilespmem:s18+$0x9320];
	v53 =	vmovc v6;
	v6 =	vmov v32;
	v32 =	vmul.f32 v2, v52  }
0x376: {  	v41 =	vmovc v38;
	v31 =	vmul.f32 v51, v31;
	v44 =	vadd.f32 v62, v44;
	v5 =	vbroadcast v5, $0xF;
	v19 =	vld [tilespmem:s18+$0x9330];
	[tilespmem:s28+$0x163F0] =	vst v37  }
0x377: {  	v1 =	vmul.f32 v1, v45;
	[tilespmem:$0x1FF40] =	vst v6;
	v6 =	vadd.f32 v36, v58;
	v32 =	vmul.f32 v32, v2  }
0x378: {  	v56 =	vmovc v18;
	v45 =	vmovc v5;
	v37 =	vmul.f32 v51, v39;
	[tilespmem:s28+$0x16310] =	vst v3;
	v36 =	vshrl.u32 v5, $0x1;
	v58 =	vmul.f32 $5.000000000e-01, v5  }
0x379: {  	v3 =	vld [tilespmem:s28+$0x16300];
	v12 =	vmovc v22;
	v5 =	vmul.f32 v61, v61;
	v39 =	vmul.f32 v60, v60;
	[tilespmem:s28+$0x16340] =	vst v6;
	v62 =	vsub.f32 $1.500000000e+00, v32  }
0x37a: {  	v18 =	vmovc v43;
	v9 =	vmul.f32 v51, v10;
	v43 =	vsub.s32 $0x5F3759DF, v36;
	v6 =	vmul.f32 v22, v12;
	v22 =	vld [tilespmem:s18+$0x9340];
	[tilespmem:s28+$0x163D0] =	vst v44  }
0x37b: {  	v5 =	vadd.f32 v39, v5;
	v39 =	vld [tilespmem:s28+$0x16370];
	v2 =	vmul.f32 v62, v2;
	v62 =	vmul.f32 v51, v8;
	v8 =	vmovc v21  }
0x37c: {  	v0 =	vadd.f32 v37, v0;
	v38 =	vmul.f32 v59, v59;
	v4 =	vmul.f32 v43, v58;
	[tilespmem:$0x1FF60] =	vst v8;
	v8 =	vld [tilespmem:$0x1FF50]  }
0x37d: {  	v1 =	vmax.f32 v1, $9.999999960e-13;
	v32 =	vld [tilespmem:s18+$0x9360];
	v21 =	vmul.f32 v2, v52;
	v52 =	vmul.f32 v51, v14  }
0x37e: {  	[tilespmem:s28+$0x16360] =	vst v0;
	v37 =	vld [tilespmem:s18+$0x9350];
	v4 =	vmul.f32 v43, v4;
	v0 =	vadd.f32 v38, v5;
	v5 =	vmul.f32 v19, v19  }
0x37f: {  	(erf) = vrcp.f32 v1;
	v3 =	vadd.f32 v9, v3;
	v51 =	vld [tilespmem:s28+$0x16330];
	v38 =	vadd.f32 v52, v50  }
0x380: {  	v4 =	vsub.f32 $1.500000000e+00, v4;
	v0 =	vadd.f32 v5, v0;
	v5 =	vmul.f32 v22, v22;
	v50 =	vld [tilespmem:s28+$0x163E0]  }
0x381: {  	v36 =	vmovc v35;
	v35 =	vmovc v40;
	v21 =	vmul.f32 v21, v2;
	v52 =	vld [tilespmem:s18+$0x92A0];
	v10 =	vmov v8;
	v8 =	vmov v7;
	[tilespmem:s28+$0x16320] =	vst v38  }
0x382: {  	v40, _, _ =	vpop (xrf2);
	v31 =	vadd.f32 v31, v39;
	v4 =	vmul.f32 v43, v4;
	v43 =	vld [tilespmem:s18+$0x9370];
	v0 =	vadd.f32 v5, v0;
	[tilespmem:$0x1FF50] =	vst v8  }
0x383: {  	v5 =	vmul.f32 v37, v37;
	v7 =	vmovc v63;
	v8 =	vbroadcast v40, $0xF;
	v40 =	vsub.f32 $1.500000000e+00, v21;
	v21 =	vld [tilespmem:s18+$0x92B0];
	[tilespmem:s28+$0x16300] =	vst v3  }
0x384: {  	v44 =	vmovc v42;
	v42 =	vmov v30;
	v30 =	vld [tilespmem:s18+$0x163D0];
	v1 =	vmul.f32 v63, v7;
	v3 =	vadd.f32 v62, v51;
	[tilespmem:s28+$0x16370] =	vst v31  }
0x385: {  	[tilespmem:s28+$0x163B0] =	vst v48;
	v0 =	vadd.f32 v5, v0;
	v5 =	vmul.f32 v32, v32;
	v2 =	vmul.f32 v40, v2;
	v40 =	vld [tilespmem:s18+$0x92C0]  }
0x386: {  	v9 =	vadd.f32 v49, v50;
	v1 =	vadd.f32 v6, v1;
	v6 =	vmul.f32 v52, v52;
	[tilespmem:s28+$0x16330] =	vst v3  }
0x387: {  	[tilespmem:s28+$0x163C0] =	vst v46;
	v38 =	vmov v33;
	v0 =	vadd.f32 v5, v0;
	v3 =	vmul.f32 v43, v43;
	v33 =	vld [tilespmem:s18+$0x92D0]  }
0x388: {  	v5 =	vmul.f32 v2, v47;
	[tilespmem:s28+$0x163E0] =	vst v9;
	v1 =	vadd.f32 v6, v1;
	s28 =	smov.u32 s26;
	s26 =	smov.u32 s29;
	s29 =	smov.u32 s18;
	v6 =	vmul.f32 v21, v21  }
0x389: {  	v39 =	vmovc v34;
	v34 =	vmovc v29;
	v63 =	vmul.f32 v4, v58;
	v2 =	vshrl.u32 v8, $0x1;
	v0 =	vadd.f32 v3, v0;
	v29 =	vld [tilespmem:s29+$0x92E0]  }
0x38a: {  	v14 =	vmovc v15;
	v5 =	vmax.f32 v5, $9.999999960e-13;
	v1 =	vadd.f32 v6, v1;
	v3 =	vmul.f32 v40, v40  }
0x38b: {  	v15 =	vmovc v25;
	v25 =	vmovc v52;
	v52 =	vmul.f32 $5.000000000e-01, v8;
	v9 =	vld [tilespmem:$0x1FF10];
	v2 =	vsub.s32 $0x5F3759DF, v2;
	(erf) = vrcp.f32 v5  }
0x38c: {  	v50 =	vld [tilespmem:s28+$0x16320];
	v5 =	vmul.f32 v63, v4;
	v1 =	vadd.f32 v3, v1;
	v3 =	vmul.f32 v33, v33  }
0x38d: {  	v31 =	vmovc v17;
	v17 =	vmov v27;
	v27 =	vld [tilespmem:s29+$0x92F0];
	(xrf2) =	vadd.scan.msk.f32 $0xffff, v0;
	v0 =	vmul.f32 v2, v52  }
0x38e: {  	v46 =	vld [tilespmem:s28+$0x163C0];
	v5 =	vsub.f32 $1.500000000e+00, v5;
	v62 =	vmul.f32 v29, v29;
	v1 =	vadd.f32 v3, v1  }
0x38f: {  	v47 =	vmov v8;
	v6 =	vld [tilespmem:s28+$0x16390]  }
0x390: {  	v8 =	vpop (erf);
	v0 =	vmul.f32 v2, v0;
	v48 =	vadd.f32 v62, v1;
	v1 =	vmul.f32 v5, v4;
	v4 =	vld [tilespmem:$0x1FF20]  }
0x391: {  	s0 =	sadd.s32 $0x2, s0;
	v51 =	vld [tilespmem:s28+$0x163A0];
	v56 =	vmul.f32 v8, v56  }
0x392: {  	p0 =	slt.u32 s0, $0xC6;
	v49 =	vld [tilespmem:s28+$0x163B0];
	v63 =	vmul.f32 v8, v9;
	v9 =	vmovc v13;
	v13 =	vmovc v61;
	v3 =	vsub.f32 $1.500000000e+00, v0;
	v0 =	vmul.f32 v8, v24  }
.Ltmp6:
0x393: {  	v61 =	vld [tilespmem:s28+$0x16380];
	[tilespmem:$0x1FF10] =	vst v9;
	v9 =	vmul.f32 v8, v23;
	v23 =	vmovc v26;
	v26 =	vmov v59;
	v62 =	vmul.f32 v27, v27;
	(pc) =	sbr.rel @p0 .LBB2_13-.Ltmp6, $4  }
0x394: {  	v59 =	vmovc v54;
	v24 =	vmovc v20;
	v20 =	vmov v60;
	v60 =	vld [tilespmem:s28+$0x163F0];
	v0 =	vadd.f32 v0, v6;
	v5 =	vmul.f32 v8, v55  }
0x395: {  	[tilespmem:$0x1FF20] =	vst v59;
	v59 =	vld [tilespmem:s28+$0x16350];
	v6 =	vadd.f32 v62, v48;
	v55 =	vmul.f32 v1, v58;
	v4 =	vmul.f32 v8, v4  }
0x396: {  	v58 =	vld [tilespmem:s28+$0x16340];
	v62 =	vmul.f32 v8, v57;
	[tilespmem:s28+$0x16390] =	vst v0;
	v46 =	vadd.f32 v5, v46;
	v57 =	vadd.f32 v9, v51  }
0x397: {  	s16 =	sadd.s32 $0x400, s16;
	v0 =	vld [tilespmem:s28+$0x16360];
	v51 =	vpop (erf);
	(xrf2) =	vadd.scan.msk.f32 $0xffff, v6;
	v48 =	vadd.f32 v4, v49;
	v49 =	vmul.f32 v8, v53;
	v4 =	vmul.f32 v55, v1  }
0x398: {  	v2 =	vmul.f32 v2, v3;
	_ =	sdelay $0x1  }
0x399: {  	v3 =	vmul.f32 v2, v52;
	_ =	sdelay $0x1  }
0x39a: {  	v3 =	vmul.f32 v3, v2;
	_ =	sdelay $0x1  }
0x39b: {  	v3 =	vsub.f32 $1.500000000e+00, v3;
	_ =	sdelay $0x1  }
0x39c: {  	v2 =	vmul.f32 v3, v2;
	_ =	sdelay $0x1  }
0x39d: {  	v53 =	vsub.f32 $1.500000000e+00, v4;
	v9 =	vmul.f32 v2, v52  }
0x39e: {  	v36 =	vmul.f32 v51, v36  }
0x39f: {  	v5, _, _ =	vpop (xrf2);
	v1 =	vmul.f32 v53, v1;
	v9 =	vmul.f32 v9, v2  }
0x3a0: {  	v41 =	vmul.f32 v51, v41;
	v5 =	vbroadcast v5, $0xF  }
0x3a1: {  	v14 =	vmul.f32 v51, v14;
	v1 =	vmul.f32 v1, v45;
	v8, _, _ =	vpop (xrf2);
	v9 =	vsub.f32 $1.500000000e+00, v9  }
0x3a2: {  	v54 =	vshrl.u32 v5, $0x1;
	v6 =	vmul.f32 $5.000000000e-01, v5;
	v8 =	vbroadcast v8, $0xF  }
0x3a3: {  	v4 =	vsub.s32 $0x5F3759DF, v54;
	v1 =	vmax.f32 v1, $9.999999960e-13;
	v2 =	vmul.f32 v9, v2  }
0x3a4: {  	(erf) = vrcp.f32 v1;
	v53 =	vshrl.u32 v8, $0x1;
	v54 =	vmul.f32 $5.000000000e-01, v8  }
0x3a5: {  	v3 =	vmul.f32 v4, v6;
	v45 =	vsub.s32 $0x5F3759DF, v53;
	v2 =	vmul.f32 v2, v47  }
0x3a6: {  	v41 =	vadd.f32 v41, v59;
	v36 =	vadd.f32 v36, v58;
	v53 =	vmul.f32 v45, v54  }
0x3a7: {  	[tilespmem:s28+$0x163A0] =	vst v57;
	v59 =	vmul.f32 v51, v39;
	v3 =	vmul.f32 v4, v3;
	v2 =	vmax.f32 v2, $9.999999960e-13  }
0x3a8: {  	v57 =	vadd.f32 v56, v60;
	[tilespmem:s28+$0x16340] =	vst v36;
	v36 =	vld [tilespmem:s28+$0x16300];
	v55 =	vmul.f32 v45, v53;
	(erf) = vrcp.f32 v2  }
0x3a9: {  	v14 =	vadd.f32 v14, v50;
	v0 =	vadd.f32 v59, v0;
	v52 =	vld [tilespmem:s28+$0x16310]  }
0x3aa: {  	[tilespmem:s28+$0x163F0] =	vst v57;
	v3 =	vsub.f32 $1.500000000e+00, v3;
	v58 =	vsub.f32 $1.500000000e+00, v55  }
0x3ab: {  	v28 =	vmul.f32 v51, v28;
	v60 =	vmul.f32 v51, v10;
	[tilespmem:s28+$0x16350] =	vst v41;
	v9 =	vld [tilespmem:s26+$0x16390]  }
0x3ac: {  	v59 =	vadd.f32 v62, v44;
	[tilespmem:s28+$0x16320] =	vst v14;
	v3 =	vmul.f32 v4, v3;
	v4 =	vmul.f32 v45, v58;
	v45 =	vld [tilespmem:s26+$0x163A0]  }
0x3ad: {  	[tilespmem:s28+$0x16360] =	vst v0;
	v36 =	vadd.f32 v60, v36;
	v0 =	vpop (erf)  }
0x3ae: {  	[tilespmem:s28+$0x163D0] =	vst v59;
	v28 =	vadd.f32 v28, v52;
	v41 =	vmul.f32 v3, v6;
	v24 =	vmul.f32 v0, v24  }
0x3af: {  	[tilespmem:s28+$0x16300] =	vst v36;
	v55 =	vadd.f32 v63, v61;
	v61 =	vld [tilespmem:s26+$0x16350];
	v23 =	vmul.f32 v0, v23;
	v47 =	vmul.f32 v4, v54  }
0x3b0: {  	[tilespmem:s28+$0x16310] =	vst v28;
	v1 =	vmul.f32 v41, v3;
	v9 =	vadd.f32 v24, v9  }
0x3b1: {  	[tilespmem:s28+$0x16380] =	vst v55;
	v53 =	vmul.f32 v47, v4;
	v23 =	vadd.f32 v23, v45;
	v50 =	vpop (erf)  }
0x3b2: {  	v44 =	vld [tilespmem:s26+$0x163F0];
	v52 =	vsub.f32 $1.500000000e+00, v1;
	[tilespmem:s26+$0x16390] =	vst v9;
	v55 =	vmul.f32 v50, v38  }
0x3b3: {  	v58 =	vld [tilespmem:s26+$0x16340];
	v1 =	vsub.f32 $1.500000000e+00, v53;
	[tilespmem:s26+$0x163A0] =	vst v23  }
0x3b4: {  	v3 =	vmul.f32 v52, v3;
	v59 =	vadd.f32 v55, v61;
	v61 =	vld [tilespmem:$0x1FF10]  }
0x3b5: {  	v63 =	vld [tilespmem:s26+$0x16310];
	v18 =	vmul.f32 v0, v18;
	v1 =	vmul.f32 v1, v4  }
0x3b6: {  	v52 =	vld [tilespmem:s26+$0x16380];
	v6 =	vmul.f32 v3, v6;
	v35 =	vmul.f32 v50, v35  }
0x3b7: {  	v18 =	vadd.f32 v18, v44;
	v62 =	vmul.f32 v1, v54  }
0x3b8: {  	v6 =	vmul.f32 v6, v3;
	v57 =	vmul.f32 v50, v16;
	v4 =	vadd.f32 v35, v58  }
0x3b9: {  	v54 =	vmul.f32 v62, v1;
	[tilespmem:s26+$0x163F0] =	vst v18;
	v62 =	vmul.f32 v0, v61  }
0x3ba: {  	v63 =	vadd.f32 v57, v63;
	[tilespmem:s26+$0x16340] =	vst v4  }
0x3bb: {  	v6 =	vsub.f32 $1.500000000e+00, v6;
	[tilespmem:s26+$0x16350] =	vst v59;
	v16 =	vadd.f32 v62, v52  }
0x3bc: {  	v56 =	vld [tilespmem:s26+$0x16360];
	[tilespmem:s26+$0x16310] =	vst v63  }
0x3bd: {  	v2 =	vld [tilespmem:s28+$0x16370];
	v3 =	vmul.f32 v6, v3;
	v58 =	vsub.f32 $1.500000000e+00, v54;
	[tilespmem:s26+$0x16380] =	vst v16  }
0x3be: {  	v23 =	vmul.f32 v50, v34;
	v47 =	vld [tilespmem:$0x1FF00]  }
0x3bf: {  	v3 =	vmul.f32 v3, v5;
	v1 =	vmul.f32 v58, v1  }
0x3c0: {  	v39 =	vld [tilespmem:s28+$0x16330];
	v36 =	vmul.f32 v0, v11;
	v41 =	vmul.f32 v51, v31  }
0x3c1: {  	v34 =	vld [tilespmem:s28+$0x163E0];
	v38 =	vadd.f32 v23, v56;
	v3 =	vmax.f32 v3, $9.999999960e-13;
	v1 =	vmul.f32 v1, v8  }
0x3c2: {  	v60 =	vld [tilespmem:s26+$0x16320];
	(erf) = vrcp.f32 v3;
	v8 =	vadd.f32 v36, v42  }
0x3c3: {  	v2 =	vadd.f32 v41, v2;
	v1 =	vmax.f32 v1, $9.999999960e-13;
	[tilespmem:s26+$0x16360] =	vst v38;
	v10 =	vmul.f32 v51, v47  }
0x3c4: {  	(erf) = vrcp.f32 v1;
	[tilespmem:s26+$0x163D0] =	vst v8  }
0x3c5: {  	v24 =	vld [tilespmem:s29+$0x16380];
	v54 =	vmul.f32 v50, v15;
	[tilespmem:s28+$0x16370] =	vst v2;
	v52 =	vadd.f32 v10, v39  }
0x3c6: {  	v45 =	vld [tilespmem:s26+$0x16370];
	v4 =	vadd.f32 v49, v34;
	[tilespmem:s28+$0x163B0] =	vst v48  }
0x3c7: {  	v6 =	vadd.f32 v54, v60;
	v58 =	vld [tilespmem:s29+$0x163A0];
	[tilespmem:s28+$0x16330] =	vst v52  }
0x3c8: {  	v5 =	vld [tilespmem:$0x1FF50];
	[tilespmem:s28+$0x163E0] =	vst v4  }
0x3c9: {  	v60 =	vld [tilespmem:s29+$0x16340];
	[tilespmem:s28+$0x163C0] =	vst v46  }
0x3ca: {  	v57 =	vld [tilespmem:$0x1FF20]  }
0x3cb: {  	v56 =	vmul.f32 v50, v17;
	v59 =	vld [tilespmem:$0x1FF60];
	[tilespmem:s26+$0x16320] =	vst v6;
	v6 =	vpop (erf)  }
0x3cc: {  	v62 =	vld [tilespmem:s29+$0x16350];
	v63 =	vmul.f32 v6, v26  }
0x3cd: {  	v23 =	vld [tilespmem:s29+$0x16310];
	v4 =	vadd.f32 v56, v45;
	v61 =	vmul.f32 v6, v20;
	v20 =	vpop (erf);
	v13 =	vmul.f32 v6, v13  }
0x3ce: {  	v44 =	vld [tilespmem:s26+$0x16300];
	v26 =	vmul.f32 v20, v40;
	v34 =	vadd.f32 v63, v58  }
0x3cf: {  	v35 =	vld [tilespmem:s26+$0x163B0];
	[tilespmem:s26+$0x16370] =	vst v4;
	v36 =	vmul.f32 v20, v33;
	v8 =	vadd.f32 v13, v24  }
0x3d0: {  	v51 =	vld [tilespmem:s26+$0x16330];
	v12 =	vmul.f32 v20, v12;
	v38 =	vadd.f32 v26, v60;
	[tilespmem:s29+$0x163A0] =	vst v34  }
0x3d1: {  	v55 =	vld [tilespmem:s29+$0x16390];
	v5 =	vmul.f32 v50, v5;
	v40 =	vadd.f32 v36, v62;
	[tilespmem:s29+$0x16380] =	vst v8  }
0x3d2: {  	v11 =	vld [tilespmem:s29+$0x163B0];
	v42 =	vadd.f32 v12, v23;
	v14 =	vmul.f32 v0, v57;
	[tilespmem:s29+$0x16340] =	vst v38  }
0x3d3: {  	v39 =	vld [tilespmem:s29+$0x16360];
	v15 =	vmul.f32 v50, v59;
	v3 =	vadd.f32 v5, v44;
	[tilespmem:s29+$0x16350] =	vst v40  }
0x3d4: {  	v47 =	vld [tilespmem:s29+$0x16300];
	[tilespmem:s29+$0x16310] =	vst v42;
	v14 =	vadd.f32 v14, v35  }
0x3d5: {  	v41 =	vld [tilespmem:s29+$0x16320];
	v1 =	vadd.f32 v15, v51;
	[tilespmem:s26+$0x16300] =	vst v3  }
0x3d6: {  	v52 =	vld [tilespmem:s29+$0x16330];
	v45 =	vmul.f32 v20, v29;
	v3 =	vadd.f32 v61, v55;
	[tilespmem:s26+$0x163B0] =	vst v14  }
0x3d7: {  	v10 =	vld [tilespmem:s29+$0x163C0];
	v51 =	vmul.f32 v20, v7;
	[tilespmem:s26+$0x16330] =	vst v1  }
0x3d8: {  	v56 =	vmul.f32 v6, v19;
	v35 =	vld [tilespmem:s29+$0x163F0];
	v1 =	vadd.f32 v45, v39;
	[tilespmem:s29+$0x16390] =	vst v3  }
0x3d9: {  	v57 =	vmul.f32 v20, v21;
	v55 =	vadd.f32 v51, v47;
	v8 =	vld [tilespmem:$0x1FF40]  }
0x3da: {  	v46 =	vmul.f32 v6, v37;
	v59 =	vadd.f32 v56, v11;
	v48 =	vld [tilespmem:$0x1FF30];
	[tilespmem:s29+$0x16360] =	vst v1  }
0x3db: {  	v53 =	vld [tilespmem:s26+$0x163E0];
	v62 =	vadd.f32 v57, v52;
	v61 =	vmul.f32 v6, v22;
	[tilespmem:s29+$0x16300] =	vst v55  }
0x3dc: {  	v28 =	vld [tilespmem:s26+$0x163C0];
	v50 =	vmul.f32 v20, v25;
	v3 =	vadd.f32 v46, v30;
	[tilespmem:s29+$0x163B0] =	vst v59  }
0x3dd: {  	v49 =	vld [tilespmem:s29+$0x16370];
	v44 =	vmul.f32 v6, v43;
	v63 =	vadd.f32 v61, v10;
	[tilespmem:s29+$0x16330] =	vst v62  }
0x3de: {  	v54 =	vld [tilespmem:s29+$0x163E0];
	v1 =	vadd.f32 v50, v41;
	[tilespmem:s29+$0x163D0] =	vst v3;
	v8 =	vmul.f32 v0, v8  }
0x3df: {  	v4 =	vadd.f32 v44, v35;
	[tilespmem:s29+$0x163C0] =	vst v63;
	v0 =	vmul.f32 v0, v48  }
0x3e0: {  	[tilespmem:s29+$0x16320] =	vst v1;
	v2 =	vadd.f32 v8, v53;
	v53 =	vmul.f32 v20, v27  }
0x3e1: {  	v60 =	vmul.f32 v6, v32;
	[tilespmem:s29+$0x163F0] =	vst v4;
	v0 =	vadd.f32 v0, v28  }
0x3e2: {  	[tilespmem:s26+$0x163E0] =	vst v2;
	v58 =	vadd.f32 v53, v49  }
0x3e3: {  	[tilespmem:s26+$0x163C0] =	vst v0;
	v0 =	vadd.f32 v60, v54  }
0x3e4: {  	[tilespmem:s29+$0x16370] =	vst v58  }
0x3e5: {  	s0 =	simm.s32 $0x16280;
	s25 =	sadd.s32 $0x1, s25;
	[tilespmem:s29+$0x163E0] =	vst v0  }
0x3e6: {  	[hbm4b:s14+s6] =	stream.linear.scatter [tilespmem:s0], [sflag:$0x7], $0x6480, $0x38;
	[tilespmem:$0x1CB00] =	vst v63  }
0x3e7: {  	p0 =	sne.s32 s25, s15;
	_ =	swait.ge [sflag:s23], $0x6480  }
.Ltmp7:
0x3e8: {  	[sflag:s23] =	ssyncset.done $0x0;
	(pc) =	sbr.rel @p0 .LBB2_1-.Ltmp7, $4  }
0x3e9: {  	[sflag:s23] =	ssyncadd.s32 $0xFFFF9B80  }
0x3ea: {  	_ =	swait.ge [sflag:s24], $0x6480  }
0x3eb: {  	s18 =	simm.s32 $0x80;
	[sflag:s24] =	ssyncset.done $0x0;
	v30 =	vld [tilespmem:$0x1FFF0]  }
0x3ec: {  	s19 =	simm.s32 $0x400;
	s20 =	simm.s32 $0x2800;
	[sflag:s24] =	ssyncadd.s32 $0xFFFF9B80  }
0x3ed: {  	_ =	sfence.sel $0x180000  }
0x3ee: {  	[bflag:$0x0] =	sbarrier.arrive $0xFFFF  }
0x3ef: {  	_ =	strace $0x90000047  }
0x3f0: {  	s0 =	stileid.u32;
	[bflag:$0x2] =	sbarrier.arrive $0xFFFF  }
0x3f1: {  	p0 =	sne.s32 s0, $0x0;
	s0 =	rddreg [dreg:$0x5]  }
0x3f2: {  	s0 =	sadd.s32 @!p0 $0x100000, s0  }
0x3f3: {  	[sflag:s0] =	ssyncadd.tile.s32 @!p0 $0x1;
	_ =	shalt  }
.Lfunc_end2:
_tile_overlayer_lowered:
.L_overlay_start_2:
0x3f4: {  	(tag) =	ssettag $0x2  }
0x3f5: {  	s0 =	rddreg [dreg:$0x0];
	s2 =	stileid.u32  }
0x3f6: {  	s1 =	rddreg [dreg:$0x1];
	p0 =	sne.s32 s2, $0x0  }
0x3f7: {  	s3 =	rddreg [dreg:$0x2];
	[bflag:$0x3] =	sbarrier.arrive $0xFFFF;
	s2 =	simm.s32 @!p0 $0x1C08  }
0x3f8: {  	[timem:s3], [sflag:s2] =	dma.local @!p0 [hbm:s0], s1  }
0x3f9: {  	s0 =	simm.s32 @!p0 $0x8  }
0x3fa: {  	_ =	swait.ge @!p0 [sflag:s0], s1  }
0x3fb: {  	s1 =	ssub.s32 @!p0 $0x0, s1;
	[sflag:s0] =	ssyncset.done @!p0 $0x0  }
0x3fc: {  	[sflag:s0] =	ssyncadd.s32 @!p0 s1  }
0x3fd: {  	[bflag:$0x3] =	sbarrier.arrive $0xFFFF  }
0x3fe: {  	_ =	shalt  }

</sc_bundles>
